<compile_context>
chip_gen: v7x
topology: tpu7x:2x2x1
jax: 0.10.2.dev20260603
libtpu: 0.0.44.dev20260713+nightly
codegen_flags: <defaults>
</compile_context>

<pallas_src>
import functools

import jax
import jax.numpy as jnp
from jax import lax
from jax.experimental import pallas as pl
from jax.experimental.pallas import tpu as pltpu
from jax.experimental.pallas import tpu_sc as plsc

N = 10000
E = 320000
DIN = 128
H = 64
DOUT = 32
TW = 128

NC = 2
NS = 16
NW = NC * NS
C = 128
EW = 10240
NCH = EW // C
E_P = NW * EW

BN = 2000
BE = 2048

@functools.cache
def _sc_mesh():
    return plsc.VectorSubcoreMesh(
        core_axis_name="c", subcore_axis_name="s",
        num_cores=NC, num_subcores=NS)


def _tables_body(x_ref, pos_ref, w1_ref, b1_ref, td_ref, ts_ref):
    xb = x_ref[...]
    a = jnp.dot(xb, w1_ref[0:DIN, :], preferred_element_type=jnp.float32)
    b = jnp.dot(xb, w1_ref[DIN:2 * DIN, :], preferred_element_type=jnp.float32)
    p = pos_ref[...]
    z = jnp.zeros((BN, TW - H - 3), jnp.float32)
    td_ref[...] = jnp.concatenate([a + b1_ref[...], p, z], axis=1)
    ts_ref[...] = jnp.concatenate([b, -p, z], axis=1)


def _build_tables(x, pos, W_e1, b1r):
    return pl.pallas_call(
        _tables_body,
        grid=(N // BN,),
        in_specs=[
            pl.BlockSpec((BN, DIN), lambda i: (i, 0)),
            pl.BlockSpec((BN, 3), lambda i: (i, 0)),
            pl.BlockSpec((2 * DIN + 1, H), lambda i: (0, 0)),
            pl.BlockSpec((1, H), lambda i: (0, 0)),
        ],
        out_specs=[
            pl.BlockSpec((BN, TW), lambda i: (i, 0)),
            pl.BlockSpec((BN, TW), lambda i: (i, 0)),
        ],
        out_shape=[
            jax.ShapeDtypeStruct((N, TW), jnp.float32),
            jax.ShapeDtypeStruct((N, TW), jnp.float32),
        ],
    )(x, pos, W_e1, b1r)


NBUF = 5
NCHUNK = E_P // C
NHALF = 2
CH_H = NCHUNK // NHALF
K_H = CH_H // NW
E_H = E_P // NHALF


@functools.cache
def _make_gather_kernel():
    @functools.partial(
        pl.kernel,
        out_type=jax.ShapeDtypeStruct((E_H, TW), jnp.float32),
        mesh=_sc_mesh(),
        scratch_types=[
            pltpu.VMEM((K_H, C), jnp.int32),
            pltpu.VMEM((K_H, C), jnp.int32),
        ] + [pltpu.VMEM((C, TW), jnp.float32) for _ in range(NBUF)] + [
            pltpu.SemaphoreType.DMA((NBUF,)),
            pltpu.SemaphoreType.DMA((NBUF,)),
        ],
    )
    def _gather_kernel(td_hbm, ts_hbm, idxd_hbm, idxs_hbm, g_hbm,
                       idxd_v, idxs_v, b0, b1, b2, b3, b4, gsem, osem):
        wid = lax.axis_index("s") * NC + lax.axis_index("c")
        cbase = wid * K_H
        pltpu.sync_copy(idxd_hbm.at[pl.ds(cbase, K_H)], idxd_v)
        pltpu.sync_copy(idxs_hbm.at[pl.ds(cbase, K_H)], idxs_v)
        bufs = (b0, b1, b2, b3, b4)

        for b in range(NBUF):
            pltpu.async_copy(td_hbm.at[idxd_v.at[b]], bufs[b], gsem.at[b])

        @pl.loop(0, K_H // NBUF)
        def _grp(g):
            for b in range(NBUF):
                pltpu.make_async_copy(
                    td_hbm.at[idxd_v.at[b]], bufs[b], gsem.at[b]).wait()
                pltpu.async_copy(ts_hbm.at[idxs_v.at[g * NBUF + b]], bufs[b],
                                 gsem.at[b], add=True)
            for b in range(NBUF):
                j = g * NBUF + b
                pltpu.make_async_copy(
                    ts_hbm.at[idxs_v.at[b]], bufs[b], gsem.at[b]).wait()
                pltpu.async_copy(bufs[b],
                                 g_hbm.at[pl.ds((cbase + j) * C, C)],
                                 osem.at[b])
            for b in range(NBUF):
                j = (g + 1) * NBUF + b

                @pl.when(j < K_H)
                def _():
                    pltpu.make_async_copy(
                        bufs[b], g_hbm.at[pl.ds(0, C)], osem.at[b]).wait()
                    pltpu.async_copy(td_hbm.at[idxd_v.at[j]], bufs[b],
                                     gsem.at[b])

        for b in range(NBUF):
            pltpu.make_async_copy(
                bufs[b], g_hbm.at[pl.ds(0, C)], osem.at[b]).wait()

    return _gather_kernel


def _sc_gather(td, ts, dst_h, src_h):
    return _make_gather_kernel()(td, ts, dst_h, src_h)


def _make_edge_body(row0):
    def _edge_body(g_ref, w2_ref, b2_ref, sel_ref, m_ref):
        i = pl.program_id(0)
        g = g_ref[...]
        pre = (jnp.dot(g, sel_ref[0:TW, :],
                       preferred_element_type=jnp.float32)
               + jnp.dot(g * g, sel_ref[TW:2 * TW, :],
                         preferred_element_type=jnp.float32))
        h1 = pre * jax.nn.sigmoid(pre)
        mm = (jnp.dot(h1, w2_ref[...], preferred_element_type=jnp.float32)
              + b2_ref[...])
        mm = mm * jax.nn.sigmoid(mm)
        rows = row0 + i * BE + lax.broadcasted_iota(jnp.int32, (BE, 1), 0)
        valid = (rows < E).astype(jnp.float32)
        z = jnp.zeros((BE, TW - H - 1), jnp.float32)
        m_ref[...] = jnp.concatenate([mm * valid, valid, z], axis=1)

    return _edge_body


def _edge_mlp(g, W_e2, b2r, sel, row0):
    return pl.pallas_call(
        _make_edge_body(row0),
        grid=(E_H // BE,),
        in_specs=[
            pl.BlockSpec((BE, TW), lambda i: (i, 0)),
            pl.BlockSpec((H, H), lambda i: (0, 0)),
            pl.BlockSpec((1, H), lambda i: (0, 0)),
            pl.BlockSpec((2 * TW, H), lambda i: (0, 0)),
        ],
        out_specs=pl.BlockSpec((BE, TW), lambda i: (i, 0)),
        out_shape=jax.ShapeDtypeStruct((E_H, TW), jnp.float32),
    )(g, W_e2, b2r, sel)


N_P = 10240
_RPT = N_P // NS


@functools.cache
def _make_scatter_kernel():
    @functools.partial(
        pl.kernel,
        out_type=jax.ShapeDtypeStruct((NC, N_P, TW), jnp.float32),
        mesh=_sc_mesh(),
        scratch_types=[
            pltpu.VMEM((K_H, C), jnp.int32),
            pltpu.VMEM((C, TW), jnp.float32),
            pltpu.VMEM((C, TW), jnp.float32),
            pltpu.VMEM_SHARED((N_P, TW), jnp.float32),
            pltpu.SemaphoreType.DMA((2,)),
        ],
    )
    def _scatter_kernel(m_hbm, idxd_hbm, p_hbm, idx_v, mb0, mb1, acc, lsem):
        cid = lax.axis_index("c")
        sid = lax.axis_index("s")
        wid = sid * NC + cid
        pltpu.sync_copy(idxd_hbm.at[wid], idx_v)

        @pl.loop(0, C * TW // 16)
        def _zero(i):
            mb0[i // (TW // 16), pl.ds((i % (TW // 16)) * 16, 16)] = (
                jnp.zeros((16,), jnp.float32))

        for r in range(_RPT // C):
            pltpu.sync_copy(mb0, acc.at[pl.ds(sid * _RPT + r * C, C)])
        plsc.subcore_barrier()

        base = wid * K_H * C
        mbufs = (mb0, mb1)
        for b in range(2):
            pltpu.async_copy(m_hbm.at[pl.ds(base + b * C, C)], mbufs[b],
                             lsem.at[b])

        @pl.loop(0, K_H // 2)
        def _grp(g):
            for b in range(2):
                j = 2 * g + b
                pltpu.make_async_copy(m_hbm.at[pl.ds(base, C)], mbufs[b],
                                      lsem.at[b]).wait()
                pltpu.sync_copy(mbufs[b], acc.at[idx_v.at[j]], add=True)
                nj = j + 2

                @pl.when(nj < K_H)
                def _():
                    pltpu.async_copy(m_hbm.at[pl.ds(base + nj * C, C)],
                                     mbufs[b], lsem.at[b])

        plsc.subcore_barrier()
        pltpu.sync_copy(acc.at[pl.ds(sid * _RPT, _RPT)],
                        p_hbm.at[cid, pl.ds(sid * _RPT, _RPT)])

    return _scatter_kernel


def _sc_scatter(m, dst_p):
    return _make_scatter_kernel()(m, dst_p)


def _node_body(x_ref, pa_ref, pb_ref, wn1_ref, bn1_ref, wn2_ref, bn2_ref,
               o_ref):
    p0 = pa_ref[0] + pb_ref[0]
    p1 = pa_ref[1] + pb_ref[1]
    agg = p0[:, 0:H] + p1[:, 0:H]
    cnt = p0[:, H:H + 1] + p1[:, H:H + 1]
    mean = agg / jnp.maximum(cnt, 1.0)
    h1 = (jnp.dot(x_ref[...], wn1_ref[0:DIN, :],
                  preferred_element_type=jnp.float32)
          + jnp.dot(mean, wn1_ref[DIN:DIN + H, :],
                    preferred_element_type=jnp.float32)
          + bn1_ref[...])
    h1 = h1 * jax.nn.sigmoid(h1)
    o_ref[...] = (jnp.dot(h1, wn2_ref[...], preferred_element_type=jnp.float32)
                  + bn2_ref[...])


def _node_mlp(x, pa, pb, W_n1, bn1r, W_n2, bn2r):
    return pl.pallas_call(
        _node_body,
        grid=(N // BN,),
        in_specs=[
            pl.BlockSpec((BN, DIN), lambda i: (i, 0)),
            pl.BlockSpec((NC, BN, TW), lambda i: (0, i, 0)),
            pl.BlockSpec((NC, BN, TW), lambda i: (0, i, 0)),
            pl.BlockSpec((DIN + H, H), lambda i: (0, 0)),
            pl.BlockSpec((1, H), lambda i: (0, 0)),
            pl.BlockSpec((H, DOUT), lambda i: (0, 0)),
            pl.BlockSpec((1, DOUT), lambda i: (0, 0)),
        ],
        out_specs=pl.BlockSpec((BN, DOUT), lambda i: (i, 0)),
        out_shape=jax.ShapeDtypeStruct((N, DOUT), jnp.float32),
    )(x, pa, pb, W_n1, bn1r, W_n2, bn2r)


def kernel(x, pos, edge_index, W_e1, b_e1, W_e2, b_e2, W_x, b_x,
           W_n1, b_n1, W_n2, b_n2):
    src = edge_index[0].astype(jnp.int32)
    dst = edge_index[1].astype(jnp.int32)
    dst_c = jnp.pad(dst, (0, E_P - E)).reshape(NCHUNK, C)
    src_c = jnp.pad(src, (0, E_P - E)).reshape(NCHUNK, C)

    b1r = b_e1.reshape(1, H)
    b2r = b_e2.reshape(1, H)
    bn1r = b_n1.reshape(1, H)
    bn2r = b_n2.reshape(1, DOUT)
    sel = jnp.zeros((2 * TW, H), jnp.float32)
    sel = sel.at[0:H, :].set(jnp.eye(H, dtype=jnp.float32))
    sel = sel.at[TW + H:TW + H + 3, :].set(
        jnp.broadcast_to(W_e1[2 * DIN], (3, H)))

    td, ts = _build_tables(x, pos, W_e1, b1r)
    parts = []
    for h in range(NHALF):
        ch0 = h * CH_H
        dst_h = dst_c[ch0:ch0 + CH_H]
        src_h = src_c[ch0:ch0 + CH_H]
        g = _sc_gather(td, ts, dst_h, src_h)
        m = _edge_mlp(g, W_e2, b2r, sel, h * E_H)
        parts.append(_sc_scatter(m, dst_h.reshape(NW, K_H, C)))
    return _node_mlp(x, parts[0], parts[1], W_n1, bn1r, W_n2, bn2r)

# --- scband reference (transcript-rebuilt; emitter-appended) ---
"""Pipeline reference for scband-egnnagent-bc-69741678952964 (READ-ONLY COPY).

The authoritative reference and input builder live on the scoring server;
editing this copy changes nothing except your own understanding.
"""

import jax, jax.numpy as jnp
import numpy as np

IN_DIM = 128
OUT_DIM = 32
HIDDEN = 64
N_NODES = 10000
N_EDGES = 320000

def _silu(v):
    return v * jax.nn.sigmoid(v)

def setup_inputs(seed: int = 0) -> dict:
    key = jax.random.key(seed)
    ks = jax.random.split(key, 12)
    x = jax.random.normal(ks[0], (N_NODES, IN_DIM), dtype=jnp.float32)
    pos = jax.random.normal(ks[1], (N_NODES, 3), dtype=jnp.float32)
    edge_index = jax.random.randint(ks[2], (2, N_EDGES), 0, N_NODES, dtype=jnp.int64)
    s = 0.05
    W_e1 = jax.random.normal(ks[3], (2 * IN_DIM + 1, HIDDEN), dtype=jnp.float32) * s
    b_e1 = jnp.zeros((HIDDEN,), dtype=jnp.float32)
    W_e2 = jax.random.normal(ks[4], (HIDDEN, HIDDEN), dtype=jnp.float32) * s
    b_e2 = jnp.zeros((HIDDEN,), dtype=jnp.float32)
    W_x = jax.random.normal(ks[5], (HIDDEN, 1), dtype=jnp.float32) * s
    b_x = jnp.zeros((1,), dtype=jnp.float32)
    W_n1 = jax.random.normal(ks[6], (IN_DIM + HIDDEN, HIDDEN), dtype=jnp.float32) * s
    b_n1 = jnp.zeros((HIDDEN,), dtype=jnp.float32)
    W_n2 = jax.random.normal(ks[7], (HIDDEN, OUT_DIM), dtype=jnp.float32) * s
    b_n2 = jnp.zeros((OUT_DIM,), dtype=jnp.float32)
    return {"x": x, "pos": pos, "edge_index": edge_index,
            "W_e1": W_e1, "b_e1": b_e1, "W_e2": W_e2, "b_e2": b_e2,
            "W_x": W_x, "b_x": b_x,
            "W_n1": W_n1, "b_n1": b_n1, "W_n2": W_n2, "b_n2": b_n2}

def reference(x, pos, edge_index, W_e1, b_e1, W_e2, b_e2, W_x, b_x, W_n1, b_n1, W_n2, b_n2):
    # EGNN layer (E(n)-equivariant GNN, behavior-cloning head) with mean aggregation.
    src = edge_index[0]
    dst = edge_index[1]
    n = x.shape[0]
    h_i = jnp.take(x, dst, axis=0)
    h_j = jnp.take(x, src, axis=0)
    rel = jnp.take(pos, dst, axis=0) - jnp.take(pos, src, axis=0)
    d2 = jnp.sum(rel * rel, axis=-1, keepdims=True)
    # edge MLP
    m = _silu(jnp.concatenate([h_i, h_j, d2], axis=-1) @ W_e1 + b_e1)
    m = _silu(m @ W_e2 + b_e2)
    # mean aggregation over incoming edges
    agg = jax.ops.segment_sum(m, dst, num_segments=n)
    cnt = jax.ops.segment_sum(jnp.ones((m.shape[0], 1), dtype=m.dtype), dst, num_segments=n)
    cnt = jnp.clip(cnt, 1.0, None)
    agg_mean = agg / cnt
    # node MLP
    h = _silu(jnp.concatenate([x, agg_mean], axis=-1) @ W_n1 + b_n1)
    h = h @ W_n2 + b_n2
    return h

if __name__ == "__main__":
    import jax
    _d = setup_inputs()
    print(jax.jit(kernel)(*tuple(_d.values())))

</pallas_src>

<mosaic_0001>
#map = affine_map<(d0, d1) -> (0, 0)>
module attributes {stable_mosaic.version = 14 : i64} {
  func.func @_gather_kernel(%arg0: i32, %arg1: i32, %arg2: memref<10000x128xf32, #tpu.memory_space<hbm>>, %arg3: memref<10000x128xf32, #tpu.memory_space<hbm>>, %arg4: memref<1280x128xi32, #tpu.memory_space<hbm>>, %arg5: memref<1280x128xi32, #tpu.memory_space<hbm>>, %arg6: memref<163840x128xf32, #tpu.memory_space<hbm>>, %arg7: memref<40x128xi32, #tpu.memory_space<vmem>>, %arg8: memref<40x128xi32, #tpu.memory_space<vmem>>, %arg9: memref<128x128xf32, #tpu.memory_space<vmem>>, %arg10: memref<128x128xf32, #tpu.memory_space<vmem>>, %arg11: memref<128x128xf32, #tpu.memory_space<vmem>>, %arg12: memref<128x128xf32, #tpu.memory_space<vmem>>, %arg13: memref<128x128xf32, #tpu.memory_space<vmem>>, %arg14: memref<5x!tpu.dma_semaphore, #tpu.memory_space<semaphore_mem>>, %arg15: memref<5x!tpu.dma_semaphore, #tpu.memory_space<semaphore_mem>>) attributes {dimension_semantics = [#tpu.dimension_semantics<core_parallel>, #tpu.dimension_semantics<subcore_parallel>], iteration_bounds = array<i64: 2, 16>, scalar_prefetch = 0 : i64, scratch_operands = 9 : i64, tpu.core_type = #tpu.core_type<sc_vector_subcore>, window_params = [{transform_indices = #map}, {transform_indices = #map}, {transform_indices = #map}, {transform_indices = #map}, {transform_indices = #map}]} {
    %mul3A = arith.constant 2 : i32
    %mul3A_0 = arith.muli %arg1, %mul3A : i32
    %add3A = arith.addi %mul3A_0, %arg0 : i32
    %mul3A_1 = arith.constant 40 : i32
    %mul3A_2 = arith.muli %add3A, %mul3A_1 : i32
    "tpu.region"() ({
      %run_scoped3A = tpu.sem_alloc : memref<!tpu.dma_semaphore, #tpu.memory_space<semaphore_mem>>
      %dma_start3A_100 = arith.constant 0 : i32
      %dma_start3A_101 = tpu.memref_slice %arg4[%mul3A_2, %dma_start3A_100] : memref<1280x128xi32, #tpu.memory_space<hbm>> -> memref<40x128xi32, #tpu.memory_space<hbm>>
      %dma_start3A_102 = arith.constant 0 : i32
      %dma_start3A_103 = tpu.memref_slice %arg4[%mul3A_2, %dma_start3A_102] : memref<1280x128xi32, #tpu.memory_space<hbm>> -> memref<40x128xi32, #tpu.memory_space<hbm>>
      tpu.enqueue_dma source(%dma_start3A_103 : memref<40x128xi32, #tpu.memory_space<hbm>>) target(%arg7 : memref<40x128xi32, #tpu.memory_space<vmem>>) target_semaphore(%run_scoped3A : memref<!tpu.dma_semaphore, #tpu.memory_space<semaphore_mem>>)
      %dma_wait3A_104 = arith.constant 0 : i32
      %dma_wait3A_105 = tpu.memref_slice %arg4[%mul3A_2, %dma_wait3A_104] : memref<1280x128xi32, #tpu.memory_space<hbm>> -> memref<40x128xi32, #tpu.memory_space<hbm>>
      %dma_wait3A_106 = arith.constant 0 : i32
      %dma_wait3A_107 = tpu.memref_slice %arg4[%mul3A_2, %dma_wait3A_106] : memref<1280x128xi32, #tpu.memory_space<hbm>> -> memref<40x128xi32, #tpu.memory_space<hbm>>
      tpu.wait_dma2 semaphore(%run_scoped3A : memref<!tpu.dma_semaphore, #tpu.memory_space<semaphore_mem>>) src(%dma_wait3A_107 : memref<40x128xi32, #tpu.memory_space<hbm>>) dst(%arg7 : memref<40x128xi32, #tpu.memory_space<vmem>>)
      tpu.yield
    }) : () -> ()
    "tpu.region"() ({
      %run_scoped3A = tpu.sem_alloc : memref<!tpu.dma_semaphore, #tpu.memory_space<semaphore_mem>>
      %dma_start3A_100 = arith.constant 0 : i32
      %dma_start3A_101 = tpu.memref_slice %arg5[%mul3A_2, %dma_start3A_100] : memref<1280x128xi32, #tpu.memory_space<hbm>> -> memref<40x128xi32, #tpu.memory_space<hbm>>
      %dma_start3A_102 = arith.constant 0 : i32
      %dma_start3A_103 = tpu.memref_slice %arg5[%mul3A_2, %dma_start3A_102] : memref<1280x128xi32, #tpu.memory_space<hbm>> -> memref<40x128xi32, #tpu.memory_space<hbm>>
      tpu.enqueue_dma source(%dma_start3A_103 : memref<40x128xi32, #tpu.memory_space<hbm>>) target(%arg8 : memref<40x128xi32, #tpu.memory_space<vmem>>) target_semaphore(%run_scoped3A : memref<!tpu.dma_semaphore, #tpu.memory_space<semaphore_mem>>)
      %dma_wait3A_104 = arith.constant 0 : i32
      %dma_wait3A_105 = tpu.memref_slice %arg5[%mul3A_2, %dma_wait3A_104] : memref<1280x128xi32, #tpu.memory_space<hbm>> -> memref<40x128xi32, #tpu.memory_space<hbm>>
      %dma_wait3A_106 = arith.constant 0 : i32
      %dma_wait3A_107 = tpu.memref_slice %arg5[%mul3A_2, %dma_wait3A_106] : memref<1280x128xi32, #tpu.memory_space<hbm>> -> memref<40x128xi32, #tpu.memory_space<hbm>>
      tpu.wait_dma2 semaphore(%run_scoped3A : memref<!tpu.dma_semaphore, #tpu.memory_space<semaphore_mem>>) src(%dma_wait3A_107 : memref<40x128xi32, #tpu.memory_space<hbm>>) dst(%arg8 : memref<40x128xi32, #tpu.memory_space<vmem>>)
      tpu.yield
    }) : () -> ()
    %dma_start3A = arith.constant 0 : i32
    %dma_start3A_3 = arith.constant 0 : i32
    %dma_start3A_4 = arith.constant 0 : i32
    %dma_start3A_5 = tpu.memref_slice %arg7[%dma_start3A, %dma_start3A_4] : memref<40x128xi32, #tpu.memory_space<vmem>> -> memref<1x128xi32, #tpu.memory_space<vmem>>
    %dma_start3A_6 = tpu.memref_squeeze %dma_start3A_5 : memref<1x128xi32, #tpu.memory_space<vmem>> -> memref<128xi32, #tpu.memory_space<vmem>>
    %dma_start3A_7 = arith.constant 0 : i32
    %dma_start3A_8 = arith.constant 0 : i32
    %dma_start3A_9 = tpu.memref_slice %arg2[%dma_start3A_7, %dma_start3A_8] : memref<10000x128xf32, #tpu.memory_space<hbm>> -> memref<10000x128xf32, #tpu.memory_space<hbm>>
    %dma_start3A_10 = tpu.memref_slice %arg14[%dma_start3A_3] : memref<5x!tpu.dma_semaphore, #tpu.memory_space<semaphore_mem>> -> memref<1x!tpu.dma_semaphore, #tpu.memory_space<semaphore_mem>>
    %dma_start3A_11 = tpu.memref_squeeze %dma_start3A_10 : memref<1x!tpu.dma_semaphore, #tpu.memory_space<semaphore_mem>> -> memref<!tpu.dma_semaphore, #tpu.memory_space<semaphore_mem>>
    tpu.enqueue_indirect_dma source(%dma_start3A_9 : memref<10000x128xf32, #tpu.memory_space<hbm>>) target(%arg9 : memref<128x128xf32, #tpu.memory_space<vmem>>) offsets(%dma_start3A_6 : memref<128xi32, #tpu.memory_space<vmem>>) semaphore(%dma_start3A_11 : memref<!tpu.dma_semaphore, #tpu.memory_space<semaphore_mem>>)
    %dma_start3A_12 = arith.constant 1 : i32
    %dma_start3A_13 = arith.constant 1 : i32
    %dma_start3A_14 = arith.constant 0 : i32
    %dma_start3A_15 = tpu.memref_slice %arg7[%dma_start3A_12, %dma_start3A_14] : memref<40x128xi32, #tpu.memory_space<vmem>> -> memref<1x128xi32, #tpu.memory_space<vmem>>
    %dma_start3A_16 = tpu.memref_squeeze %dma_start3A_15 : memref<1x128xi32, #tpu.memory_space<vmem>> -> memref<128xi32, #tpu.memory_space<vmem>>
    %dma_start3A_17 = arith.constant 0 : i32
    %dma_start3A_18 = arith.constant 0 : i32
    %dma_start3A_19 = tpu.memref_slice %arg2[%dma_start3A_17, %dma_start3A_18] : memref<10000x128xf32, #tpu.memory_space<hbm>> -> memref<10000x128xf32, #tpu.memory_space<hbm>>
    %dma_start3A_20 = tpu.memref_slice %arg14[%dma_start3A_13] : memref<5x!tpu.dma_semaphore, #tpu.memory_space<semaphore_mem>> -> memref<1x!tpu.dma_semaphore, #tpu.memory_space<semaphore_mem>>
    %dma_start3A_21 = tpu.memref_squeeze %dma_start3A_20 : memref<1x!tpu.dma_semaphore, #tpu.memory_space<semaphore_mem>> -> memref<!tpu.dma_semaphore, #tpu.memory_space<semaphore_mem>>
    tpu.enqueue_indirect_dma source(%dma_start3A_19 : memref<10000x128xf32, #tpu.memory_space<hbm>>) target(%arg10 : memref<128x128xf32, #tpu.memory_space<vmem>>) offsets(%dma_start3A_16 : memref<128xi32, #tpu.memory_space<vmem>>) semaphore(%dma_start3A_21 : memref<!tpu.dma_semaphore, #tpu.memory_space<semaphore_mem>>)
    %dma_start3A_22 = arith.constant 2 : i32
    %dma_start3A_23 = arith.constant 2 : i32
    %dma_start3A_24 = arith.constant 0 : i32
    %dma_start3A_25 = tpu.memref_slice %arg7[%dma_start3A_22, %dma_start3A_24] : memref<40x128xi32, #tpu.memory_space<vmem>> -> memref<1x128xi32, #tpu.memory_space<vmem>>
    %dma_start3A_26 = tpu.memref_squeeze %dma_start3A_25 : memref<1x128xi32, #tpu.memory_space<vmem>> -> memref<128xi32, #tpu.memory_space<vmem>>
    %dma_start3A_27 = arith.constant 0 : i32
    %dma_start3A_28 = arith.constant 0 : i32
    %dma_start3A_29 = tpu.memref_slice %arg2[%dma_start3A_27, %dma_start3A_28] : memref<10000x128xf32, #tpu.memory_space<hbm>> -> memref<10000x128xf32, #tpu.memory_space<hbm>>
    %dma_start3A_30 = tpu.memref_slice %arg14[%dma_start3A_23] : memref<5x!tpu.dma_semaphore, #tpu.memory_space<semaphore_mem>> -> memref<1x!tpu.dma_semaphore, #tpu.memory_space<semaphore_mem>>
    %dma_start3A_31 = tpu.memref_squeeze %dma_start3A_30 : memref<1x!tpu.dma_semaphore, #tpu.memory_space<semaphore_mem>> -> memref<!tpu.dma_semaphore, #tpu.memory_space<semaphore_mem>>
    tpu.enqueue_indirect_dma source(%dma_start3A_29 : memref<10000x128xf32, #tpu.memory_space<hbm>>) target(%arg11 : memref<128x128xf32, #tpu.memory_space<vmem>>) offsets(%dma_start3A_26 : memref<128xi32, #tpu.memory_space<vmem>>) semaphore(%dma_start3A_31 : memref<!tpu.dma_semaphore, #tpu.memory_space<semaphore_mem>>)
    %dma_start3A_32 = arith.constant 3 : i32
    %dma_start3A_33 = arith.constant 3 : i32
    %dma_start3A_34 = arith.constant 0 : i32
    %dma_start3A_35 = tpu.memref_slice %arg7[%dma_start3A_32, %dma_start3A_34] : memref<40x128xi32, #tpu.memory_space<vmem>> -> memref<1x128xi32, #tpu.memory_space<vmem>>
    %dma_start3A_36 = tpu.memref_squeeze %dma_start3A_35 : memref<1x128xi32, #tpu.memory_space<vmem>> -> memref<128xi32, #tpu.memory_space<vmem>>
    %dma_start3A_37 = arith.constant 0 : i32
    %dma_start3A_38 = arith.constant 0 : i32
    %dma_start3A_39 = tpu.memref_slice %arg2[%dma_start3A_37, %dma_start3A_38] : memref<10000x128xf32, #tpu.memory_space<hbm>> -> memref<10000x128xf32, #tpu.memory_space<hbm>>
    %dma_start3A_40 = tpu.memref_slice %arg14[%dma_start3A_33] : memref<5x!tpu.dma_semaphore, #tpu.memory_space<semaphore_mem>> -> memref<1x!tpu.dma_semaphore, #tpu.memory_space<semaphore_mem>>
    %dma_start3A_41 = tpu.memref_squeeze %dma_start3A_40 : memref<1x!tpu.dma_semaphore, #tpu.memory_space<semaphore_mem>> -> memref<!tpu.dma_semaphore, #tpu.memory_space<semaphore_mem>>
    tpu.enqueue_indirect_dma source(%dma_start3A_39 : memref<10000x128xf32, #tpu.memory_space<hbm>>) target(%arg12 : memref<128x128xf32, #tpu.memory_space<vmem>>) offsets(%dma_start3A_36 : memref<128xi32, #tpu.memory_space<vmem>>) semaphore(%dma_start3A_41 : memref<!tpu.dma_semaphore, #tpu.memory_space<semaphore_mem>>)
    %dma_start3A_42 = arith.constant 4 : i32
    %dma_start3A_43 = arith.constant 4 : i32
    %dma_start3A_44 = arith.constant 0 : i32
    %dma_start3A_45 = tpu.memref_slice %arg7[%dma_start3A_42, %dma_start3A_44] : memref<40x128xi32, #tpu.memory_space<vmem>> -> memref<1x128xi32, #tpu.memory_space<vmem>>
    %dma_start3A_46 = tpu.memref_squeeze %dma_start3A_45 : memref<1x128xi32, #tpu.memory_space<vmem>> -> memref<128xi32, #tpu.memory_space<vmem>>
    %dma_start3A_47 = arith.constant 0 : i32
    %dma_start3A_48 = arith.constant 0 : i32
    %dma_start3A_49 = tpu.memref_slice %arg2[%dma_start3A_47, %dma_start3A_48] : memref<10000x128xf32, #tpu.memory_space<hbm>> -> memref<10000x128xf32, #tpu.memory_space<hbm>>
    %dma_start3A_50 = tpu.memref_slice %arg14[%dma_start3A_43] : memref<5x!tpu.dma_semaphore, #tpu.memory_space<semaphore_mem>> -> memref<1x!tpu.dma_semaphore, #tpu.memory_space<semaphore_mem>>
    %dma_start3A_51 = tpu.memref_squeeze %dma_start3A_50 : memref<1x!tpu.dma_semaphore, #tpu.memory_space<semaphore_mem>> -> memref<!tpu.dma_semaphore, #tpu.memory_space<semaphore_mem>>
    tpu.enqueue_indirect_dma source(%dma_start3A_49 : memref<10000x128xf32, #tpu.memory_space<hbm>>) target(%arg13 : memref<128x128xf32, #tpu.memory_space<vmem>>) offsets(%dma_start3A_46 : memref<128xi32, #tpu.memory_space<vmem>>) semaphore(%dma_start3A_51 : memref<!tpu.dma_semaphore, #tpu.memory_space<semaphore_mem>>)
    %scan3A = arith.constant 0 : i32
    %scan3A_52 = arith.constant 8 : i32
    %scan3A_53 = arith.addi %scan3A, %scan3A_52 : i32
    %scan3A_54 = arith.constant 1 : i32
    scf.for %scan3A_100 = %scan3A to %scan3A_53 step %scan3A_54  : i32 {
      %mul3A_101 = arith.constant 1 : i32
      %mul3A_102 = arith.muli %scan3A_100, %mul3A_101 : i32
      %add3A_103 = arith.constant 0 : i32
      %add3A_104 = arith.addi %add3A_103, %mul3A_102 : i32
      %dma_wait3A_105 = arith.constant 0 : i32
      %dma_wait3A_106 = arith.constant 0 : i32
      %dma_wait3A_107 = arith.constant 0 : i32
      %dma_wait3A_108 = tpu.memref_slice %arg7[%dma_wait3A_105, %dma_wait3A_107] : memref<40x128xi32, #tpu.memory_space<vmem>> -> memref<1x128xi32, #tpu.memory_space<vmem>>
      %dma_wait3A_109 = tpu.memref_squeeze %dma_wait3A_108 : memref<1x128xi32, #tpu.memory_space<vmem>> -> memref<128xi32, #tpu.memory_space<vmem>>
      %dma_wait3A_110 = arith.constant 0 : i32
      %dma_wait3A_111 = arith.constant 0 : i32
      %dma_wait3A_112 = tpu.memref_slice %arg2[%dma_wait3A_110, %dma_wait3A_111] : memref<10000x128xf32, #tpu.memory_space<hbm>> -> memref<10000x128xf32, #tpu.memory_space<hbm>>
      %dma_wait3A_113 = tpu.memref_slice %arg14[%dma_wait3A_106] : memref<5x!tpu.dma_semaphore, #tpu.memory_space<semaphore_mem>> -> memref<1x!tpu.dma_semaphore, #tpu.memory_space<semaphore_mem>>
      %dma_wait3A_114 = tpu.memref_squeeze %dma_wait3A_113 : memref<1x!tpu.dma_semaphore, #tpu.memory_space<semaphore_mem>> -> memref<!tpu.dma_semaphore, #tpu.memory_space<semaphore_mem>>
      tpu.wait_indirect_dma semaphore(%dma_wait3A_114 : memref<!tpu.dma_semaphore, #tpu.memory_space<semaphore_mem>>) src(%dma_wait3A_112 : memref<10000x128xf32, #tpu.memory_space<hbm>>) dst(%arg9 : memref<128x128xf32, #tpu.memory_space<vmem>>)
      %mul3A_115 = arith.constant 5 : i32
      %mul3A_116 = arith.muli %add3A_104, %mul3A_115 : i32
      %add3A_117 = arith.constant 0 : i32
      %add3A_118 = arith.addi %mul3A_116, %add3A_117 : i32
      %dma_start3A_119 = arith.constant 0 : i32
      %dma_start3A_120 = arith.constant 0 : i32
      %dma_start3A_121 = tpu.memref_slice %arg8[%add3A_118, %dma_start3A_120] : memref<40x128xi32, #tpu.memory_space<vmem>> -> memref<1x128xi32, #tpu.memory_space<vmem>>
      %dma_start3A_122 = tpu.memref_squeeze %dma_start3A_121 : memref<1x128xi32, #tpu.memory_space<vmem>> -> memref<128xi32, #tpu.memory_space<vmem>>
      %dma_start3A_123 = arith.constant 0 : i32
      %dma_start3A_124 = arith.constant 0 : i32
      %dma_start3A_125 = tpu.memref_slice %arg3[%dma_start3A_123, %dma_start3A_124] : memref<10000x128xf32, #tpu.memory_space<hbm>> -> memref<10000x128xf32, #tpu.memory_space<hbm>>
      %dma_start3A_126 = tpu.memref_slice %arg14[%dma_start3A_119] : memref<5x!tpu.dma_semaphore, #tpu.memory_space<semaphore_mem>> -> memref<1x!tpu.dma_semaphore, #tpu.memory_space<semaphore_mem>>
      %dma_start3A_127 = tpu.memref_squeeze %dma_start3A_126 : memref<1x!tpu.dma_semaphore, #tpu.memory_space<semaphore_mem>> -> memref<!tpu.dma_semaphore, #tpu.memory_space<semaphore_mem>>
      tpu.enqueue_indirect_dma source(%dma_start3A_125 : memref<10000x128xf32, #tpu.memory_space<hbm>>) target(%arg9 : memref<128x128xf32, #tpu.memory_space<vmem>>) offsets(%dma_start3A_122 : memref<128xi32, #tpu.memory_space<vmem>>) semaphore(%dma_start3A_127 : memref<!tpu.dma_semaphore, #tpu.memory_space<semaphore_mem>>) {add = true}
      %dma_wait3A_128 = arith.constant 1 : i32
      %dma_wait3A_129 = arith.constant 1 : i32
      %dma_wait3A_130 = arith.constant 0 : i32
      %dma_wait3A_131 = tpu.memref_slice %arg7[%dma_wait3A_128, %dma_wait3A_130] : memref<40x128xi32, #tpu.memory_space<vmem>> -> memref<1x128xi32, #tpu.memory_space<vmem>>
      %dma_wait3A_132 = tpu.memref_squeeze %dma_wait3A_131 : memref<1x128xi32, #tpu.memory_space<vmem>> -> memref<128xi32, #tpu.memory_space<vmem>>
      %dma_wait3A_133 = arith.constant 0 : i32
      %dma_wait3A_134 = arith.constant 0 : i32
      %dma_wait3A_135 = tpu.memref_slice %arg2[%dma_wait3A_133, %dma_wait3A_134] : memref<10000x128xf32, #tpu.memory_space<hbm>> -> memref<10000x128xf32, #tpu.memory_space<hbm>>
      %dma_wait3A_136 = tpu.memref_slice %arg14[%dma_wait3A_129] : memref<5x!tpu.dma_semaphore, #tpu.memory_space<semaphore_mem>> -> memref<1x!tpu.dma_semaphore, #tpu.memory_space<semaphore_mem>>
      %dma_wait3A_137 = tpu.memref_squeeze %dma_wait3A_136 : memref<1x!tpu.dma_semaphore, #tpu.memory_space<semaphore_mem>> -> memref<!tpu.dma_semaphore, #tpu.memory_space<semaphore_mem>>
      tpu.wait_indirect_dma semaphore(%dma_wait3A_137 : memref<!tpu.dma_semaphore, #tpu.memory_space<semaphore_mem>>) src(%dma_wait3A_135 : memref<10000x128xf32, #tpu.memory_space<hbm>>) dst(%arg10 : memref<128x128xf32, #tpu.memory_space<vmem>>)
      %mul3A_138 = arith.constant 5 : i32
      %mul3A_139 = arith.muli %add3A_104, %mul3A_138 : i32
      %add3A_140 = arith.constant 1 : i32
      %add3A_141 = arith.addi %mul3A_139, %add3A_140 : i32
      %dma_start3A_142 = arith.constant 1 : i32
      %dma_start3A_143 = arith.constant 0 : i32
      %dma_start3A_144 = tpu.memref_slice %arg8[%add3A_141, %dma_start3A_143] : memref<40x128xi32, #tpu.memory_space<vmem>> -> memref<1x128xi32, #tpu.memory_space<vmem>>
      %dma_start3A_145 = tpu.memref_squeeze %dma_start3A_144 : memref<1x128xi32, #tpu.memory_space<vmem>> -> memref<128xi32, #tpu.memory_space<vmem>>
      %dma_start3A_146 = arith.constant 0 : i32
      %dma_start3A_147 = arith.constant 0 : i32
      %dma_start3A_148 = tpu.memref_slice %arg3[%dma_start3A_146, %dma_start3A_147] : memref<10000x128xf32, #tpu.memory_space<hbm>> -> memref<10000x128xf32, #tpu.memory_space<hbm>>
      %dma_start3A_149 = tpu.memref_slice %arg14[%dma_start3A_142] : memref<5x!tpu.dma_semaphore, #tpu.memory_space<semaphore_mem>> -> memref<1x!tpu.dma_semaphore, #tpu.memory_space<semaphore_mem>>
      %dma_start3A_150 = tpu.memref_squeeze %dma_start3A_149 : memref<1x!tpu.dma_semaphore, #tpu.memory_space<semaphore_mem>> -> memref<!tpu.dma_semaphore, #tpu.memory_space<semaphore_mem>>
      tpu.enqueue_indirect_dma source(%dma_start3A_148 : memref<10000x128xf32, #tpu.memory_space<hbm>>) target(%arg10 : memref<128x128xf32, #tpu.memory_space<vmem>>) offsets(%dma_start3A_145 : memref<128xi32, #tpu.memory_space<vmem>>) semaphore(%dma_start3A_150 : memref<!tpu.dma_semaphore, #tpu.memory_space<semaphore_mem>>) {add = true}
      %dma_wait3A_151 = arith.constant 2 : i32
      %dma_wait3A_152 = arith.constant 2 : i32
      %dma_wait3A_153 = arith.constant 0 : i32
      %dma_wait3A_154 = tpu.memref_slice %arg7[%dma_wait3A_151, %dma_wait3A_153] : memref<40x128xi32, #tpu.memory_space<vmem>> -> memref<1x128xi32, #tpu.memory_space<vmem>>
      %dma_wait3A_155 = tpu.memref_squeeze %dma_wait3A_154 : memref<1x128xi32, #tpu.memory_space<vmem>> -> memref<128xi32, #tpu.memory_space<vmem>>
      %dma_wait3A_156 = arith.constant 0 : i32
      %dma_wait3A_157 = arith.constant 0 : i32
      %dma_wait3A_158 = tpu.memref_slice %arg2[%dma_wait3A_156, %dma_wait3A_157] : memref<10000x128xf32, #tpu.memory_space<hbm>> -> memref<10000x128xf32, #tpu.memory_space<hbm>>
      %dma_wait3A_159 = tpu.memref_slice %arg14[%dma_wait3A_152] : memref<5x!tpu.dma_semaphore, #tpu.memory_space<semaphore_mem>> -> memref<1x!tpu.dma_semaphore, #tpu.memory_space<semaphore_mem>>
      %dma_wait3A_160 = tpu.memref_squeeze %dma_wait3A_159 : memref<1x!tpu.dma_semaphore, #tpu.memory_space<semaphore_mem>> -> memref<!tpu.dma_semaphore, #tpu.memory_space<semaphore_mem>>
      tpu.wait_indirect_dma semaphore(%dma_wait3A_160 : memref<!tpu.dma_semaphore, #tpu.memory_space<semaphore_mem>>) src(%dma_wait3A_158 : memref<10000x128xf32, #tpu.memory_space<hbm>>) dst(%arg11 : memref<128x128xf32, #tpu.memory_space<vmem>>)
      %mul3A_161 = arith.constant 5 : i32
      %mul3A_162 = arith.muli %add3A_104, %mul3A_161 : i32
      %add3A_163 = arith.constant 2 : i32
      %add3A_164 = arith.addi %mul3A_162, %add3A_163 : i32
      %dma_start3A_165 = arith.constant 2 : i32
      %dma_start3A_166 = arith.constant 0 : i32
      %dma_start3A_167 = tpu.memref_slice %arg8[%add3A_164, %dma_start3A_166] : memref<40x128xi32, #tpu.memory_space<vmem>> -> memref<1x128xi32, #tpu.memory_space<vmem>>
      %dma_start3A_168 = tpu.memref_squeeze %dma_start3A_167 : memref<1x128xi32, #tpu.memory_space<vmem>> -> memref<128xi32, #tpu.memory_space<vmem>>
      %dma_start3A_169 = arith.constant 0 : i32
      %dma_start3A_170 = arith.constant 0 : i32
      %dma_start3A_171 = tpu.memref_slice %arg3[%dma_start3A_169, %dma_start3A_170] : memref<10000x128xf32, #tpu.memory_space<hbm>> -> memref<10000x128xf32, #tpu.memory_space<hbm>>
      %dma_start3A_172 = tpu.memref_slice %arg14[%dma_start3A_165] : memref<5x!tpu.dma_semaphore, #tpu.memory_space<semaphore_mem>> -> memref<1x!tpu.dma_semaphore, #tpu.memory_space<semaphore_mem>>
      %dma_start3A_173 = tpu.memref_squeeze %dma_start3A_172 : memref<1x!tpu.dma_semaphore, #tpu.memory_space<semaphore_mem>> -> memref<!tpu.dma_semaphore, #tpu.memory_space<semaphore_mem>>
      tpu.enqueue_indirect_dma source(%dma_start3A_171 : memref<10000x128xf32, #tpu.memory_space<hbm>>) target(%arg11 : memref<128x128xf32, #tpu.memory_space<vmem>>) offsets(%dma_start3A_168 : memref<128xi32, #tpu.memory_space<vmem>>) semaphore(%dma_start3A_173 : memref<!tpu.dma_semaphore, #tpu.memory_space<semaphore_mem>>) {add = true}
      %dma_wait3A_174 = arith.constant 3 : i32
      %dma_wait3A_175 = arith.constant 3 : i32
      %dma_wait3A_176 = arith.constant 0 : i32
      %dma_wait3A_177 = tpu.memref_slice %arg7[%dma_wait3A_174, %dma_wait3A_176] : memref<40x128xi32, #tpu.memory_space<vmem>> -> memref<1x128xi32, #tpu.memory_space<vmem>>
      %dma_wait3A_178 = tpu.memref_squeeze %dma_wait3A_177 : memref<1x128xi32, #tpu.memory_space<vmem>> -> memref<128xi32, #tpu.memory_space<vmem>>
      %dma_wait3A_179 = arith.constant 0 : i32
      %dma_wait3A_180 = arith.constant 0 : i32
      %dma_wait3A_181 = tpu.memref_slice %arg2[%dma_wait3A_179, %dma_wait3A_180] : memref<10000x128xf32, #tpu.memory_space<hbm>> -> memref<10000x128xf32, #tpu.memory_space<hbm>>
      %dma_wait3A_182 = tpu.memref_slice %arg14[%dma_wait3A_175] : memref<5x!tpu.dma_semaphore, #tpu.memory_space<semaphore_mem>> -> memref<1x!tpu.dma_semaphore, #tpu.memory_space<semaphore_mem>>
      %dma_wait3A_183 = tpu.memref_squeeze %dma_wait3A_182 : memref<1x!tpu.dma_semaphore, #tpu.memory_space<semaphore_mem>> -> memref<!tpu.dma_semaphore, #tpu.memory_space<semaphore_mem>>
      tpu.wait_indirect_dma semaphore(%dma_wait3A_183 : memref<!tpu.dma_semaphore, #tpu.memory_space<semaphore_mem>>) src(%dma_wait3A_181 : memref<10000x128xf32, #tpu.memory_space<hbm>>) dst(%arg12 : memref<128x128xf32, #tpu.memory_space<vmem>>)
      %mul3A_184 = arith.constant 5 : i32
      %mul3A_185 = arith.muli %add3A_104, %mul3A_184 : i32
      %add3A_186 = arith.constant 3 : i32
      %add3A_187 = arith.addi %mul3A_185, %add3A_186 : i32
      %dma_start3A_188 = arith.constant 3 : i32
      %dma_start3A_189 = arith.constant 0 : i32
      %dma_start3A_190 = tpu.memref_slice %arg8[%add3A_187, %dma_start3A_189] : memref<40x128xi32, #tpu.memory_space<vmem>> -> memref<1x128xi32, #tpu.memory_space<vmem>>
      %dma_start3A_191 = tpu.memref_squeeze %dma_start3A_190 : memref<1x128xi32, #tpu.memory_space<vmem>> -> memref<128xi32, #tpu.memory_space<vmem>>
      %dma_start3A_192 = arith.constant 0 : i32
      %dma_start3A_193 = arith.constant 0 : i32
      %dma_start3A_194 = tpu.memref_slice %arg3[%dma_start3A_192, %dma_start3A_193] : memref<10000x128xf32, #tpu.memory_space<hbm>> -> memref<10000x128xf32, #tpu.memory_space<hbm>>
      %dma_start3A_195 = tpu.memref_slice %arg14[%dma_start3A_188] : memref<5x!tpu.dma_semaphore, #tpu.memory_space<semaphore_mem>> -> memref<1x!tpu.dma_semaphore, #tpu.memory_space<semaphore_mem>>
      %dma_start3A_196 = tpu.memref_squeeze %dma_start3A_195 : memref<1x!tpu.dma_semaphore, #tpu.memory_space<semaphore_mem>> -> memref<!tpu.dma_semaphore, #tpu.memory_space<semaphore_mem>>
      tpu.enqueue_indirect_dma source(%dma_start3A_194 : memref<10000x128xf32, #tpu.memory_space<hbm>>) target(%arg12 : memref<128x128xf32, #tpu.memory_space<vmem>>) offsets(%dma_start3A_191 : memref<128xi32, #tpu.memory_space<vmem>>) semaphore(%dma_start3A_196 : memref<!tpu.dma_semaphore, #tpu.memory_space<semaphore_mem>>) {add = true}
      %dma_wait3A_197 = arith.constant 4 : i32
      %dma_wait3A_198 = arith.constant 4 : i32
      %dma_wait3A_199 = arith.constant 0 : i32
      %dma_wait3A_200 = tpu.memref_slice %arg7[%dma_wait3A_197, %dma_wait3A_199] : memref<40x128xi32, #tpu.memory_space<vmem>> -> memref<1x128xi32, #tpu.memory_space<vmem>>
      %dma_wait3A_201 = tpu.memref_squeeze %dma_wait3A_200 : memref<1x128xi32, #tpu.memory_space<vmem>> -> memref<128xi32, #tpu.memory_space<vmem>>
      %dma_wait3A_202 = arith.constant 0 : i32
      %dma_wait3A_203 = arith.constant 0 : i32
      %dma_wait3A_204 = tpu.memref_slice %arg2[%dma_wait3A_202, %dma_wait3A_203] : memref<10000x128xf32, #tpu.memory_space<hbm>> -> memref<10000x128xf32, #tpu.memory_space<hbm>>
      %dma_wait3A_205 = tpu.memref_slice %arg14[%dma_wait3A_198] : memref<5x!tpu.dma_semaphore, #tpu.memory_space<semaphore_mem>> -> memref<1x!tpu.dma_semaphore, #tpu.memory_space<semaphore_mem>>
      %dma_wait3A_206 = tpu.memref_squeeze %dma_wait3A_205 : memref<1x!tpu.dma_semaphore, #tpu.memory_space<semaphore_mem>> -> memref<!tpu.dma_semaphore, #tpu.memory_space<semaphore_mem>>
      tpu.wait_indirect_dma semaphore(%dma_wait3A_206 : memref<!tpu.dma_semaphore, #tpu.memory_space<semaphore_mem>>) src(%dma_wait3A_204 : memref<10000x128xf32, #tpu.memory_space<hbm>>) dst(%arg13 : memref<128x128xf32, #tpu.memory_space<vmem>>)
      %mul3A_207 = arith.constant 5 : i32
      %mul3A_208 = arith.muli %add3A_104, %mul3A_207 : i32
      %add3A_209 = arith.constant 4 : i32
      %add3A_210 = arith.addi %mul3A_208, %add3A_209 : i32
      %dma_start3A_211 = arith.constant 4 : i32
      %dma_start3A_212 = arith.constant 0 : i32
      %dma_start3A_213 = tpu.memref_slice %arg8[%add3A_210, %dma_start3A_212] : memref<40x128xi32, #tpu.memory_space<vmem>> -> memref<1x128xi32, #tpu.memory_space<vmem>>
      %dma_start3A_214 = tpu.memref_squeeze %dma_start3A_213 : memref<1x128xi32, #tpu.memory_space<vmem>> -> memref<128xi32, #tpu.memory_space<vmem>>
      %dma_start3A_215 = arith.constant 0 : i32
      %dma_start3A_216 = arith.constant 0 : i32
      %dma_start3A_217 = tpu.memref_slice %arg3[%dma_start3A_215, %dma_start3A_216] : memref<10000x128xf32, #tpu.memory_space<hbm>> -> memref<10000x128xf32, #tpu.memory_space<hbm>>
      %dma_start3A_218 = tpu.memref_slice %arg14[%dma_start3A_211] : memref<5x!tpu.dma_semaphore, #tpu.memory_space<semaphore_mem>> -> memref<1x!tpu.dma_semaphore, #tpu.memory_space<semaphore_mem>>
      %dma_start3A_219 = tpu.memref_squeeze %dma_start3A_218 : memref<1x!tpu.dma_semaphore, #tpu.memory_space<semaphore_mem>> -> memref<!tpu.dma_semaphore, #tpu.memory_space<semaphore_mem>>
      tpu.enqueue_indirect_dma source(%dma_start3A_217 : memref<10000x128xf32, #tpu.memory_space<hbm>>) target(%arg13 : memref<128x128xf32, #tpu.memory_space<vmem>>) offsets(%dma_start3A_214 : memref<128xi32, #tpu.memory_space<vmem>>) semaphore(%dma_start3A_219 : memref<!tpu.dma_semaphore, #tpu.memory_space<semaphore_mem>>) {add = true}
      %mul3A_220 = arith.constant 5 : i32
      %mul3A_221 = arith.muli %add3A_104, %mul3A_220 : i32
      %add3A_222 = arith.constant 0 : i32
      %add3A_223 = arith.addi %mul3A_221, %add3A_222 : i32
      %dma_wait3A_224 = arith.constant 0 : i32
      %dma_wait3A_225 = arith.constant 0 : i32
      %dma_wait3A_226 = arith.constant 0 : i32
      %dma_wait3A_227 = tpu.memref_slice %arg8[%dma_wait3A_224, %dma_wait3A_226] : memref<40x128xi32, #tpu.memory_space<vmem>> -> memref<1x128xi32, #tpu.memory_space<vmem>>
      %dma_wait3A_228 = tpu.memref_squeeze %dma_wait3A_227 : memref<1x128xi32, #tpu.memory_space<vmem>> -> memref<128xi32, #tpu.memory_space<vmem>>
      %dma_wait3A_229 = arith.constant 0 : i32
      %dma_wait3A_230 = arith.constant 0 : i32
      %dma_wait3A_231 = tpu.memref_slice %arg3[%dma_wait3A_229, %dma_wait3A_230] : memref<10000x128xf32, #tpu.memory_space<hbm>> -> memref<10000x128xf32, #tpu.memory_space<hbm>>
      %dma_wait3A_232 = tpu.memref_slice %arg14[%dma_wait3A_225] : memref<5x!tpu.dma_semaphore, #tpu.memory_space<semaphore_mem>> -> memref<1x!tpu.dma_semaphore, #tpu.memory_space<semaphore_mem>>
      %dma_wait3A_233 = tpu.memref_squeeze %dma_wait3A_232 : memref<1x!tpu.dma_semaphore, #tpu.memory_space<semaphore_mem>> -> memref<!tpu.dma_semaphore, #tpu.memory_space<semaphore_mem>>
      tpu.wait_indirect_dma semaphore(%dma_wait3A_233 : memref<!tpu.dma_semaphore, #tpu.memory_space<semaphore_mem>>) src(%dma_wait3A_231 : memref<10000x128xf32, #tpu.memory_space<hbm>>) dst(%arg9 : memref<128x128xf32, #tpu.memory_space<vmem>>)
      %add3A_234 = arith.addi %mul3A_2, %add3A_223 : i32
      %mul3A_235 = arith.constant 128 : i32
      %mul3A_236 = arith.muli %add3A_234, %mul3A_235 : i32
      %dma_start3A_237 = arith.constant 0 : i32
      %dma_start3A_238 = arith.constant 0 : i32
      %dma_start3A_239 = tpu.memref_slice %arg6[%mul3A_236, %dma_start3A_238] : memref<163840x128xf32, #tpu.memory_space<hbm>> -> memref<128x128xf32, #tpu.memory_space<hbm>>
      %dma_start3A_240 = tpu.memref_slice %arg15[%dma_start3A_237] : memref<5x!tpu.dma_semaphore, #tpu.memory_space<semaphore_mem>> -> memref<1x!tpu.dma_semaphore, #tpu.memory_space<semaphore_mem>>
      %dma_start3A_241 = tpu.memref_squeeze %dma_start3A_240 : memref<1x!tpu.dma_semaphore, #tpu.memory_space<semaphore_mem>> -> memref<!tpu.dma_semaphore, #tpu.memory_space<semaphore_mem>>
      %dma_start3A_242 = arith.constant 0 : i32
      %dma_start3A_243 = tpu.memref_slice %arg6[%mul3A_236, %dma_start3A_242] : memref<163840x128xf32, #tpu.memory_space<hbm>> -> memref<128x128xf32, #tpu.memory_space<hbm>>
      tpu.enqueue_dma source(%arg9 : memref<128x128xf32, #tpu.memory_space<vmem>>) target(%dma_start3A_243 : memref<128x128xf32, #tpu.memory_space<hbm>>) target_semaphore(%dma_start3A_241 : memref<!tpu.dma_semaphore, #tpu.memory_space<semaphore_mem>>)
      %mul3A_244 = arith.constant 5 : i32
      %mul3A_245 = arith.muli %add3A_104, %mul3A_244 : i32
      %add3A_246 = arith.constant 1 : i32
      %add3A_247 = arith.addi %mul3A_245, %add3A_246 : i32
      %dma_wait3A_248 = arith.constant 1 : i32
      %dma_wait3A_249 = arith.constant 1 : i32
      %dma_wait3A_250 = arith.constant 0 : i32
      %dma_wait3A_251 = tpu.memref_slice %arg8[%dma_wait3A_248, %dma_wait3A_250] : memref<40x128xi32, #tpu.memory_space<vmem>> -> memref<1x128xi32, #tpu.memory_space<vmem>>
      %dma_wait3A_252 = tpu.memref_squeeze %dma_wait3A_251 : memref<1x128xi32, #tpu.memory_space<vmem>> -> memref<128xi32, #tpu.memory_space<vmem>>
      %dma_wait3A_253 = arith.constant 0 : i32
      %dma_wait3A_254 = arith.constant 0 : i32
      %dma_wait3A_255 = tpu.memref_slice %arg3[%dma_wait3A_253, %dma_wait3A_254] : memref<10000x128xf32, #tpu.memory_space<hbm>> -> memref<10000x128xf32, #tpu.memory_space<hbm>>
      %dma_wait3A_256 = tpu.memref_slice %arg14[%dma_wait3A_249] : memref<5x!tpu.dma_semaphore, #tpu.memory_space<semaphore_mem>> -> memref<1x!tpu.dma_semaphore, #tpu.memory_space<semaphore_mem>>
      %dma_wait3A_257 = tpu.memref_squeeze %dma_wait3A_256 : memref<1x!tpu.dma_semaphore, #tpu.memory_space<semaphore_mem>> -> memref<!tpu.dma_semaphore, #tpu.memory_space<semaphore_mem>>
      tpu.wait_indirect_dma semaphore(%dma_wait3A_257 : memref<!tpu.dma_semaphore, #tpu.memory_space<semaphore_mem>>) src(%dma_wait3A_255 : memref<10000x128xf32, #tpu.memory_space<hbm>>) dst(%arg10 : memref<128x128xf32, #tpu.memory_space<vmem>>)
      %add3A_258 = arith.addi %mul3A_2, %add3A_247 : i32
      %mul3A_259 = arith.constant 128 : i32
      %mul3A_260 = arith.muli %add3A_258, %mul3A_259 : i32
      %dma_start3A_261 = arith.constant 1 : i32
      %dma_start3A_262 = arith.constant 0 : i32
      %dma_start3A_263 = tpu.memref_slice %arg6[%mul3A_260, %dma_start3A_262] : memref<163840x128xf32, #tpu.memory_space<hbm>> -> memref<128x128xf32, #tpu.memory_space<hbm>>
      %dma_start3A_264 = tpu.memref_slice %arg15[%dma_start3A_261] : memref<5x!tpu.dma_semaphore, #tpu.memory_space<semaphore_mem>> -> memref<1x!tpu.dma_semaphore, #tpu.memory_space<semaphore_mem>>
      %dma_start3A_265 = tpu.memref_squeeze %dma_start3A_264 : memref<1x!tpu.dma_semaphore, #tpu.memory_space<semaphore_mem>> -> memref<!tpu.dma_semaphore, #tpu.memory_space<semaphore_mem>>
      %dma_start3A_266 = arith.constant 0 : i32
      %dma_start3A_267 = tpu.memref_slice %arg6[%mul3A_260, %dma_start3A_266] : memref<163840x128xf32, #tpu.memory_space<hbm>> -> memref<128x128xf32, #tpu.memory_space<hbm>>
      tpu.enqueue_dma source(%arg10 : memref<128x128xf32, #tpu.memory_space<vmem>>) target(%dma_start3A_267 : memref<128x128xf32, #tpu.memory_space<hbm>>) target_semaphore(%dma_start3A_265 : memref<!tpu.dma_semaphore, #tpu.memory_space<semaphore_mem>>)
      %mul3A_268 = arith.constant 5 : i32
      %mul3A_269 = arith.muli %add3A_104, %mul3A_268 : i32
      %add3A_270 = arith.constant 2 : i32
      %add3A_271 = arith.addi %mul3A_269, %add3A_270 : i32
      %dma_wait3A_272 = arith.constant 2 : i32
      %dma_wait3A_273 = arith.constant 2 : i32
      %dma_wait3A_274 = arith.constant 0 : i32
      %dma_wait3A_275 = tpu.memref_slice %arg8[%dma_wait3A_272, %dma_wait3A_274] : memref<40x128xi32, #tpu.memory_space<vmem>> -> memref<1x128xi32, #tpu.memory_space<vmem>>
      %dma_wait3A_276 = tpu.memref_squeeze %dma_wait3A_275 : memref<1x128xi32, #tpu.memory_space<vmem>> -> memref<128xi32, #tpu.memory_space<vmem>>
      %dma_wait3A_277 = arith.constant 0 : i32
      %dma_wait3A_278 = arith.constant 0 : i32
      %dma_wait3A_279 = tpu.memref_slice %arg3[%dma_wait3A_277, %dma_wait3A_278] : memref<10000x128xf32, #tpu.memory_space<hbm>> -> memref<10000x128xf32, #tpu.memory_space<hbm>>
      %dma_wait3A_280 = tpu.memref_slice %arg14[%dma_wait3A_273] : memref<5x!tpu.dma_semaphore, #tpu.memory_space<semaphore_mem>> -> memref<1x!tpu.dma_semaphore, #tpu.memory_space<semaphore_mem>>
      %dma_wait3A_281 = tpu.memref_squeeze %dma_wait3A_280 : memref<1x!tpu.dma_semaphore, #tpu.memory_space<semaphore_mem>> -> memref<!tpu.dma_semaphore, #tpu.memory_space<semaphore_mem>>
      tpu.wait_indirect_dma semaphore(%dma_wait3A_281 : memref<!tpu.dma_semaphore, #tpu.memory_space<semaphore_mem>>) src(%dma_wait3A_279 : memref<10000x128xf32, #tpu.memory_space<hbm>>) dst(%arg11 : memref<128x128xf32, #tpu.memory_space<vmem>>)
      %add3A_282 = arith.addi %mul3A_2, %add3A_271 : i32
      %mul3A_283 = arith.constant 128 : i32
      %mul3A_284 = arith.muli %add3A_282, %mul3A_283 : i32
      %dma_start3A_285 = arith.constant 2 : i32
      %dma_start3A_286 = arith.constant 0 : i32
      %dma_start3A_287 = tpu.memref_slice %arg6[%mul3A_284, %dma_start3A_286] : memref<163840x128xf32, #tpu.memory_space<hbm>> -> memref<128x128xf32, #tpu.memory_space<hbm>>
      %dma_start3A_288 = tpu.memref_slice %arg15[%dma_start3A_285] : memref<5x!tpu.dma_semaphore, #tpu.memory_space<semaphore_mem>> -> memref<1x!tpu.dma_semaphore, #tpu.memory_space<semaphore_mem>>
      %dma_start3A_289 = tpu.memref_squeeze %dma_start3A_288 : memref<1x!tpu.dma_semaphore, #tpu.memory_space<semaphore_mem>> -> memref<!tpu.dma_semaphore, #tpu.memory_space<semaphore_mem>>
      %dma_start3A_290 = arith.constant 0 : i32
      %dma_start3A_291 = tpu.memref_slice %arg6[%mul3A_284, %dma_start3A_290] : memref<163840x128xf32, #tpu.memory_space<hbm>> -> memref<128x128xf32, #tpu.memory_space<hbm>>
      tpu.enqueue_dma source(%arg11 : memref<128x128xf32, #tpu.memory_space<vmem>>) target(%dma_start3A_291 : memref<128x128xf32, #tpu.memory_space<hbm>>) target_semaphore(%dma_start3A_289 : memref<!tpu.dma_semaphore, #tpu.memory_space<semaphore_mem>>)
      %mul3A_292 = arith.constant 5 : i32
      %mul3A_293 = arith.muli %add3A_104, %mul3A_292 : i32
      %add3A_294 = arith.constant 3 : i32
      %add3A_295 = arith.addi %mul3A_293, %add3A_294 : i32
      %dma_wait3A_296 = arith.constant 3 : i32
      %dma_wait3A_297 = arith.constant 3 : i32
      %dma_wait3A_298 = arith.constant 0 : i32
      %dma_wait3A_299 = tpu.memref_slice %arg8[%dma_wait3A_296, %dma_wait3A_298] : memref<40x128xi32, #tpu.memory_space<vmem>> -> memref<1x128xi32, #tpu.memory_space<vmem>>
      %dma_wait3A_300 = tpu.memref_squeeze %dma_wait3A_299 : memref<1x128xi32, #tpu.memory_space<vmem>> -> memref<128xi32, #tpu.memory_space<vmem>>
      %dma_wait3A_301 = arith.constant 0 : i32
      %dma_wait3A_302 = arith.constant 0 : i32
      %dma_wait3A_303 = tpu.memref_slice %arg3[%dma_wait3A_301, %dma_wait3A_302] : memref<10000x128xf32, #tpu.memory_space<hbm>> -> memref<10000x128xf32, #tpu.memory_space<hbm>>
      %dma_wait3A_304 = tpu.memref_slice %arg14[%dma_wait3A_297] : memref<5x!tpu.dma_semaphore, #tpu.memory_space<semaphore_mem>> -> memref<1x!tpu.dma_semaphore, #tpu.memory_space<semaphore_mem>>
      %dma_wait3A_305 = tpu.memref_squeeze %dma_wait3A_304 : memref<1x!tpu.dma_semaphore, #tpu.memory_space<semaphore_mem>> -> memref<!tpu.dma_semaphore, #tpu.memory_space<semaphore_mem>>
      tpu.wait_indirect_dma semaphore(%dma_wait3A_305 : memref<!tpu.dma_semaphore, #tpu.memory_space<semaphore_mem>>) src(%dma_wait3A_303 : memref<10000x128xf32, #tpu.memory_space<hbm>>) dst(%arg12 : memref<128x128xf32, #tpu.memory_space<vmem>>)
      %add3A_306 = arith.addi %mul3A_2, %add3A_295 : i32
      %mul3A_307 = arith.constant 128 : i32
      %mul3A_308 = arith.muli %add3A_306, %mul3A_307 : i32
      %dma_start3A_309 = arith.constant 3 : i32
      %dma_start3A_310 = arith.constant 0 : i32
      %dma_start3A_311 = tpu.memref_slice %arg6[%mul3A_308, %dma_start3A_310] : memref<163840x128xf32, #tpu.memory_space<hbm>> -> memref<128x128xf32, #tpu.memory_space<hbm>>
      %dma_start3A_312 = tpu.memref_slice %arg15[%dma_start3A_309] : memref<5x!tpu.dma_semaphore, #tpu.memory_space<semaphore_mem>> -> memref<1x!tpu.dma_semaphore, #tpu.memory_space<semaphore_mem>>
      %dma_start3A_313 = tpu.memref_squeeze %dma_start3A_312 : memref<1x!tpu.dma_semaphore, #tpu.memory_space<semaphore_mem>> -> memref<!tpu.dma_semaphore, #tpu.memory_space<semaphore_mem>>
      %dma_start3A_314 = arith.constant 0 : i32
      %dma_start3A_315 = tpu.memref_slice %arg6[%mul3A_308, %dma_start3A_314] : memref<163840x128xf32, #tpu.memory_space<hbm>> -> memref<128x128xf32, #tpu.memory_space<hbm>>
      tpu.enqueue_dma source(%arg12 : memref<128x128xf32, #tpu.memory_space<vmem>>) target(%dma_start3A_315 : memref<128x128xf32, #tpu.memory_space<hbm>>) target_semaphore(%dma_start3A_313 : memref<!tpu.dma_semaphore, #tpu.memory_space<semaphore_mem>>)
      %mul3A_316 = arith.constant 5 : i32
      %mul3A_317 = arith.muli %add3A_104, %mul3A_316 : i32
      %add3A_318 = arith.constant 4 : i32
      %add3A_319 = arith.addi %mul3A_317, %add3A_318 : i32
      %dma_wait3A_320 = arith.constant 4 : i32
      %dma_wait3A_321 = arith.constant 4 : i32
      %dma_wait3A_322 = arith.constant 0 : i32
      %dma_wait3A_323 = tpu.memref_slice %arg8[%dma_wait3A_320, %dma_wait3A_322] : memref<40x128xi32, #tpu.memory_space<vmem>> -> memref<1x128xi32, #tpu.memory_space<vmem>>
      %dma_wait3A_324 = tpu.memref_squeeze %dma_wait3A_323 : memref<1x128xi32, #tpu.memory_space<vmem>> -> memref<128xi32, #tpu.memory_space<vmem>>
      %dma_wait3A_325 = arith.constant 0 : i32
      %dma_wait3A_326 = arith.constant 0 : i32
      %dma_wait3A_327 = tpu.memref_slice %arg3[%dma_wait3A_325, %dma_wait3A_326] : memref<10000x128xf32, #tpu.memory_space<hbm>> -> memref<10000x128xf32, #tpu.memory_space<hbm>>
      %dma_wait3A_328 = tpu.memref_slice %arg14[%dma_wait3A_321] : memref<5x!tpu.dma_semaphore, #tpu.memory_space<semaphore_mem>> -> memref<1x!tpu.dma_semaphore, #tpu.memory_space<semaphore_mem>>
      %dma_wait3A_329 = tpu.memref_squeeze %dma_wait3A_328 : memref<1x!tpu.dma_semaphore, #tpu.memory_space<semaphore_mem>> -> memref<!tpu.dma_semaphore, #tpu.memory_space<semaphore_mem>>
      tpu.wait_indirect_dma semaphore(%dma_wait3A_329 : memref<!tpu.dma_semaphore, #tpu.memory_space<semaphore_mem>>) src(%dma_wait3A_327 : memref<10000x128xf32, #tpu.memory_space<hbm>>) dst(%arg13 : memref<128x128xf32, #tpu.memory_space<vmem>>)
      %add3A_330 = arith.addi %mul3A_2, %add3A_319 : i32
      %mul3A_331 = arith.constant 128 : i32
      %mul3A_332 = arith.muli %add3A_330, %mul3A_331 : i32
      %dma_start3A_333 = arith.constant 4 : i32
      %dma_start3A_334 = arith.constant 0 : i32
      %dma_start3A_335 = tpu.memref_slice %arg6[%mul3A_332, %dma_start3A_334] : memref<163840x128xf32, #tpu.memory_space<hbm>> -> memref<128x128xf32, #tpu.memory_space<hbm>>
      %dma_start3A_336 = tpu.memref_slice %arg15[%dma_start3A_333] : memref<5x!tpu.dma_semaphore, #tpu.memory_space<semaphore_mem>> -> memref<1x!tpu.dma_semaphore, #tpu.memory_space<semaphore_mem>>
      %dma_start3A_337 = tpu.memref_squeeze %dma_start3A_336 : memref<1x!tpu.dma_semaphore, #tpu.memory_space<semaphore_mem>> -> memref<!tpu.dma_semaphore, #tpu.memory_space<semaphore_mem>>
      %dma_start3A_338 = arith.constant 0 : i32
      %dma_start3A_339 = tpu.memref_slice %arg6[%mul3A_332, %dma_start3A_338] : memref<163840x128xf32, #tpu.memory_space<hbm>> -> memref<128x128xf32, #tpu.memory_space<hbm>>
      tpu.enqueue_dma source(%arg13 : memref<128x128xf32, #tpu.memory_space<vmem>>) target(%dma_start3A_339 : memref<128x128xf32, #tpu.memory_space<hbm>>) target_semaphore(%dma_start3A_337 : memref<!tpu.dma_semaphore, #tpu.memory_space<semaphore_mem>>)
      %add3A_340 = arith.constant 1 : i32
      %add3A_341 = arith.addi %add3A_104, %add3A_340 : i32
      %mul3A_342 = arith.constant 5 : i32
      %mul3A_343 = arith.muli %add3A_341, %mul3A_342 : i32
      %add3A_344 = arith.constant 0 : i32
      %add3A_345 = arith.addi %mul3A_343, %add3A_344 : i32
      %lt3A = arith.constant 40 : i32
      %lt3A_346 = arith.cmpi slt, %add3A_345, %lt3A : i32
      %convert_element_type3A = arith.extui %lt3A_346 : i1 to i32
      %cond3A = arith.constant 0 : i32
      %cond3A_347 = arith.cmpi ne, %convert_element_type3A, %cond3A : i32
      scf.if %cond3A_347 {
        %dma_wait3A_392 = arith.constant 0 : i32
        %dma_wait3A_393 = arith.constant 0 : i32
        %dma_wait3A_394 = arith.constant 0 : i32
        %dma_wait3A_395 = tpu.memref_slice %arg6[%dma_wait3A_393, %dma_wait3A_394] : memref<163840x128xf32, #tpu.memory_space<hbm>> -> memref<128x128xf32, #tpu.memory_space<hbm>>
        %dma_wait3A_396 = tpu.memref_slice %arg15[%dma_wait3A_392] : memref<5x!tpu.dma_semaphore, #tpu.memory_space<semaphore_mem>> -> memref<1x!tpu.dma_semaphore, #tpu.memory_space<semaphore_mem>>
        %dma_wait3A_397 = tpu.memref_squeeze %dma_wait3A_396 : memref<1x!tpu.dma_semaphore, #tpu.memory_space<semaphore_mem>> -> memref<!tpu.dma_semaphore, #tpu.memory_space<semaphore_mem>>
        %dma_wait3A_398 = arith.constant 0 : i32
        %dma_wait3A_399 = arith.constant 0 : i32
        %dma_wait3A_400 = tpu.memref_slice %arg6[%dma_wait3A_398, %dma_wait3A_399] : memref<163840x128xf32, #tpu.memory_space<hbm>> -> memref<128x128xf32, #tpu.memory_space<hbm>>
        tpu.wait_dma2 semaphore(%dma_wait3A_397 : memref<!tpu.dma_semaphore, #tpu.memory_space<semaphore_mem>>) src(%arg9 : memref<128x128xf32, #tpu.memory_space<vmem>>) dst(%dma_wait3A_400 : memref<128x128xf32, #tpu.memory_space<hbm>>)
        %dma_start3A_401 = arith.constant 0 : i32
        %dma_start3A_402 = arith.constant 0 : i32
        %dma_start3A_403 = tpu.memref_slice %arg7[%add3A_345, %dma_start3A_402] : memref<40x128xi32, #tpu.memory_space<vmem>> -> memref<1x128xi32, #tpu.memory_space<vmem>>
        %dma_start3A_404 = tpu.memref_squeeze %dma_start3A_403 : memref<1x128xi32, #tpu.memory_space<vmem>> -> memref<128xi32, #tpu.memory_space<vmem>>
        %dma_start3A_405 = arith.constant 0 : i32
        %dma_start3A_406 = arith.constant 0 : i32
        %dma_start3A_407 = tpu.memref_slice %arg2[%dma_start3A_405, %dma_start3A_406] : memref<10000x128xf32, #tpu.memory_space<hbm>> -> memref<10000x128xf32, #tpu.memory_space<hbm>>
        %dma_start3A_408 = tpu.memref_slice %arg14[%dma_start3A_401] : memref<5x!tpu.dma_semaphore, #tpu.memory_space<semaphore_mem>> -> memref<1x!tpu.dma_semaphore, #tpu.memory_space<semaphore_mem>>
        %dma_start3A_409 = tpu.memref_squeeze %dma_start3A_408 : memref<1x!tpu.dma_semaphore, #tpu.memory_space<semaphore_mem>> -> memref<!tpu.dma_semaphore, #tpu.memory_space<semaphore_mem>>
        tpu.enqueue_indirect_dma source(%dma_start3A_407 : memref<10000x128xf32, #tpu.memory_space<hbm>>) target(%arg9 : memref<128x128xf32, #tpu.memory_space<vmem>>) offsets(%dma_start3A_404 : memref<128xi32, #tpu.memory_space<vmem>>) semaphore(%dma_start3A_409 : memref<!tpu.dma_semaphore, #tpu.memory_space<semaphore_mem>>)
      } else {
      }
      %add3A_348 = arith.constant 1 : i32
      %add3A_349 = arith.addi %add3A_104, %add3A_348 : i32
      %mul3A_350 = arith.constant 5 : i32
      %mul3A_351 = arith.muli %add3A_349, %mul3A_350 : i32
      %add3A_352 = arith.constant 1 : i32
      %add3A_353 = arith.addi %mul3A_351, %add3A_352 : i32
      %lt3A_354 = arith.constant 40 : i32
      %lt3A_355 = arith.cmpi slt, %add3A_353, %lt3A_354 : i32
      %convert_element_type3A_356 = arith.extui %lt3A_355 : i1 to i32
      %cond3A_357 = arith.constant 0 : i32
      %cond3A_358 = arith.cmpi ne, %convert_element_type3A_356, %cond3A_357 : i32
      scf.if %cond3A_358 {
        %dma_wait3A_392 = arith.constant 1 : i32
        %dma_wait3A_393 = arith.constant 0 : i32
        %dma_wait3A_394 = arith.constant 0 : i32
        %dma_wait3A_395 = tpu.memref_slice %arg6[%dma_wait3A_393, %dma_wait3A_394] : memref<163840x128xf32, #tpu.memory_space<hbm>> -> memref<128x128xf32, #tpu.memory_space<hbm>>
        %dma_wait3A_396 = tpu.memref_slice %arg15[%dma_wait3A_392] : memref<5x!tpu.dma_semaphore, #tpu.memory_space<semaphore_mem>> -> memref<1x!tpu.dma_semaphore, #tpu.memory_space<semaphore_mem>>
        %dma_wait3A_397 = tpu.memref_squeeze %dma_wait3A_396 : memref<1x!tpu.dma_semaphore, #tpu.memory_space<semaphore_mem>> -> memref<!tpu.dma_semaphore, #tpu.memory_space<semaphore_mem>>
        %dma_wait3A_398 = arith.constant 0 : i32
        %dma_wait3A_399 = arith.constant 0 : i32
        %dma_wait3A_400 = tpu.memref_slice %arg6[%dma_wait3A_398, %dma_wait3A_399] : memref<163840x128xf32, #tpu.memory_space<hbm>> -> memref<128x128xf32, #tpu.memory_space<hbm>>
        tpu.wait_dma2 semaphore(%dma_wait3A_397 : memref<!tpu.dma_semaphore, #tpu.memory_space<semaphore_mem>>) src(%arg10 : memref<128x128xf32, #tpu.memory_space<vmem>>) dst(%dma_wait3A_400 : memref<128x128xf32, #tpu.memory_space<hbm>>)
        %dma_start3A_401 = arith.constant 1 : i32
        %dma_start3A_402 = arith.constant 0 : i32
        %dma_start3A_403 = tpu.memref_slice %arg7[%add3A_353, %dma_start3A_402] : memref<40x128xi32, #tpu.memory_space<vmem>> -> memref<1x128xi32, #tpu.memory_space<vmem>>
        %dma_start3A_404 = tpu.memref_squeeze %dma_start3A_403 : memref<1x128xi32, #tpu.memory_space<vmem>> -> memref<128xi32, #tpu.memory_space<vmem>>
        %dma_start3A_405 = arith.constant 0 : i32
        %dma_start3A_406 = arith.constant 0 : i32
        %dma_start3A_407 = tpu.memref_slice %arg2[%dma_start3A_405, %dma_start3A_406] : memref<10000x128xf32, #tpu.memory_space<hbm>> -> memref<10000x128xf32, #tpu.memory_space<hbm>>
        %dma_start3A_408 = tpu.memref_slice %arg14[%dma_start3A_401] : memref<5x!tpu.dma_semaphore, #tpu.memory_space<semaphore_mem>> -> memref<1x!tpu.dma_semaphore, #tpu.memory_space<semaphore_mem>>
        %dma_start3A_409 = tpu.memref_squeeze %dma_start3A_408 : memref<1x!tpu.dma_semaphore, #tpu.memory_space<semaphore_mem>> -> memref<!tpu.dma_semaphore, #tpu.memory_space<semaphore_mem>>
        tpu.enqueue_indirect_dma source(%dma_start3A_407 : memref<10000x128xf32, #tpu.memory_space<hbm>>) target(%arg10 : memref<128x128xf32, #tpu.memory_space<vmem>>) offsets(%dma_start3A_404 : memref<128xi32, #tpu.memory_space<vmem>>) semaphore(%dma_start3A_409 : memref<!tpu.dma_semaphore, #tpu.memory_space<semaphore_mem>>)
      } else {
      }
      %add3A_359 = arith.constant 1 : i32
      %add3A_360 = arith.addi %add3A_104, %add3A_359 : i32
      %mul3A_361 = arith.constant 5 : i32
      %mul3A_362 = arith.muli %add3A_360, %mul3A_361 : i32
      %add3A_363 = arith.constant 2 : i32
      %add3A_364 = arith.addi %mul3A_362, %add3A_363 : i32
      %lt3A_365 = arith.constant 40 : i32
      %lt3A_366 = arith.cmpi slt, %add3A_364, %lt3A_365 : i32
      %convert_element_type3A_367 = arith.extui %lt3A_366 : i1 to i32
      %cond3A_368 = arith.constant 0 : i32
      %cond3A_369 = arith.cmpi ne, %convert_element_type3A_367, %cond3A_368 : i32
      scf.if %cond3A_369 {
        %dma_wait3A_392 = arith.constant 2 : i32
        %dma_wait3A_393 = arith.constant 0 : i32
        %dma_wait3A_394 = arith.constant 0 : i32
        %dma_wait3A_395 = tpu.memref_slice %arg6[%dma_wait3A_393, %dma_wait3A_394] : memref<163840x128xf32, #tpu.memory_space<hbm>> -> memref<128x128xf32, #tpu.memory_space<hbm>>
        %dma_wait3A_396 = tpu.memref_slice %arg15[%dma_wait3A_392] : memref<5x!tpu.dma_semaphore, #tpu.memory_space<semaphore_mem>> -> memref<1x!tpu.dma_semaphore, #tpu.memory_space<semaphore_mem>>
        %dma_wait3A_397 = tpu.memref_squeeze %dma_wait3A_396 : memref<1x!tpu.dma_semaphore, #tpu.memory_space<semaphore_mem>> -> memref<!tpu.dma_semaphore, #tpu.memory_space<semaphore_mem>>
        %dma_wait3A_398 = arith.constant 0 : i32
        %dma_wait3A_399 = arith.constant 0 : i32
        %dma_wait3A_400 = tpu.memref_slice %arg6[%dma_wait3A_398, %dma_wait3A_399] : memref<163840x128xf32, #tpu.memory_space<hbm>> -> memref<128x128xf32, #tpu.memory_space<hbm>>
        tpu.wait_dma2 semaphore(%dma_wait3A_397 : memref<!tpu.dma_semaphore, #tpu.memory_space<semaphore_mem>>) src(%arg11 : memref<128x128xf32, #tpu.memory_space<vmem>>) dst(%dma_wait3A_400 : memref<128x128xf32, #tpu.memory_space<hbm>>)
        %dma_start3A_401 = arith.constant 2 : i32
        %dma_start3A_402 = arith.constant 0 : i32
        %dma_start3A_403 = tpu.memref_slice %arg7[%add3A_364, %dma_start3A_402] : memref<40x128xi32, #tpu.memory_space<vmem>> -> memref<1x128xi32, #tpu.memory_space<vmem>>
        %dma_start3A_404 = tpu.memref_squeeze %dma_start3A_403 : memref<1x128xi32, #tpu.memory_space<vmem>> -> memref<128xi32, #tpu.memory_space<vmem>>
        %dma_start3A_405 = arith.constant 0 : i32
        %dma_start3A_406 = arith.constant 0 : i32
        %dma_start3A_407 = tpu.memref_slice %arg2[%dma_start3A_405, %dma_start3A_406] : memref<10000x128xf32, #tpu.memory_space<hbm>> -> memref<10000x128xf32, #tpu.memory_space<hbm>>
        %dma_start3A_408 = tpu.memref_slice %arg14[%dma_start3A_401] : memref<5x!tpu.dma_semaphore, #tpu.memory_space<semaphore_mem>> -> memref<1x!tpu.dma_semaphore, #tpu.memory_space<semaphore_mem>>
        %dma_start3A_409 = tpu.memref_squeeze %dma_start3A_408 : memref<1x!tpu.dma_semaphore, #tpu.memory_space<semaphore_mem>> -> memref<!tpu.dma_semaphore, #tpu.memory_space<semaphore_mem>>
        tpu.enqueue_indirect_dma source(%dma_start3A_407 : memref<10000x128xf32, #tpu.memory_space<hbm>>) target(%arg11 : memref<128x128xf32, #tpu.memory_space<vmem>>) offsets(%dma_start3A_404 : memref<128xi32, #tpu.memory_space<vmem>>) semaphore(%dma_start3A_409 : memref<!tpu.dma_semaphore, #tpu.memory_space<semaphore_mem>>)
      } else {
      }
      %add3A_370 = arith.constant 1 : i32
      %add3A_371 = arith.addi %add3A_104, %add3A_370 : i32
      %mul3A_372 = arith.constant 5 : i32
      %mul3A_373 = arith.muli %add3A_371, %mul3A_372 : i32
      %add3A_374 = arith.constant 3 : i32
      %add3A_375 = arith.addi %mul3A_373, %add3A_374 : i32
      %lt3A_376 = arith.constant 40 : i32
      %lt3A_377 = arith.cmpi slt, %add3A_375, %lt3A_376 : i32
      %convert_element_type3A_378 = arith.extui %lt3A_377 : i1 to i32
      %cond3A_379 = arith.constant 0 : i32
      %cond3A_380 = arith.cmpi ne, %convert_element_type3A_378, %cond3A_379 : i32
      scf.if %cond3A_380 {
        %dma_wait3A_392 = arith.constant 3 : i32
        %dma_wait3A_393 = arith.constant 0 : i32
        %dma_wait3A_394 = arith.constant 0 : i32
        %dma_wait3A_395 = tpu.memref_slice %arg6[%dma_wait3A_393, %dma_wait3A_394] : memref<163840x128xf32, #tpu.memory_space<hbm>> -> memref<128x128xf32, #tpu.memory_space<hbm>>
        %dma_wait3A_396 = tpu.memref_slice %arg15[%dma_wait3A_392] : memref<5x!tpu.dma_semaphore, #tpu.memory_space<semaphore_mem>> -> memref<1x!tpu.dma_semaphore, #tpu.memory_space<semaphore_mem>>
        %dma_wait3A_397 = tpu.memref_squeeze %dma_wait3A_396 : memref<1x!tpu.dma_semaphore, #tpu.memory_space<semaphore_mem>> -> memref<!tpu.dma_semaphore, #tpu.memory_space<semaphore_mem>>
        %dma_wait3A_398 = arith.constant 0 : i32
        %dma_wait3A_399 = arith.constant 0 : i32
        %dma_wait3A_400 = tpu.memref_slice %arg6[%dma_wait3A_398, %dma_wait3A_399] : memref<163840x128xf32, #tpu.memory_space<hbm>> -> memref<128x128xf32, #tpu.memory_space<hbm>>
        tpu.wait_dma2 semaphore(%dma_wait3A_397 : memref<!tpu.dma_semaphore, #tpu.memory_space<semaphore_mem>>) src(%arg12 : memref<128x128xf32, #tpu.memory_space<vmem>>) dst(%dma_wait3A_400 : memref<128x128xf32, #tpu.memory_space<hbm>>)
        %dma_start3A_401 = arith.constant 3 : i32
        %dma_start3A_402 = arith.constant 0 : i32
        %dma_start3A_403 = tpu.memref_slice %arg7[%add3A_375, %dma_start3A_402] : memref<40x128xi32, #tpu.memory_space<vmem>> -> memref<1x128xi32, #tpu.memory_space<vmem>>
        %dma_start3A_404 = tpu.memref_squeeze %dma_start3A_403 : memref<1x128xi32, #tpu.memory_space<vmem>> -> memref<128xi32, #tpu.memory_space<vmem>>
        %dma_start3A_405 = arith.constant 0 : i32
        %dma_start3A_406 = arith.constant 0 : i32
        %dma_start3A_407 = tpu.memref_slice %arg2[%dma_start3A_405, %dma_start3A_406] : memref<10000x128xf32, #tpu.memory_space<hbm>> -> memref<10000x128xf32, #tpu.memory_space<hbm>>
        %dma_start3A_408 = tpu.memref_slice %arg14[%dma_start3A_401] : memref<5x!tpu.dma_semaphore, #tpu.memory_space<semaphore_mem>> -> memref<1x!tpu.dma_semaphore, #tpu.memory_space<semaphore_mem>>
        %dma_start3A_409 = tpu.memref_squeeze %dma_start3A_408 : memref<1x!tpu.dma_semaphore, #tpu.memory_space<semaphore_mem>> -> memref<!tpu.dma_semaphore, #tpu.memory_space<semaphore_mem>>
        tpu.enqueue_indirect_dma source(%dma_start3A_407 : memref<10000x128xf32, #tpu.memory_space<hbm>>) target(%arg12 : memref<128x128xf32, #tpu.memory_space<vmem>>) offsets(%dma_start3A_404 : memref<128xi32, #tpu.memory_space<vmem>>) semaphore(%dma_start3A_409 : memref<!tpu.dma_semaphore, #tpu.memory_space<semaphore_mem>>)
      } else {
      }
      %add3A_381 = arith.constant 1 : i32
      %add3A_382 = arith.addi %add3A_104, %add3A_381 : i32
      %mul3A_383 = arith.constant 5 : i32
      %mul3A_384 = arith.muli %add3A_382, %mul3A_383 : i32
      %add3A_385 = arith.constant 4 : i32
      %add3A_386 = arith.addi %mul3A_384, %add3A_385 : i32
      %lt3A_387 = arith.constant 40 : i32
      %lt3A_388 = arith.cmpi slt, %add3A_386, %lt3A_387 : i32
      %convert_element_type3A_389 = arith.extui %lt3A_388 : i1 to i32
      %cond3A_390 = arith.constant 0 : i32
      %cond3A_391 = arith.cmpi ne, %convert_element_type3A_389, %cond3A_390 : i32
      scf.if %cond3A_391 {
        %dma_wait3A_392 = arith.constant 4 : i32
        %dma_wait3A_393 = arith.constant 0 : i32
        %dma_wait3A_394 = arith.constant 0 : i32
        %dma_wait3A_395 = tpu.memref_slice %arg6[%dma_wait3A_393, %dma_wait3A_394] : memref<163840x128xf32, #tpu.memory_space<hbm>> -> memref<128x128xf32, #tpu.memory_space<hbm>>
        %dma_wait3A_396 = tpu.memref_slice %arg15[%dma_wait3A_392] : memref<5x!tpu.dma_semaphore, #tpu.memory_space<semaphore_mem>> -> memref<1x!tpu.dma_semaphore, #tpu.memory_space<semaphore_mem>>
        %dma_wait3A_397 = tpu.memref_squeeze %dma_wait3A_396 : memref<1x!tpu.dma_semaphore, #tpu.memory_space<semaphore_mem>> -> memref<!tpu.dma_semaphore, #tpu.memory_space<semaphore_mem>>
        %dma_wait3A_398 = arith.constant 0 : i32
        %dma_wait3A_399 = arith.constant 0 : i32
        %dma_wait3A_400 = tpu.memref_slice %arg6[%dma_wait3A_398, %dma_wait3A_399] : memref<163840x128xf32, #tpu.memory_space<hbm>> -> memref<128x128xf32, #tpu.memory_space<hbm>>
        tpu.wait_dma2 semaphore(%dma_wait3A_397 : memref<!tpu.dma_semaphore, #tpu.memory_space<semaphore_mem>>) src(%arg13 : memref<128x128xf32, #tpu.memory_space<vmem>>) dst(%dma_wait3A_400 : memref<128x128xf32, #tpu.memory_space<hbm>>)
        %dma_start3A_401 = arith.constant 4 : i32
        %dma_start3A_402 = arith.constant 0 : i32
        %dma_start3A_403 = tpu.memref_slice %arg7[%add3A_386, %dma_start3A_402] : memref<40x128xi32, #tpu.memory_space<vmem>> -> memref<1x128xi32, #tpu.memory_space<vmem>>
        %dma_start3A_404 = tpu.memref_squeeze %dma_start3A_403 : memref<1x128xi32, #tpu.memory_space<vmem>> -> memref<128xi32, #tpu.memory_space<vmem>>
        %dma_start3A_405 = arith.constant 0 : i32
        %dma_start3A_406 = arith.constant 0 : i32
        %dma_start3A_407 = tpu.memref_slice %arg2[%dma_start3A_405, %dma_start3A_406] : memref<10000x128xf32, #tpu.memory_space<hbm>> -> memref<10000x128xf32, #tpu.memory_space<hbm>>
        %dma_start3A_408 = tpu.memref_slice %arg14[%dma_start3A_401] : memref<5x!tpu.dma_semaphore, #tpu.memory_space<semaphore_mem>> -> memref<1x!tpu.dma_semaphore, #tpu.memory_space<semaphore_mem>>
        %dma_start3A_409 = tpu.memref_squeeze %dma_start3A_408 : memref<1x!tpu.dma_semaphore, #tpu.memory_space<semaphore_mem>> -> memref<!tpu.dma_semaphore, #tpu.memory_space<semaphore_mem>>
        tpu.enqueue_indirect_dma source(%dma_start3A_407 : memref<10000x128xf32, #tpu.memory_space<hbm>>) target(%arg13 : memref<128x128xf32, #tpu.memory_space<vmem>>) offsets(%dma_start3A_404 : memref<128xi32, #tpu.memory_space<vmem>>) semaphore(%dma_start3A_409 : memref<!tpu.dma_semaphore, #tpu.memory_space<semaphore_mem>>)
      } else {
      }
    }
    %scan3A_55 = arith.constant 8 : i32
    %dma_wait3A = arith.constant 0 : i32
    %dma_wait3A_56 = arith.constant 0 : i32
    %dma_wait3A_57 = arith.constant 0 : i32
    %dma_wait3A_58 = tpu.memref_slice %arg6[%dma_wait3A_56, %dma_wait3A_57] : memref<163840x128xf32, #tpu.memory_space<hbm>> -> memref<128x128xf32, #tpu.memory_space<hbm>>
    %dma_wait3A_59 = tpu.memref_slice %arg15[%dma_wait3A] : memref<5x!tpu.dma_semaphore, #tpu.memory_space<semaphore_mem>> -> memref<1x!tpu.dma_semaphore, #tpu.memory_space<semaphore_mem>>
    %dma_wait3A_60 = tpu.memref_squeeze %dma_wait3A_59 : memref<1x!tpu.dma_semaphore, #tpu.memory_space<semaphore_mem>> -> memref<!tpu.dma_semaphore, #tpu.memory_space<semaphore_mem>>
    %dma_wait3A_61 = arith.constant 0 : i32
    %dma_wait3A_62 = arith.constant 0 : i32
    %dma_wait3A_63 = tpu.memref_slice %arg6[%dma_wait3A_61, %dma_wait3A_62] : memref<163840x128xf32, #tpu.memory_space<hbm>> -> memref<128x128xf32, #tpu.memory_space<hbm>>
    tpu.wait_dma2 semaphore(%dma_wait3A_60 : memref<!tpu.dma_semaphore, #tpu.memory_space<semaphore_mem>>) src(%arg9 : memref<128x128xf32, #tpu.memory_space<vmem>>) dst(%dma_wait3A_63 : memref<128x128xf32, #tpu.memory_space<hbm>>)
    %dma_wait3A_64 = arith.constant 1 : i32
    %dma_wait3A_65 = arith.constant 0 : i32
    %dma_wait3A_66 = arith.constant 0 : i32
    %dma_wait3A_67 = tpu.memref_slice %arg6[%dma_wait3A_65, %dma_wait3A_66] : memref<163840x128xf32, #tpu.memory_space<hbm>> -> memref<128x128xf32, #tpu.memory_space<hbm>>
    %dma_wait3A_68 = tpu.memref_slice %arg15[%dma_wait3A_64] : memref<5x!tpu.dma_semaphore, #tpu.memory_space<semaphore_mem>> -> memref<1x!tpu.dma_semaphore, #tpu.memory_space<semaphore_mem>>
    %dma_wait3A_69 = tpu.memref_squeeze %dma_wait3A_68 : memref<1x!tpu.dma_semaphore, #tpu.memory_space<semaphore_mem>> -> memref<!tpu.dma_semaphore, #tpu.memory_space<semaphore_mem>>
    %dma_wait3A_70 = arith.constant 0 : i32
    %dma_wait3A_71 = arith.constant 0 : i32
    %dma_wait3A_72 = tpu.memref_slice %arg6[%dma_wait3A_70, %dma_wait3A_71] : memref<163840x128xf32, #tpu.memory_space<hbm>> -> memref<128x128xf32, #tpu.memory_space<hbm>>
    tpu.wait_dma2 semaphore(%dma_wait3A_69 : memref<!tpu.dma_semaphore, #tpu.memory_space<semaphore_mem>>) src(%arg10 : memref<128x128xf32, #tpu.memory_space<vmem>>) dst(%dma_wait3A_72 : memref<128x128xf32, #tpu.memory_space<hbm>>)
    %dma_wait3A_73 = arith.constant 2 : i32
    %dma_wait3A_74 = arith.constant 0 : i32
    %dma_wait3A_75 = arith.constant 0 : i32
    %dma_wait3A_76 = tpu.memref_slice %arg6[%dma_wait3A_74, %dma_wait3A_75] : memref<163840x128xf32, #tpu.memory_space<hbm>> -> memref<128x128xf32, #tpu.memory_space<hbm>>
    %dma_wait3A_77 = tpu.memref_slice %arg15[%dma_wait3A_73] : memref<5x!tpu.dma_semaphore, #tpu.memory_space<semaphore_mem>> -> memref<1x!tpu.dma_semaphore, #tpu.memory_space<semaphore_mem>>
    %dma_wait3A_78 = tpu.memref_squeeze %dma_wait3A_77 : memref<1x!tpu.dma_semaphore, #tpu.memory_space<semaphore_mem>> -> memref<!tpu.dma_semaphore, #tpu.memory_space<semaphore_mem>>
    %dma_wait3A_79 = arith.constant 0 : i32
    %dma_wait3A_80 = arith.constant 0 : i32
    %dma_wait3A_81 = tpu.memref_slice %arg6[%dma_wait3A_79, %dma_wait3A_80] : memref<163840x128xf32, #tpu.memory_space<hbm>> -> memref<128x128xf32, #tpu.memory_space<hbm>>
    tpu.wait_dma2 semaphore(%dma_wait3A_78 : memref<!tpu.dma_semaphore, #tpu.memory_space<semaphore_mem>>) src(%arg11 : memref<128x128xf32, #tpu.memory_space<vmem>>) dst(%dma_wait3A_81 : memref<128x128xf32, #tpu.memory_space<hbm>>)
    %dma_wait3A_82 = arith.constant 3 : i32
    %dma_wait3A_83 = arith.constant 0 : i32
    %dma_wait3A_84 = arith.constant 0 : i32
    %dma_wait3A_85 = tpu.memref_slice %arg6[%dma_wait3A_83, %dma_wait3A_84] : memref<163840x128xf32, #tpu.memory_space<hbm>> -> memref<128x128xf32, #tpu.memory_space<hbm>>
    %dma_wait3A_86 = tpu.memref_slice %arg15[%dma_wait3A_82] : memref<5x!tpu.dma_semaphore, #tpu.memory_space<semaphore_mem>> -> memref<1x!tpu.dma_semaphore, #tpu.memory_space<semaphore_mem>>
    %dma_wait3A_87 = tpu.memref_squeeze %dma_wait3A_86 : memref<1x!tpu.dma_semaphore, #tpu.memory_space<semaphore_mem>> -> memref<!tpu.dma_semaphore, #tpu.memory_space<semaphore_mem>>
    %dma_wait3A_88 = arith.constant 0 : i32
    %dma_wait3A_89 = arith.constant 0 : i32
    %dma_wait3A_90 = tpu.memref_slice %arg6[%dma_wait3A_88, %dma_wait3A_89] : memref<163840x128xf32, #tpu.memory_space<hbm>> -> memref<128x128xf32, #tpu.memory_space<hbm>>
    tpu.wait_dma2 semaphore(%dma_wait3A_87 : memref<!tpu.dma_semaphore, #tpu.memory_space<semaphore_mem>>) src(%arg12 : memref<128x128xf32, #tpu.memory_space<vmem>>) dst(%dma_wait3A_90 : memref<128x128xf32, #tpu.memory_space<hbm>>)
    %dma_wait3A_91 = arith.constant 4 : i32
    %dma_wait3A_92 = arith.constant 0 : i32
    %dma_wait3A_93 = arith.constant 0 : i32
    %dma_wait3A_94 = tpu.memref_slice %arg6[%dma_wait3A_92, %dma_wait3A_93] : memref<163840x128xf32, #tpu.memory_space<hbm>> -> memref<128x128xf32, #tpu.memory_space<hbm>>
    %dma_wait3A_95 = tpu.memref_slice %arg15[%dma_wait3A_91] : memref<5x!tpu.dma_semaphore, #tpu.memory_space<semaphore_mem>> -> memref<1x!tpu.dma_semaphore, #tpu.memory_space<semaphore_mem>>
    %dma_wait3A_96 = tpu.memref_squeeze %dma_wait3A_95 : memref<1x!tpu.dma_semaphore, #tpu.memory_space<semaphore_mem>> -> memref<!tpu.dma_semaphore, #tpu.memory_space<semaphore_mem>>
    %dma_wait3A_97 = arith.constant 0 : i32
    %dma_wait3A_98 = arith.constant 0 : i32
    %dma_wait3A_99 = tpu.memref_slice %arg6[%dma_wait3A_97, %dma_wait3A_98] : memref<163840x128xf32, #tpu.memory_space<hbm>> -> memref<128x128xf32, #tpu.memory_space<hbm>>
    tpu.wait_dma2 semaphore(%dma_wait3A_96 : memref<!tpu.dma_semaphore, #tpu.memory_space<semaphore_mem>>) src(%arg13 : memref<128x128xf32, #tpu.memory_space<vmem>>) dst(%dma_wait3A_99 : memref<128x128xf32, #tpu.memory_space<hbm>>)
    return
  }
}

#map = affine_map<(d0, d1) -> (0, 0)>
#map1 = affine_map<(d0, d1) -> (0, 0, 0)>
module attributes {stable_mosaic.version = 14 : i64} {
  func.func @_scatter_kernel(%arg0: i32, %arg1: i32, %arg2: memref<163840x128xf32, #tpu.memory_space<hbm>>, %arg3: memref<32x40x128xi32, #tpu.memory_space<hbm>>, %arg4: memref<2x10240x128xf32, #tpu.memory_space<hbm>>, %arg5: memref<40x128xi32, #tpu.memory_space<vmem>>, %arg6: memref<128x128xf32, #tpu.memory_space<vmem>>, %arg7: memref<128x128xf32, #tpu.memory_space<vmem>>, %arg8: memref<10240x128xf32, #tpu.memory_space<vmem_shared>>, %arg9: memref<2x!tpu.dma_semaphore, #tpu.memory_space<semaphore_mem>>) attributes {dimension_semantics = [#tpu.dimension_semantics<core_parallel>, #tpu.dimension_semantics<subcore_parallel>], iteration_bounds = array<i64: 2, 16>, scalar_prefetch = 0 : i64, scratch_operands = 5 : i64, tpu.core_type = #tpu.core_type<sc_vector_subcore>, window_params = [{transform_indices = #map}, {transform_indices = #map1}, {transform_indices = #map1}]} {
    %mul3A = arith.constant 2 : i32
    %mul3A_0 = arith.muli %arg1, %mul3A : i32
    %add3A = arith.addi %mul3A_0, %arg0 : i32
    "tpu.region"() ({
      %run_scoped3A = tpu.sem_alloc : memref<!tpu.dma_semaphore, #tpu.memory_space<semaphore_mem>>
      %dma_start3A_56 = arith.constant 0 : i32
      %dma_start3A_57 = arith.constant 0 : i32
      %dma_start3A_58 = tpu.memref_slice %arg3[%add3A, %dma_start3A_56, %dma_start3A_57] : memref<32x40x128xi32, #tpu.memory_space<hbm>> -> memref<1x40x128xi32, #tpu.memory_space<hbm>>
      %dma_start3A_59 = tpu.memref_squeeze %dma_start3A_58 : memref<1x40x128xi32, #tpu.memory_space<hbm>> -> memref<40x128xi32, #tpu.memory_space<hbm>>
      %dma_start3A_60 = arith.constant 0 : i32
      %dma_start3A_61 = arith.constant 0 : i32
      %dma_start3A_62 = tpu.memref_slice %arg3[%add3A, %dma_start3A_60, %dma_start3A_61] : memref<32x40x128xi32, #tpu.memory_space<hbm>> -> memref<1x40x128xi32, #tpu.memory_space<hbm>>
      %dma_start3A_63 = tpu.memref_squeeze %dma_start3A_62 : memref<1x40x128xi32, #tpu.memory_space<hbm>> -> memref<40x128xi32, #tpu.memory_space<hbm>>
      tpu.enqueue_dma source(%dma_start3A_63 : memref<40x128xi32, #tpu.memory_space<hbm>>) target(%arg5 : memref<40x128xi32, #tpu.memory_space<vmem>>) target_semaphore(%run_scoped3A : memref<!tpu.dma_semaphore, #tpu.memory_space<semaphore_mem>>)
      %dma_wait3A = arith.constant 0 : i32
      %dma_wait3A_64 = arith.constant 0 : i32
      %dma_wait3A_65 = tpu.memref_slice %arg3[%add3A, %dma_wait3A, %dma_wait3A_64] : memref<32x40x128xi32, #tpu.memory_space<hbm>> -> memref<1x40x128xi32, #tpu.memory_space<hbm>>
      %dma_wait3A_66 = tpu.memref_squeeze %dma_wait3A_65 : memref<1x40x128xi32, #tpu.memory_space<hbm>> -> memref<40x128xi32, #tpu.memory_space<hbm>>
      %dma_wait3A_67 = arith.constant 0 : i32
      %dma_wait3A_68 = arith.constant 0 : i32
      %dma_wait3A_69 = tpu.memref_slice %arg3[%add3A, %dma_wait3A_67, %dma_wait3A_68] : memref<32x40x128xi32, #tpu.memory_space<hbm>> -> memref<1x40x128xi32, #tpu.memory_space<hbm>>
      %dma_wait3A_70 = tpu.memref_squeeze %dma_wait3A_69 : memref<1x40x128xi32, #tpu.memory_space<hbm>> -> memref<40x128xi32, #tpu.memory_space<hbm>>
      tpu.wait_dma2 semaphore(%run_scoped3A : memref<!tpu.dma_semaphore, #tpu.memory_space<semaphore_mem>>) src(%dma_wait3A_70 : memref<40x128xi32, #tpu.memory_space<hbm>>) dst(%arg5 : memref<40x128xi32, #tpu.memory_space<vmem>>)
      tpu.yield
    }) : () -> ()
    %scan3A = arith.constant 0 : i32
    %scan3A_1 = arith.constant 1024 : i32
    %scan3A_2 = arith.addi %scan3A, %scan3A_1 : i32
    %scan3A_3 = arith.constant 1 : i32
    scf.for %scan3A_56 = %scan3A to %scan3A_2 step %scan3A_3  : i32 {
      %mul3A_57 = arith.constant 1 : i32
      %mul3A_58 = arith.muli %scan3A_56, %mul3A_57 : i32
      %add3A_59 = arith.constant 0 : i32
      %add3A_60 = arith.addi %add3A_59, %mul3A_58 : i32
      %broadcast_in_dim3A = arith.constant 0.000000e+00 : f32
      %broadcast_in_dim3A_61 = vector.broadcast %broadcast_in_dim3A : f32 to vector<16xf32>
      %jit3A = arith.constant 8 : i32
      %div3A = arith.divsi %add3A_60, %jit3A : i32
      %sign3A = arith.constant 0 : i32
      %sign3A_62 = arith.cmpi sgt, %add3A_60, %sign3A : i32
      %sign3A_63 = arith.extui %sign3A_62 : i1 to i32
      %sign3A_64 = arith.constant 0 : i32
      %sign3A_65 = arith.cmpi slt, %add3A_60, %sign3A_64 : i32
      %sign3A_66 = arith.extui %sign3A_65 : i1 to i32
      %sign3A_67 = arith.subi %sign3A_63, %sign3A_66 : i32
      %sign3A_68 = arith.constant 0 : i32
      %sign3A_69 = arith.cmpi sgt, %jit3A, %sign3A_68 : i32
      %sign3A_70 = arith.extui %sign3A_69 : i1 to i32
      %sign3A_71 = arith.constant 0 : i32
      %sign3A_72 = arith.cmpi slt, %jit3A, %sign3A_71 : i32
      %sign3A_73 = arith.extui %sign3A_72 : i1 to i32
      %sign3A_74 = arith.subi %sign3A_70, %sign3A_73 : i32
      %ne3A = arith.cmpi ne, %sign3A_67, %sign3A_74 : i32
      %rem3A = arith.remsi %add3A_60, %jit3A : i32
      %ne3A_75 = arith.constant 0 : i32
      %ne3A_76 = arith.cmpi ne, %rem3A, %ne3A_75 : i32
      %and3A = arith.andi %ne3A, %ne3A_76 : i1
      %sub3A = arith.constant 1 : i32
      %sub3A_77 = arith.subi %div3A, %sub3A : i32
      %select_n3A = arith.select %and3A, %sub3A_77, %div3A : i32
      %jit3A_78 = arith.constant 8 : i32
      %eq3A = arith.constant 0 : i32
      %eq3A_79 = arith.cmpi eq, %jit3A_78, %eq3A : i32
      %jit3A_80 = arith.constant 1 : i32
      %select_n3A_81 = arith.select %eq3A_79, %jit3A_80, %jit3A_78 : i32
      %rem3A_82 = arith.remsi %add3A_60, %select_n3A_81 : i32
      %ne3A_83 = arith.constant 0 : i32
      %ne3A_84 = arith.cmpi ne, %rem3A_82, %ne3A_83 : i32
      %lt3A = arith.constant 0 : i32
      %lt3A_85 = arith.cmpi slt, %rem3A_82, %lt3A : i32
      %lt3A_86 = arith.constant 0 : i32
      %lt3A_87 = arith.cmpi slt, %select_n3A_81, %lt3A_86 : i32
      %ne3A_88 = arith.xori %lt3A_85, %lt3A_87 : i1
      %and3A_89 = arith.andi %ne3A_88, %ne3A_84 : i1
      %add3A_90 = arith.addi %rem3A_82, %select_n3A_81 : i32
      %select_n3A_91 = arith.select %and3A_89, %add3A_90, %rem3A_82 : i32
      %mul3A_92 = arith.constant 16 : i32
      %mul3A_93 = arith.muli %select_n3A_91, %mul3A_92 : i32
      %swap3A = arith.index_cast %select_n3A : i32 to index
      %swap3A_94 = arith.index_cast %mul3A_93 : i32 to index
      %swap3A_95 = tpu.vector_load %arg6[%swap3A, %swap3A_94] {strides = array<i32>} : memref<128x128xf32, #tpu.memory_space<vmem>>, vector<1x16xf32>,
      %swap3A_96 = vector.shape_cast %swap3A_95 : vector<1x16xf32> to vector<16xf32>
      %swap3A_97 = vector.shape_cast %broadcast_in_dim3A_61 : vector<16xf32> to vector<1x16xf32>
      tpu.vector_store %arg6[%swap3A, %swap3A_94], %swap3A_97 {strides = array<i32>} : memref<128x128xf32, #tpu.memory_space<vmem>>, vector<1x16xf32>,
    }
    %scan3A_4 = arith.constant 1024 : i32
    %mul3A_5 = arith.constant 640 : i32
    %mul3A_6 = arith.muli %arg1, %mul3A_5 : i32
    %add3A_7 = arith.constant 0 : i32
    %add3A_8 = arith.addi %mul3A_6, %add3A_7 : i32
    "tpu.region"() ({
      %run_scoped3A = tpu.sem_alloc : memref<!tpu.dma_semaphore, #tpu.memory_space<semaphore_mem>>
      %dma_start3A_56 = arith.constant 0 : i32
      %dma_start3A_57 = tpu.memref_slice %arg8[%add3A_8, %dma_start3A_56] : memref<10240x128xf32, #tpu.memory_space<vmem_shared>> -> memref<128x128xf32, #tpu.memory_space<vmem_shared>>
      %dma_start3A_58 = arith.constant 0 : i32
      %dma_start3A_59 = tpu.memref_slice %arg8[%add3A_8, %dma_start3A_58] : memref<10240x128xf32, #tpu.memory_space<vmem_shared>> -> memref<128x128xf32, #tpu.memory_space<vmem_shared>>
      tpu.enqueue_dma source(%arg6 : memref<128x128xf32, #tpu.memory_space<vmem>>) target(%dma_start3A_59 : memref<128x128xf32, #tpu.memory_space<vmem_shared>>) target_semaphore(%run_scoped3A : memref<!tpu.dma_semaphore, #tpu.memory_space<semaphore_mem>>)
      %dma_wait3A = arith.constant 0 : i32
      %dma_wait3A_60 = tpu.memref_slice %arg8[%add3A_8, %dma_wait3A] : memref<10240x128xf32, #tpu.memory_space<vmem_shared>> -> memref<128x128xf32, #tpu.memory_space<vmem_shared>>
      %dma_wait3A_61 = arith.constant 0 : i32
      %dma_wait3A_62 = tpu.memref_slice %arg8[%add3A_8, %dma_wait3A_61] : memref<10240x128xf32, #tpu.memory_space<vmem_shared>> -> memref<128x128xf32, #tpu.memory_space<vmem_shared>>
      tpu.wait_dma2 semaphore(%run_scoped3A : memref<!tpu.dma_semaphore, #tpu.memory_space<semaphore_mem>>) src(%arg6 : memref<128x128xf32, #tpu.memory_space<vmem>>) dst(%dma_wait3A_62 : memref<128x128xf32, #tpu.memory_space<vmem_shared>>)
      tpu.yield
    }) : () -> ()
    %mul3A_9 = arith.constant 640 : i32
    %mul3A_10 = arith.muli %arg1, %mul3A_9 : i32
    %add3A_11 = arith.constant 128 : i32
    %add3A_12 = arith.addi %mul3A_10, %add3A_11 : i32
    "tpu.region"() ({
      %run_scoped3A = tpu.sem_alloc : memref<!tpu.dma_semaphore, #tpu.memory_space<semaphore_mem>>
      %dma_start3A_56 = arith.constant 0 : i32
      %dma_start3A_57 = tpu.memref_slice %arg8[%add3A_12, %dma_start3A_56] : memref<10240x128xf32, #tpu.memory_space<vmem_shared>> -> memref<128x128xf32, #tpu.memory_space<vmem_shared>>
      %dma_start3A_58 = arith.constant 0 : i32
      %dma_start3A_59 = tpu.memref_slice %arg8[%add3A_12, %dma_start3A_58] : memref<10240x128xf32, #tpu.memory_space<vmem_shared>> -> memref<128x128xf32, #tpu.memory_space<vmem_shared>>
      tpu.enqueue_dma source(%arg6 : memref<128x128xf32, #tpu.memory_space<vmem>>) target(%dma_start3A_59 : memref<128x128xf32, #tpu.memory_space<vmem_shared>>) target_semaphore(%run_scoped3A : memref<!tpu.dma_semaphore, #tpu.memory_space<semaphore_mem>>)
      %dma_wait3A = arith.constant 0 : i32
      %dma_wait3A_60 = tpu.memref_slice %arg8[%add3A_12, %dma_wait3A] : memref<10240x128xf32, #tpu.memory_space<vmem_shared>> -> memref<128x128xf32, #tpu.memory_space<vmem_shared>>
      %dma_wait3A_61 = arith.constant 0 : i32
      %dma_wait3A_62 = tpu.memref_slice %arg8[%add3A_12, %dma_wait3A_61] : memref<10240x128xf32, #tpu.memory_space<vmem_shared>> -> memref<128x128xf32, #tpu.memory_space<vmem_shared>>
      tpu.wait_dma2 semaphore(%run_scoped3A : memref<!tpu.dma_semaphore, #tpu.memory_space<semaphore_mem>>) src(%arg6 : memref<128x128xf32, #tpu.memory_space<vmem>>) dst(%dma_wait3A_62 : memref<128x128xf32, #tpu.memory_space<vmem_shared>>)
      tpu.yield
    }) : () -> ()
    %mul3A_13 = arith.constant 640 : i32
    %mul3A_14 = arith.muli %arg1, %mul3A_13 : i32
    %add3A_15 = arith.constant 256 : i32
    %add3A_16 = arith.addi %mul3A_14, %add3A_15 : i32
    "tpu.region"() ({
      %run_scoped3A = tpu.sem_alloc : memref<!tpu.dma_semaphore, #tpu.memory_space<semaphore_mem>>
      %dma_start3A_56 = arith.constant 0 : i32
      %dma_start3A_57 = tpu.memref_slice %arg8[%add3A_16, %dma_start3A_56] : memref<10240x128xf32, #tpu.memory_space<vmem_shared>> -> memref<128x128xf32, #tpu.memory_space<vmem_shared>>
      %dma_start3A_58 = arith.constant 0 : i32
      %dma_start3A_59 = tpu.memref_slice %arg8[%add3A_16, %dma_start3A_58] : memref<10240x128xf32, #tpu.memory_space<vmem_shared>> -> memref<128x128xf32, #tpu.memory_space<vmem_shared>>
      tpu.enqueue_dma source(%arg6 : memref<128x128xf32, #tpu.memory_space<vmem>>) target(%dma_start3A_59 : memref<128x128xf32, #tpu.memory_space<vmem_shared>>) target_semaphore(%run_scoped3A : memref<!tpu.dma_semaphore, #tpu.memory_space<semaphore_mem>>)
      %dma_wait3A = arith.constant 0 : i32
      %dma_wait3A_60 = tpu.memref_slice %arg8[%add3A_16, %dma_wait3A] : memref<10240x128xf32, #tpu.memory_space<vmem_shared>> -> memref<128x128xf32, #tpu.memory_space<vmem_shared>>
      %dma_wait3A_61 = arith.constant 0 : i32
      %dma_wait3A_62 = tpu.memref_slice %arg8[%add3A_16, %dma_wait3A_61] : memref<10240x128xf32, #tpu.memory_space<vmem_shared>> -> memref<128x128xf32, #tpu.memory_space<vmem_shared>>
      tpu.wait_dma2 semaphore(%run_scoped3A : memref<!tpu.dma_semaphore, #tpu.memory_space<semaphore_mem>>) src(%arg6 : memref<128x128xf32, #tpu.memory_space<vmem>>) dst(%dma_wait3A_62 : memref<128x128xf32, #tpu.memory_space<vmem_shared>>)
      tpu.yield
    }) : () -> ()
    %mul3A_17 = arith.constant 640 : i32
    %mul3A_18 = arith.muli %arg1, %mul3A_17 : i32
    %add3A_19 = arith.constant 384 : i32
    %add3A_20 = arith.addi %mul3A_18, %add3A_19 : i32
    "tpu.region"() ({
      %run_scoped3A = tpu.sem_alloc : memref<!tpu.dma_semaphore, #tpu.memory_space<semaphore_mem>>
      %dma_start3A_56 = arith.constant 0 : i32
      %dma_start3A_57 = tpu.memref_slice %arg8[%add3A_20, %dma_start3A_56] : memref<10240x128xf32, #tpu.memory_space<vmem_shared>> -> memref<128x128xf32, #tpu.memory_space<vmem_shared>>
      %dma_start3A_58 = arith.constant 0 : i32
      %dma_start3A_59 = tpu.memref_slice %arg8[%add3A_20, %dma_start3A_58] : memref<10240x128xf32, #tpu.memory_space<vmem_shared>> -> memref<128x128xf32, #tpu.memory_space<vmem_shared>>
      tpu.enqueue_dma source(%arg6 : memref<128x128xf32, #tpu.memory_space<vmem>>) target(%dma_start3A_59 : memref<128x128xf32, #tpu.memory_space<vmem_shared>>) target_semaphore(%run_scoped3A : memref<!tpu.dma_semaphore, #tpu.memory_space<semaphore_mem>>)
      %dma_wait3A = arith.constant 0 : i32
      %dma_wait3A_60 = tpu.memref_slice %arg8[%add3A_20, %dma_wait3A] : memref<10240x128xf32, #tpu.memory_space<vmem_shared>> -> memref<128x128xf32, #tpu.memory_space<vmem_shared>>
      %dma_wait3A_61 = arith.constant 0 : i32
      %dma_wait3A_62 = tpu.memref_slice %arg8[%add3A_20, %dma_wait3A_61] : memref<10240x128xf32, #tpu.memory_space<vmem_shared>> -> memref<128x128xf32, #tpu.memory_space<vmem_shared>>
      tpu.wait_dma2 semaphore(%run_scoped3A : memref<!tpu.dma_semaphore, #tpu.memory_space<semaphore_mem>>) src(%arg6 : memref<128x128xf32, #tpu.memory_space<vmem>>) dst(%dma_wait3A_62 : memref<128x128xf32, #tpu.memory_space<vmem_shared>>)
      tpu.yield
    }) : () -> ()
    %mul3A_21 = arith.constant 640 : i32
    %mul3A_22 = arith.muli %arg1, %mul3A_21 : i32
    %add3A_23 = arith.constant 512 : i32
    %add3A_24 = arith.addi %mul3A_22, %add3A_23 : i32
    "tpu.region"() ({
      %run_scoped3A = tpu.sem_alloc : memref<!tpu.dma_semaphore, #tpu.memory_space<semaphore_mem>>
      %dma_start3A_56 = arith.constant 0 : i32
      %dma_start3A_57 = tpu.memref_slice %arg8[%add3A_24, %dma_start3A_56] : memref<10240x128xf32, #tpu.memory_space<vmem_shared>> -> memref<128x128xf32, #tpu.memory_space<vmem_shared>>
      %dma_start3A_58 = arith.constant 0 : i32
      %dma_start3A_59 = tpu.memref_slice %arg8[%add3A_24, %dma_start3A_58] : memref<10240x128xf32, #tpu.memory_space<vmem_shared>> -> memref<128x128xf32, #tpu.memory_space<vmem_shared>>
      tpu.enqueue_dma source(%arg6 : memref<128x128xf32, #tpu.memory_space<vmem>>) target(%dma_start3A_59 : memref<128x128xf32, #tpu.memory_space<vmem_shared>>) target_semaphore(%run_scoped3A : memref<!tpu.dma_semaphore, #tpu.memory_space<semaphore_mem>>)
      %dma_wait3A = arith.constant 0 : i32
      %dma_wait3A_60 = tpu.memref_slice %arg8[%add3A_24, %dma_wait3A] : memref<10240x128xf32, #tpu.memory_space<vmem_shared>> -> memref<128x128xf32, #tpu.memory_space<vmem_shared>>
      %dma_wait3A_61 = arith.constant 0 : i32
      %dma_wait3A_62 = tpu.memref_slice %arg8[%add3A_24, %dma_wait3A_61] : memref<10240x128xf32, #tpu.memory_space<vmem_shared>> -> memref<128x128xf32, #tpu.memory_space<vmem_shared>>
      tpu.wait_dma2 semaphore(%run_scoped3A : memref<!tpu.dma_semaphore, #tpu.memory_space<semaphore_mem>>) src(%arg6 : memref<128x128xf32, #tpu.memory_space<vmem>>) dst(%dma_wait3A_62 : memref<128x128xf32, #tpu.memory_space<vmem_shared>>)
      tpu.yield
    }) : () -> ()
    %barrier3A = arith.constant 0 : index
    tpu.barrier barrier_id(%barrier3A)
    %mul3A_25 = arith.constant 40 : i32
    %mul3A_26 = arith.muli %add3A, %mul3A_25 : i32
    %mul3A_27 = arith.constant 128 : i32
    %mul3A_28 = arith.muli %mul3A_26, %mul3A_27 : i32
    %add3A_29 = arith.constant 0 : i32
    %add3A_30 = arith.addi %mul3A_28, %add3A_29 : i32
    %dma_start3A = arith.constant 0 : i32
    %dma_start3A_31 = arith.constant 0 : i32
    %dma_start3A_32 = tpu.memref_slice %arg2[%add3A_30, %dma_start3A_31] : memref<163840x128xf32, #tpu.memory_space<hbm>> -> memref<128x128xf32, #tpu.memory_space<hbm>>
    %dma_start3A_33 = tpu.memref_slice %arg9[%dma_start3A] : memref<2x!tpu.dma_semaphore, #tpu.memory_space<semaphore_mem>> -> memref<1x!tpu.dma_semaphore, #tpu.memory_space<semaphore_mem>>
    %dma_start3A_34 = tpu.memref_squeeze %dma_start3A_33 : memref<1x!tpu.dma_semaphore, #tpu.memory_space<semaphore_mem>> -> memref<!tpu.dma_semaphore, #tpu.memory_space<semaphore_mem>>
    %dma_start3A_35 = arith.constant 0 : i32
    %dma_start3A_36 = tpu.memref_slice %arg2[%add3A_30, %dma_start3A_35] : memref<163840x128xf32, #tpu.memory_space<hbm>> -> memref<128x128xf32, #tpu.memory_space<hbm>>
    tpu.enqueue_dma source(%dma_start3A_36 : memref<128x128xf32, #tpu.memory_space<hbm>>) target(%arg6 : memref<128x128xf32, #tpu.memory_space<vmem>>) target_semaphore(%dma_start3A_34 : memref<!tpu.dma_semaphore, #tpu.memory_space<semaphore_mem>>)
    %add3A_37 = arith.constant 128 : i32
    %add3A_38 = arith.addi %mul3A_28, %add3A_37 : i32
    %dma_start3A_39 = arith.constant 1 : i32
    %dma_start3A_40 = arith.constant 0 : i32
    %dma_start3A_41 = tpu.memref_slice %arg2[%add3A_38, %dma_start3A_40] : memref<163840x128xf32, #tpu.memory_space<hbm>> -> memref<128x128xf32, #tpu.memory_space<hbm>>
    %dma_start3A_42 = tpu.memref_slice %arg9[%dma_start3A_39] : memref<2x!tpu.dma_semaphore, #tpu.memory_space<semaphore_mem>> -> memref<1x!tpu.dma_semaphore, #tpu.memory_space<semaphore_mem>>
    %dma_start3A_43 = tpu.memref_squeeze %dma_start3A_42 : memref<1x!tpu.dma_semaphore, #tpu.memory_space<semaphore_mem>> -> memref<!tpu.dma_semaphore, #tpu.memory_space<semaphore_mem>>
    %dma_start3A_44 = arith.constant 0 : i32
    %dma_start3A_45 = tpu.memref_slice %arg2[%add3A_38, %dma_start3A_44] : memref<163840x128xf32, #tpu.memory_space<hbm>> -> memref<128x128xf32, #tpu.memory_space<hbm>>
    tpu.enqueue_dma source(%dma_start3A_45 : memref<128x128xf32, #tpu.memory_space<hbm>>) target(%arg7 : memref<128x128xf32, #tpu.memory_space<vmem>>) target_semaphore(%dma_start3A_43 : memref<!tpu.dma_semaphore, #tpu.memory_space<semaphore_mem>>)
    %scan3A_46 = arith.constant 0 : i32
    %scan3A_47 = arith.constant 20 : i32
    %scan3A_48 = arith.addi %scan3A_46, %scan3A_47 : i32
    %scan3A_49 = arith.constant 1 : i32
    scf.for %scan3A_56 = %scan3A_46 to %scan3A_48 step %scan3A_49  : i32 {
      %mul3A_57 = arith.constant 1 : i32
      %mul3A_58 = arith.muli %scan3A_56, %mul3A_57 : i32
      %add3A_59 = arith.constant 0 : i32
      %add3A_60 = arith.addi %add3A_59, %mul3A_58 : i32
      %mul3A_61 = arith.constant 2 : i32
      %mul3A_62 = arith.muli %mul3A_61, %add3A_60 : i32
      %add3A_63 = arith.constant 0 : i32
      %add3A_64 = arith.addi %mul3A_62, %add3A_63 : i32
      %dma_wait3A = arith.constant 0 : i32
      %dma_wait3A_65 = arith.constant 0 : i32
      %dma_wait3A_66 = tpu.memref_slice %arg2[%mul3A_28, %dma_wait3A_65] : memref<163840x128xf32, #tpu.memory_space<hbm>> -> memref<128x128xf32, #tpu.memory_space<hbm>>
      %dma_wait3A_67 = tpu.memref_slice %arg9[%dma_wait3A] : memref<2x!tpu.dma_semaphore, #tpu.memory_space<semaphore_mem>> -> memref<1x!tpu.dma_semaphore, #tpu.memory_space<semaphore_mem>>
      %dma_wait3A_68 = tpu.memref_squeeze %dma_wait3A_67 : memref<1x!tpu.dma_semaphore, #tpu.memory_space<semaphore_mem>> -> memref<!tpu.dma_semaphore, #tpu.memory_space<semaphore_mem>>
      %dma_wait3A_69 = arith.constant 0 : i32
      %dma_wait3A_70 = tpu.memref_slice %arg2[%mul3A_28, %dma_wait3A_69] : memref<163840x128xf32, #tpu.memory_space<hbm>> -> memref<128x128xf32, #tpu.memory_space<hbm>>
      tpu.wait_dma2 semaphore(%dma_wait3A_68 : memref<!tpu.dma_semaphore, #tpu.memory_space<semaphore_mem>>) src(%dma_wait3A_70 : memref<128x128xf32, #tpu.memory_space<hbm>>) dst(%arg6 : memref<128x128xf32, #tpu.memory_space<vmem>>)
      "tpu.region"() ({
        %run_scoped3A = tpu.sem_alloc : memref<!tpu.dma_semaphore, #tpu.memory_space<semaphore_mem>>
        %dma_start3A_93 = arith.constant 0 : i32
        %dma_start3A_94 = tpu.memref_slice %arg5[%add3A_64, %dma_start3A_93] : memref<40x128xi32, #tpu.memory_space<vmem>> -> memref<1x128xi32, #tpu.memory_space<vmem>>
        %dma_start3A_95 = tpu.memref_squeeze %dma_start3A_94 : memref<1x128xi32, #tpu.memory_space<vmem>> -> memref<128xi32, #tpu.memory_space<vmem>>
        %dma_start3A_96 = arith.constant 0 : i32
        %dma_start3A_97 = arith.constant 0 : i32
        %dma_start3A_98 = tpu.memref_slice %arg8[%dma_start3A_96, %dma_start3A_97] : memref<10240x128xf32, #tpu.memory_space<vmem_shared>> -> memref<10240x128xf32, #tpu.memory_space<vmem_shared>>
        tpu.enqueue_indirect_dma source(%arg6 : memref<128x128xf32, #tpu.memory_space<vmem>>) target(%dma_start3A_98 : memref<10240x128xf32, #tpu.memory_space<vmem_shared>>) offsets(%dma_start3A_95 : memref<128xi32, #tpu.memory_space<vmem>>) semaphore(%run_scoped3A : memref<!tpu.dma_semaphore, #tpu.memory_space<semaphore_mem>>) {add = true}
        %dma_wait3A_99 = arith.constant 0 : i32
        %dma_wait3A_100 = tpu.memref_slice %arg5[%add3A_64, %dma_wait3A_99] : memref<40x128xi32, #tpu.memory_space<vmem>> -> memref<1x128xi32, #tpu.memory_space<vmem>>
        %dma_wait3A_101 = tpu.memref_squeeze %dma_wait3A_100 : memref<1x128xi32, #tpu.memory_space<vmem>> -> memref<128xi32, #tpu.memory_space<vmem>>
        %dma_wait3A_102 = arith.constant 0 : i32
        %dma_wait3A_103 = arith.constant 0 : i32
        %dma_wait3A_104 = tpu.memref_slice %arg8[%dma_wait3A_102, %dma_wait3A_103] : memref<10240x128xf32, #tpu.memory_space<vmem_shared>> -> memref<10240x128xf32, #tpu.memory_space<vmem_shared>>
        tpu.wait_indirect_dma semaphore(%run_scoped3A : memref<!tpu.dma_semaphore, #tpu.memory_space<semaphore_mem>>) src(%arg6 : memref<128x128xf32, #tpu.memory_space<vmem>>) dst(%dma_wait3A_104 : memref<10240x128xf32, #tpu.memory_space<vmem_shared>>)
        tpu.yield
      }) : () -> ()
      %add3A_71 = arith.constant 2 : i32
      %add3A_72 = arith.addi %add3A_64, %add3A_71 : i32
      %lt3A = arith.constant 40 : i32
      %lt3A_73 = arith.cmpi slt, %add3A_72, %lt3A : i32
      %convert_element_type3A = arith.extui %lt3A_73 : i1 to i32
      %cond3A = arith.constant 0 : i32
      %cond3A_74 = arith.cmpi ne, %convert_element_type3A, %cond3A : i32
      scf.if %cond3A_74 {
        %mul3A_93 = arith.constant 128 : i32
        %mul3A_94 = arith.muli %add3A_72, %mul3A_93 : i32
        %add3A_95 = arith.addi %mul3A_28, %mul3A_94 : i32
        %dma_start3A_96 = arith.constant 0 : i32
        %dma_start3A_97 = arith.constant 0 : i32
        %dma_start3A_98 = tpu.memref_slice %arg2[%add3A_95, %dma_start3A_97] : memref<163840x128xf32, #tpu.memory_space<hbm>> -> memref<128x128xf32, #tpu.memory_space<hbm>>
        %dma_start3A_99 = tpu.memref_slice %arg9[%dma_start3A_96] : memref<2x!tpu.dma_semaphore, #tpu.memory_space<semaphore_mem>> -> memref<1x!tpu.dma_semaphore, #tpu.memory_space<semaphore_mem>>
        %dma_start3A_100 = tpu.memref_squeeze %dma_start3A_99 : memref<1x!tpu.dma_semaphore, #tpu.memory_space<semaphore_mem>> -> memref<!tpu.dma_semaphore, #tpu.memory_space<semaphore_mem>>
        %dma_start3A_101 = arith.constant 0 : i32
        %dma_start3A_102 = tpu.memref_slice %arg2[%add3A_95, %dma_start3A_101] : memref<163840x128xf32, #tpu.memory_space<hbm>> -> memref<128x128xf32, #tpu.memory_space<hbm>>
        tpu.enqueue_dma source(%dma_start3A_102 : memref<128x128xf32, #tpu.memory_space<hbm>>) target(%arg6 : memref<128x128xf32, #tpu.memory_space<vmem>>) target_semaphore(%dma_start3A_100 : memref<!tpu.dma_semaphore, #tpu.memory_space<semaphore_mem>>)
      } else {
      }
      %mul3A_75 = arith.constant 2 : i32
      %mul3A_76 = arith.muli %mul3A_75, %add3A_60 : i32
      %add3A_77 = arith.constant 1 : i32
      %add3A_78 = arith.addi %mul3A_76, %add3A_77 : i32
      %dma_wait3A_79 = arith.constant 1 : i32
      %dma_wait3A_80 = arith.constant 0 : i32
      %dma_wait3A_81 = tpu.memref_slice %arg2[%mul3A_28, %dma_wait3A_80] : memref<163840x128xf32, #tpu.memory_space<hbm>> -> memref<128x128xf32, #tpu.memory_space<hbm>>
      %dma_wait3A_82 = tpu.memref_slice %arg9[%dma_wait3A_79] : memref<2x!tpu.dma_semaphore, #tpu.memory_space<semaphore_mem>> -> memref<1x!tpu.dma_semaphore, #tpu.memory_space<semaphore_mem>>
      %dma_wait3A_83 = tpu.memref_squeeze %dma_wait3A_82 : memref<1x!tpu.dma_semaphore, #tpu.memory_space<semaphore_mem>> -> memref<!tpu.dma_semaphore, #tpu.memory_space<semaphore_mem>>
      %dma_wait3A_84 = arith.constant 0 : i32
      %dma_wait3A_85 = tpu.memref_slice %arg2[%mul3A_28, %dma_wait3A_84] : memref<163840x128xf32, #tpu.memory_space<hbm>> -> memref<128x128xf32, #tpu.memory_space<hbm>>
      tpu.wait_dma2 semaphore(%dma_wait3A_83 : memref<!tpu.dma_semaphore, #tpu.memory_space<semaphore_mem>>) src(%dma_wait3A_85 : memref<128x128xf32, #tpu.memory_space<hbm>>) dst(%arg7 : memref<128x128xf32, #tpu.memory_space<vmem>>)
      "tpu.region"() ({
        %run_scoped3A = tpu.sem_alloc : memref<!tpu.dma_semaphore, #tpu.memory_space<semaphore_mem>>
        %dma_start3A_93 = arith.constant 0 : i32
        %dma_start3A_94 = tpu.memref_slice %arg5[%add3A_78, %dma_start3A_93] : memref<40x128xi32, #tpu.memory_space<vmem>> -> memref<1x128xi32, #tpu.memory_space<vmem>>
        %dma_start3A_95 = tpu.memref_squeeze %dma_start3A_94 : memref<1x128xi32, #tpu.memory_space<vmem>> -> memref<128xi32, #tpu.memory_space<vmem>>
        %dma_start3A_96 = arith.constant 0 : i32
        %dma_start3A_97 = arith.constant 0 : i32
        %dma_start3A_98 = tpu.memref_slice %arg8[%dma_start3A_96, %dma_start3A_97] : memref<10240x128xf32, #tpu.memory_space<vmem_shared>> -> memref<10240x128xf32, #tpu.memory_space<vmem_shared>>
        tpu.enqueue_indirect_dma source(%arg7 : memref<128x128xf32, #tpu.memory_space<vmem>>) target(%dma_start3A_98 : memref<10240x128xf32, #tpu.memory_space<vmem_shared>>) offsets(%dma_start3A_95 : memref<128xi32, #tpu.memory_space<vmem>>) semaphore(%run_scoped3A : memref<!tpu.dma_semaphore, #tpu.memory_space<semaphore_mem>>) {add = true}
        %dma_wait3A_99 = arith.constant 0 : i32
        %dma_wait3A_100 = tpu.memref_slice %arg5[%add3A_78, %dma_wait3A_99] : memref<40x128xi32, #tpu.memory_space<vmem>> -> memref<1x128xi32, #tpu.memory_space<vmem>>
        %dma_wait3A_101 = tpu.memref_squeeze %dma_wait3A_100 : memref<1x128xi32, #tpu.memory_space<vmem>> -> memref<128xi32, #tpu.memory_space<vmem>>
        %dma_wait3A_102 = arith.constant 0 : i32
        %dma_wait3A_103 = arith.constant 0 : i32
        %dma_wait3A_104 = tpu.memref_slice %arg8[%dma_wait3A_102, %dma_wait3A_103] : memref<10240x128xf32, #tpu.memory_space<vmem_shared>> -> memref<10240x128xf32, #tpu.memory_space<vmem_shared>>
        tpu.wait_indirect_dma semaphore(%run_scoped3A : memref<!tpu.dma_semaphore, #tpu.memory_space<semaphore_mem>>) src(%arg7 : memref<128x128xf32, #tpu.memory_space<vmem>>) dst(%dma_wait3A_104 : memref<10240x128xf32, #tpu.memory_space<vmem_shared>>)
        tpu.yield
      }) : () -> ()
      %add3A_86 = arith.constant 2 : i32
      %add3A_87 = arith.addi %add3A_78, %add3A_86 : i32
      %lt3A_88 = arith.constant 40 : i32
      %lt3A_89 = arith.cmpi slt, %add3A_87, %lt3A_88 : i32
      %convert_element_type3A_90 = arith.extui %lt3A_89 : i1 to i32
      %cond3A_91 = arith.constant 0 : i32
      %cond3A_92 = arith.cmpi ne, %convert_element_type3A_90, %cond3A_91 : i32
      scf.if %cond3A_92 {
        %mul3A_93 = arith.constant 128 : i32
        %mul3A_94 = arith.muli %add3A_87, %mul3A_93 : i32
        %add3A_95 = arith.addi %mul3A_28, %mul3A_94 : i32
        %dma_start3A_96 = arith.constant 1 : i32
        %dma_start3A_97 = arith.constant 0 : i32
        %dma_start3A_98 = tpu.memref_slice %arg2[%add3A_95, %dma_start3A_97] : memref<163840x128xf32, #tpu.memory_space<hbm>> -> memref<128x128xf32, #tpu.memory_space<hbm>>
        %dma_start3A_99 = tpu.memref_slice %arg9[%dma_start3A_96] : memref<2x!tpu.dma_semaphore, #tpu.memory_space<semaphore_mem>> -> memref<1x!tpu.dma_semaphore, #tpu.memory_space<semaphore_mem>>
        %dma_start3A_100 = tpu.memref_squeeze %dma_start3A_99 : memref<1x!tpu.dma_semaphore, #tpu.memory_space<semaphore_mem>> -> memref<!tpu.dma_semaphore, #tpu.memory_space<semaphore_mem>>
        %dma_start3A_101 = arith.constant 0 : i32
        %dma_start3A_102 = tpu.memref_slice %arg2[%add3A_95, %dma_start3A_101] : memref<163840x128xf32, #tpu.memory_space<hbm>> -> memref<128x128xf32, #tpu.memory_space<hbm>>
        tpu.enqueue_dma source(%dma_start3A_102 : memref<128x128xf32, #tpu.memory_space<hbm>>) target(%arg7 : memref<128x128xf32, #tpu.memory_space<vmem>>) target_semaphore(%dma_start3A_100 : memref<!tpu.dma_semaphore, #tpu.memory_space<semaphore_mem>>)
      } else {
      }
    }
    %scan3A_50 = arith.constant 20 : i32
    %barrier3A_51 = arith.constant 0 : index
    tpu.barrier barrier_id(%barrier3A_51)
    %mul3A_52 = arith.constant 640 : i32
    %mul3A_53 = arith.muli %arg1, %mul3A_52 : i32
    %mul3A_54 = arith.constant 640 : i32
    %mul3A_55 = arith.muli %arg1, %mul3A_54 : i32
    "tpu.region"() ({
      %run_scoped3A = tpu.sem_alloc : memref<!tpu.dma_semaphore, #tpu.memory_space<semaphore_mem>>
      %dma_start3A_56 = arith.constant 0 : i32
      %dma_start3A_57 = tpu.memref_slice %arg4[%arg0, %mul3A_55, %dma_start3A_56] : memref<2x10240x128xf32, #tpu.memory_space<hbm>> -> memref<1x640x128xf32, #tpu.memory_space<hbm>>
      %dma_start3A_58 = tpu.memref_squeeze %dma_start3A_57 : memref<1x640x128xf32, #tpu.memory_space<hbm>> -> memref<640x128xf32, #tpu.memory_space<hbm>>
      %dma_start3A_59 = arith.constant 0 : i32
      %dma_start3A_60 = tpu.memref_slice %arg8[%mul3A_53, %dma_start3A_59] : memref<10240x128xf32, #tpu.memory_space<vmem_shared>> -> memref<640x128xf32, #tpu.memory_space<vmem_shared>>
      tpu.enqueue_dma source(%dma_start3A_60 : memref<640x128xf32, #tpu.memory_space<vmem_shared>>) target(%dma_start3A_58 : memref<640x128xf32, #tpu.memory_space<hbm>>) target_semaphore(%run_scoped3A : memref<!tpu.dma_semaphore, #tpu.memory_space<semaphore_mem>>)
      %dma_wait3A = arith.constant 0 : i32
      %dma_wait3A_61 = tpu.memref_slice %arg4[%arg0, %mul3A_55, %dma_wait3A] : memref<2x10240x128xf32, #tpu.memory_space<hbm>> -> memref<1x640x128xf32, #tpu.memory_space<hbm>>
      %dma_wait3A_62 = tpu.memref_squeeze %dma_wait3A_61 : memref<1x640x128xf32, #tpu.memory_space<hbm>> -> memref<640x128xf32, #tpu.memory_space<hbm>>
      %dma_wait3A_63 = arith.constant 0 : i32
      %dma_wait3A_64 = tpu.memref_slice %arg8[%mul3A_53, %dma_wait3A_63] : memref<10240x128xf32, #tpu.memory_space<vmem_shared>> -> memref<640x128xf32, #tpu.memory_space<vmem_shared>>
      tpu.wait_dma2 semaphore(%run_scoped3A : memref<!tpu.dma_semaphore, #tpu.memory_space<semaphore_mem>>) src(%dma_wait3A_64 : memref<640x128xf32, #tpu.memory_space<vmem_shared>>) dst(%dma_wait3A_62 : memref<640x128xf32, #tpu.memory_space<hbm>>)
      tpu.yield
    }) : () -> ()
    return
  }
}

#map = affine_map<(d0, d1) -> (0, 0)>
module attributes {stable_mosaic.version = 14 : i64} {
  func.func @_gather_kernel(%arg0: i32, %arg1: i32, %arg2: memref<10000x128xf32, #tpu.memory_space<hbm>>, %arg3: memref<10000x128xf32, #tpu.memory_space<hbm>>, %arg4: memref<1280x128xi32, #tpu.memory_space<hbm>>, %arg5: memref<1280x128xi32, #tpu.memory_space<hbm>>, %arg6: memref<163840x128xf32, #tpu.memory_space<hbm>>, %arg7: memref<40x128xi32, #tpu.memory_space<vmem>>, %arg8: memref<40x128xi32, #tpu.memory_space<vmem>>, %arg9: memref<128x128xf32, #tpu.memory_space<vmem>>, %arg10: memref<128x128xf32, #tpu.memory_space<vmem>>, %arg11: memref<128x128xf32, #tpu.memory_space<vmem>>, %arg12: memref<128x128xf32, #tpu.memory_space<vmem>>, %arg13: memref<128x128xf32, #tpu.memory_space<vmem>>, %arg14: memref<5x!tpu.dma_semaphore, #tpu.memory_space<semaphore_mem>>, %arg15: memref<5x!tpu.dma_semaphore, #tpu.memory_space<semaphore_mem>>) attributes {dimension_semantics = [#tpu.dimension_semantics<core_parallel>, #tpu.dimension_semantics<subcore_parallel>], iteration_bounds = array<i64: 2, 16>, scalar_prefetch = 0 : i64, scratch_operands = 9 : i64, tpu.core_type = #tpu.core_type<sc_vector_subcore>, window_params = [{transform_indices = #map}, {transform_indices = #map}, {transform_indices = #map}, {transform_indices = #map}, {transform_indices = #map}]} {
    %mul3A = arith.constant 2 : i32
    %mul3A_0 = arith.muli %arg1, %mul3A : i32
    %add3A = arith.addi %mul3A_0, %arg0 : i32
    %mul3A_1 = arith.constant 40 : i32
    %mul3A_2 = arith.muli %add3A, %mul3A_1 : i32
    "tpu.region"() ({
      %run_scoped3A = tpu.sem_alloc : memref<!tpu.dma_semaphore, #tpu.memory_space<semaphore_mem>>
      %dma_start3A_100 = arith.constant 0 : i32
      %dma_start3A_101 = tpu.memref_slice %arg4[%mul3A_2, %dma_start3A_100] : memref<1280x128xi32, #tpu.memory_space<hbm>> -> memref<40x128xi32, #tpu.memory_space<hbm>>
      %dma_start3A_102 = arith.constant 0 : i32
      %dma_start3A_103 = tpu.memref_slice %arg4[%mul3A_2, %dma_start3A_102] : memref<1280x128xi32, #tpu.memory_space<hbm>> -> memref<40x128xi32, #tpu.memory_space<hbm>>
      tpu.enqueue_dma source(%dma_start3A_103 : memref<40x128xi32, #tpu.memory_space<hbm>>) target(%arg7 : memref<40x128xi32, #tpu.memory_space<vmem>>) target_semaphore(%run_scoped3A : memref<!tpu.dma_semaphore, #tpu.memory_space<semaphore_mem>>)
      %dma_wait3A_104 = arith.constant 0 : i32
      %dma_wait3A_105 = tpu.memref_slice %arg4[%mul3A_2, %dma_wait3A_104] : memref<1280x128xi32, #tpu.memory_space<hbm>> -> memref<40x128xi32, #tpu.memory_space<hbm>>
      %dma_wait3A_106 = arith.constant 0 : i32
      %dma_wait3A_107 = tpu.memref_slice %arg4[%mul3A_2, %dma_wait3A_106] : memref<1280x128xi32, #tpu.memory_space<hbm>> -> memref<40x128xi32, #tpu.memory_space<hbm>>
      tpu.wait_dma2 semaphore(%run_scoped3A : memref<!tpu.dma_semaphore, #tpu.memory_space<semaphore_mem>>) src(%dma_wait3A_107 : memref<40x128xi32, #tpu.memory_space<hbm>>) dst(%arg7 : memref<40x128xi32, #tpu.memory_space<vmem>>)
      tpu.yield
    }) : () -> ()
    "tpu.region"() ({
      %run_scoped3A = tpu.sem_alloc : memref<!tpu.dma_semaphore, #tpu.memory_space<semaphore_mem>>
      %dma_start3A_100 = arith.constant 0 : i32
      %dma_start3A_101 = tpu.memref_slice %arg5[%mul3A_2, %dma_start3A_100] : memref<1280x128xi32, #tpu.memory_space<hbm>> -> memref<40x128xi32, #tpu.memory_space<hbm>>
      %dma_start3A_102 = arith.constant 0 : i32
      %dma_start3A_103 = tpu.memref_slice %arg5[%mul3A_2, %dma_start3A_102] : memref<1280x128xi32, #tpu.memory_space<hbm>> -> memref<40x128xi32, #tpu.memory_space<hbm>>
      tpu.enqueue_dma source(%dma_start3A_103 : memref<40x128xi32, #tpu.memory_space<hbm>>) target(%arg8 : memref<40x128xi32, #tpu.memory_space<vmem>>) target_semaphore(%run_scoped3A : memref<!tpu.dma_semaphore, #tpu.memory_space<semaphore_mem>>)
      %dma_wait3A_104 = arith.constant 0 : i32
      %dma_wait3A_105 = tpu.memref_slice %arg5[%mul3A_2, %dma_wait3A_104] : memref<1280x128xi32, #tpu.memory_space<hbm>> -> memref<40x128xi32, #tpu.memory_space<hbm>>
      %dma_wait3A_106 = arith.constant 0 : i32
      %dma_wait3A_107 = tpu.memref_slice %arg5[%mul3A_2, %dma_wait3A_106] : memref<1280x128xi32, #tpu.memory_space<hbm>> -> memref<40x128xi32, #tpu.memory_space<hbm>>
      tpu.wait_dma2 semaphore(%run_scoped3A : memref<!tpu.dma_semaphore, #tpu.memory_space<semaphore_mem>>) src(%dma_wait3A_107 : memref<40x128xi32, #tpu.memory_space<hbm>>) dst(%arg8 : memref<40x128xi32, #tpu.memory_space<vmem>>)
      tpu.yield
    }) : () -> ()
    %dma_start3A = arith.constant 0 : i32
    %dma_start3A_3 = arith.constant 0 : i32
    %dma_start3A_4 = arith.constant 0 : i32
    %dma_start3A_5 = tpu.memref_slice %arg7[%dma_start3A, %dma_start3A_4] : memref<40x128xi32, #tpu.memory_space<vmem>> -> memref<1x128xi32, #tpu.memory_space<vmem>>
    %dma_start3A_6 = tpu.memref_squeeze %dma_start3A_5 : memref<1x128xi32, #tpu.memory_space<vmem>> -> memref<128xi32, #tpu.memory_space<vmem>>
    %dma_start3A_7 = arith.constant 0 : i32
    %dma_start3A_8 = arith.constant 0 : i32
    %dma_start3A_9 = tpu.memref_slice %arg2[%dma_start3A_7, %dma_start3A_8] : memref<10000x128xf32, #tpu.memory_space<hbm>> -> memref<10000x128xf32, #tpu.memory_space<hbm>>
    %dma_start3A_10 = tpu.memref_slice %arg14[%dma_start3A_3] : memref<5x!tpu.dma_semaphore, #tpu.memory_space<semaphore_mem>> -> memref<1x!tpu.dma_semaphore, #tpu.memory_space<semaphore_mem>>
    %dma_start3A_11 = tpu.memref_squeeze %dma_start3A_10 : memref<1x!tpu.dma_semaphore, #tpu.memory_space<semaphore_mem>> -> memref<!tpu.dma_semaphore, #tpu.memory_space<semaphore_mem>>
    tpu.enqueue_indirect_dma source(%dma_start3A_9 : memref<10000x128xf32, #tpu.memory_space<hbm>>) target(%arg9 : memref<128x128xf32, #tpu.memory_space<vmem>>) offsets(%dma_start3A_6 : memref<128xi32, #tpu.memory_space<vmem>>) semaphore(%dma_start3A_11 : memref<!tpu.dma_semaphore, #tpu.memory_space<semaphore_mem>>)
    %dma_start3A_12 = arith.constant 1 : i32
    %dma_start3A_13 = arith.constant 1 : i32
    %dma_start3A_14 = arith.constant 0 : i32
    %dma_start3A_15 = tpu.memref_slice %arg7[%dma_start3A_12, %dma_start3A_14] : memref<40x128xi32, #tpu.memory_space<vmem>> -> memref<1x128xi32, #tpu.memory_space<vmem>>
    %dma_start3A_16 = tpu.memref_squeeze %dma_start3A_15 : memref<1x128xi32, #tpu.memory_space<vmem>> -> memref<128xi32, #tpu.memory_space<vmem>>
    %dma_start3A_17 = arith.constant 0 : i32
    %dma_start3A_18 = arith.constant 0 : i32
    %dma_start3A_19 = tpu.memref_slice %arg2[%dma_start3A_17, %dma_start3A_18] : memref<10000x128xf32, #tpu.memory_space<hbm>> -> memref<10000x128xf32, #tpu.memory_space<hbm>>
    %dma_start3A_20 = tpu.memref_slice %arg14[%dma_start3A_13] : memref<5x!tpu.dma_semaphore, #tpu.memory_space<semaphore_mem>> -> memref<1x!tpu.dma_semaphore, #tpu.memory_space<semaphore_mem>>
    %dma_start3A_21 = tpu.memref_squeeze %dma_start3A_20 : memref<1x!tpu.dma_semaphore, #tpu.memory_space<semaphore_mem>> -> memref<!tpu.dma_semaphore, #tpu.memory_space<semaphore_mem>>
    tpu.enqueue_indirect_dma source(%dma_start3A_19 : memref<10000x128xf32, #tpu.memory_space<hbm>>) target(%arg10 : memref<128x128xf32, #tpu.memory_space<vmem>>) offsets(%dma_start3A_16 : memref<128xi32, #tpu.memory_space<vmem>>) semaphore(%dma_start3A_21 : memref<!tpu.dma_semaphore, #tpu.memory_space<semaphore_mem>>)
    %dma_start3A_22 = arith.constant 2 : i32
    %dma_start3A_23 = arith.constant 2 : i32
    %dma_start3A_24 = arith.constant 0 : i32
    %dma_start3A_25 = tpu.memref_slice %arg7[%dma_start3A_22, %dma_start3A_24] : memref<40x128xi32, #tpu.memory_space<vmem>> -> memref<1x128xi32, #tpu.memory_space<vmem>>
    %dma_start3A_26 = tpu.memref_squeeze %dma_start3A_25 : memref<1x128xi32, #tpu.memory_space<vmem>> -> memref<128xi32, #tpu.memory_space<vmem>>
    %dma_start3A_27 = arith.constant 0 : i32
    %dma_start3A_28 = arith.constant 0 : i32
    %dma_start3A_29 = tpu.memref_slice %arg2[%dma_start3A_27, %dma_start3A_28] : memref<10000x128xf32, #tpu.memory_space<hbm>> -> memref<10000x128xf32, #tpu.memory_space<hbm>>
    %dma_start3A_30 = tpu.memref_slice %arg14[%dma_start3A_23] : memref<5x!tpu.dma_semaphore, #tpu.memory_space<semaphore_mem>> -> memref<1x!tpu.dma_semaphore, #tpu.memory_space<semaphore_mem>>
    %dma_start3A_31 = tpu.memref_squeeze %dma_start3A_30 : memref<1x!tpu.dma_semaphore, #tpu.memory_space<semaphore_mem>> -> memref<!tpu.dma_semaphore, #tpu.memory_space<semaphore_mem>>
    tpu.enqueue_indirect_dma source(%dma_start3A_29 : memref<10000x128xf32, #tpu.memory_space<hbm>>) target(%arg11 : memref<128x128xf32, #tpu.memory_space<vmem>>) offsets(%dma_start3A_26 : memref<128xi32, #tpu.memory_space<vmem>>) semaphore(%dma_start3A_31 : memref<!tpu.dma_semaphore, #tpu.memory_space<semaphore_mem>>)
    %dma_start3A_32 = arith.constant 3 : i32
    %dma_start3A_33 = arith.constant 3 : i32
    %dma_start3A_34 = arith.constant 0 : i32
    %dma_start3A_35 = tpu.memref_slice %arg7[%dma_start3A_32, %dma_start3A_34] : memref<40x128xi32, #tpu.memory_space<vmem>> -> memref<1x128xi32, #tpu.memory_space<vmem>>
    %dma_start3A_36 = tpu.memref_squeeze %dma_start3A_35 : memref<1x128xi32, #tpu.memory_space<vmem>> -> memref<128xi32, #tpu.memory_space<vmem>>
    %dma_start3A_37 = arith.constant 0 : i32
    %dma_start3A_38 = arith.constant 0 : i32
    %dma_start3A_39 = tpu.memref_slice %arg2[%dma_start3A_37, %dma_start3A_38] : memref<10000x128xf32, #tpu.memory_space<hbm>> -> memref<10000x128xf32, #tpu.memory_space<hbm>>
    %dma_start3A_40 = tpu.memref_slice %arg14[%dma_start3A_33] : memref<5x!tpu.dma_semaphore, #tpu.memory_space<semaphore_mem>> -> memref<1x!tpu.dma_semaphore, #tpu.memory_space<semaphore_mem>>
    %dma_start3A_41 = tpu.memref_squeeze %dma_start3A_40 : memref<1x!tpu.dma_semaphore, #tpu.memory_space<semaphore_mem>> -> memref<!tpu.dma_semaphore, #tpu.memory_space<semaphore_mem>>
    tpu.enqueue_indirect_dma source(%dma_start3A_39 : memref<10000x128xf32, #tpu.memory_space<hbm>>) target(%arg12 : memref<128x128xf32, #tpu.memory_space<vmem>>) offsets(%dma_start3A_36 : memref<128xi32, #tpu.memory_space<vmem>>) semaphore(%dma_start3A_41 : memref<!tpu.dma_semaphore, #tpu.memory_space<semaphore_mem>>)
    %dma_start3A_42 = arith.constant 4 : i32
    %dma_start3A_43 = arith.constant 4 : i32
    %dma_start3A_44 = arith.constant 0 : i32
    %dma_start3A_45 = tpu.memref_slice %arg7[%dma_start3A_42, %dma_start3A_44] : memref<40x128xi32, #tpu.memory_space<vmem>> -> memref<1x128xi32, #tpu.memory_space<vmem>>
    %dma_start3A_46 = tpu.memref_squeeze %dma_start3A_45 : memref<1x128xi32, #tpu.memory_space<vmem>> -> memref<128xi32, #tpu.memory_space<vmem>>
    %dma_start3A_47 = arith.constant 0 : i32
    %dma_start3A_48 = arith.constant 0 : i32
    %dma_start3A_49 = tpu.memref_slice %arg2[%dma_start3A_47, %dma_start3A_48] : memref<10000x128xf32, #tpu.memory_space<hbm>> -> memref<10000x128xf32, #tpu.memory_space<hbm>>
    %dma_start3A_50 = tpu.memref_slice %arg14[%dma_start3A_43] : memref<5x!tpu.dma_semaphore, #tpu.memory_space<semaphore_mem>> -> memref<1x!tpu.dma_semaphore, #tpu.memory_space<semaphore_mem>>
    %dma_start3A_51 = tpu.memref_squeeze %dma_start3A_50 : memref<1x!tpu.dma_semaphore, #tpu.memory_space<semaphore_mem>> -> memref<!tpu.dma_semaphore, #tpu.memory_space<semaphore_mem>>
    tpu.enqueue_indirect_dma source(%dma_start3A_49 : memref<10000x128xf32, #tpu.memory_space<hbm>>) target(%arg13 : memref<128x128xf32, #tpu.memory_space<vmem>>) offsets(%dma_start3A_46 : memref<128xi32, #tpu.memory_space<vmem>>) semaphore(%dma_start3A_51 : memref<!tpu.dma_semaphore, #tpu.memory_space<semaphore_mem>>)
    %scan3A = arith.constant 0 : i32
    %scan3A_52 = arith.constant 8 : i32
    %scan3A_53 = arith.addi %scan3A, %scan3A_52 : i32
    %scan3A_54 = arith.constant 1 : i32
    scf.for %scan3A_100 = %scan3A to %scan3A_53 step %scan3A_54  : i32 {
      %mul3A_101 = arith.constant 1 : i32
      %mul3A_102 = arith.muli %scan3A_100, %mul3A_101 : i32
      %add3A_103 = arith.constant 0 : i32
      %add3A_104 = arith.addi %add3A_103, %mul3A_102 : i32
      %dma_wait3A_105 = arith.constant 0 : i32
      %dma_wait3A_106 = arith.constant 0 : i32
      %dma_wait3A_107 = arith.constant 0 : i32
      %dma_wait3A_108 = tpu.memref_slice %arg7[%dma_wait3A_105, %dma_wait3A_107] : memref<40x128xi32, #tpu.memory_space<vmem>> -> memref<1x128xi32, #tpu.memory_space<vmem>>
      %dma_wait3A_109 = tpu.memref_squeeze %dma_wait3A_108 : memref<1x128xi32, #tpu.memory_space<vmem>> -> memref<128xi32, #tpu.memory_space<vmem>>
      %dma_wait3A_110 = arith.constant 0 : i32
      %dma_wait3A_111 = arith.constant 0 : i32
      %dma_wait3A_112 = tpu.memref_slice %arg2[%dma_wait3A_110, %dma_wait3A_111] : memref<10000x128xf32, #tpu.memory_space<hbm>> -> memref<10000x128xf32, #tpu.memory_space<hbm>>
      %dma_wait3A_113 = tpu.memref_slice %arg14[%dma_wait3A_106] : memref<5x!tpu.dma_semaphore, #tpu.memory_space<semaphore_mem>> -> memref<1x!tpu.dma_semaphore, #tpu.memory_space<semaphore_mem>>
      %dma_wait3A_114 = tpu.memref_squeeze %dma_wait3A_113 : memref<1x!tpu.dma_semaphore, #tpu.memory_space<semaphore_mem>> -> memref<!tpu.dma_semaphore, #tpu.memory_space<semaphore_mem>>
      tpu.wait_indirect_dma semaphore(%dma_wait3A_114 : memref<!tpu.dma_semaphore, #tpu.memory_space<semaphore_mem>>) src(%dma_wait3A_112 : memref<10000x128xf32, #tpu.memory_space<hbm>>) dst(%arg9 : memref<128x128xf32, #tpu.memory_space<vmem>>)
      %mul3A_115 = arith.constant 5 : i32
      %mul3A_116 = arith.muli %add3A_104, %mul3A_115 : i32
      %add3A_117 = arith.constant 0 : i32
      %add3A_118 = arith.addi %mul3A_116, %add3A_117 : i32
      %dma_start3A_119 = arith.constant 0 : i32
      %dma_start3A_120 = arith.constant 0 : i32
      %dma_start3A_121 = tpu.memref_slice %arg8[%add3A_118, %dma_start3A_120] : memref<40x128xi32, #tpu.memory_space<vmem>> -> memref<1x128xi32, #tpu.memory_space<vmem>>
      %dma_start3A_122 = tpu.memref_squeeze %dma_start3A_121 : memref<1x128xi32, #tpu.memory_space<vmem>> -> memref<128xi32, #tpu.memory_space<vmem>>
      %dma_start3A_123 = arith.constant 0 : i32
      %dma_start3A_124 = arith.constant 0 : i32
      %dma_start3A_125 = tpu.memref_slice %arg3[%dma_start3A_123, %dma_start3A_124] : memref<10000x128xf32, #tpu.memory_space<hbm>> -> memref<10000x128xf32, #tpu.memory_space<hbm>>
      %dma_start3A_126 = tpu.memref_slice %arg14[%dma_start3A_119] : memref<5x!tpu.dma_semaphore, #tpu.memory_space<semaphore_mem>> -> memref<1x!tpu.dma_semaphore, #tpu.memory_space<semaphore_mem>>
      %dma_start3A_127 = tpu.memref_squeeze %dma_start3A_126 : memref<1x!tpu.dma_semaphore, #tpu.memory_space<semaphore_mem>> -> memref<!tpu.dma_semaphore, #tpu.memory_space<semaphore_mem>>
      tpu.enqueue_indirect_dma source(%dma_start3A_125 : memref<10000x128xf32, #tpu.memory_space<hbm>>) target(%arg9 : memref<128x128xf32, #tpu.memory_space<vmem>>) offsets(%dma_start3A_122 : memref<128xi32, #tpu.memory_space<vmem>>) semaphore(%dma_start3A_127 : memref<!tpu.dma_semaphore, #tpu.memory_space<semaphore_mem>>) {add = true}
      %dma_wait3A_128 = arith.constant 1 : i32
      %dma_wait3A_129 = arith.constant 1 : i32
      %dma_wait3A_130 = arith.constant 0 : i32
      %dma_wait3A_131 = tpu.memref_slice %arg7[%dma_wait3A_128, %dma_wait3A_130] : memref<40x128xi32, #tpu.memory_space<vmem>> -> memref<1x128xi32, #tpu.memory_space<vmem>>
      %dma_wait3A_132 = tpu.memref_squeeze %dma_wait3A_131 : memref<1x128xi32, #tpu.memory_space<vmem>> -> memref<128xi32, #tpu.memory_space<vmem>>
      %dma_wait3A_133 = arith.constant 0 : i32
      %dma_wait3A_134 = arith.constant 0 : i32
      %dma_wait3A_135 = tpu.memref_slice %arg2[%dma_wait3A_133, %dma_wait3A_134] : memref<10000x128xf32, #tpu.memory_space<hbm>> -> memref<10000x128xf32, #tpu.memory_space<hbm>>
      %dma_wait3A_136 = tpu.memref_slice %arg14[%dma_wait3A_129] : memref<5x!tpu.dma_semaphore, #tpu.memory_space<semaphore_mem>> -> memref<1x!tpu.dma_semaphore, #tpu.memory_space<semaphore_mem>>
      %dma_wait3A_137 = tpu.memref_squeeze %dma_wait3A_136 : memref<1x!tpu.dma_semaphore, #tpu.memory_space<semaphore_mem>> -> memref<!tpu.dma_semaphore, #tpu.memory_space<semaphore_mem>>
      tpu.wait_indirect_dma semaphore(%dma_wait3A_137 : memref<!tpu.dma_semaphore, #tpu.memory_space<semaphore_mem>>) src(%dma_wait3A_135 : memref<10000x128xf32, #tpu.memory_space<hbm>>) dst(%arg10 : memref<128x128xf32, #tpu.memory_space<vmem>>)
      %mul3A_138 = arith.constant 5 : i32
      %mul3A_139 = arith.muli %add3A_104, %mul3A_138 : i32
      %add3A_140 = arith.constant 1 : i32
      %add3A_141 = arith.addi %mul3A_139, %add3A_140 : i32
      %dma_start3A_142 = arith.constant 1 : i32
      %dma_start3A_143 = arith.constant 0 : i32
      %dma_start3A_144 = tpu.memref_slice %arg8[%add3A_141, %dma_start3A_143] : memref<40x128xi32, #tpu.memory_space<vmem>> -> memref<1x128xi32, #tpu.memory_space<vmem>>
      %dma_start3A_145 = tpu.memref_squeeze %dma_start3A_144 : memref<1x128xi32, #tpu.memory_space<vmem>> -> memref<128xi32, #tpu.memory_space<vmem>>
      %dma_start3A_146 = arith.constant 0 : i32
      %dma_start3A_147 = arith.constant 0 : i32
      %dma_start3A_148 = tpu.memref_slice %arg3[%dma_start3A_146, %dma_start3A_147] : memref<10000x128xf32, #tpu.memory_space<hbm>> -> memref<10000x128xf32, #tpu.memory_space<hbm>>
      %dma_start3A_149 = tpu.memref_slice %arg14[%dma_start3A_142] : memref<5x!tpu.dma_semaphore, #tpu.memory_space<semaphore_mem>> -> memref<1x!tpu.dma_semaphore, #tpu.memory_space<semaphore_mem>>
      %dma_start3A_150 = tpu.memref_squeeze %dma_start3A_149 : memref<1x!tpu.dma_semaphore, #tpu.memory_space<semaphore_mem>> -> memref<!tpu.dma_semaphore, #tpu.memory_space<semaphore_mem>>
      tpu.enqueue_indirect_dma source(%dma_start3A_148 : memref<10000x128xf32, #tpu.memory_space<hbm>>) target(%arg10 : memref<128x128xf32, #tpu.memory_space<vmem>>) offsets(%dma_start3A_145 : memref<128xi32, #tpu.memory_space<vmem>>) semaphore(%dma_start3A_150 : memref<!tpu.dma_semaphore, #tpu.memory_space<semaphore_mem>>) {add = true}
      %dma_wait3A_151 = arith.constant 2 : i32
      %dma_wait3A_152 = arith.constant 2 : i32
      %dma_wait3A_153 = arith.constant 0 : i32
      %dma_wait3A_154 = tpu.memref_slice %arg7[%dma_wait3A_151, %dma_wait3A_153] : memref<40x128xi32, #tpu.memory_space<vmem>> -> memref<1x128xi32, #tpu.memory_space<vmem>>
      %dma_wait3A_155 = tpu.memref_squeeze %dma_wait3A_154 : memref<1x128xi32, #tpu.memory_space<vmem>> -> memref<128xi32, #tpu.memory_space<vmem>>
      %dma_wait3A_156 = arith.constant 0 : i32
      %dma_wait3A_157 = arith.constant 0 : i32
      %dma_wait3A_158 = tpu.memref_slice %arg2[%dma_wait3A_156, %dma_wait3A_157] : memref<10000x128xf32, #tpu.memory_space<hbm>> -> memref<10000x128xf32, #tpu.memory_space<hbm>>
      %dma_wait3A_159 = tpu.memref_slice %arg14[%dma_wait3A_152] : memref<5x!tpu.dma_semaphore, #tpu.memory_space<semaphore_mem>> -> memref<1x!tpu.dma_semaphore, #tpu.memory_space<semaphore_mem>>
      %dma_wait3A_160 = tpu.memref_squeeze %dma_wait3A_159 : memref<1x!tpu.dma_semaphore, #tpu.memory_space<semaphore_mem>> -> memref<!tpu.dma_semaphore, #tpu.memory_space<semaphore_mem>>
      tpu.wait_indirect_dma semaphore(%dma_wait3A_160 : memref<!tpu.dma_semaphore, #tpu.memory_space<semaphore_mem>>) src(%dma_wait3A_158 : memref<10000x128xf32, #tpu.memory_space<hbm>>) dst(%arg11 : memref<128x128xf32, #tpu.memory_space<vmem>>)
      %mul3A_161 = arith.constant 5 : i32
      %mul3A_162 = arith.muli %add3A_104, %mul3A_161 : i32
      %add3A_163 = arith.constant 2 : i32
      %add3A_164 = arith.addi %mul3A_162, %add3A_163 : i32
      %dma_start3A_165 = arith.constant 2 : i32
      %dma_start3A_166 = arith.constant 0 : i32
      %dma_start3A_167 = tpu.memref_slice %arg8[%add3A_164, %dma_start3A_166] : memref<40x128xi32, #tpu.memory_space<vmem>> -> memref<1x128xi32, #tpu.memory_space<vmem>>
      %dma_start3A_168 = tpu.memref_squeeze %dma_start3A_167 : memref<1x128xi32, #tpu.memory_space<vmem>> -> memref<128xi32, #tpu.memory_space<vmem>>
      %dma_start3A_169 = arith.constant 0 : i32
      %dma_start3A_170 = arith.constant 0 : i32
      %dma_start3A_171 = tpu.memref_slice %arg3[%dma_start3A_169, %dma_start3A_170] : memref<10000x128xf32, #tpu.memory_space<hbm>> -> memref<10000x128xf32, #tpu.memory_space<hbm>>
      %dma_start3A_172 = tpu.memref_slice %arg14[%dma_start3A_165] : memref<5x!tpu.dma_semaphore, #tpu.memory_space<semaphore_mem>> -> memref<1x!tpu.dma_semaphore, #tpu.memory_space<semaphore_mem>>
      %dma_start3A_173 = tpu.memref_squeeze %dma_start3A_172 : memref<1x!tpu.dma_semaphore, #tpu.memory_space<semaphore_mem>> -> memref<!tpu.dma_semaphore, #tpu.memory_space<semaphore_mem>>
      tpu.enqueue_indirect_dma source(%dma_start3A_171 : memref<10000x128xf32, #tpu.memory_space<hbm>>) target(%arg11 : memref<128x128xf32, #tpu.memory_space<vmem>>) offsets(%dma_start3A_168 : memref<128xi32, #tpu.memory_space<vmem>>) semaphore(%dma_start3A_173 : memref<!tpu.dma_semaphore, #tpu.memory_space<semaphore_mem>>) {add = true}
      %dma_wait3A_174 = arith.constant 3 : i32
      %dma_wait3A_175 = arith.constant 3 : i32
      %dma_wait3A_176 = arith.constant 0 : i32
      %dma_wait3A_177 = tpu.memref_slice %arg7[%dma_wait3A_174, %dma_wait3A_176] : memref<40x128xi32, #tpu.memory_space<vmem>> -> memref<1x128xi32, #tpu.memory_space<vmem>>
      %dma_wait3A_178 = tpu.memref_squeeze %dma_wait3A_177 : memref<1x128xi32, #tpu.memory_space<vmem>> -> memref<128xi32, #tpu.memory_space<vmem>>
      %dma_wait3A_179 = arith.constant 0 : i32
      %dma_wait3A_180 = arith.constant 0 : i32
      %dma_wait3A_181 = tpu.memref_slice %arg2[%dma_wait3A_179, %dma_wait3A_180] : memref<10000x128xf32, #tpu.memory_space<hbm>> -> memref<10000x128xf32, #tpu.memory_space<hbm>>
      %dma_wait3A_182 = tpu.memref_slice %arg14[%dma_wait3A_175] : memref<5x!tpu.dma_semaphore, #tpu.memory_space<semaphore_mem>> -> memref<1x!tpu.dma_semaphore, #tpu.memory_space<semaphore_mem>>
      %dma_wait3A_183 = tpu.memref_squeeze %dma_wait3A_182 : memref<1x!tpu.dma_semaphore, #tpu.memory_space<semaphore_mem>> -> memref<!tpu.dma_semaphore, #tpu.memory_space<semaphore_mem>>
      tpu.wait_indirect_dma semaphore(%dma_wait3A_183 : memref<!tpu.dma_semaphore, #tpu.memory_space<semaphore_mem>>) src(%dma_wait3A_181 : memref<10000x128xf32, #tpu.memory_space<hbm>>) dst(%arg12 : memref<128x128xf32, #tpu.memory_space<vmem>>)
      %mul3A_184 = arith.constant 5 : i32
      %mul3A_185 = arith.muli %add3A_104, %mul3A_184 : i32
      %add3A_186 = arith.constant 3 : i32
      %add3A_187 = arith.addi %mul3A_185, %add3A_186 : i32
      %dma_start3A_188 = arith.constant 3 : i32
      %dma_start3A_189 = arith.constant 0 : i32
      %dma_start3A_190 = tpu.memref_slice %arg8[%add3A_187, %dma_start3A_189] : memref<40x128xi32, #tpu.memory_space<vmem>> -> memref<1x128xi32, #tpu.memory_space<vmem>>
      %dma_start3A_191 = tpu.memref_squeeze %dma_start3A_190 : memref<1x128xi32, #tpu.memory_space<vmem>> -> memref<128xi32, #tpu.memory_space<vmem>>
      %dma_start3A_192 = arith.constant 0 : i32
      %dma_start3A_193 = arith.constant 0 : i32
      %dma_start3A_194 = tpu.memref_slice %arg3[%dma_start3A_192, %dma_start3A_193] : memref<10000x128xf32, #tpu.memory_space<hbm>> -> memref<10000x128xf32, #tpu.memory_space<hbm>>
      %dma_start3A_195 = tpu.memref_slice %arg14[%dma_start3A_188] : memref<5x!tpu.dma_semaphore, #tpu.memory_space<semaphore_mem>> -> memref<1x!tpu.dma_semaphore, #tpu.memory_space<semaphore_mem>>
      %dma_start3A_196 = tpu.memref_squeeze %dma_start3A_195 : memref<1x!tpu.dma_semaphore, #tpu.memory_space<semaphore_mem>> -> memref<!tpu.dma_semaphore, #tpu.memory_space<semaphore_mem>>
      tpu.enqueue_indirect_dma source(%dma_start3A_194 : memref<10000x128xf32, #tpu.memory_space<hbm>>) target(%arg12 : memref<128x128xf32, #tpu.memory_space<vmem>>) offsets(%dma_start3A_191 : memref<128xi32, #tpu.memory_space<vmem>>) semaphore(%dma_start3A_196 : memref<!tpu.dma_semaphore, #tpu.memory_space<semaphore_mem>>) {add = true}
      %dma_wait3A_197 = arith.constant 4 : i32
      %dma_wait3A_198 = arith.constant 4 : i32
      %dma_wait3A_199 = arith.constant 0 : i32
      %dma_wait3A_200 = tpu.memref_slice %arg7[%dma_wait3A_197, %dma_wait3A_199] : memref<40x128xi32, #tpu.memory_space<vmem>> -> memref<1x128xi32, #tpu.memory_space<vmem>>
      %dma_wait3A_201 = tpu.memref_squeeze %dma_wait3A_200 : memref<1x128xi32, #tpu.memory_space<vmem>> -> memref<128xi32, #tpu.memory_space<vmem>>
      %dma_wait3A_202 = arith.constant 0 : i32
      %dma_wait3A_203 = arith.constant 0 : i32
      %dma_wait3A_204 = tpu.memref_slice %arg2[%dma_wait3A_202, %dma_wait3A_203] : memref<10000x128xf32, #tpu.memory_space<hbm>> -> memref<10000x128xf32, #tpu.memory_space<hbm>>
      %dma_wait3A_205 = tpu.memref_slice %arg14[%dma_wait3A_198] : memref<5x!tpu.dma_semaphore, #tpu.memory_space<semaphore_mem>> -> memref<1x!tpu.dma_semaphore, #tpu.memory_space<semaphore_mem>>
      %dma_wait3A_206 = tpu.memref_squeeze %dma_wait3A_205 : memref<1x!tpu.dma_semaphore, #tpu.memory_space<semaphore_mem>> -> memref<!tpu.dma_semaphore, #tpu.memory_space<semaphore_mem>>
      tpu.wait_indirect_dma semaphore(%dma_wait3A_206 : memref<!tpu.dma_semaphore, #tpu.memory_space<semaphore_mem>>) src(%dma_wait3A_204 : memref<10000x128xf32, #tpu.memory_space<hbm>>) dst(%arg13 : memref<128x128xf32, #tpu.memory_space<vmem>>)
      %mul3A_207 = arith.constant 5 : i32
      %mul3A_208 = arith.muli %add3A_104, %mul3A_207 : i32
      %add3A_209 = arith.constant 4 : i32
      %add3A_210 = arith.addi %mul3A_208, %add3A_209 : i32
      %dma_start3A_211 = arith.constant 4 : i32
      %dma_start3A_212 = arith.constant 0 : i32
      %dma_start3A_213 = tpu.memref_slice %arg8[%add3A_210, %dma_start3A_212] : memref<40x128xi32, #tpu.memory_space<vmem>> -> memref<1x128xi32, #tpu.memory_space<vmem>>
      %dma_start3A_214 = tpu.memref_squeeze %dma_start3A_213 : memref<1x128xi32, #tpu.memory_space<vmem>> -> memref<128xi32, #tpu.memory_space<vmem>>
      %dma_start3A_215 = arith.constant 0 : i32
      %dma_start3A_216 = arith.constant 0 : i32
      %dma_start3A_217 = tpu.memref_slice %arg3[%dma_start3A_215, %dma_start3A_216] : memref<10000x128xf32, #tpu.memory_space<hbm>> -> memref<10000x128xf32, #tpu.memory_space<hbm>>
      %dma_start3A_218 = tpu.memref_slice %arg14[%dma_start3A_211] : memref<5x!tpu.dma_semaphore, #tpu.memory_space<semaphore_mem>> -> memref<1x!tpu.dma_semaphore, #tpu.memory_space<semaphore_mem>>
      %dma_start3A_219 = tpu.memref_squeeze %dma_start3A_218 : memref<1x!tpu.dma_semaphore, #tpu.memory_space<semaphore_mem>> -> memref<!tpu.dma_semaphore, #tpu.memory_space<semaphore_mem>>
      tpu.enqueue_indirect_dma source(%dma_start3A_217 : memref<10000x128xf32, #tpu.memory_space<hbm>>) target(%arg13 : memref<128x128xf32, #tpu.memory_space<vmem>>) offsets(%dma_start3A_214 : memref<128xi32, #tpu.memory_space<vmem>>) semaphore(%dma_start3A_219 : memref<!tpu.dma_semaphore, #tpu.memory_space<semaphore_mem>>) {add = true}
      %mul3A_220 = arith.constant 5 : i32
      %mul3A_221 = arith.muli %add3A_104, %mul3A_220 : i32
      %add3A_222 = arith.constant 0 : i32
      %add3A_223 = arith.addi %mul3A_221, %add3A_222 : i32
      %dma_wait3A_224 = arith.constant 0 : i32
      %dma_wait3A_225 = arith.constant 0 : i32
      %dma_wait3A_226 = arith.constant 0 : i32
      %dma_wait3A_227 = tpu.memref_slice %arg8[%dma_wait3A_224, %dma_wait3A_226] : memref<40x128xi32, #tpu.memory_space<vmem>> -> memref<1x128xi32, #tpu.memory_space<vmem>>
      %dma_wait3A_228 = tpu.memref_squeeze %dma_wait3A_227 : memref<1x128xi32, #tpu.memory_space<vmem>> -> memref<128xi32, #tpu.memory_space<vmem>>
      %dma_wait3A_229 = arith.constant 0 : i32
      %dma_wait3A_230 = arith.constant 0 : i32
      %dma_wait3A_231 = tpu.memref_slice %arg3[%dma_wait3A_229, %dma_wait3A_230] : memref<10000x128xf32, #tpu.memory_space<hbm>> -> memref<10000x128xf32, #tpu.memory_space<hbm>>
      %dma_wait3A_232 = tpu.memref_slice %arg14[%dma_wait3A_225] : memref<5x!tpu.dma_semaphore, #tpu.memory_space<semaphore_mem>> -> memref<1x!tpu.dma_semaphore, #tpu.memory_space<semaphore_mem>>
      %dma_wait3A_233 = tpu.memref_squeeze %dma_wait3A_232 : memref<1x!tpu.dma_semaphore, #tpu.memory_space<semaphore_mem>> -> memref<!tpu.dma_semaphore, #tpu.memory_space<semaphore_mem>>
      tpu.wait_indirect_dma semaphore(%dma_wait3A_233 : memref<!tpu.dma_semaphore, #tpu.memory_space<semaphore_mem>>) src(%dma_wait3A_231 : memref<10000x128xf32, #tpu.memory_space<hbm>>) dst(%arg9 : memref<128x128xf32, #tpu.memory_space<vmem>>)
      %add3A_234 = arith.addi %mul3A_2, %add3A_223 : i32
      %mul3A_235 = arith.constant 128 : i32
      %mul3A_236 = arith.muli %add3A_234, %mul3A_235 : i32
      %dma_start3A_237 = arith.constant 0 : i32
      %dma_start3A_238 = arith.constant 0 : i32
      %dma_start3A_239 = tpu.memref_slice %arg6[%mul3A_236, %dma_start3A_238] : memref<163840x128xf32, #tpu.memory_space<hbm>> -> memref<128x128xf32, #tpu.memory_space<hbm>>
      %dma_start3A_240 = tpu.memref_slice %arg15[%dma_start3A_237] : memref<5x!tpu.dma_semaphore, #tpu.memory_space<semaphore_mem>> -> memref<1x!tpu.dma_semaphore, #tpu.memory_space<semaphore_mem>>
      %dma_start3A_241 = tpu.memref_squeeze %dma_start3A_240 : memref<1x!tpu.dma_semaphore, #tpu.memory_space<semaphore_mem>> -> memref<!tpu.dma_semaphore, #tpu.memory_space<semaphore_mem>>
      %dma_start3A_242 = arith.constant 0 : i32
      %dma_start3A_243 = tpu.memref_slice %arg6[%mul3A_236, %dma_start3A_242] : memref<163840x128xf32, #tpu.memory_space<hbm>> -> memref<128x128xf32, #tpu.memory_space<hbm>>
      tpu.enqueue_dma source(%arg9 : memref<128x128xf32, #tpu.memory_space<vmem>>) target(%dma_start3A_243 : memref<128x128xf32, #tpu.memory_space<hbm>>) target_semaphore(%dma_start3A_241 : memref<!tpu.dma_semaphore, #tpu.memory_space<semaphore_mem>>)
      %mul3A_244 = arith.constant 5 : i32
      %mul3A_245 = arith.muli %add3A_104, %mul3A_244 : i32
      %add3A_246 = arith.constant 1 : i32
      %add3A_247 = arith.addi %mul3A_245, %add3A_246 : i32
      %dma_wait3A_248 = arith.constant 1 : i32
      %dma_wait3A_249 = arith.constant 1 : i32
      %dma_wait3A_250 = arith.constant 0 : i32
      %dma_wait3A_251 = tpu.memref_slice %arg8[%dma_wait3A_248, %dma_wait3A_250] : memref<40x128xi32, #tpu.memory_space<vmem>> -> memref<1x128xi32, #tpu.memory_space<vmem>>
      %dma_wait3A_252 = tpu.memref_squeeze %dma_wait3A_251 : memref<1x128xi32, #tpu.memory_space<vmem>> -> memref<128xi32, #tpu.memory_space<vmem>>
      %dma_wait3A_253 = arith.constant 0 : i32
      %dma_wait3A_254 = arith.constant 0 : i32
      %dma_wait3A_255 = tpu.memref_slice %arg3[%dma_wait3A_253, %dma_wait3A_254] : memref<10000x128xf32, #tpu.memory_space<hbm>> -> memref<10000x128xf32, #tpu.memory_space<hbm>>
      %dma_wait3A_256 = tpu.memref_slice %arg14[%dma_wait3A_249] : memref<5x!tpu.dma_semaphore, #tpu.memory_space<semaphore_mem>> -> memref<1x!tpu.dma_semaphore, #tpu.memory_space<semaphore_mem>>
      %dma_wait3A_257 = tpu.memref_squeeze %dma_wait3A_256 : memref<1x!tpu.dma_semaphore, #tpu.memory_space<semaphore_mem>> -> memref<!tpu.dma_semaphore, #tpu.memory_space<semaphore_mem>>
      tpu.wait_indirect_dma semaphore(%dma_wait3A_257 : memref<!tpu.dma_semaphore, #tpu.memory_space<semaphore_mem>>) src(%dma_wait3A_255 : memref<10000x128xf32, #tpu.memory_space<hbm>>) dst(%arg10 : memref<128x128xf32, #tpu.memory_space<vmem>>)
      %add3A_258 = arith.addi %mul3A_2, %add3A_247 : i32
      %mul3A_259 = arith.constant 128 : i32
      %mul3A_260 = arith.muli %add3A_258, %mul3A_259 : i32
      %dma_start3A_261 = arith.constant 1 : i32
      %dma_start3A_262 = arith.constant 0 : i32
      %dma_start3A_263 = tpu.memref_slice %arg6[%mul3A_260, %dma_start3A_262] : memref<163840x128xf32, #tpu.memory_space<hbm>> -> memref<128x128xf32, #tpu.memory_space<hbm>>
      %dma_start3A_264 = tpu.memref_slice %arg15[%dma_start3A_261] : memref<5x!tpu.dma_semaphore, #tpu.memory_space<semaphore_mem>> -> memref<1x!tpu.dma_semaphore, #tpu.memory_space<semaphore_mem>>
      %dma_start3A_265 = tpu.memref_squeeze %dma_start3A_264 : memref<1x!tpu.dma_semaphore, #tpu.memory_space<semaphore_mem>> -> memref<!tpu.dma_semaphore, #tpu.memory_space<semaphore_mem>>
      %dma_start3A_266 = arith.constant 0 : i32
      %dma_start3A_267 = tpu.memref_slice %arg6[%mul3A_260, %dma_start3A_266] : memref<163840x128xf32, #tpu.memory_space<hbm>> -> memref<128x128xf32, #tpu.memory_space<hbm>>
      tpu.enqueue_dma source(%arg10 : memref<128x128xf32, #tpu.memory_space<vmem>>) target(%dma_start3A_267 : memref<128x128xf32, #tpu.memory_space<hbm>>) target_semaphore(%dma_start3A_265 : memref<!tpu.dma_semaphore, #tpu.memory_space<semaphore_mem>>)
      %mul3A_268 = arith.constant 5 : i32
      %mul3A_269 = arith.muli %add3A_104, %mul3A_268 : i32
      %add3A_270 = arith.constant 2 : i32
      %add3A_271 = arith.addi %mul3A_269, %add3A_270 : i32
      %dma_wait3A_272 = arith.constant 2 : i32
      %dma_wait3A_273 = arith.constant 2 : i32
      %dma_wait3A_274 = arith.constant 0 : i32
      %dma_wait3A_275 = tpu.memref_slice %arg8[%dma_wait3A_272, %dma_wait3A_274] : memref<40x128xi32, #tpu.memory_space<vmem>> -> memref<1x128xi32, #tpu.memory_space<vmem>>
      %dma_wait3A_276 = tpu.memref_squeeze %dma_wait3A_275 : memref<1x128xi32, #tpu.memory_space<vmem>> -> memref<128xi32, #tpu.memory_space<vmem>>
      %dma_wait3A_277 = arith.constant 0 : i32
      %dma_wait3A_278 = arith.constant 0 : i32
      %dma_wait3A_279 = tpu.memref_slice %arg3[%dma_wait3A_277, %dma_wait3A_278] : memref<10000x128xf32, #tpu.memory_space<hbm>> -> memref<10000x128xf32, #tpu.memory_space<hbm>>
      %dma_wait3A_280 = tpu.memref_slice %arg14[%dma_wait3A_273] : memref<5x!tpu.dma_semaphore, #tpu.memory_space<semaphore_mem>> -> memref<1x!tpu.dma_semaphore, #tpu.memory_space<semaphore_mem>>
      %dma_wait3A_281 = tpu.memref_squeeze %dma_wait3A_280 : memref<1x!tpu.dma_semaphore, #tpu.memory_space<semaphore_mem>> -> memref<!tpu.dma_semaphore, #tpu.memory_space<semaphore_mem>>
      tpu.wait_indirect_dma semaphore(%dma_wait3A_281 : memref<!tpu.dma_semaphore, #tpu.memory_space<semaphore_mem>>) src(%dma_wait3A_279 : memref<10000x128xf32, #tpu.memory_space<hbm>>) dst(%arg11 : memref<128x128xf32, #tpu.memory_space<vmem>>)
      %add3A_282 = arith.addi %mul3A_2, %add3A_271 : i32
      %mul3A_283 = arith.constant 128 : i32
      %mul3A_284 = arith.muli %add3A_282, %mul3A_283 : i32
      %dma_start3A_285 = arith.constant 2 : i32
      %dma_start3A_286 = arith.constant 0 : i32
      %dma_start3A_287 = tpu.memref_slice %arg6[%mul3A_284, %dma_start3A_286] : memref<163840x128xf32, #tpu.memory_space<hbm>> -> memref<128x128xf32, #tpu.memory_space<hbm>>
      %dma_start3A_288 = tpu.memref_slice %arg15[%dma_start3A_285] : memref<5x!tpu.dma_semaphore, #tpu.memory_space<semaphore_mem>> -> memref<1x!tpu.dma_semaphore, #tpu.memory_space<semaphore_mem>>
      %dma_start3A_289 = tpu.memref_squeeze %dma_start3A_288 : memref<1x!tpu.dma_semaphore, #tpu.memory_space<semaphore_mem>> -> memref<!tpu.dma_semaphore, #tpu.memory_space<semaphore_mem>>
      %dma_start3A_290 = arith.constant 0 : i32
      %dma_start3A_291 = tpu.memref_slice %arg6[%mul3A_284, %dma_start3A_290] : memref<163840x128xf32, #tpu.memory_space<hbm>> -> memref<128x128xf32, #tpu.memory_space<hbm>>
      tpu.enqueue_dma source(%arg11 : memref<128x128xf32, #tpu.memory_space<vmem>>) target(%dma_start3A_291 : memref<128x128xf32, #tpu.memory_space<hbm>>) target_semaphore(%dma_start3A_289 : memref<!tpu.dma_semaphore, #tpu.memory_space<semaphore_mem>>)
      %mul3A_292 = arith.constant 5 : i32
      %mul3A_293 = arith.muli %add3A_104, %mul3A_292 : i32
      %add3A_294 = arith.constant 3 : i32
      %add3A_295 = arith.addi %mul3A_293, %add3A_294 : i32
      %dma_wait3A_296 = arith.constant 3 : i32
      %dma_wait3A_297 = arith.constant 3 : i32
      %dma_wait3A_298 = arith.constant 0 : i32
      %dma_wait3A_299 = tpu.memref_slice %arg8[%dma_wait3A_296, %dma_wait3A_298] : memref<40x128xi32, #tpu.memory_space<vmem>> -> memref<1x128xi32, #tpu.memory_space<vmem>>
      %dma_wait3A_300 = tpu.memref_squeeze %dma_wait3A_299 : memref<1x128xi32, #tpu.memory_space<vmem>> -> memref<128xi32, #tpu.memory_space<vmem>>
      %dma_wait3A_301 = arith.constant 0 : i32
      %dma_wait3A_302 = arith.constant 0 : i32
      %dma_wait3A_303 = tpu.memref_slice %arg3[%dma_wait3A_301, %dma_wait3A_302] : memref<10000x128xf32, #tpu.memory_space<hbm>> -> memref<10000x128xf32, #tpu.memory_space<hbm>>
      %dma_wait3A_304 = tpu.memref_slice %arg14[%dma_wait3A_297] : memref<5x!tpu.dma_semaphore, #tpu.memory_space<semaphore_mem>> -> memref<1x!tpu.dma_semaphore, #tpu.memory_space<semaphore_mem>>
      %dma_wait3A_305 = tpu.memref_squeeze %dma_wait3A_304 : memref<1x!tpu.dma_semaphore, #tpu.memory_space<semaphore_mem>> -> memref<!tpu.dma_semaphore, #tpu.memory_space<semaphore_mem>>
      tpu.wait_indirect_dma semaphore(%dma_wait3A_305 : memref<!tpu.dma_semaphore, #tpu.memory_space<semaphore_mem>>) src(%dma_wait3A_303 : memref<10000x128xf32, #tpu.memory_space<hbm>>) dst(%arg12 : memref<128x128xf32, #tpu.memory_space<vmem>>)
      %add3A_306 = arith.addi %mul3A_2, %add3A_295 : i32
      %mul3A_307 = arith.constant 128 : i32
      %mul3A_308 = arith.muli %add3A_306, %mul3A_307 : i32
      %dma_start3A_309 = arith.constant 3 : i32
      %dma_start3A_310 = arith.constant 0 : i32
      %dma_start3A_311 = tpu.memref_slice %arg6[%mul3A_308, %dma_start3A_310] : memref<163840x128xf32, #tpu.memory_space<hbm>> -> memref<128x128xf32, #tpu.memory_space<hbm>>
      %dma_start3A_312 = tpu.memref_slice %arg15[%dma_start3A_309] : memref<5x!tpu.dma_semaphore, #tpu.memory_space<semaphore_mem>> -> memref<1x!tpu.dma_semaphore, #tpu.memory_space<semaphore_mem>>
      %dma_start3A_313 = tpu.memref_squeeze %dma_start3A_312 : memref<1x!tpu.dma_semaphore, #tpu.memory_space<semaphore_mem>> -> memref<!tpu.dma_semaphore, #tpu.memory_space<semaphore_mem>>
      %dma_start3A_314 = arith.constant 0 : i32
      %dma_start3A_315 = tpu.memref_slice %arg6[%mul3A_308, %dma_start3A_314] : memref<163840x128xf32, #tpu.memory_space<hbm>> -> memref<128x128xf32, #tpu.memory_space<hbm>>
      tpu.enqueue_dma source(%arg12 : memref<128x128xf32, #tpu.memory_space<vmem>>) target(%dma_start3A_315 : memref<128x128xf32, #tpu.memory_space<hbm>>) target_semaphore(%dma_start3A_313 : memref<!tpu.dma_semaphore, #tpu.memory_space<semaphore_mem>>)
      %mul3A_316 = arith.constant 5 : i32
      %mul3A_317 = arith.muli %add3A_104, %mul3A_316 : i32
      %add3A_318 = arith.constant 4 : i32
      %add3A_319 = arith.addi %mul3A_317, %add3A_318 : i32
      %dma_wait3A_320 = arith.constant 4 : i32
      %dma_wait3A_321 = arith.constant 4 : i32
      %dma_wait3A_322 = arith.constant 0 : i32
      %dma_wait3A_323 = tpu.memref_slice %arg8[%dma_wait3A_320, %dma_wait3A_322] : memref<40x128xi32, #tpu.memory_space<vmem>> -> memref<1x128xi32, #tpu.memory_space<vmem>>
      %dma_wait3A_324 = tpu.memref_squeeze %dma_wait3A_323 : memref<1x128xi32, #tpu.memory_space<vmem>> -> memref<128xi32, #tpu.memory_space<vmem>>
      %dma_wait3A_325 = arith.constant 0 : i32
      %dma_wait3A_326 = arith.constant 0 : i32
      %dma_wait3A_327 = tpu.memref_slice %arg3[%dma_wait3A_325, %dma_wait3A_326] : memref<10000x128xf32, #tpu.memory_space<hbm>> -> memref<10000x128xf32, #tpu.memory_space<hbm>>
      %dma_wait3A_328 = tpu.memref_slice %arg14[%dma_wait3A_321] : memref<5x!tpu.dma_semaphore, #tpu.memory_space<semaphore_mem>> -> memref<1x!tpu.dma_semaphore, #tpu.memory_space<semaphore_mem>>
      %dma_wait3A_329 = tpu.memref_squeeze %dma_wait3A_328 : memref<1x!tpu.dma_semaphore, #tpu.memory_space<semaphore_mem>> -> memref<!tpu.dma_semaphore, #tpu.memory_space<semaphore_mem>>
      tpu.wait_indirect_dma semaphore(%dma_wait3A_329 : memref<!tpu.dma_semaphore, #tpu.memory_space<semaphore_mem>>) src(%dma_wait3A_327 : memref<10000x128xf32, #tpu.memory_space<hbm>>) dst(%arg13 : memref<128x128xf32, #tpu.memory_space<vmem>>)
      %add3A_330 = arith.addi %mul3A_2, %add3A_319 : i32
      %mul3A_331 = arith.constant 128 : i32
      %mul3A_332 = arith.muli %add3A_330, %mul3A_331 : i32
      %dma_start3A_333 = arith.constant 4 : i32
      %dma_start3A_334 = arith.constant 0 : i32
      %dma_start3A_335 = tpu.memref_slice %arg6[%mul3A_332, %dma_start3A_334] : memref<163840x128xf32, #tpu.memory_space<hbm>> -> memref<128x128xf32, #tpu.memory_space<hbm>>
      %dma_start3A_336 = tpu.memref_slice %arg15[%dma_start3A_333] : memref<5x!tpu.dma_semaphore, #tpu.memory_space<semaphore_mem>> -> memref<1x!tpu.dma_semaphore, #tpu.memory_space<semaphore_mem>>
      %dma_start3A_337 = tpu.memref_squeeze %dma_start3A_336 : memref<1x!tpu.dma_semaphore, #tpu.memory_space<semaphore_mem>> -> memref<!tpu.dma_semaphore, #tpu.memory_space<semaphore_mem>>
      %dma_start3A_338 = arith.constant 0 : i32
      %dma_start3A_339 = tpu.memref_slice %arg6[%mul3A_332, %dma_start3A_338] : memref<163840x128xf32, #tpu.memory_space<hbm>> -> memref<128x128xf32, #tpu.memory_space<hbm>>
      tpu.enqueue_dma source(%arg13 : memref<128x128xf32, #tpu.memory_space<vmem>>) target(%dma_start3A_339 : memref<128x128xf32, #tpu.memory_space<hbm>>) target_semaphore(%dma_start3A_337 : memref<!tpu.dma_semaphore, #tpu.memory_space<semaphore_mem>>)
      %add3A_340 = arith.constant 1 : i32
      %add3A_341 = arith.addi %add3A_104, %add3A_340 : i32
      %mul3A_342 = arith.constant 5 : i32
      %mul3A_343 = arith.muli %add3A_341, %mul3A_342 : i32
      %add3A_344 = arith.constant 0 : i32
      %add3A_345 = arith.addi %mul3A_343, %add3A_344 : i32
      %lt3A = arith.constant 40 : i32
      %lt3A_346 = arith.cmpi slt, %add3A_345, %lt3A : i32
      %convert_element_type3A = arith.extui %lt3A_346 : i1 to i32
      %cond3A = arith.constant 0 : i32
      %cond3A_347 = arith.cmpi ne, %convert_element_type3A, %cond3A : i32
      scf.if %cond3A_347 {
        %dma_wait3A_392 = arith.constant 0 : i32
        %dma_wait3A_393 = arith.constant 0 : i32
        %dma_wait3A_394 = arith.constant 0 : i32
        %dma_wait3A_395 = tpu.memref_slice %arg6[%dma_wait3A_393, %dma_wait3A_394] : memref<163840x128xf32, #tpu.memory_space<hbm>> -> memref<128x128xf32, #tpu.memory_space<hbm>>
        %dma_wait3A_396 = tpu.memref_slice %arg15[%dma_wait3A_392] : memref<5x!tpu.dma_semaphore, #tpu.memory_space<semaphore_mem>> -> memref<1x!tpu.dma_semaphore, #tpu.memory_space<semaphore_mem>>
        %dma_wait3A_397 = tpu.memref_squeeze %dma_wait3A_396 : memref<1x!tpu.dma_semaphore, #tpu.memory_space<semaphore_mem>> -> memref<!tpu.dma_semaphore, #tpu.memory_space<semaphore_mem>>
        %dma_wait3A_398 = arith.constant 0 : i32
        %dma_wait3A_399 = arith.constant 0 : i32
        %dma_wait3A_400 = tpu.memref_slice %arg6[%dma_wait3A_398, %dma_wait3A_399] : memref<163840x128xf32, #tpu.memory_space<hbm>> -> memref<128x128xf32, #tpu.memory_space<hbm>>
        tpu.wait_dma2 semaphore(%dma_wait3A_397 : memref<!tpu.dma_semaphore, #tpu.memory_space<semaphore_mem>>) src(%arg9 : memref<128x128xf32, #tpu.memory_space<vmem>>) dst(%dma_wait3A_400 : memref<128x128xf32, #tpu.memory_space<hbm>>)
        %dma_start3A_401 = arith.constant 0 : i32
        %dma_start3A_402 = arith.constant 0 : i32
        %dma_start3A_403 = tpu.memref_slice %arg7[%add3A_345, %dma_start3A_402] : memref<40x128xi32, #tpu.memory_space<vmem>> -> memref<1x128xi32, #tpu.memory_space<vmem>>
        %dma_start3A_404 = tpu.memref_squeeze %dma_start3A_403 : memref<1x128xi32, #tpu.memory_space<vmem>> -> memref<128xi32, #tpu.memory_space<vmem>>
        %dma_start3A_405 = arith.constant 0 : i32
        %dma_start3A_406 = arith.constant 0 : i32
        %dma_start3A_407 = tpu.memref_slice %arg2[%dma_start3A_405, %dma_start3A_406] : memref<10000x128xf32, #tpu.memory_space<hbm>> -> memref<10000x128xf32, #tpu.memory_space<hbm>>
        %dma_start3A_408 = tpu.memref_slice %arg14[%dma_start3A_401] : memref<5x!tpu.dma_semaphore, #tpu.memory_space<semaphore_mem>> -> memref<1x!tpu.dma_semaphore, #tpu.memory_space<semaphore_mem>>
        %dma_start3A_409 = tpu.memref_squeeze %dma_start3A_408 : memref<1x!tpu.dma_semaphore, #tpu.memory_space<semaphore_mem>> -> memref<!tpu.dma_semaphore, #tpu.memory_space<semaphore_mem>>
        tpu.enqueue_indirect_dma source(%dma_start3A_407 : memref<10000x128xf32, #tpu.memory_space<hbm>>) target(%arg9 : memref<128x128xf32, #tpu.memory_space<vmem>>) offsets(%dma_start3A_404 : memref<128xi32, #tpu.memory_space<vmem>>) semaphore(%dma_start3A_409 : memref<!tpu.dma_semaphore, #tpu.memory_space<semaphore_mem>>)
      } else {
      }
      %add3A_348 = arith.constant 1 : i32
      %add3A_349 = arith.addi %add3A_104, %add3A_348 : i32
      %mul3A_350 = arith.constant 5 : i32
      %mul3A_351 = arith.muli %add3A_349, %mul3A_350 : i32
      %add3A_352 = arith.constant 1 : i32
      %add3A_353 = arith.addi %mul3A_351, %add3A_352 : i32
      %lt3A_354 = arith.constant 40 : i32
      %lt3A_355 = arith.cmpi slt, %add3A_353, %lt3A_354 : i32
      %convert_element_type3A_356 = arith.extui %lt3A_355 : i1 to i32
      %cond3A_357 = arith.constant 0 : i32
      %cond3A_358 = arith.cmpi ne, %convert_element_type3A_356, %cond3A_357 : i32
      scf.if %cond3A_358 {
        %dma_wait3A_392 = arith.constant 1 : i32
        %dma_wait3A_393 = arith.constant 0 : i32
        %dma_wait3A_394 = arith.constant 0 : i32
        %dma_wait3A_395 = tpu.memref_slice %arg6[%dma_wait3A_393, %dma_wait3A_394] : memref<163840x128xf32, #tpu.memory_space<hbm>> -> memref<128x128xf32, #tpu.memory_space<hbm>>
        %dma_wait3A_396 = tpu.memref_slice %arg15[%dma_wait3A_392] : memref<5x!tpu.dma_semaphore, #tpu.memory_space<semaphore_mem>> -> memref<1x!tpu.dma_semaphore, #tpu.memory_space<semaphore_mem>>
        %dma_wait3A_397 = tpu.memref_squeeze %dma_wait3A_396 : memref<1x!tpu.dma_semaphore, #tpu.memory_space<semaphore_mem>> -> memref<!tpu.dma_semaphore, #tpu.memory_space<semaphore_mem>>
        %dma_wait3A_398 = arith.constant 0 : i32
        %dma_wait3A_399 = arith.constant 0 : i32
        %dma_wait3A_400 = tpu.memref_slice %arg6[%dma_wait3A_398, %dma_wait3A_399] : memref<163840x128xf32, #tpu.memory_space<hbm>> -> memref<128x128xf32, #tpu.memory_space<hbm>>
        tpu.wait_dma2 semaphore(%dma_wait3A_397 : memref<!tpu.dma_semaphore, #tpu.memory_space<semaphore_mem>>) src(%arg10 : memref<128x128xf32, #tpu.memory_space<vmem>>) dst(%dma_wait3A_400 : memref<128x128xf32, #tpu.memory_space<hbm>>)
        %dma_start3A_401 = arith.constant 1 : i32
        %dma_start3A_402 = arith.constant 0 : i32
        %dma_start3A_403 = tpu.memref_slice %arg7[%add3A_353, %dma_start3A_402] : memref<40x128xi32, #tpu.memory_space<vmem>> -> memref<1x128xi32, #tpu.memory_space<vmem>>
        %dma_start3A_404 = tpu.memref_squeeze %dma_start3A_403 : memref<1x128xi32, #tpu.memory_space<vmem>> -> memref<128xi32, #tpu.memory_space<vmem>>
        %dma_start3A_405 = arith.constant 0 : i32
        %dma_start3A_406 = arith.constant 0 : i32
        %dma_start3A_407 = tpu.memref_slice %arg2[%dma_start3A_405, %dma_start3A_406] : memref<10000x128xf32, #tpu.memory_space<hbm>> -> memref<10000x128xf32, #tpu.memory_space<hbm>>
        %dma_start3A_408 = tpu.memref_slice %arg14[%dma_start3A_401] : memref<5x!tpu.dma_semaphore, #tpu.memory_space<semaphore_mem>> -> memref<1x!tpu.dma_semaphore, #tpu.memory_space<semaphore_mem>>
        %dma_start3A_409 = tpu.memref_squeeze %dma_start3A_408 : memref<1x!tpu.dma_semaphore, #tpu.memory_space<semaphore_mem>> -> memref<!tpu.dma_semaphore, #tpu.memory_space<semaphore_mem>>
        tpu.enqueue_indirect_dma source(%dma_start3A_407 : memref<10000x128xf32, #tpu.memory_space<hbm>>) target(%arg10 : memref<128x128xf32, #tpu.memory_space<vmem>>) offsets(%dma_start3A_404 : memref<128xi32, #tpu.memory_space<vmem>>) semaphore(%dma_start3A_409 : memref<!tpu.dma_semaphore, #tpu.memory_space<semaphore_mem>>)
      } else {
      }
      %add3A_359 = arith.constant 1 : i32
      %add3A_360 = arith.addi %add3A_104, %add3A_359 : i32
      %mul3A_361 = arith.constant 5 : i32
      %mul3A_362 = arith.muli %add3A_360, %mul3A_361 : i32
      %add3A_363 = arith.constant 2 : i32
      %add3A_364 = arith.addi %mul3A_362, %add3A_363 : i32
      %lt3A_365 = arith.constant 40 : i32
      %lt3A_366 = arith.cmpi slt, %add3A_364, %lt3A_365 : i32
      %convert_element_type3A_367 = arith.extui %lt3A_366 : i1 to i32
      %cond3A_368 = arith.constant 0 : i32
      %cond3A_369 = arith.cmpi ne, %convert_element_type3A_367, %cond3A_368 : i32
      scf.if %cond3A_369 {
        %dma_wait3A_392 = arith.constant 2 : i32
        %dma_wait3A_393 = arith.constant 0 : i32
        %dma_wait3A_394 = arith.constant 0 : i32
        %dma_wait3A_395 = tpu.memref_slice %arg6[%dma_wait3A_393, %dma_wait3A_394] : memref<163840x128xf32, #tpu.memory_space<hbm>> -> memref<128x128xf32, #tpu.memory_space<hbm>>
        %dma_wait3A_396 = tpu.memref_slice %arg15[%dma_wait3A_392] : memref<5x!tpu.dma_semaphore, #tpu.memory_space<semaphore_mem>> -> memref<1x!tpu.dma_semaphore, #tpu.memory_space<semaphore_mem>>
        %dma_wait3A_397 = tpu.memref_squeeze %dma_wait3A_396 : memref<1x!tpu.dma_semaphore, #tpu.memory_space<semaphore_mem>> -> memref<!tpu.dma_semaphore, #tpu.memory_space<semaphore_mem>>
        %dma_wait3A_398 = arith.constant 0 : i32
        %dma_wait3A_399 = arith.constant 0 : i32
        %dma_wait3A_400 = tpu.memref_slice %arg6[%dma_wait3A_398, %dma_wait3A_399] : memref<163840x128xf32, #tpu.memory_space<hbm>> -> memref<128x128xf32, #tpu.memory_space<hbm>>
        tpu.wait_dma2 semaphore(%dma_wait3A_397 : memref<!tpu.dma_semaphore, #tpu.memory_space<semaphore_mem>>) src(%arg11 : memref<128x128xf32, #tpu.memory_space<vmem>>) dst(%dma_wait3A_400 : memref<128x128xf32, #tpu.memory_space<hbm>>)
        %dma_start3A_401 = arith.constant 2 : i32
        %dma_start3A_402 = arith.constant 0 : i32
        %dma_start3A_403 = tpu.memref_slice %arg7[%add3A_364, %dma_start3A_402] : memref<40x128xi32, #tpu.memory_space<vmem>> -> memref<1x128xi32, #tpu.memory_space<vmem>>
        %dma_start3A_404 = tpu.memref_squeeze %dma_start3A_403 : memref<1x128xi32, #tpu.memory_space<vmem>> -> memref<128xi32, #tpu.memory_space<vmem>>
        %dma_start3A_405 = arith.constant 0 : i32
        %dma_start3A_406 = arith.constant 0 : i32
        %dma_start3A_407 = tpu.memref_slice %arg2[%dma_start3A_405, %dma_start3A_406] : memref<10000x128xf32, #tpu.memory_space<hbm>> -> memref<10000x128xf32, #tpu.memory_space<hbm>>
        %dma_start3A_408 = tpu.memref_slice %arg14[%dma_start3A_401] : memref<5x!tpu.dma_semaphore, #tpu.memory_space<semaphore_mem>> -> memref<1x!tpu.dma_semaphore, #tpu.memory_space<semaphore_mem>>
        %dma_start3A_409 = tpu.memref_squeeze %dma_start3A_408 : memref<1x!tpu.dma_semaphore, #tpu.memory_space<semaphore_mem>> -> memref<!tpu.dma_semaphore, #tpu.memory_space<semaphore_mem>>
        tpu.enqueue_indirect_dma source(%dma_start3A_407 : memref<10000x128xf32, #tpu.memory_space<hbm>>) target(%arg11 : memref<128x128xf32, #tpu.memory_space<vmem>>) offsets(%dma_start3A_404 : memref<128xi32, #tpu.memory_space<vmem>>) semaphore(%dma_start3A_409 : memref<!tpu.dma_semaphore, #tpu.memory_space<semaphore_mem>>)
      } else {
      }
      %add3A_370 = arith.constant 1 : i32
      %add3A_371 = arith.addi %add3A_104, %add3A_370 : i32
      %mul3A_372 = arith.constant 5 : i32
      %mul3A_373 = arith.muli %add3A_371, %mul3A_372 : i32
      %add3A_374 = arith.constant 3 : i32
      %add3A_375 = arith.addi %mul3A_373, %add3A_374 : i32
      %lt3A_376 = arith.constant 40 : i32
      %lt3A_377 = arith.cmpi slt, %add3A_375, %lt3A_376 : i32
      %convert_element_type3A_378 = arith.extui %lt3A_377 : i1 to i32
      %cond3A_379 = arith.constant 0 : i32
      %cond3A_380 = arith.cmpi ne, %convert_element_type3A_378, %cond3A_379 : i32
      scf.if %cond3A_380 {
        %dma_wait3A_392 = arith.constant 3 : i32
        %dma_wait3A_393 = arith.constant 0 : i32
        %dma_wait3A_394 = arith.constant 0 : i32
        %dma_wait3A_395 = tpu.memref_slice %arg6[%dma_wait3A_393, %dma_wait3A_394] : memref<163840x128xf32, #tpu.memory_space<hbm>> -> memref<128x128xf32, #tpu.memory_space<hbm>>
        %dma_wait3A_396 = tpu.memref_slice %arg15[%dma_wait3A_392] : memref<5x!tpu.dma_semaphore, #tpu.memory_space<semaphore_mem>> -> memref<1x!tpu.dma_semaphore, #tpu.memory_space<semaphore_mem>>
        %dma_wait3A_397 = tpu.memref_squeeze %dma_wait3A_396 : memref<1x!tpu.dma_semaphore, #tpu.memory_space<semaphore_mem>> -> memref<!tpu.dma_semaphore, #tpu.memory_space<semaphore_mem>>
        %dma_wait3A_398 = arith.constant 0 : i32
        %dma_wait3A_399 = arith.constant 0 : i32
        %dma_wait3A_400 = tpu.memref_slice %arg6[%dma_wait3A_398, %dma_wait3A_399] : memref<163840x128xf32, #tpu.memory_space<hbm>> -> memref<128x128xf32, #tpu.memory_space<hbm>>
        tpu.wait_dma2 semaphore(%dma_wait3A_397 : memref<!tpu.dma_semaphore, #tpu.memory_space<semaphore_mem>>) src(%arg12 : memref<128x128xf32, #tpu.memory_space<vmem>>) dst(%dma_wait3A_400 : memref<128x128xf32, #tpu.memory_space<hbm>>)
        %dma_start3A_401 = arith.constant 3 : i32
        %dma_start3A_402 = arith.constant 0 : i32
        %dma_start3A_403 = tpu.memref_slice %arg7[%add3A_375, %dma_start3A_402] : memref<40x128xi32, #tpu.memory_space<vmem>> -> memref<1x128xi32, #tpu.memory_space<vmem>>
        %dma_start3A_404 = tpu.memref_squeeze %dma_start3A_403 : memref<1x128xi32, #tpu.memory_space<vmem>> -> memref<128xi32, #tpu.memory_space<vmem>>
        %dma_start3A_405 = arith.constant 0 : i32
        %dma_start3A_406 = arith.constant 0 : i32
        %dma_start3A_407 = tpu.memref_slice %arg2[%dma_start3A_405, %dma_start3A_406] : memref<10000x128xf32, #tpu.memory_space<hbm>> -> memref<10000x128xf32, #tpu.memory_space<hbm>>
        %dma_start3A_408 = tpu.memref_slice %arg14[%dma_start3A_401] : memref<5x!tpu.dma_semaphore, #tpu.memory_space<semaphore_mem>> -> memref<1x!tpu.dma_semaphore, #tpu.memory_space<semaphore_mem>>
        %dma_start3A_409 = tpu.memref_squeeze %dma_start3A_408 : memref<1x!tpu.dma_semaphore, #tpu.memory_space<semaphore_mem>> -> memref<!tpu.dma_semaphore, #tpu.memory_space<semaphore_mem>>
        tpu.enqueue_indirect_dma source(%dma_start3A_407 : memref<10000x128xf32, #tpu.memory_space<hbm>>) target(%arg12 : memref<128x128xf32, #tpu.memory_space<vmem>>) offsets(%dma_start3A_404 : memref<128xi32, #tpu.memory_space<vmem>>) semaphore(%dma_start3A_409 : memref<!tpu.dma_semaphore, #tpu.memory_space<semaphore_mem>>)
      } else {
      }
      %add3A_381 = arith.constant 1 : i32
      %add3A_382 = arith.addi %add3A_104, %add3A_381 : i32
      %mul3A_383 = arith.constant 5 : i32
      %mul3A_384 = arith.muli %add3A_382, %mul3A_383 : i32
      %add3A_385 = arith.constant 4 : i32
      %add3A_386 = arith.addi %mul3A_384, %add3A_385 : i32
      %lt3A_387 = arith.constant 40 : i32
      %lt3A_388 = arith.cmpi slt, %add3A_386, %lt3A_387 : i32
      %convert_element_type3A_389 = arith.extui %lt3A_388 : i1 to i32
      %cond3A_390 = arith.constant 0 : i32
      %cond3A_391 = arith.cmpi ne, %convert_element_type3A_389, %cond3A_390 : i32
      scf.if %cond3A_391 {
        %dma_wait3A_392 = arith.constant 4 : i32
        %dma_wait3A_393 = arith.constant 0 : i32
        %dma_wait3A_394 = arith.constant 0 : i32
        %dma_wait3A_395 = tpu.memref_slice %arg6[%dma_wait3A_393, %dma_wait3A_394] : memref<163840x128xf32, #tpu.memory_space<hbm>> -> memref<128x128xf32, #tpu.memory_space<hbm>>
        %dma_wait3A_396 = tpu.memref_slice %arg15[%dma_wait3A_392] : memref<5x!tpu.dma_semaphore, #tpu.memory_space<semaphore_mem>> -> memref<1x!tpu.dma_semaphore, #tpu.memory_space<semaphore_mem>>
        %dma_wait3A_397 = tpu.memref_squeeze %dma_wait3A_396 : memref<1x!tpu.dma_semaphore, #tpu.memory_space<semaphore_mem>> -> memref<!tpu.dma_semaphore, #tpu.memory_space<semaphore_mem>>
        %dma_wait3A_398 = arith.constant 0 : i32
        %dma_wait3A_399 = arith.constant 0 : i32
        %dma_wait3A_400 = tpu.memref_slice %arg6[%dma_wait3A_398, %dma_wait3A_399] : memref<163840x128xf32, #tpu.memory_space<hbm>> -> memref<128x128xf32, #tpu.memory_space<hbm>>
        tpu.wait_dma2 semaphore(%dma_wait3A_397 : memref<!tpu.dma_semaphore, #tpu.memory_space<semaphore_mem>>) src(%arg13 : memref<128x128xf32, #tpu.memory_space<vmem>>) dst(%dma_wait3A_400 : memref<128x128xf32, #tpu.memory_space<hbm>>)
        %dma_start3A_401 = arith.constant 4 : i32
        %dma_start3A_402 = arith.constant 0 : i32
        %dma_start3A_403 = tpu.memref_slice %arg7[%add3A_386, %dma_start3A_402] : memref<40x128xi32, #tpu.memory_space<vmem>> -> memref<1x128xi32, #tpu.memory_space<vmem>>
        %dma_start3A_404 = tpu.memref_squeeze %dma_start3A_403 : memref<1x128xi32, #tpu.memory_space<vmem>> -> memref<128xi32, #tpu.memory_space<vmem>>
        %dma_start3A_405 = arith.constant 0 : i32
        %dma_start3A_406 = arith.constant 0 : i32
        %dma_start3A_407 = tpu.memref_slice %arg2[%dma_start3A_405, %dma_start3A_406] : memref<10000x128xf32, #tpu.memory_space<hbm>> -> memref<10000x128xf32, #tpu.memory_space<hbm>>
        %dma_start3A_408 = tpu.memref_slice %arg14[%dma_start3A_401] : memref<5x!tpu.dma_semaphore, #tpu.memory_space<semaphore_mem>> -> memref<1x!tpu.dma_semaphore, #tpu.memory_space<semaphore_mem>>
        %dma_start3A_409 = tpu.memref_squeeze %dma_start3A_408 : memref<1x!tpu.dma_semaphore, #tpu.memory_space<semaphore_mem>> -> memref<!tpu.dma_semaphore, #tpu.memory_space<semaphore_mem>>
        tpu.enqueue_indirect_dma source(%dma_start3A_407 : memref<10000x128xf32, #tpu.memory_space<hbm>>) target(%arg13 : memref<128x128xf32, #tpu.memory_space<vmem>>) offsets(%dma_start3A_404 : memref<128xi32, #tpu.memory_space<vmem>>) semaphore(%dma_start3A_409 : memref<!tpu.dma_semaphore, #tpu.memory_space<semaphore_mem>>)
      } else {
      }
    }
    %scan3A_55 = arith.constant 8 : i32
    %dma_wait3A = arith.constant 0 : i32
    %dma_wait3A_56 = arith.constant 0 : i32
    %dma_wait3A_57 = arith.constant 0 : i32
    %dma_wait3A_58 = tpu.memref_slice %arg6[%dma_wait3A_56, %dma_wait3A_57] : memref<163840x128xf32, #tpu.memory_space<hbm>> -> memref<128x128xf32, #tpu.memory_space<hbm>>
    %dma_wait3A_59 = tpu.memref_slice %arg15[%dma_wait3A] : memref<5x!tpu.dma_semaphore, #tpu.memory_space<semaphore_mem>> -> memref<1x!tpu.dma_semaphore, #tpu.memory_space<semaphore_mem>>
    %dma_wait3A_60 = tpu.memref_squeeze %dma_wait3A_59 : memref<1x!tpu.dma_semaphore, #tpu.memory_space<semaphore_mem>> -> memref<!tpu.dma_semaphore, #tpu.memory_space<semaphore_mem>>
    %dma_wait3A_61 = arith.constant 0 : i32
    %dma_wait3A_62 = arith.constant 0 : i32
    %dma_wait3A_63 = tpu.memref_slice %arg6[%dma_wait3A_61, %dma_wait3A_62] : memref<163840x128xf32, #tpu.memory_space<hbm>> -> memref<128x128xf32, #tpu.memory_space<hbm>>
    tpu.wait_dma2 semaphore(%dma_wait3A_60 : memref<!tpu.dma_semaphore, #tpu.memory_space<semaphore_mem>>) src(%arg9 : memref<128x128xf32, #tpu.memory_space<vmem>>) dst(%dma_wait3A_63 : memref<128x128xf32, #tpu.memory_space<hbm>>)
    %dma_wait3A_64 = arith.constant 1 : i32
    %dma_wait3A_65 = arith.constant 0 : i32
    %dma_wait3A_66 = arith.constant 0 : i32
    %dma_wait3A_67 = tpu.memref_slice %arg6[%dma_wait3A_65, %dma_wait3A_66] : memref<163840x128xf32, #tpu.memory_space<hbm>> -> memref<128x128xf32, #tpu.memory_space<hbm>>
    %dma_wait3A_68 = tpu.memref_slice %arg15[%dma_wait3A_64] : memref<5x!tpu.dma_semaphore, #tpu.memory_space<semaphore_mem>> -> memref<1x!tpu.dma_semaphore, #tpu.memory_space<semaphore_mem>>
    %dma_wait3A_69 = tpu.memref_squeeze %dma_wait3A_68 : memref<1x!tpu.dma_semaphore, #tpu.memory_space<semaphore_mem>> -> memref<!tpu.dma_semaphore, #tpu.memory_space<semaphore_mem>>
    %dma_wait3A_70 = arith.constant 0 : i32
    %dma_wait3A_71 = arith.constant 0 : i32
    %dma_wait3A_72 = tpu.memref_slice %arg6[%dma_wait3A_70, %dma_wait3A_71] : memref<163840x128xf32, #tpu.memory_space<hbm>> -> memref<128x128xf32, #tpu.memory_space<hbm>>
    tpu.wait_dma2 semaphore(%dma_wait3A_69 : memref<!tpu.dma_semaphore, #tpu.memory_space<semaphore_mem>>) src(%arg10 : memref<128x128xf32, #tpu.memory_space<vmem>>) dst(%dma_wait3A_72 : memref<128x128xf32, #tpu.memory_space<hbm>>)
    %dma_wait3A_73 = arith.constant 2 : i32
    %dma_wait3A_74 = arith.constant 0 : i32
    %dma_wait3A_75 = arith.constant 0 : i32
    %dma_wait3A_76 = tpu.memref_slice %arg6[%dma_wait3A_74, %dma_wait3A_75] : memref<163840x128xf32, #tpu.memory_space<hbm>> -> memref<128x128xf32, #tpu.memory_space<hbm>>
    %dma_wait3A_77 = tpu.memref_slice %arg15[%dma_wait3A_73] : memref<5x!tpu.dma_semaphore, #tpu.memory_space<semaphore_mem>> -> memref<1x!tpu.dma_semaphore, #tpu.memory_space<semaphore_mem>>
    %dma_wait3A_78 = tpu.memref_squeeze %dma_wait3A_77 : memref<1x!tpu.dma_semaphore, #tpu.memory_space<semaphore_mem>> -> memref<!tpu.dma_semaphore, #tpu.memory_space<semaphore_mem>>
    %dma_wait3A_79 = arith.constant 0 : i32
    %dma_wait3A_80 = arith.constant 0 : i32
    %dma_wait3A_81 = tpu.memref_slice %arg6[%dma_wait3A_79, %dma_wait3A_80] : memref<163840x128xf32, #tpu.memory_space<hbm>> -> memref<128x128xf32, #tpu.memory_space<hbm>>
    tpu.wait_dma2 semaphore(%dma_wait3A_78 : memref<!tpu.dma_semaphore, #tpu.memory_space<semaphore_mem>>) src(%arg11 : memref<128x128xf32, #tpu.memory_space<vmem>>) dst(%dma_wait3A_81 : memref<128x128xf32, #tpu.memory_space<hbm>>)
    %dma_wait3A_82 = arith.constant 3 : i32
    %dma_wait3A_83 = arith.constant 0 : i32
    %dma_wait3A_84 = arith.constant 0 : i32
    %dma_wait3A_85 = tpu.memref_slice %arg6[%dma_wait3A_83, %dma_wait3A_84] : memref<163840x128xf32, #tpu.memory_space<hbm>> -> memref<128x128xf32, #tpu.memory_space<hbm>>
    %dma_wait3A_86 = tpu.memref_slice %arg15[%dma_wait3A_82] : memref<5x!tpu.dma_semaphore, #tpu.memory_space<semaphore_mem>> -> memref<1x!tpu.dma_semaphore, #tpu.memory_space<semaphore_mem>>
    %dma_wait3A_87 = tpu.memref_squeeze %dma_wait3A_86 : memref<1x!tpu.dma_semaphore, #tpu.memory_space<semaphore_mem>> -> memref<!tpu.dma_semaphore, #tpu.memory_space<semaphore_mem>>
    %dma_wait3A_88 = arith.constant 0 : i32
    %dma_wait3A_89 = arith.constant 0 : i32
    %dma_wait3A_90 = tpu.memref_slice %arg6[%dma_wait3A_88, %dma_wait3A_89] : memref<163840x128xf32, #tpu.memory_space<hbm>> -> memref<128x128xf32, #tpu.memory_space<hbm>>
    tpu.wait_dma2 semaphore(%dma_wait3A_87 : memref<!tpu.dma_semaphore, #tpu.memory_space<semaphore_mem>>) src(%arg12 : memref<128x128xf32, #tpu.memory_space<vmem>>) dst(%dma_wait3A_90 : memref<128x128xf32, #tpu.memory_space<hbm>>)
    %dma_wait3A_91 = arith.constant 4 : i32
    %dma_wait3A_92 = arith.constant 0 : i32
    %dma_wait3A_93 = arith.constant 0 : i32
    %dma_wait3A_94 = tpu.memref_slice %arg6[%dma_wait3A_92, %dma_wait3A_93] : memref<163840x128xf32, #tpu.memory_space<hbm>> -> memref<128x128xf32, #tpu.memory_space<hbm>>
    %dma_wait3A_95 = tpu.memref_slice %arg15[%dma_wait3A_91] : memref<5x!tpu.dma_semaphore, #tpu.memory_space<semaphore_mem>> -> memref<1x!tpu.dma_semaphore, #tpu.memory_space<semaphore_mem>>
    %dma_wait3A_96 = tpu.memref_squeeze %dma_wait3A_95 : memref<1x!tpu.dma_semaphore, #tpu.memory_space<semaphore_mem>> -> memref<!tpu.dma_semaphore, #tpu.memory_space<semaphore_mem>>
    %dma_wait3A_97 = arith.constant 0 : i32
    %dma_wait3A_98 = arith.constant 0 : i32
    %dma_wait3A_99 = tpu.memref_slice %arg6[%dma_wait3A_97, %dma_wait3A_98] : memref<163840x128xf32, #tpu.memory_space<hbm>> -> memref<128x128xf32, #tpu.memory_space<hbm>>
    tpu.wait_dma2 semaphore(%dma_wait3A_96 : memref<!tpu.dma_semaphore, #tpu.memory_space<semaphore_mem>>) src(%arg13 : memref<128x128xf32, #tpu.memory_space<vmem>>) dst(%dma_wait3A_99 : memref<128x128xf32, #tpu.memory_space<hbm>>)
    return
  }
}

#map = affine_map<(d0, d1) -> (0, 0)>
#map1 = affine_map<(d0, d1) -> (0, 0, 0)>
module attributes {stable_mosaic.version = 14 : i64} {
  func.func @_scatter_kernel(%arg0: i32, %arg1: i32, %arg2: memref<163840x128xf32, #tpu.memory_space<hbm>>, %arg3: memref<32x40x128xi32, #tpu.memory_space<hbm>>, %arg4: memref<2x10240x128xf32, #tpu.memory_space<hbm>>, %arg5: memref<40x128xi32, #tpu.memory_space<vmem>>, %arg6: memref<128x128xf32, #tpu.memory_space<vmem>>, %arg7: memref<128x128xf32, #tpu.memory_space<vmem>>, %arg8: memref<10240x128xf32, #tpu.memory_space<vmem_shared>>, %arg9: memref<2x!tpu.dma_semaphore, #tpu.memory_space<semaphore_mem>>) attributes {dimension_semantics = [#tpu.dimension_semantics<core_parallel>, #tpu.dimension_semantics<subcore_parallel>], iteration_bounds = array<i64: 2, 16>, scalar_prefetch = 0 : i64, scratch_operands = 5 : i64, tpu.core_type = #tpu.core_type<sc_vector_subcore>, window_params = [{transform_indices = #map}, {transform_indices = #map1}, {transform_indices = #map1}]} {
    %mul3A = arith.constant 2 : i32
    %mul3A_0 = arith.muli %arg1, %mul3A : i32
    %add3A = arith.addi %mul3A_0, %arg0 : i32
    "tpu.region"() ({
      %run_scoped3A = tpu.sem_alloc : memref<!tpu.dma_semaphore, #tpu.memory_space<semaphore_mem>>
      %dma_start3A_56 = arith.constant 0 : i32
      %dma_start3A_57 = arith.constant 0 : i32
      %dma_start3A_58 = tpu.memref_slice %arg3[%add3A, %dma_start3A_56, %dma_start3A_57] : memref<32x40x128xi32, #tpu.memory_space<hbm>> -> memref<1x40x128xi32, #tpu.memory_space<hbm>>
      %dma_start3A_59 = tpu.memref_squeeze %dma_start3A_58 : memref<1x40x128xi32, #tpu.memory_space<hbm>> -> memref<40x128xi32, #tpu.memory_space<hbm>>
      %dma_start3A_60 = arith.constant 0 : i32
      %dma_start3A_61 = arith.constant 0 : i32
      %dma_start3A_62 = tpu.memref_slice %arg3[%add3A, %dma_start3A_60, %dma_start3A_61] : memref<32x40x128xi32, #tpu.memory_space<hbm>> -> memref<1x40x128xi32, #tpu.memory_space<hbm>>
      %dma_start3A_63 = tpu.memref_squeeze %dma_start3A_62 : memref<1x40x128xi32, #tpu.memory_space<hbm>> -> memref<40x128xi32, #tpu.memory_space<hbm>>
      tpu.enqueue_dma source(%dma_start3A_63 : memref<40x128xi32, #tpu.memory_space<hbm>>) target(%arg5 : memref<40x128xi32, #tpu.memory_space<vmem>>) target_semaphore(%run_scoped3A : memref<!tpu.dma_semaphore, #tpu.memory_space<semaphore_mem>>)
      %dma_wait3A = arith.constant 0 : i32
      %dma_wait3A_64 = arith.constant 0 : i32
      %dma_wait3A_65 = tpu.memref_slice %arg3[%add3A, %dma_wait3A, %dma_wait3A_64] : memref<32x40x128xi32, #tpu.memory_space<hbm>> -> memref<1x40x128xi32, #tpu.memory_space<hbm>>
      %dma_wait3A_66 = tpu.memref_squeeze %dma_wait3A_65 : memref<1x40x128xi32, #tpu.memory_space<hbm>> -> memref<40x128xi32, #tpu.memory_space<hbm>>
      %dma_wait3A_67 = arith.constant 0 : i32
      %dma_wait3A_68 = arith.constant 0 : i32
      %dma_wait3A_69 = tpu.memref_slice %arg3[%add3A, %dma_wait3A_67, %dma_wait3A_68] : memref<32x40x128xi32, #tpu.memory_space<hbm>> -> memref<1x40x128xi32, #tpu.memory_space<hbm>>
      %dma_wait3A_70 = tpu.memref_squeeze %dma_wait3A_69 : memref<1x40x128xi32, #tpu.memory_space<hbm>> -> memref<40x128xi32, #tpu.memory_space<hbm>>
      tpu.wait_dma2 semaphore(%run_scoped3A : memref<!tpu.dma_semaphore, #tpu.memory_space<semaphore_mem>>) src(%dma_wait3A_70 : memref<40x128xi32, #tpu.memory_space<hbm>>) dst(%arg5 : memref<40x128xi32, #tpu.memory_space<vmem>>)
      tpu.yield
    }) : () -> ()
    %scan3A = arith.constant 0 : i32
    %scan3A_1 = arith.constant 1024 : i32
    %scan3A_2 = arith.addi %scan3A, %scan3A_1 : i32
    %scan3A_3 = arith.constant 1 : i32
    scf.for %scan3A_56 = %scan3A to %scan3A_2 step %scan3A_3  : i32 {
      %mul3A_57 = arith.constant 1 : i32
      %mul3A_58 = arith.muli %scan3A_56, %mul3A_57 : i32
      %add3A_59 = arith.constant 0 : i32
      %add3A_60 = arith.addi %add3A_59, %mul3A_58 : i32
      %broadcast_in_dim3A = arith.constant 0.000000e+00 : f32
      %broadcast_in_dim3A_61 = vector.broadcast %broadcast_in_dim3A : f32 to vector<16xf32>
      %jit3A = arith.constant 8 : i32
      %div3A = arith.divsi %add3A_60, %jit3A : i32
      %sign3A = arith.constant 0 : i32
      %sign3A_62 = arith.cmpi sgt, %add3A_60, %sign3A : i32
      %sign3A_63 = arith.extui %sign3A_62 : i1 to i32
      %sign3A_64 = arith.constant 0 : i32
      %sign3A_65 = arith.cmpi slt, %add3A_60, %sign3A_64 : i32
      %sign3A_66 = arith.extui %sign3A_65 : i1 to i32
      %sign3A_67 = arith.subi %sign3A_63, %sign3A_66 : i32
      %sign3A_68 = arith.constant 0 : i32
      %sign3A_69 = arith.cmpi sgt, %jit3A, %sign3A_68 : i32
      %sign3A_70 = arith.extui %sign3A_69 : i1 to i32
      %sign3A_71 = arith.constant 0 : i32
      %sign3A_72 = arith.cmpi slt, %jit3A, %sign3A_71 : i32
      %sign3A_73 = arith.extui %sign3A_72 : i1 to i32
      %sign3A_74 = arith.subi %sign3A_70, %sign3A_73 : i32
      %ne3A = arith.cmpi ne, %sign3A_67, %sign3A_74 : i32
      %rem3A = arith.remsi %add3A_60, %jit3A : i32
      %ne3A_75 = arith.constant 0 : i32
      %ne3A_76 = arith.cmpi ne, %rem3A, %ne3A_75 : i32
      %and3A = arith.andi %ne3A, %ne3A_76 : i1
      %sub3A = arith.constant 1 : i32
      %sub3A_77 = arith.subi %div3A, %sub3A : i32
      %select_n3A = arith.select %and3A, %sub3A_77, %div3A : i32
      %jit3A_78 = arith.constant 8 : i32
      %eq3A = arith.constant 0 : i32
      %eq3A_79 = arith.cmpi eq, %jit3A_78, %eq3A : i32
      %jit3A_80 = arith.constant 1 : i32
      %select_n3A_81 = arith.select %eq3A_79, %jit3A_80, %jit3A_78 : i32
      %rem3A_82 = arith.remsi %add3A_60, %select_n3A_81 : i32
      %ne3A_83 = arith.constant 0 : i32
      %ne3A_84 = arith.cmpi ne, %rem3A_82, %ne3A_83 : i32
      %lt3A = arith.constant 0 : i32
      %lt3A_85 = arith.cmpi slt, %rem3A_82, %lt3A : i32
      %lt3A_86 = arith.constant 0 : i32
      %lt3A_87 = arith.cmpi slt, %select_n3A_81, %lt3A_86 : i32
      %ne3A_88 = arith.xori %lt3A_85, %lt3A_87 : i1
      %and3A_89 = arith.andi %ne3A_88, %ne3A_84 : i1
      %add3A_90 = arith.addi %rem3A_82, %select_n3A_81 : i32
      %select_n3A_91 = arith.select %and3A_89, %add3A_90, %rem3A_82 : i32
      %mul3A_92 = arith.constant 16 : i32
      %mul3A_93 = arith.muli %select_n3A_91, %mul3A_92 : i32
      %swap3A = arith.index_cast %select_n3A : i32 to index
      %swap3A_94 = arith.index_cast %mul3A_93 : i32 to index
      %swap3A_95 = tpu.vector_load %arg6[%swap3A, %swap3A_94] {strides = array<i32>} : memref<128x128xf32, #tpu.memory_space<vmem>>, vector<1x16xf32>,
      %swap3A_96 = vector.shape_cast %swap3A_95 : vector<1x16xf32> to vector<16xf32>
      %swap3A_97 = vector.shape_cast %broadcast_in_dim3A_61 : vector<16xf32> to vector<1x16xf32>
      tpu.vector_store %arg6[%swap3A, %swap3A_94], %swap3A_97 {strides = array<i32>} : memref<128x128xf32, #tpu.memory_space<vmem>>, vector<1x16xf32>,
    }
    %scan3A_4 = arith.constant 1024 : i32
    %mul3A_5 = arith.constant 640 : i32
    %mul3A_6 = arith.muli %arg1, %mul3A_5 : i32
    %add3A_7 = arith.constant 0 : i32
    %add3A_8 = arith.addi %mul3A_6, %add3A_7 : i32
    "tpu.region"() ({
      %run_scoped3A = tpu.sem_alloc : memref<!tpu.dma_semaphore, #tpu.memory_space<semaphore_mem>>
      %dma_start3A_56 = arith.constant 0 : i32
      %dma_start3A_57 = tpu.memref_slice %arg8[%add3A_8, %dma_start3A_56] : memref<10240x128xf32, #tpu.memory_space<vmem_shared>> -> memref<128x128xf32, #tpu.memory_space<vmem_shared>>
      %dma_start3A_58 = arith.constant 0 : i32
      %dma_start3A_59 = tpu.memref_slice %arg8[%add3A_8, %dma_start3A_58] : memref<10240x128xf32, #tpu.memory_space<vmem_shared>> -> memref<128x128xf32, #tpu.memory_space<vmem_shared>>
      tpu.enqueue_dma source(%arg6 : memref<128x128xf32, #tpu.memory_space<vmem>>) target(%dma_start3A_59 : memref<128x128xf32, #tpu.memory_space<vmem_shared>>) target_semaphore(%run_scoped3A : memref<!tpu.dma_semaphore, #tpu.memory_space<semaphore_mem>>)
      %dma_wait3A = arith.constant 0 : i32
      %dma_wait3A_60 = tpu.memref_slice %arg8[%add3A_8, %dma_wait3A] : memref<10240x128xf32, #tpu.memory_space<vmem_shared>> -> memref<128x128xf32, #tpu.memory_space<vmem_shared>>
      %dma_wait3A_61 = arith.constant 0 : i32
      %dma_wait3A_62 = tpu.memref_slice %arg8[%add3A_8, %dma_wait3A_61] : memref<10240x128xf32, #tpu.memory_space<vmem_shared>> -> memref<128x128xf32, #tpu.memory_space<vmem_shared>>
      tpu.wait_dma2 semaphore(%run_scoped3A : memref<!tpu.dma_semaphore, #tpu.memory_space<semaphore_mem>>) src(%arg6 : memref<128x128xf32, #tpu.memory_space<vmem>>) dst(%dma_wait3A_62 : memref<128x128xf32, #tpu.memory_space<vmem_shared>>)
      tpu.yield
    }) : () -> ()
    %mul3A_9 = arith.constant 640 : i32
    %mul3A_10 = arith.muli %arg1, %mul3A_9 : i32
    %add3A_11 = arith.constant 128 : i32
    %add3A_12 = arith.addi %mul3A_10, %add3A_11 : i32
    "tpu.region"() ({
      %run_scoped3A = tpu.sem_alloc : memref<!tpu.dma_semaphore, #tpu.memory_space<semaphore_mem>>
      %dma_start3A_56 = arith.constant 0 : i32
      %dma_start3A_57 = tpu.memref_slice %arg8[%add3A_12, %dma_start3A_56] : memref<10240x128xf32, #tpu.memory_space<vmem_shared>> -> memref<128x128xf32, #tpu.memory_space<vmem_shared>>
      %dma_start3A_58 = arith.constant 0 : i32
      %dma_start3A_59 = tpu.memref_slice %arg8[%add3A_12, %dma_start3A_58] : memref<10240x128xf32, #tpu.memory_space<vmem_shared>> -> memref<128x128xf32, #tpu.memory_space<vmem_shared>>
      tpu.enqueue_dma source(%arg6 : memref<128x128xf32, #tpu.memory_space<vmem>>) target(%dma_start3A_59 : memref<128x128xf32, #tpu.memory_space<vmem_shared>>) target_semaphore(%run_scoped3A : memref<!tpu.dma_semaphore, #tpu.memory_space<semaphore_mem>>)
      %dma_wait3A = arith.constant 0 : i32
      %dma_wait3A_60 = tpu.memref_slice %arg8[%add3A_12, %dma_wait3A] : memref<10240x128xf32, #tpu.memory_space<vmem_shared>> -> memref<128x128xf32, #tpu.memory_space<vmem_shared>>
      %dma_wait3A_61 = arith.constant 0 : i32
      %dma_wait3A_62 = tpu.memref_slice %arg8[%add3A_12, %dma_wait3A_61] : memref<10240x128xf32, #tpu.memory_space<vmem_shared>> -> memref<128x128xf32, #tpu.memory_space<vmem_shared>>
      tpu.wait_dma2 semaphore(%run_scoped3A : memref<!tpu.dma_semaphore, #tpu.memory_space<semaphore_mem>>) src(%arg6 : memref<128x128xf32, #tpu.memory_space<vmem>>) dst(%dma_wait3A_62 : memref<128x128xf32, #tpu.memory_space<vmem_shared>>)
      tpu.yield
    }) : () -> ()
    %mul3A_13 = arith.constant 640 : i32
    %mul3A_14 = arith.muli %arg1, %mul3A_13 : i32
    %add3A_15 = arith.constant 256 : i32
    %add3A_16 = arith.addi %mul3A_14, %add3A_15 : i32
    "tpu.region"() ({
      %run_scoped3A = tpu.sem_alloc : memref<!tpu.dma_semaphore, #tpu.memory_space<semaphore_mem>>
      %dma_start3A_56 = arith.constant 0 : i32
      %dma_start3A_57 = tpu.memref_slice %arg8[%add3A_16, %dma_start3A_56] : memref<10240x128xf32, #tpu.memory_space<vmem_shared>> -> memref<128x128xf32, #tpu.memory_space<vmem_shared>>
      %dma_start3A_58 = arith.constant 0 : i32
      %dma_start3A_59 = tpu.memref_slice %arg8[%add3A_16, %dma_start3A_58] : memref<10240x128xf32, #tpu.memory_space<vmem_shared>> -> memref<128x128xf32, #tpu.memory_space<vmem_shared>>
      tpu.enqueue_dma source(%arg6 : memref<128x128xf32, #tpu.memory_space<vmem>>) target(%dma_start3A_59 : memref<128x128xf32, #tpu.memory_space<vmem_shared>>) target_semaphore(%run_scoped3A : memref<!tpu.dma_semaphore, #tpu.memory_space<semaphore_mem>>)
      %dma_wait3A = arith.constant 0 : i32
      %dma_wait3A_60 = tpu.memref_slice %arg8[%add3A_16, %dma_wait3A] : memref<10240x128xf32, #tpu.memory_space<vmem_shared>> -> memref<128x128xf32, #tpu.memory_space<vmem_shared>>
      %dma_wait3A_61 = arith.constant 0 : i32
      %dma_wait3A_62 = tpu.memref_slice %arg8[%add3A_16, %dma_wait3A_61] : memref<10240x128xf32, #tpu.memory_space<vmem_shared>> -> memref<128x128xf32, #tpu.memory_space<vmem_shared>>
      tpu.wait_dma2 semaphore(%run_scoped3A : memref<!tpu.dma_semaphore, #tpu.memory_space<semaphore_mem>>) src(%arg6 : memref<128x128xf32, #tpu.memory_space<vmem>>) dst(%dma_wait3A_62 : memref<128x128xf32, #tpu.memory_space<vmem_shared>>)
      tpu.yield
    }) : () -> ()
    %mul3A_17 = arith.constant 640 : i32
    %mul3A_18 = arith.muli %arg1, %mul3A_17 : i32
    %add3A_19 = arith.constant 384 : i32
    %add3A_20 = arith.addi %mul3A_18, %add3A_19 : i32
    "tpu.region"() ({
      %run_scoped3A = tpu.sem_alloc : memref<!tpu.dma_semaphore, #tpu.memory_space<semaphore_mem>>
      %dma_start3A_56 = arith.constant 0 : i32
      %dma_start3A_57 = tpu.memref_slice %arg8[%add3A_20, %dma_start3A_56] : memref<10240x128xf32, #tpu.memory_space<vmem_shared>> -> memref<128x128xf32, #tpu.memory_space<vmem_shared>>
      %dma_start3A_58 = arith.constant 0 : i32
      %dma_start3A_59 = tpu.memref_slice %arg8[%add3A_20, %dma_start3A_58] : memref<10240x128xf32, #tpu.memory_space<vmem_shared>> -> memref<128x128xf32, #tpu.memory_space<vmem_shared>>
      tpu.enqueue_dma source(%arg6 : memref<128x128xf32, #tpu.memory_space<vmem>>) target(%dma_start3A_59 : memref<128x128xf32, #tpu.memory_space<vmem_shared>>) target_semaphore(%run_scoped3A : memref<!tpu.dma_semaphore, #tpu.memory_space<semaphore_mem>>)
      %dma_wait3A = arith.constant 0 : i32
      %dma_wait3A_60 = tpu.memref_slice %arg8[%add3A_20, %dma_wait3A] : memref<10240x128xf32, #tpu.memory_space<vmem_shared>> -> memref<128x128xf32, #tpu.memory_space<vmem_shared>>
      %dma_wait3A_61 = arith.constant 0 : i32
      %dma_wait3A_62 = tpu.memref_slice %arg8[%add3A_20, %dma_wait3A_61] : memref<10240x128xf32, #tpu.memory_space<vmem_shared>> -> memref<128x128xf32, #tpu.memory_space<vmem_shared>>
      tpu.wait_dma2 semaphore(%run_scoped3A : memref<!tpu.dma_semaphore, #tpu.memory_space<semaphore_mem>>) src(%arg6 : memref<128x128xf32, #tpu.memory_space<vmem>>) dst(%dma_wait3A_62 : memref<128x128xf32, #tpu.memory_space<vmem_shared>>)
      tpu.yield
    }) : () -> ()
    %mul3A_21 = arith.constant 640 : i32
    %mul3A_22 = arith.muli %arg1, %mul3A_21 : i32
    %add3A_23 = arith.constant 512 : i32
    %add3A_24 = arith.addi %mul3A_22, %add3A_23 : i32
    "tpu.region"() ({
      %run_scoped3A = tpu.sem_alloc : memref<!tpu.dma_semaphore, #tpu.memory_space<semaphore_mem>>
      %dma_start3A_56 = arith.constant 0 : i32
      %dma_start3A_57 = tpu.memref_slice %arg8[%add3A_24, %dma_start3A_56] : memref<10240x128xf32, #tpu.memory_space<vmem_shared>> -> memref<128x128xf32, #tpu.memory_space<vmem_shared>>
      %dma_start3A_58 = arith.constant 0 : i32
      %dma_start3A_59 = tpu.memref_slice %arg8[%add3A_24, %dma_start3A_58] : memref<10240x128xf32, #tpu.memory_space<vmem_shared>> -> memref<128x128xf32, #tpu.memory_space<vmem_shared>>
      tpu.enqueue_dma source(%arg6 : memref<128x128xf32, #tpu.memory_space<vmem>>) target(%dma_start3A_59 : memref<128x128xf32, #tpu.memory_space<vmem_shared>>) target_semaphore(%run_scoped3A : memref<!tpu.dma_semaphore, #tpu.memory_space<semaphore_mem>>)
      %dma_wait3A = arith.constant 0 : i32
      %dma_wait3A_60 = tpu.memref_slice %arg8[%add3A_24, %dma_wait3A] : memref<10240x128xf32, #tpu.memory_space<vmem_shared>> -> memref<128x128xf32, #tpu.memory_space<vmem_shared>>
      %dma_wait3A_61 = arith.constant 0 : i32
      %dma_wait3A_62 = tpu.memref_slice %arg8[%add3A_24, %dma_wait3A_61] : memref<10240x128xf32, #tpu.memory_space<vmem_shared>> -> memref<128x128xf32, #tpu.memory_space<vmem_shared>>
      tpu.wait_dma2 semaphore(%run_scoped3A : memref<!tpu.dma_semaphore, #tpu.memory_space<semaphore_mem>>) src(%arg6 : memref<128x128xf32, #tpu.memory_space<vmem>>) dst(%dma_wait3A_62 : memref<128x128xf32, #tpu.memory_space<vmem_shared>>)
      tpu.yield
    }) : () -> ()
    %barrier3A = arith.constant 0 : index
    tpu.barrier barrier_id(%barrier3A)
    %mul3A_25 = arith.constant 40 : i32
    %mul3A_26 = arith.muli %add3A, %mul3A_25 : i32
    %mul3A_27 = arith.constant 128 : i32
    %mul3A_28 = arith.muli %mul3A_26, %mul3A_27 : i32
    %add3A_29 = arith.constant 0 : i32
    %add3A_30 = arith.addi %mul3A_28, %add3A_29 : i32
    %dma_start3A = arith.constant 0 : i32
    %dma_start3A_31 = arith.constant 0 : i32
    %dma_start3A_32 = tpu.memref_slice %arg2[%add3A_30, %dma_start3A_31] : memref<163840x128xf32, #tpu.memory_space<hbm>> -> memref<128x128xf32, #tpu.memory_space<hbm>>
    %dma_start3A_33 = tpu.memref_slice %arg9[%dma_start3A] : memref<2x!tpu.dma_semaphore, #tpu.memory_space<semaphore_mem>> -> memref<1x!tpu.dma_semaphore, #tpu.memory_space<semaphore_mem>>
    %dma_start3A_34 = tpu.memref_squeeze %dma_start3A_33 : memref<1x!tpu.dma_semaphore, #tpu.memory_space<semaphore_mem>> -> memref<!tpu.dma_semaphore, #tpu.memory_space<semaphore_mem>>
    %dma_start3A_35 = arith.constant 0 : i32
    %dma_start3A_36 = tpu.memref_slice %arg2[%add3A_30, %dma_start3A_35] : memref<163840x128xf32, #tpu.memory_space<hbm>> -> memref<128x128xf32, #tpu.memory_space<hbm>>
    tpu.enqueue_dma source(%dma_start3A_36 : memref<128x128xf32, #tpu.memory_space<hbm>>) target(%arg6 : memref<128x128xf32, #tpu.memory_space<vmem>>) target_semaphore(%dma_start3A_34 : memref<!tpu.dma_semaphore, #tpu.memory_space<semaphore_mem>>)
    %add3A_37 = arith.constant 128 : i32
    %add3A_38 = arith.addi %mul3A_28, %add3A_37 : i32
    %dma_start3A_39 = arith.constant 1 : i32
    %dma_start3A_40 = arith.constant 0 : i32
    %dma_start3A_41 = tpu.memref_slice %arg2[%add3A_38, %dma_start3A_40] : memref<163840x128xf32, #tpu.memory_space<hbm>> -> memref<128x128xf32, #tpu.memory_space<hbm>>
    %dma_start3A_42 = tpu.memref_slice %arg9[%dma_start3A_39] : memref<2x!tpu.dma_semaphore, #tpu.memory_space<semaphore_mem>> -> memref<1x!tpu.dma_semaphore, #tpu.memory_space<semaphore_mem>>
    %dma_start3A_43 = tpu.memref_squeeze %dma_start3A_42 : memref<1x!tpu.dma_semaphore, #tpu.memory_space<semaphore_mem>> -> memref<!tpu.dma_semaphore, #tpu.memory_space<semaphore_mem>>
    %dma_start3A_44 = arith.constant 0 : i32
    %dma_start3A_45 = tpu.memref_slice %arg2[%add3A_38, %dma_start3A_44] : memref<163840x128xf32, #tpu.memory_space<hbm>> -> memref<128x128xf32, #tpu.memory_space<hbm>>
    tpu.enqueue_dma source(%dma_start3A_45 : memref<128x128xf32, #tpu.memory_space<hbm>>) target(%arg7 : memref<128x128xf32, #tpu.memory_space<vmem>>) target_semaphore(%dma_start3A_43 : memref<!tpu.dma_semaphore, #tpu.memory_space<semaphore_mem>>)
    %scan3A_46 = arith.constant 0 : i32
    %scan3A_47 = arith.constant 20 : i32
    %scan3A_48 = arith.addi %scan3A_46, %scan3A_47 : i32
    %scan3A_49 = arith.constant 1 : i32
    scf.for %scan3A_56 = %scan3A_46 to %scan3A_48 step %scan3A_49  : i32 {
      %mul3A_57 = arith.constant 1 : i32
      %mul3A_58 = arith.muli %scan3A_56, %mul3A_57 : i32
      %add3A_59 = arith.constant 0 : i32
      %add3A_60 = arith.addi %add3A_59, %mul3A_58 : i32
      %mul3A_61 = arith.constant 2 : i32
      %mul3A_62 = arith.muli %mul3A_61, %add3A_60 : i32
      %add3A_63 = arith.constant 0 : i32
      %add3A_64 = arith.addi %mul3A_62, %add3A_63 : i32
      %dma_wait3A = arith.constant 0 : i32
      %dma_wait3A_65 = arith.constant 0 : i32
      %dma_wait3A_66 = tpu.memref_slice %arg2[%mul3A_28, %dma_wait3A_65] : memref<163840x128xf32, #tpu.memory_space<hbm>> -> memref<128x128xf32, #tpu.memory_space<hbm>>
      %dma_wait3A_67 = tpu.memref_slice %arg9[%dma_wait3A] : memref<2x!tpu.dma_semaphore, #tpu.memory_space<semaphore_mem>> -> memref<1x!tpu.dma_semaphore, #tpu.memory_space<semaphore_mem>>
      %dma_wait3A_68 = tpu.memref_squeeze %dma_wait3A_67 : memref<1x!tpu.dma_semaphore, #tpu.memory_space<semaphore_mem>> -> memref<!tpu.dma_semaphore, #tpu.memory_space<semaphore_mem>>
      %dma_wait3A_69 = arith.constant 0 : i32
      %dma_wait3A_70 = tpu.memref_slice %arg2[%mul3A_28, %dma_wait3A_69] : memref<163840x128xf32, #tpu.memory_space<hbm>> -> memref<128x128xf32, #tpu.memory_space<hbm>>
      tpu.wait_dma2 semaphore(%dma_wait3A_68 : memref<!tpu.dma_semaphore, #tpu.memory_space<semaphore_mem>>) src(%dma_wait3A_70 : memref<128x128xf32, #tpu.memory_space<hbm>>) dst(%arg6 : memref<128x128xf32, #tpu.memory_space<vmem>>)
      "tpu.region"() ({
        %run_scoped3A = tpu.sem_alloc : memref<!tpu.dma_semaphore, #tpu.memory_space<semaphore_mem>>
        %dma_start3A_93 = arith.constant 0 : i32
        %dma_start3A_94 = tpu.memref_slice %arg5[%add3A_64, %dma_start3A_93] : memref<40x128xi32, #tpu.memory_space<vmem>> -> memref<1x128xi32, #tpu.memory_space<vmem>>
        %dma_start3A_95 = tpu.memref_squeeze %dma_start3A_94 : memref<1x128xi32, #tpu.memory_space<vmem>> -> memref<128xi32, #tpu.memory_space<vmem>>
        %dma_start3A_96 = arith.constant 0 : i32
        %dma_start3A_97 = arith.constant 0 : i32
        %dma_start3A_98 = tpu.memref_slice %arg8[%dma_start3A_96, %dma_start3A_97] : memref<10240x128xf32, #tpu.memory_space<vmem_shared>> -> memref<10240x128xf32, #tpu.memory_space<vmem_shared>>
        tpu.enqueue_indirect_dma source(%arg6 : memref<128x128xf32, #tpu.memory_space<vmem>>) target(%dma_start3A_98 : memref<10240x128xf32, #tpu.memory_space<vmem_shared>>) offsets(%dma_start3A_95 : memref<128xi32, #tpu.memory_space<vmem>>) semaphore(%run_scoped3A : memref<!tpu.dma_semaphore, #tpu.memory_space<semaphore_mem>>) {add = true}
        %dma_wait3A_99 = arith.constant 0 : i32
        %dma_wait3A_100 = tpu.memref_slice %arg5[%add3A_64, %dma_wait3A_99] : memref<40x128xi32, #tpu.memory_space<vmem>> -> memref<1x128xi32, #tpu.memory_space<vmem>>
        %dma_wait3A_101 = tpu.memref_squeeze %dma_wait3A_100 : memref<1x128xi32, #tpu.memory_space<vmem>> -> memref<128xi32, #tpu.memory_space<vmem>>
        %dma_wait3A_102 = arith.constant 0 : i32
        %dma_wait3A_103 = arith.constant 0 : i32
        %dma_wait3A_104 = tpu.memref_slice %arg8[%dma_wait3A_102, %dma_wait3A_103] : memref<10240x128xf32, #tpu.memory_space<vmem_shared>> -> memref<10240x128xf32, #tpu.memory_space<vmem_shared>>
        tpu.wait_indirect_dma semaphore(%run_scoped3A : memref<!tpu.dma_semaphore, #tpu.memory_space<semaphore_mem>>) src(%arg6 : memref<128x128xf32, #tpu.memory_space<vmem>>) dst(%dma_wait3A_104 : memref<10240x128xf32, #tpu.memory_space<vmem_shared>>)
        tpu.yield
      }) : () -> ()
      %add3A_71 = arith.constant 2 : i32
      %add3A_72 = arith.addi %add3A_64, %add3A_71 : i32
      %lt3A = arith.constant 40 : i32
      %lt3A_73 = arith.cmpi slt, %add3A_72, %lt3A : i32
      %convert_element_type3A = arith.extui %lt3A_73 : i1 to i32
      %cond3A = arith.constant 0 : i32
      %cond3A_74 = arith.cmpi ne, %convert_element_type3A, %cond3A : i32
      scf.if %cond3A_74 {
        %mul3A_93 = arith.constant 128 : i32
        %mul3A_94 = arith.muli %add3A_72, %mul3A_93 : i32
        %add3A_95 = arith.addi %mul3A_28, %mul3A_94 : i32
        %dma_start3A_96 = arith.constant 0 : i32
        %dma_start3A_97 = arith.constant 0 : i32
        %dma_start3A_98 = tpu.memref_slice %arg2[%add3A_95, %dma_start3A_97] : memref<163840x128xf32, #tpu.memory_space<hbm>> -> memref<128x128xf32, #tpu.memory_space<hbm>>
        %dma_start3A_99 = tpu.memref_slice %arg9[%dma_start3A_96] : memref<2x!tpu.dma_semaphore, #tpu.memory_space<semaphore_mem>> -> memref<1x!tpu.dma_semaphore, #tpu.memory_space<semaphore_mem>>
        %dma_start3A_100 = tpu.memref_squeeze %dma_start3A_99 : memref<1x!tpu.dma_semaphore, #tpu.memory_space<semaphore_mem>> -> memref<!tpu.dma_semaphore, #tpu.memory_space<semaphore_mem>>
        %dma_start3A_101 = arith.constant 0 : i32
        %dma_start3A_102 = tpu.memref_slice %arg2[%add3A_95, %dma_start3A_101] : memref<163840x128xf32, #tpu.memory_space<hbm>> -> memref<128x128xf32, #tpu.memory_space<hbm>>
        tpu.enqueue_dma source(%dma_start3A_102 : memref<128x128xf32, #tpu.memory_space<hbm>>) target(%arg6 : memref<128x128xf32, #tpu.memory_space<vmem>>) target_semaphore(%dma_start3A_100 : memref<!tpu.dma_semaphore, #tpu.memory_space<semaphore_mem>>)
      } else {
      }
      %mul3A_75 = arith.constant 2 : i32
      %mul3A_76 = arith.muli %mul3A_75, %add3A_60 : i32
      %add3A_77 = arith.constant 1 : i32
      %add3A_78 = arith.addi %mul3A_76, %add3A_77 : i32
      %dma_wait3A_79 = arith.constant 1 : i32
      %dma_wait3A_80 = arith.constant 0 : i32
      %dma_wait3A_81 = tpu.memref_slice %arg2[%mul3A_28, %dma_wait3A_80] : memref<163840x128xf32, #tpu.memory_space<hbm>> -> memref<128x128xf32, #tpu.memory_space<hbm>>
      %dma_wait3A_82 = tpu.memref_slice %arg9[%dma_wait3A_79] : memref<2x!tpu.dma_semaphore, #tpu.memory_space<semaphore_mem>> -> memref<1x!tpu.dma_semaphore, #tpu.memory_space<semaphore_mem>>
      %dma_wait3A_83 = tpu.memref_squeeze %dma_wait3A_82 : memref<1x!tpu.dma_semaphore, #tpu.memory_space<semaphore_mem>> -> memref<!tpu.dma_semaphore, #tpu.memory_space<semaphore_mem>>
      %dma_wait3A_84 = arith.constant 0 : i32
      %dma_wait3A_85 = tpu.memref_slice %arg2[%mul3A_28, %dma_wait3A_84] : memref<163840x128xf32, #tpu.memory_space<hbm>> -> memref<128x128xf32, #tpu.memory_space<hbm>>
      tpu.wait_dma2 semaphore(%dma_wait3A_83 : memref<!tpu.dma_semaphore, #tpu.memory_space<semaphore_mem>>) src(%dma_wait3A_85 : memref<128x128xf32, #tpu.memory_space<hbm>>) dst(%arg7 : memref<128x128xf32, #tpu.memory_space<vmem>>)
      "tpu.region"() ({
        %run_scoped3A = tpu.sem_alloc : memref<!tpu.dma_semaphore, #tpu.memory_space<semaphore_mem>>
        %dma_start3A_93 = arith.constant 0 : i32
        %dma_start3A_94 = tpu.memref_slice %arg5[%add3A_78, %dma_start3A_93] : memref<40x128xi32, #tpu.memory_space<vmem>> -> memref<1x128xi32, #tpu.memory_space<vmem>>
        %dma_start3A_95 = tpu.memref_squeeze %dma_start3A_94 : memref<1x128xi32, #tpu.memory_space<vmem>> -> memref<128xi32, #tpu.memory_space<vmem>>
        %dma_start3A_96 = arith.constant 0 : i32
        %dma_start3A_97 = arith.constant 0 : i32
        %dma_start3A_98 = tpu.memref_slice %arg8[%dma_start3A_96, %dma_start3A_97] : memref<10240x128xf32, #tpu.memory_space<vmem_shared>> -> memref<10240x128xf32, #tpu.memory_space<vmem_shared>>
        tpu.enqueue_indirect_dma source(%arg7 : memref<128x128xf32, #tpu.memory_space<vmem>>) target(%dma_start3A_98 : memref<10240x128xf32, #tpu.memory_space<vmem_shared>>) offsets(%dma_start3A_95 : memref<128xi32, #tpu.memory_space<vmem>>) semaphore(%run_scoped3A : memref<!tpu.dma_semaphore, #tpu.memory_space<semaphore_mem>>) {add = true}
        %dma_wait3A_99 = arith.constant 0 : i32
        %dma_wait3A_100 = tpu.memref_slice %arg5[%add3A_78, %dma_wait3A_99] : memref<40x128xi32, #tpu.memory_space<vmem>> -> memref<1x128xi32, #tpu.memory_space<vmem>>
        %dma_wait3A_101 = tpu.memref_squeeze %dma_wait3A_100 : memref<1x128xi32, #tpu.memory_space<vmem>> -> memref<128xi32, #tpu.memory_space<vmem>>
        %dma_wait3A_102 = arith.constant 0 : i32
        %dma_wait3A_103 = arith.constant 0 : i32
        %dma_wait3A_104 = tpu.memref_slice %arg8[%dma_wait3A_102, %dma_wait3A_103] : memref<10240x128xf32, #tpu.memory_space<vmem_shared>> -> memref<10240x128xf32, #tpu.memory_space<vmem_shared>>
        tpu.wait_indirect_dma semaphore(%run_scoped3A : memref<!tpu.dma_semaphore, #tpu.memory_space<semaphore_mem>>) src(%arg7 : memref<128x128xf32, #tpu.memory_space<vmem>>) dst(%dma_wait3A_104 : memref<10240x128xf32, #tpu.memory_space<vmem_shared>>)
        tpu.yield
      }) : () -> ()
      %add3A_86 = arith.constant 2 : i32
      %add3A_87 = arith.addi %add3A_78, %add3A_86 : i32
      %lt3A_88 = arith.constant 40 : i32
      %lt3A_89 = arith.cmpi slt, %add3A_87, %lt3A_88 : i32
      %convert_element_type3A_90 = arith.extui %lt3A_89 : i1 to i32
      %cond3A_91 = arith.constant 0 : i32
      %cond3A_92 = arith.cmpi ne, %convert_element_type3A_90, %cond3A_91 : i32
      scf.if %cond3A_92 {
        %mul3A_93 = arith.constant 128 : i32
        %mul3A_94 = arith.muli %add3A_87, %mul3A_93 : i32
        %add3A_95 = arith.addi %mul3A_28, %mul3A_94 : i32
        %dma_start3A_96 = arith.constant 1 : i32
        %dma_start3A_97 = arith.constant 0 : i32
        %dma_start3A_98 = tpu.memref_slice %arg2[%add3A_95, %dma_start3A_97] : memref<163840x128xf32, #tpu.memory_space<hbm>> -> memref<128x128xf32, #tpu.memory_space<hbm>>
        %dma_start3A_99 = tpu.memref_slice %arg9[%dma_start3A_96] : memref<2x!tpu.dma_semaphore, #tpu.memory_space<semaphore_mem>> -> memref<1x!tpu.dma_semaphore, #tpu.memory_space<semaphore_mem>>
        %dma_start3A_100 = tpu.memref_squeeze %dma_start3A_99 : memref<1x!tpu.dma_semaphore, #tpu.memory_space<semaphore_mem>> -> memref<!tpu.dma_semaphore, #tpu.memory_space<semaphore_mem>>
        %dma_start3A_101 = arith.constant 0 : i32
        %dma_start3A_102 = tpu.memref_slice %arg2[%add3A_95, %dma_start3A_101] : memref<163840x128xf32, #tpu.memory_space<hbm>> -> memref<128x128xf32, #tpu.memory_space<hbm>>
        tpu.enqueue_dma source(%dma_start3A_102 : memref<128x128xf32, #tpu.memory_space<hbm>>) target(%arg7 : memref<128x128xf32, #tpu.memory_space<vmem>>) target_semaphore(%dma_start3A_100 : memref<!tpu.dma_semaphore, #tpu.memory_space<semaphore_mem>>)
      } else {
      }
    }
    %scan3A_50 = arith.constant 20 : i32
    %barrier3A_51 = arith.constant 0 : index
    tpu.barrier barrier_id(%barrier3A_51)
    %mul3A_52 = arith.constant 640 : i32
    %mul3A_53 = arith.muli %arg1, %mul3A_52 : i32
    %mul3A_54 = arith.constant 640 : i32
    %mul3A_55 = arith.muli %arg1, %mul3A_54 : i32
    "tpu.region"() ({
      %run_scoped3A = tpu.sem_alloc : memref<!tpu.dma_semaphore, #tpu.memory_space<semaphore_mem>>
      %dma_start3A_56 = arith.constant 0 : i32
      %dma_start3A_57 = tpu.memref_slice %arg4[%arg0, %mul3A_55, %dma_start3A_56] : memref<2x10240x128xf32, #tpu.memory_space<hbm>> -> memref<1x640x128xf32, #tpu.memory_space<hbm>>
      %dma_start3A_58 = tpu.memref_squeeze %dma_start3A_57 : memref<1x640x128xf32, #tpu.memory_space<hbm>> -> memref<640x128xf32, #tpu.memory_space<hbm>>
      %dma_start3A_59 = arith.constant 0 : i32
      %dma_start3A_60 = tpu.memref_slice %arg8[%mul3A_53, %dma_start3A_59] : memref<10240x128xf32, #tpu.memory_space<vmem_shared>> -> memref<640x128xf32, #tpu.memory_space<vmem_shared>>
      tpu.enqueue_dma source(%dma_start3A_60 : memref<640x128xf32, #tpu.memory_space<vmem_shared>>) target(%dma_start3A_58 : memref<640x128xf32, #tpu.memory_space<hbm>>) target_semaphore(%run_scoped3A : memref<!tpu.dma_semaphore, #tpu.memory_space<semaphore_mem>>)
      %dma_wait3A = arith.constant 0 : i32
      %dma_wait3A_61 = tpu.memref_slice %arg4[%arg0, %mul3A_55, %dma_wait3A] : memref<2x10240x128xf32, #tpu.memory_space<hbm>> -> memref<1x640x128xf32, #tpu.memory_space<hbm>>
      %dma_wait3A_62 = tpu.memref_squeeze %dma_wait3A_61 : memref<1x640x128xf32, #tpu.memory_space<hbm>> -> memref<640x128xf32, #tpu.memory_space<hbm>>
      %dma_wait3A_63 = arith.constant 0 : i32
      %dma_wait3A_64 = tpu.memref_slice %arg8[%mul3A_53, %dma_wait3A_63] : memref<10240x128xf32, #tpu.memory_space<vmem_shared>> -> memref<640x128xf32, #tpu.memory_space<vmem_shared>>
      tpu.wait_dma2 semaphore(%run_scoped3A : memref<!tpu.dma_semaphore, #tpu.memory_space<semaphore_mem>>) src(%dma_wait3A_64 : memref<640x128xf32, #tpu.memory_space<vmem_shared>>) dst(%dma_wait3A_62 : memref<640x128xf32, #tpu.memory_space<hbm>>)
      tpu.yield
    }) : () -> ()
    return
  }
}

module attributes {stable_mosaic.version = 14 : i64} {
  func.func @_tables_body(%arg0: i32, %arg1: memref<2000x128xf32, #tpu.memory_space<vmem>>, %arg2: memref<2000x3xf32, #tpu.memory_space<vmem>>, %arg3: memref<257x64xf32, #tpu.memory_space<vmem>>, %arg4: memref<1x64xf32, #tpu.memory_space<vmem>>, %arg5: memref<2000x128xf32, #tpu.memory_space<vmem>>, %arg6: memref<2000x128xf32, #tpu.memory_space<vmem>>) attributes {dimension_semantics = [#tpu.dimension_semantics<arbitrary>], iteration_bounds = array<i64: 5>, scalar_prefetch = 0 : i64, scratch_operands = 0 : i64, tpu.core_type = #tpu.core_type<tc>, window_params = [{transform_indices = @transform_0, window_bounds = array<i64: 2000, 128>}, {transform_indices = @transform_1, window_bounds = array<i64: 2000, 3>}, {pipeline_mode = #tpu.pipeline_mode<synchronous>, transform_indices = @transform_2, window_bounds = array<i64: 257, 64>}, {pipeline_mode = #tpu.pipeline_mode<synchronous>, transform_indices = @transform_3, window_bounds = array<i64: 1, 64>}, {transform_indices = @transform_4, window_bounds = array<i64: 2000, 128>}, {transform_indices = @transform_5, window_bounds = array<i64: 2000, 128>}]} {
    %get3A = arith.constant 0 : index
    %get3A_0 = arith.constant 0 : index
    %get3A_1 = vector.load %arg1[%get3A, %get3A_0] : memref<2000x128xf32, #tpu.memory_space<vmem>>, vector<2000x128xf32>
    %get3A_2 = arith.constant 0 : index
    %get3A_3 = arith.constant 0 : index
    %get3A_4 = vector.load %arg3[%get3A_2, %get3A_3] : memref<257x64xf32, #tpu.memory_space<vmem>>, vector<128x64xf32>
    %dot_general3A = arith.constant dense<0.000000e+00> : vector<2000x64xf32>
    %dot_general3A_5 = tpu.matmul %get3A_1, %get3A_4, %dot_general3A {dimension_numbers = #tpu.dot_dimension_numbers<[1], [0], [0], [1], [0, 0, 1, 1], [], []>, transpose_lhs_hint = false} : vector<2000x128xf32>, vector<128x64xf32>, vector<2000x64xf32> -> vector<2000x64xf32>
    %get3A_6 = arith.constant 128 : index
    %get3A_7 = arith.constant 0 : index
    %get3A_8 = vector.load %arg3[%get3A_6, %get3A_7] : memref<257x64xf32, #tpu.memory_space<vmem>>, vector<128x64xf32>
    %dot_general3A_9 = arith.constant dense<0.000000e+00> : vector<2000x64xf32>
    %dot_general3A_10 = tpu.matmul %get3A_1, %get3A_8, %dot_general3A_9 {dimension_numbers = #tpu.dot_dimension_numbers<[1], [0], [0], [1], [0, 0, 1, 1], [], []>, transpose_lhs_hint = false} : vector<2000x128xf32>, vector<128x64xf32>, vector<2000x64xf32> -> vector<2000x64xf32>
    %get3A_11 = arith.constant 0 : index
    %get3A_12 = arith.constant 0 : index
    %get3A_13 = vector.load %arg2[%get3A_11, %get3A_12] : memref<2000x3xf32, #tpu.memory_space<vmem>>, vector<2000x3xf32>
    %broadcast_in_dim3A = arith.constant 0.000000e+00 : f32
    %broadcast_in_dim3A_14 = vector.broadcast %broadcast_in_dim3A : f32 to vector<2000x61xf32>
    %get3A_15 = arith.constant 0 : index
    %get3A_16 = arith.constant 0 : index
    %get3A_17 = vector.load %arg4[%get3A_15, %get3A_16] : memref<1x64xf32, #tpu.memory_space<vmem>>, vector<1x64xf32>
    %add3A = vector.broadcast %get3A_17 : vector<1x64xf32> to vector<2000x64xf32>
    %add3A_18 = arith.addf %dot_general3A_5, %add3A : vector<2000x64xf32>
    %concatenate3A = tpu.concatenate %add3A_18, %get3A_13, %broadcast_in_dim3A_14 in 1 : vector<2000x64xf32>, vector<2000x3xf32>, vector<2000x61xf32> -> vector<2000x128xf32>
    %swap3A = arith.constant 0 : index
    %swap3A_19 = arith.constant 0 : index
    %swap3A_20 = vector.load %arg5[%swap3A, %swap3A_19] : memref<2000x128xf32, #tpu.memory_space<vmem>>, vector<2000x128xf32>
    tpu.vector_store %arg5[%swap3A, %swap3A_19], %concatenate3A {strides = array<i32>} : memref<2000x128xf32, #tpu.memory_space<vmem>>, vector<2000x128xf32>,
    %neg3A = arith.constant 0.000000e+00 : f32
    %neg3A_21 = vector.broadcast %neg3A : f32 to vector<2000x3xf32>
    %neg3A_22 = arith.subf %neg3A_21, %get3A_13 : vector<2000x3xf32>
    %concatenate3A_23 = tpu.concatenate %dot_general3A_10, %neg3A_22, %broadcast_in_dim3A_14 in 1 : vector<2000x64xf32>, vector<2000x3xf32>, vector<2000x61xf32> -> vector<2000x128xf32>
    %swap3A_24 = arith.constant 0 : index
    %swap3A_25 = arith.constant 0 : index
    %swap3A_26 = vector.load %arg6[%swap3A_24, %swap3A_25] : memref<2000x128xf32, #tpu.memory_space<vmem>>, vector<2000x128xf32>
    tpu.vector_store %arg6[%swap3A_24, %swap3A_25], %concatenate3A_23 {strides = array<i32>} : memref<2000x128xf32, #tpu.memory_space<vmem>>, vector<2000x128xf32>,
    return
  }
  func.func @transform_0(%arg0: i32) -> (i32, i32) {
    %c0_i32 = arith.constant 0 : i32
    %c0_i32_0 = arith.constant 0 : i32
    return %arg0, %c0_i32 : i32, i32
  }
  func.func @transform_1(%arg0: i32) -> (i32, i32) {
    %c0_i32 = arith.constant 0 : i32
    %c0_i32_0 = arith.constant 0 : i32
    return %arg0, %c0_i32 : i32, i32
  }
  func.func @transform_2(%arg0: i32) -> (i32, i32) {
    %c0_i32 = arith.constant 0 : i32
    %c0_i32_0 = arith.constant 0 : i32
    %c0_i32_1 = arith.constant 0 : i32
    return %c0_i32, %c0_i32_0 : i32, i32
  }
  func.func @transform_3(%arg0: i32) -> (i32, i32) {
    %c0_i32 = arith.constant 0 : i32
    %c0_i32_0 = arith.constant 0 : i32
    %c0_i32_1 = arith.constant 0 : i32
    return %c0_i32, %c0_i32_0 : i32, i32
  }
  func.func @transform_4(%arg0: i32) -> (i32, i32) {
    %c0_i32 = arith.constant 0 : i32
    %c0_i32_0 = arith.constant 0 : i32
    return %arg0, %c0_i32 : i32, i32
  }
  func.func @transform_5(%arg0: i32) -> (i32, i32) {
    %c0_i32 = arith.constant 0 : i32
    %c0_i32_0 = arith.constant 0 : i32
    return %arg0, %c0_i32 : i32, i32
  }
}

module attributes {stable_mosaic.version = 14 : i64} {
  func.func @_edge_body(%arg0: i32, %arg1: memref<2048x128xf32, #tpu.memory_space<vmem>>, %arg2: memref<64x64xf32, #tpu.memory_space<vmem>>, %arg3: memref<1x64xf32, #tpu.memory_space<vmem>>, %arg4: memref<256x64xf32, #tpu.memory_space<vmem>>, %arg5: memref<2048x128xf32, #tpu.memory_space<vmem>>) attributes {dimension_semantics = [#tpu.dimension_semantics<arbitrary>], iteration_bounds = array<i64: 80>, scalar_prefetch = 0 : i64, scratch_operands = 0 : i64, tpu.core_type = #tpu.core_type<tc>, window_params = [{transform_indices = @transform_0, window_bounds = array<i64: 2048, 128>}, {pipeline_mode = #tpu.pipeline_mode<synchronous>, transform_indices = @transform_1, window_bounds = array<i64: 64, 64>}, {pipeline_mode = #tpu.pipeline_mode<synchronous>, transform_indices = @transform_2, window_bounds = array<i64: 1, 64>}, {pipeline_mode = #tpu.pipeline_mode<synchronous>, transform_indices = @transform_3, window_bounds = array<i64: 256, 64>}, {transform_indices = @transform_4, window_bounds = array<i64: 2048, 128>}]} {
    %get3A = arith.constant 0 : index
    %get3A_0 = arith.constant 0 : index
    %get3A_1 = vector.load %arg1[%get3A, %get3A_0] : memref<2048x128xf32, #tpu.memory_space<vmem>>, vector<2048x128xf32>
    %get3A_2 = arith.constant 0 : index
    %get3A_3 = arith.constant 0 : index
    %get3A_4 = vector.load %arg4[%get3A_2, %get3A_3] : memref<256x64xf32, #tpu.memory_space<vmem>>, vector<128x64xf32>
    %dot_general3A = arith.constant dense<0.000000e+00> : vector<2048x64xf32>
    %dot_general3A_5 = tpu.matmul %get3A_1, %get3A_4, %dot_general3A {dimension_numbers = #tpu.dot_dimension_numbers<[1], [0], [0], [1], [0, 0, 1, 1], [], []>, transpose_lhs_hint = false} : vector<2048x128xf32>, vector<128x64xf32>, vector<2048x64xf32> -> vector<2048x64xf32>
    %mul3A = arith.mulf %get3A_1, %get3A_1 : vector<2048x128xf32>
    %get3A_6 = arith.constant 128 : index
    %get3A_7 = arith.constant 0 : index
    %get3A_8 = vector.load %arg4[%get3A_6, %get3A_7] : memref<256x64xf32, #tpu.memory_space<vmem>>, vector<128x64xf32>
    %dot_general3A_9 = arith.constant dense<0.000000e+00> : vector<2048x64xf32>
    %dot_general3A_10 = tpu.matmul %mul3A, %get3A_8, %dot_general3A_9 {dimension_numbers = #tpu.dot_dimension_numbers<[1], [0], [0], [1], [0, 0, 1, 1], [], []>, transpose_lhs_hint = false} : vector<2048x128xf32>, vector<128x64xf32>, vector<2048x64xf32> -> vector<2048x64xf32>
    %add3A = arith.addf %dot_general3A_5, %dot_general3A_10 : vector<2048x64xf32>
    %logistic3A = arith.negf %add3A : vector<2048x64xf32>
    %logistic3A_11 = math.exp %logistic3A : vector<2048x64xf32>
    %logistic3A_12 = arith.constant 1.000000e+00 : f32
    %logistic3A_13 = vector.broadcast %logistic3A_12 : f32 to vector<2048x64xf32>
    %logistic3A_14 = arith.addf %logistic3A_13, %logistic3A_11 : vector<2048x64xf32>
    %logistic3A_15 = arith.divf %logistic3A_13, %logistic3A_14 : vector<2048x64xf32>
    %mul3A_16 = arith.mulf %add3A, %logistic3A_15 : vector<2048x64xf32>
    %get3A_17 = arith.constant 0 : index
    %get3A_18 = arith.constant 0 : index
    %get3A_19 = vector.load %arg2[%get3A_17, %get3A_18] : memref<64x64xf32, #tpu.memory_space<vmem>>, vector<64x64xf32>
    %dot_general3A_20 = arith.constant dense<0.000000e+00> : vector<2048x64xf32>
    %dot_general3A_21 = tpu.matmul %mul3A_16, %get3A_19, %dot_general3A_20 {dimension_numbers = #tpu.dot_dimension_numbers<[1], [0], [0], [1], [0, 0, 1, 1], [], []>, transpose_lhs_hint = false} : vector<2048x64xf32>, vector<64x64xf32>, vector<2048x64xf32> -> vector<2048x64xf32>
    %get3A_22 = arith.constant 0 : index
    %get3A_23 = arith.constant 0 : index
    %get3A_24 = vector.load %arg3[%get3A_22, %get3A_23] : memref<1x64xf32, #tpu.memory_space<vmem>>, vector<1x64xf32>
    %add3A_25 = vector.broadcast %get3A_24 : vector<1x64xf32> to vector<2048x64xf32>
    %add3A_26 = arith.addf %dot_general3A_21, %add3A_25 : vector<2048x64xf32>
    %logistic3A_27 = arith.negf %add3A_26 : vector<2048x64xf32>
    %logistic3A_28 = math.exp %logistic3A_27 : vector<2048x64xf32>
    %logistic3A_29 = arith.constant 1.000000e+00 : f32
    %logistic3A_30 = vector.broadcast %logistic3A_29 : f32 to vector<2048x64xf32>
    %logistic3A_31 = arith.addf %logistic3A_30, %logistic3A_28 : vector<2048x64xf32>
    %logistic3A_32 = arith.divf %logistic3A_30, %logistic3A_31 : vector<2048x64xf32>
    %mul3A_33 = arith.mulf %add3A_26, %logistic3A_32 : vector<2048x64xf32>
    %mul3A_34 = arith.constant 2048 : i32
    %mul3A_35 = arith.muli %arg0, %mul3A_34 : i32
    %add3A_36 = arith.constant 163840 : i32
    %add3A_37 = arith.addi %add3A_36, %mul3A_35 : i32
    %iota3A = tpu.iota {dimensions = array<i32: 0>} : vector<2048x1xi32>
    %add3A_38 = vector.broadcast %add3A_37 : i32 to vector<2048x1xi32>
    %add3A_39 = arith.addi %add3A_38, %iota3A : vector<2048x1xi32>
    %lt3A = arith.constant 320000 : i32
    %lt3A_40 = vector.broadcast %lt3A : i32 to vector<2048x1xi32>
    %lt3A_41 = arith.cmpi slt, %add3A_39, %lt3A_40 : vector<2048x1xi32>
    %convert_element_type3A = arith.extui %lt3A_41 : vector<2048x1xi1> to vector<2048x1xi32>
    %convert_element_type3A_42 = arith.sitofp %convert_element_type3A : vector<2048x1xi32> to vector<2048x1xf32>
    %broadcast_in_dim3A = arith.constant 0.000000e+00 : f32
    %broadcast_in_dim3A_43 = vector.broadcast %broadcast_in_dim3A : f32 to vector<2048x63xf32>
    %mul3A_44 = vector.broadcast %convert_element_type3A_42 : vector<2048x1xf32> to vector<2048x64xf32>
    %mul3A_45 = arith.mulf %mul3A_33, %mul3A_44 : vector<2048x64xf32>
    %concatenate3A = tpu.concatenate %mul3A_45, %convert_element_type3A_42, %broadcast_in_dim3A_43 in 1 : vector<2048x64xf32>, vector<2048x1xf32>, vector<2048x63xf32> -> vector<2048x128xf32>
    %swap3A = arith.constant 0 : index
    %swap3A_46 = arith.constant 0 : index
    %swap3A_47 = vector.load %arg5[%swap3A, %swap3A_46] : memref<2048x128xf32, #tpu.memory_space<vmem>>, vector<2048x128xf32>
    tpu.vector_store %arg5[%swap3A, %swap3A_46], %concatenate3A {strides = array<i32>} : memref<2048x128xf32, #tpu.memory_space<vmem>>, vector<2048x128xf32>,
    return
  }
  func.func @transform_0(%arg0: i32) -> (i32, i32) {
    %c0_i32 = arith.constant 0 : i32
    %c0_i32_0 = arith.constant 0 : i32
    return %arg0, %c0_i32 : i32, i32
  }
  func.func @transform_1(%arg0: i32) -> (i32, i32) {
    %c0_i32 = arith.constant 0 : i32
    %c0_i32_0 = arith.constant 0 : i32
    %c0_i32_1 = arith.constant 0 : i32
    return %c0_i32, %c0_i32_0 : i32, i32
  }
  func.func @transform_2(%arg0: i32) -> (i32, i32) {
    %c0_i32 = arith.constant 0 : i32
    %c0_i32_0 = arith.constant 0 : i32
    %c0_i32_1 = arith.constant 0 : i32
    return %c0_i32, %c0_i32_0 : i32, i32
  }
  func.func @transform_3(%arg0: i32) -> (i32, i32) {
    %c0_i32 = arith.constant 0 : i32
    %c0_i32_0 = arith.constant 0 : i32
    %c0_i32_1 = arith.constant 0 : i32
    return %c0_i32, %c0_i32_0 : i32, i32
  }
  func.func @transform_4(%arg0: i32) -> (i32, i32) {
    %c0_i32 = arith.constant 0 : i32
    %c0_i32_0 = arith.constant 0 : i32
    return %arg0, %c0_i32 : i32, i32
  }
}

module attributes {stable_mosaic.version = 14 : i64} {
  func.func @_edge_body(%arg0: i32, %arg1: memref<2048x128xf32, #tpu.memory_space<vmem>>, %arg2: memref<64x64xf32, #tpu.memory_space<vmem>>, %arg3: memref<1x64xf32, #tpu.memory_space<vmem>>, %arg4: memref<256x64xf32, #tpu.memory_space<vmem>>, %arg5: memref<2048x128xf32, #tpu.memory_space<vmem>>) attributes {dimension_semantics = [#tpu.dimension_semantics<arbitrary>], iteration_bounds = array<i64: 80>, scalar_prefetch = 0 : i64, scratch_operands = 0 : i64, tpu.core_type = #tpu.core_type<tc>, window_params = [{transform_indices = @transform_0, window_bounds = array<i64: 2048, 128>}, {pipeline_mode = #tpu.pipeline_mode<synchronous>, transform_indices = @transform_1, window_bounds = array<i64: 64, 64>}, {pipeline_mode = #tpu.pipeline_mode<synchronous>, transform_indices = @transform_2, window_bounds = array<i64: 1, 64>}, {pipeline_mode = #tpu.pipeline_mode<synchronous>, transform_indices = @transform_3, window_bounds = array<i64: 256, 64>}, {transform_indices = @transform_4, window_bounds = array<i64: 2048, 128>}]} {
    %get3A = arith.constant 0 : index
    %get3A_0 = arith.constant 0 : index
    %get3A_1 = vector.load %arg1[%get3A, %get3A_0] : memref<2048x128xf32, #tpu.memory_space<vmem>>, vector<2048x128xf32>
    %get3A_2 = arith.constant 0 : index
    %get3A_3 = arith.constant 0 : index
    %get3A_4 = vector.load %arg4[%get3A_2, %get3A_3] : memref<256x64xf32, #tpu.memory_space<vmem>>, vector<128x64xf32>
    %dot_general3A = arith.constant dense<0.000000e+00> : vector<2048x64xf32>
    %dot_general3A_5 = tpu.matmul %get3A_1, %get3A_4, %dot_general3A {dimension_numbers = #tpu.dot_dimension_numbers<[1], [0], [0], [1], [0, 0, 1, 1], [], []>, transpose_lhs_hint = false} : vector<2048x128xf32>, vector<128x64xf32>, vector<2048x64xf32> -> vector<2048x64xf32>
    %mul3A = arith.mulf %get3A_1, %get3A_1 : vector<2048x128xf32>
    %get3A_6 = arith.constant 128 : index
    %get3A_7 = arith.constant 0 : index
    %get3A_8 = vector.load %arg4[%get3A_6, %get3A_7] : memref<256x64xf32, #tpu.memory_space<vmem>>, vector<128x64xf32>
    %dot_general3A_9 = arith.constant dense<0.000000e+00> : vector<2048x64xf32>
    %dot_general3A_10 = tpu.matmul %mul3A, %get3A_8, %dot_general3A_9 {dimension_numbers = #tpu.dot_dimension_numbers<[1], [0], [0], [1], [0, 0, 1, 1], [], []>, transpose_lhs_hint = false} : vector<2048x128xf32>, vector<128x64xf32>, vector<2048x64xf32> -> vector<2048x64xf32>
    %add3A = arith.addf %dot_general3A_5, %dot_general3A_10 : vector<2048x64xf32>
    %logistic3A = arith.negf %add3A : vector<2048x64xf32>
    %logistic3A_11 = math.exp %logistic3A : vector<2048x64xf32>
    %logistic3A_12 = arith.constant 1.000000e+00 : f32
    %logistic3A_13 = vector.broadcast %logistic3A_12 : f32 to vector<2048x64xf32>
    %logistic3A_14 = arith.addf %logistic3A_13, %logistic3A_11 : vector<2048x64xf32>
    %logistic3A_15 = arith.divf %logistic3A_13, %logistic3A_14 : vector<2048x64xf32>
    %mul3A_16 = arith.mulf %add3A, %logistic3A_15 : vector<2048x64xf32>
    %get3A_17 = arith.constant 0 : index
    %get3A_18 = arith.constant 0 : index
    %get3A_19 = vector.load %arg2[%get3A_17, %get3A_18] : memref<64x64xf32, #tpu.memory_space<vmem>>, vector<64x64xf32>
    %dot_general3A_20 = arith.constant dense<0.000000e+00> : vector<2048x64xf32>
    %dot_general3A_21 = tpu.matmul %mul3A_16, %get3A_19, %dot_general3A_20 {dimension_numbers = #tpu.dot_dimension_numbers<[1], [0], [0], [1], [0, 0, 1, 1], [], []>, transpose_lhs_hint = false} : vector<2048x64xf32>, vector<64x64xf32>, vector<2048x64xf32> -> vector<2048x64xf32>
    %get3A_22 = arith.constant 0 : index
    %get3A_23 = arith.constant 0 : index
    %get3A_24 = vector.load %arg3[%get3A_22, %get3A_23] : memref<1x64xf32, #tpu.memory_space<vmem>>, vector<1x64xf32>
    %add3A_25 = vector.broadcast %get3A_24 : vector<1x64xf32> to vector<2048x64xf32>
    %add3A_26 = arith.addf %dot_general3A_21, %add3A_25 : vector<2048x64xf32>
    %logistic3A_27 = arith.negf %add3A_26 : vector<2048x64xf32>
    %logistic3A_28 = math.exp %logistic3A_27 : vector<2048x64xf32>
    %logistic3A_29 = arith.constant 1.000000e+00 : f32
    %logistic3A_30 = vector.broadcast %logistic3A_29 : f32 to vector<2048x64xf32>
    %logistic3A_31 = arith.addf %logistic3A_30, %logistic3A_28 : vector<2048x64xf32>
    %logistic3A_32 = arith.divf %logistic3A_30, %logistic3A_31 : vector<2048x64xf32>
    %mul3A_33 = arith.mulf %add3A_26, %logistic3A_32 : vector<2048x64xf32>
    %mul3A_34 = arith.constant 2048 : i32
    %mul3A_35 = arith.muli %arg0, %mul3A_34 : i32
    %add3A_36 = arith.constant 0 : i32
    %add3A_37 = arith.addi %add3A_36, %mul3A_35 : i32
    %iota3A = tpu.iota {dimensions = array<i32: 0>} : vector<2048x1xi32>
    %add3A_38 = vector.broadcast %add3A_37 : i32 to vector<2048x1xi32>
    %add3A_39 = arith.addi %add3A_38, %iota3A : vector<2048x1xi32>
    %lt3A = arith.constant 320000 : i32
    %lt3A_40 = vector.broadcast %lt3A : i32 to vector<2048x1xi32>
    %lt3A_41 = arith.cmpi slt, %add3A_39, %lt3A_40 : vector<2048x1xi32>
    %convert_element_type3A = arith.extui %lt3A_41 : vector<2048x1xi1> to vector<2048x1xi32>
    %convert_element_type3A_42 = arith.sitofp %convert_element_type3A : vector<2048x1xi32> to vector<2048x1xf32>
    %broadcast_in_dim3A = arith.constant 0.000000e+00 : f32
    %broadcast_in_dim3A_43 = vector.broadcast %broadcast_in_dim3A : f32 to vector<2048x63xf32>
    %mul3A_44 = vector.broadcast %convert_element_type3A_42 : vector<2048x1xf32> to vector<2048x64xf32>
    %mul3A_45 = arith.mulf %mul3A_33, %mul3A_44 : vector<2048x64xf32>
    %concatenate3A = tpu.concatenate %mul3A_45, %convert_element_type3A_42, %broadcast_in_dim3A_43 in 1 : vector<2048x64xf32>, vector<2048x1xf32>, vector<2048x63xf32> -> vector<2048x128xf32>
    %swap3A = arith.constant 0 : index
    %swap3A_46 = arith.constant 0 : index
    %swap3A_47 = vector.load %arg5[%swap3A, %swap3A_46] : memref<2048x128xf32, #tpu.memory_space<vmem>>, vector<2048x128xf32>
    tpu.vector_store %arg5[%swap3A, %swap3A_46], %concatenate3A {strides = array<i32>} : memref<2048x128xf32, #tpu.memory_space<vmem>>, vector<2048x128xf32>,
    return
  }
  func.func @transform_0(%arg0: i32) -> (i32, i32) {
    %c0_i32 = arith.constant 0 : i32
    %c0_i32_0 = arith.constant 0 : i32
    return %arg0, %c0_i32 : i32, i32
  }
  func.func @transform_1(%arg0: i32) -> (i32, i32) {
    %c0_i32 = arith.constant 0 : i32
    %c0_i32_0 = arith.constant 0 : i32
    %c0_i32_1 = arith.constant 0 : i32
    return %c0_i32, %c0_i32_0 : i32, i32
  }
  func.func @transform_2(%arg0: i32) -> (i32, i32) {
    %c0_i32 = arith.constant 0 : i32
    %c0_i32_0 = arith.constant 0 : i32
    %c0_i32_1 = arith.constant 0 : i32
    return %c0_i32, %c0_i32_0 : i32, i32
  }
  func.func @transform_3(%arg0: i32) -> (i32, i32) {
    %c0_i32 = arith.constant 0 : i32
    %c0_i32_0 = arith.constant 0 : i32
    %c0_i32_1 = arith.constant 0 : i32
    return %c0_i32, %c0_i32_0 : i32, i32
  }
  func.func @transform_4(%arg0: i32) -> (i32, i32) {
    %c0_i32 = arith.constant 0 : i32
    %c0_i32_0 = arith.constant 0 : i32
    return %arg0, %c0_i32 : i32, i32
  }
}

module attributes {stable_mosaic.version = 14 : i64} {
  func.func @_node_body(%arg0: i32, %arg1: memref<2000x128xf32, #tpu.memory_space<vmem>>, %arg2: memref<2x2000x128xf32, #tpu.memory_space<vmem>>, %arg3: memref<2x2000x128xf32, #tpu.memory_space<vmem>>, %arg4: memref<192x64xf32, #tpu.memory_space<vmem>>, %arg5: memref<1x64xf32, #tpu.memory_space<vmem>>, %arg6: memref<64x32xf32, #tpu.memory_space<vmem>>, %arg7: memref<1x32xf32, #tpu.memory_space<vmem>>, %arg8: memref<2000x32xf32, #tpu.memory_space<vmem>>) attributes {dimension_semantics = [#tpu.dimension_semantics<arbitrary>], iteration_bounds = array<i64: 5>, scalar_prefetch = 0 : i64, scratch_operands = 0 : i64, tpu.core_type = #tpu.core_type<tc>, window_params = [{transform_indices = @transform_0, window_bounds = array<i64: 2000, 128>}, {transform_indices = @transform_1, window_bounds = array<i64: 2, 2000, 128>}, {transform_indices = @transform_2, window_bounds = array<i64: 2, 2000, 128>}, {pipeline_mode = #tpu.pipeline_mode<synchronous>, transform_indices = @transform_3, window_bounds = array<i64: 192, 64>}, {pipeline_mode = #tpu.pipeline_mode<synchronous>, transform_indices = @transform_4, window_bounds = array<i64: 1, 64>}, {pipeline_mode = #tpu.pipeline_mode<synchronous>, transform_indices = @transform_5, window_bounds = array<i64: 64, 32>}, {pipeline_mode = #tpu.pipeline_mode<synchronous>, transform_indices = @transform_6, window_bounds = array<i64: 1, 32>}, {transform_indices = @transform_7, window_bounds = array<i64: 2000, 32>}]} {
    %get3A = arith.constant 0 : index
    %get3A_0 = arith.constant 0 : index
    %get3A_1 = arith.constant 0 : index
    %get3A_2 = vector.load %arg2[%get3A, %get3A_0, %get3A_1] : memref<2x2000x128xf32, #tpu.memory_space<vmem>>, vector<1x2000x128xf32>
    %get3A_3 = vector.shape_cast %get3A_2 : vector<1x2000x128xf32> to vector<2000x128xf32>
    %get3A_4 = arith.constant 0 : index
    %get3A_5 = arith.constant 0 : index
    %get3A_6 = arith.constant 0 : index
    %get3A_7 = vector.load %arg3[%get3A_4, %get3A_5, %get3A_6] : memref<2x2000x128xf32, #tpu.memory_space<vmem>>, vector<1x2000x128xf32>
    %get3A_8 = vector.shape_cast %get3A_7 : vector<1x2000x128xf32> to vector<2000x128xf32>
    %add3A = arith.addf %get3A_3, %get3A_8 : vector<2000x128xf32>
    %get3A_9 = arith.constant 1 : index
    %get3A_10 = arith.constant 0 : index
    %get3A_11 = arith.constant 0 : index
    %get3A_12 = vector.load %arg2[%get3A_9, %get3A_10, %get3A_11] : memref<2x2000x128xf32, #tpu.memory_space<vmem>>, vector<1x2000x128xf32>
    %get3A_13 = vector.shape_cast %get3A_12 : vector<1x2000x128xf32> to vector<2000x128xf32>
    %get3A_14 = arith.constant 1 : index
    %get3A_15 = arith.constant 0 : index
    %get3A_16 = arith.constant 0 : index
    %get3A_17 = vector.load %arg3[%get3A_14, %get3A_15, %get3A_16] : memref<2x2000x128xf32, #tpu.memory_space<vmem>>, vector<1x2000x128xf32>
    %get3A_18 = vector.shape_cast %get3A_17 : vector<1x2000x128xf32> to vector<2000x128xf32>
    %add3A_19 = arith.addf %get3A_13, %get3A_18 : vector<2000x128xf32>
    %slice3A = vector.extract_strided_slice %add3A {offsets = [0, 0], sizes = [2000, 64], strides = [1, 1]} : vector<2000x128xf32> to vector<2000x64xf32>
    %slice3A_20 = vector.extract_strided_slice %add3A_19 {offsets = [0, 0], sizes = [2000, 64], strides = [1, 1]} : vector<2000x128xf32> to vector<2000x64xf32>
    %add3A_21 = arith.addf %slice3A, %slice3A_20 : vector<2000x64xf32>
    %slice3A_22 = vector.extract_strided_slice %add3A {offsets = [0, 64], sizes = [2000, 1], strides = [1, 1]} : vector<2000x128xf32> to vector<2000x1xf32>
    %slice3A_23 = vector.extract_strided_slice %add3A_19 {offsets = [0, 64], sizes = [2000, 1], strides = [1, 1]} : vector<2000x128xf32> to vector<2000x1xf32>
    %add3A_24 = arith.addf %slice3A_22, %slice3A_23 : vector<2000x1xf32>
    %max3A = arith.constant 1.000000e+00 : f32
    %max3A_25 = vector.broadcast %max3A : f32 to vector<2000x1xf32>
    %max3A_26 = arith.maximumf %add3A_24, %max3A_25 : vector<2000x1xf32>
    %div3A = vector.broadcast %max3A_26 : vector<2000x1xf32> to vector<2000x64xf32>
    %div3A_27 = arith.divf %add3A_21, %div3A : vector<2000x64xf32>
    %get3A_28 = arith.constant 0 : index
    %get3A_29 = arith.constant 0 : index
    %get3A_30 = vector.load %arg1[%get3A_28, %get3A_29] : memref<2000x128xf32, #tpu.memory_space<vmem>>, vector<2000x128xf32>
    %get3A_31 = arith.constant 0 : index
    %get3A_32 = arith.constant 0 : index
    %get3A_33 = vector.load %arg4[%get3A_31, %get3A_32] : memref<192x64xf32, #tpu.memory_space<vmem>>, vector<128x64xf32>
    %dot_general3A = arith.constant dense<0.000000e+00> : vector<2000x64xf32>
    %dot_general3A_34 = tpu.matmul %get3A_30, %get3A_33, %dot_general3A {dimension_numbers = #tpu.dot_dimension_numbers<[1], [0], [0], [1], [0, 0, 1, 1], [], []>, transpose_lhs_hint = false} : vector<2000x128xf32>, vector<128x64xf32>, vector<2000x64xf32> -> vector<2000x64xf32>
    %get3A_35 = arith.constant 128 : index
    %get3A_36 = arith.constant 0 : index
    %get3A_37 = vector.load %arg4[%get3A_35, %get3A_36] : memref<192x64xf32, #tpu.memory_space<vmem>>, vector<64x64xf32>
    %dot_general3A_38 = arith.constant dense<0.000000e+00> : vector<2000x64xf32>
    %dot_general3A_39 = tpu.matmul %div3A_27, %get3A_37, %dot_general3A_38 {dimension_numbers = #tpu.dot_dimension_numbers<[1], [0], [0], [1], [0, 0, 1, 1], [], []>, transpose_lhs_hint = false} : vector<2000x64xf32>, vector<64x64xf32>, vector<2000x64xf32> -> vector<2000x64xf32>
    %add3A_40 = arith.addf %dot_general3A_34, %dot_general3A_39 : vector<2000x64xf32>
    %get3A_41 = arith.constant 0 : index
    %get3A_42 = arith.constant 0 : index
    %get3A_43 = vector.load %arg5[%get3A_41, %get3A_42] : memref<1x64xf32, #tpu.memory_space<vmem>>, vector<1x64xf32>
    %add3A_44 = vector.broadcast %get3A_43 : vector<1x64xf32> to vector<2000x64xf32>
    %add3A_45 = arith.addf %add3A_40, %add3A_44 : vector<2000x64xf32>
    %logistic3A = arith.negf %add3A_45 : vector<2000x64xf32>
    %logistic3A_46 = math.exp %logistic3A : vector<2000x64xf32>
    %logistic3A_47 = arith.constant 1.000000e+00 : f32
    %logistic3A_48 = vector.broadcast %logistic3A_47 : f32 to vector<2000x64xf32>
    %logistic3A_49 = arith.addf %logistic3A_48, %logistic3A_46 : vector<2000x64xf32>
    %logistic3A_50 = arith.divf %logistic3A_48, %logistic3A_49 : vector<2000x64xf32>
    %mul3A = arith.mulf %add3A_45, %logistic3A_50 : vector<2000x64xf32>
    %get3A_51 = arith.constant 0 : index
    %get3A_52 = arith.constant 0 : index
    %get3A_53 = vector.load %arg6[%get3A_51, %get3A_52] : memref<64x32xf32, #tpu.memory_space<vmem>>, vector<64x32xf32>
    %dot_general3A_54 = arith.constant dense<0.000000e+00> : vector<2000x32xf32>
    %dot_general3A_55 = tpu.matmul %mul3A, %get3A_53, %dot_general3A_54 {dimension_numbers = #tpu.dot_dimension_numbers<[1], [0], [0], [1], [0, 0, 1, 1], [], []>, transpose_lhs_hint = false} : vector<2000x64xf32>, vector<64x32xf32>, vector<2000x32xf32> -> vector<2000x32xf32>
    %get3A_56 = arith.constant 0 : index
    %get3A_57 = arith.constant 0 : index
    %get3A_58 = vector.load %arg7[%get3A_56, %get3A_57] : memref<1x32xf32, #tpu.memory_space<vmem>>, vector<1x32xf32>
    %add3A_59 = vector.broadcast %get3A_58 : vector<1x32xf32> to vector<2000x32xf32>
    %add3A_60 = arith.addf %dot_general3A_55, %add3A_59 : vector<2000x32xf32>
    %swap3A = arith.constant 0 : index
    %swap3A_61 = arith.constant 0 : index
    %swap3A_62 = vector.load %arg8[%swap3A, %swap3A_61] : memref<2000x32xf32, #tpu.memory_space<vmem>>, vector<2000x32xf32>
    tpu.vector_store %arg8[%swap3A, %swap3A_61], %add3A_60 {strides = array<i32>} : memref<2000x32xf32, #tpu.memory_space<vmem>>, vector<2000x32xf32>,
    return
  }
  func.func @transform_0(%arg0: i32) -> (i32, i32) {
    %c0_i32 = arith.constant 0 : i32
    %c0_i32_0 = arith.constant 0 : i32
    return %arg0, %c0_i32 : i32, i32
  }
  func.func @transform_1(%arg0: i32) -> (i32, i32, i32) {
    %c0_i32 = arith.constant 0 : i32
    %c0_i32_0 = arith.constant 0 : i32
    %c0_i32_1 = arith.constant 0 : i32
    return %c0_i32, %arg0, %c0_i32_0 : i32, i32, i32
  }
  func.func @transform_2(%arg0: i32) -> (i32, i32, i32) {
    %c0_i32 = arith.constant 0 : i32
    %c0_i32_0 = arith.constant 0 : i32
    %c0_i32_1 = arith.constant 0 : i32
    return %c0_i32, %arg0, %c0_i32_0 : i32, i32, i32
  }
  func.func @transform_3(%arg0: i32) -> (i32, i32) {
    %c0_i32 = arith.constant 0 : i32
    %c0_i32_0 = arith.constant 0 : i32
    %c0_i32_1 = arith.constant 0 : i32
    return %c0_i32, %c0_i32_0 : i32, i32
  }
  func.func @transform_4(%arg0: i32) -> (i32, i32) {
    %c0_i32 = arith.constant 0 : i32
    %c0_i32_0 = arith.constant 0 : i32
    %c0_i32_1 = arith.constant 0 : i32
    return %c0_i32, %c0_i32_0 : i32, i32
  }
  func.func @transform_5(%arg0: i32) -> (i32, i32) {
    %c0_i32 = arith.constant 0 : i32
    %c0_i32_0 = arith.constant 0 : i32
    %c0_i32_1 = arith.constant 0 : i32
    return %c0_i32, %c0_i32_0 : i32, i32
  }
  func.func @transform_6(%arg0: i32) -> (i32, i32) {
    %c0_i32 = arith.constant 0 : i32
    %c0_i32_0 = arith.constant 0 : i32
    %c0_i32_1 = arith.constant 0 : i32
    return %c0_i32, %c0_i32_0 : i32, i32
  }
  func.func @transform_7(%arg0: i32) -> (i32, i32) {
    %c0_i32 = arith.constant 0 : i32
    %c0_i32_0 = arith.constant 0 : i32
    return %arg0, %c0_i32 : i32, i32
  }
}

</mosaic_0001>

<sc_bundles>
// kernel: kernel.10.cloned.1.call-start
scs
__scs_entry_jumppad:
0x0: {  	(pc) =	sbr.rel $0x88, $3  }
0x1: {  	(tag) =	ssettag $0x0;
	lr =	simm.s32 $0x1  }
0x2: {  	[smem:$0x3F96] =	sst lr;
	_ =	strace $0xD0000000  }
0x3: {  	_ = 	snop  }
0x4: {  	_ = 	snop  }
0x5: {  	_ = 	snop  }
0x6: {  	_ = 	snop  }
0x7: {  	_ = 	snop  }
__scs_overlays_trampoline_lowered:
0x8: {  	[smem:$0x3FA5] =	sst s0  }
0x9: {  	[smem:$0x3FA6] =	sst s1  }
0xa: {  	[smem:$0x3FA7] =	sst s2  }
0xb: {  	[smem:$0x3FA8] =	sst s3  }
0xc: {  	[smem:$0x3FA9] =	sst s4  }
0xd: {  	[smem:$0x3FAA] =	sst s5  }
0xe: {  	[smem:$0x3FAB] =	sst s6  }
0xf: {  	[smem:$0x3FAC] =	sst s7  }
0x10: {  	[smem:$0x3FAD] =	sst s8  }
0x11: {  	[smem:$0x3FAE] =	sst s9;
	s0 =	simm.s32 @!p0 $0x0  }
0x12: {  	s1 =	sld [smem:$0x3F94];
	s0 =	simm.s32 @p0 $0x1  }
0x13: {  	[smem:$0x3FAF] =	sst s0;
	s0 =	simm.s32 @!p1 $0x0  }
0x14: {  	s2 =	sld [smem:$0x3F93];
	s0 =	simm.s32 @p1 $0x1  }
0x15: {  	[smem:$0x3FB0] =	sst s0;
	s0 =	simm.s32 @!p2 $0x0  }
0x16: {  	s3 =	sld [smem:$0x3FDB];
	s0 =	simm.s32 @p2 $0x1  }
0x17: {  	s4 =	simm.s32 $0x1BF5;
	[smem:$0x3FB2] =	sst s0  }
0x18: {  	s0 =	sld [smem:$0x3F95];
	_ =	swait.ge [sflag:s4], $0x0  }
0x19: {  	s7 =	sld [smem:$0x3F96]  }
0x1a: {  	s8 =	sadd.s32 $0xFFFFE003, lr  }
0x1b: {  	s9 =	sadd.s32 $0xFFFFFEF7, lr;
	s5 =	simm.s32 $0xFFFFFFFF;
	p2 =	slt.u32 s8, $0xFFFFF086  }
0x1c: {  	p1 =	slt.u32 s9, $0xF7A;
	s5 =	simm.s32 @!p2 $0x0  }
0x1d: {  	s5 =	simm.s32 @p1 $0x1;
	p0 =	seq.s32 s7, s2  }
0x1e: {  	s7 =	smul.u32 @!p0 $0xF7A, s2;
	p2 =	seq.s32 @!p0 s5, $0x0  }
0x1f: {  	s9 =	smul.u32 $0xF7A, s1;
	s8 =	simm.s32 @!p0 $0x1BF5;
	p2 =	por !p2, p0  }
0x20: {  	[sflag:s8] =	ssyncset.s32 @!p0 $0xFFFFF086;
	s6 =	sadd.s32 @!p0 s3, s7;
	s7 =	simm.s32 @!p0 $0x108  }
0x21: {  	s3 =	sadd.s32 s3, s9;
	s6 =	sadd.s32 @!p0 $0x88, s6;
	s7 =	simm.s32 @p2 $0x1082  }
0x22: {  	[simem:s7], [sflag:s8] =	dma.local @!p0 [hbm:s6], $0xF7A  }
0x23: {  	s9 =	sor.u32 $0xD0000000, s2;
	s6 =	simm.s32 $0x108;
	_ =	swait.ge @!p0 [sflag:s8], $0x0  }
0x24: {  	s3 =	sadd.s32 $0x88, s3;
	s6 =	simm.s32 @!p1 $0x1082;
	[sflag:s4] =	ssyncset.s32 $0xFFFFF086  }
0x25: {  	[simem:s6], [sflag:s4] =	dma.local [hbm:s3], $0xF7A  }
0x26: {  	[smem:$0x3F96] =	sst s1;
	(tag) =	ssettag s2;
	_ =	strace s9  }
0x27: {  	s1 =	sld [smem:$0x3FA6]  }
0x28: {  	s2 =	sld [smem:$0x3FA7]  }
0x29: {  	s4 =	sld [smem:$0x3FA9]  }
0x2a: {  	p0 =	seq.s32 s5, $0x0;
	s5 =	sld [smem:$0x3FAA]  }
0x2b: {  	s6 =	sld [smem:$0x3FAB]  }
0x2c: {  	s7 =	sld [smem:$0x3FAC]  }
0x2d: {  	s3 =	simm.s32 $0x108;
	s8 =	sld [smem:$0x3FAD]  }
0x2e: {  	s3 =	simm.s32 @!p0 $0x1082;
	s9 =	sld [smem:$0x3FAE]  }
0x2f: {  	lr =	sadd.s32 s0, s3;
	s0 =	sld [smem:$0x3FA5]  }
0x30: {  	s3 =	sld [smem:$0x3FA8]  }
0x31: {  	[smem:$0x3FB1] =	sst s10  }
0x32: {  	s10 =	sld [smem:$0x3FAF];
	_ =	sdelay $0x3  }
0x33: {  	p0 =	seq.s32 s10, $0x1;
	s10 =	sld [smem:$0x3FB1];
	_ =	sdelay $0x3  }
0x34: {  	[smem:$0x3FB1] =	sst s10  }
0x35: {  	s10 =	sld [smem:$0x3FB0];
	_ =	sdelay $0x3  }
0x36: {  	p1 =	seq.s32 s10, $0x1;
	s10 =	sld [smem:$0x3FB1];
	_ =	sdelay $0x3  }
0x37: {  	[smem:$0x3FB1] =	sst s10  }
0x38: {  	s10 =	sld [smem:$0x3FB2]  }
0x39: {  	_ = 	snop;
	(pc) =	sbr.ind lr, $3  }
0x3a: {  	_ = 	snop  }
0x3b: {  	_ = 	snop  }
0x3c: {  	p2 =	seq.s32 s10, $0x1;
	s10 =	sld [smem:$0x3FB1]  }
0x3d: {  	_ =	shalt  }
0x3e: {  	_ =	shalt  }
0x3f: {  	_ =	shalt  }
0x40: {  	_ =	shalt  }
0x41: {  	_ =	shalt  }
0x42: {  	_ =	shalt  }
0x43: {  	_ =	shalt  }
0x44: {  	_ =	shalt  }
0x45: {  	_ =	shalt  }
0x46: {  	_ =	shalt  }
0x47: {  	_ =	shalt  }
0x48: {  	_ =	shalt  }
0x49: {  	_ =	shalt  }
0x4a: {  	_ =	shalt  }
0x4b: {  	_ =	shalt  }
0x4c: {  	_ =	shalt  }
0x4d: {  	_ =	shalt  }
0x4e: {  	_ =	shalt  }
0x4f: {  	_ =	shalt  }
0x50: {  	_ =	shalt  }
0x51: {  	_ =	shalt  }
0x52: {  	_ =	shalt  }
0x53: {  	_ =	shalt  }
0x54: {  	_ =	shalt  }
0x55: {  	_ =	shalt  }
0x56: {  	_ =	shalt  }
0x57: {  	_ =	shalt  }
0x58: {  	_ =	shalt  }
0x59: {  	_ =	shalt  }
0x5a: {  	_ =	shalt  }
0x5b: {  	_ =	shalt  }
0x5c: {  	_ =	shalt  }
0x5d: {  	_ =	shalt  }
0x5e: {  	_ =	shalt  }
0x5f: {  	_ =	shalt  }
0x60: {  	_ =	shalt  }
0x61: {  	_ =	shalt  }
0x62: {  	_ =	shalt  }
0x63: {  	_ =	shalt  }
0x64: {  	_ =	shalt  }
0x65: {  	_ =	shalt  }
0x66: {  	_ =	shalt  }
0x67: {  	_ =	shalt  }
0x68: {  	_ =	shalt  }
0x69: {  	_ =	shalt  }
0x6a: {  	_ =	shalt  }
0x6b: {  	_ =	shalt  }
0x6c: {  	_ =	shalt  }
0x6d: {  	_ =	shalt  }
0x6e: {  	_ =	shalt  }
0x6f: {  	_ =	shalt  }
0x70: {  	_ =	shalt  }
0x71: {  	_ =	shalt  }
0x72: {  	_ =	shalt  }
0x73: {  	_ =	shalt  }
0x74: {  	_ =	shalt  }
0x75: {  	_ =	shalt  }
0x76: {  	_ =	shalt  }
0x77: {  	_ =	shalt  }
0x78: {  	_ =	shalt  }
0x79: {  	_ =	shalt  }
0x7a: {  	_ =	shalt  }
0x7b: {  	_ =	shalt  }
0x7c: {  	_ =	shalt  }
0x7d: {  	_ =	shalt  }
0x7e: {  	_ =	shalt  }
0x7f: {  	_ =	shalt  }
0x80: {  	_ =	shalt  }
0x81: {  	_ =	shalt  }
0x82: {  	_ =	shalt  }
0x83: {  	_ =	shalt  }
0x84: {  	_ =	shalt  }
0x85: {  	_ =	shalt  }
0x86: {  	_ =	shalt  }
0x87: {  	_ =	shalt  }
.Lfunc_end0:
.L_simem_size_0:
called_computation_lowered:
.L_overlay_start_0:
0x88: {  	s2 =	sld [smem:$0x3FD9]  }
0x89: {  	s3 =	sld [smem:$0x3FFE];
	_ =	sdelay $0x1  }
0x8a: {  	s1 =	srdreg.scid  }
0x8b: {  	s0 =	sand.u32 $0x1, s1  }
0x8c: {  	s17 =	sshll.u32 s0, $0xA;
	s2 =	sadd.s32 s3, s2  }
0x8d: {  	s2 =	sadd.s32 s2, s17  }
0x8e: {  	[smem:$0x3FBD] =	sst s2  }
0x8f: {  	_ = 	snop  }
0x90: {  	s18 =	sld [smem:$0x3FD0];
	(tm) =	ssettm $0x1  }
0x91: {  	s19 =	sld [smem:$0x3FFB];
	_ =	sdelay $0x3  }
0x92: {  	_ =	strace s19  }
0x93: {  	s2 =	sld [smem:$0x3FFC];
	_ =	sdelay $0x3  }
0x94: {  	_ =	strace s2  }
0x95: {  	s2 =	sld [smem:$0x3FFD];
	_ =	sdelay $0x3  }
0x96: {  	_ =	strace s2  }
0x97: {  	_ =	strace $0x8FFFFFFF  }
0x98: {  	s20 =	sld [smem:$0x3FDB];
	_ =	sdelay $0x1  }
0x99: {  	s4 =	simm.s32 $_scs_section_size  }
0x9a: {  	s5 =	simm.s32 $_size__tile_overlayer_lowered;
	s6 =	simm.s32 $_tile_overlayer_lowered  }
0x9b: {  	s7 =	simm.s32 $0x1BFF;
	s21 =	sshll.u32 s6, $0x1;
	s4 =	sadd.s32 s4, s20  }
0x9c: {  	s22 =	simm.s32 $0x0;
	s5 =	sshll.u32 s5, $0x1;
	s6 =	sadd.s32 s21, s4  }
0x9d: {  	[timem:s22], [sflag:s7] =	dma.local [hbm:s6], s5  }
0x9e: {  	_ =	swait.ge [sflag:s7], s5  }
0x9f: {  	s5 =	ssub.s32 $0x0, s5;
	[sflag:s7] =	ssyncset.done $0x0  }
0xa0: {  	[sflag:s7] =	ssyncadd.s32 s5;
	_ =	sdelay $0x1  }
0xa1: {  	s23 =	simm.s32 $0x1B8B  }
0xa2: {  	_ =	swait.ge [sflag:s23], $0x1  }
0xa3: {  	[sflag:s23] =	ssyncset.done $0x0  }
0xa4: {  	[sflag:s23] =	ssyncadd.s32 $0xFFFFFFFF  }
0xa5: {  	s5 =	sld [smem:$0x0]  }
0xa6: {  	s6 =	sand.u32 $0xFFFFFFFE, s1  }
0xa7: {  	p0 =	sne.s32 s1, s6  }
0xa8: {  	s6 =	sshll.u32 @p0 s6, $0xE  }
0xa9: {  	s6 =	sadd.s32 @p0 $0x11B8D, s6;
	s7 =	sshll.u32 @p0 s5, $0x11  }
0xaa: {  	s6 =	sor.u32 @p0 s7, s6  }
0xab: {  	[sflag:s6] =	ssyncadd.remote.s32 @p0 $0x1;
	_ =	sdelay $0x1  }
0xac: {  	s6 =	simm.s32 @p0 $0x1B8D  }
0xad: {  	_ =	swait.eq @p0 [sflag:s6], $0x1  }
0xae: {  	[sflag:s6] =	ssyncadd.s32 @p0 $0xFFFFFFFF  }
0xaf: {  	s7 =	sshll.u32 @!p0 s1, $0xE  }
0xb0: {  	s7 =	sor.u32 @!p0 $0x4000, s7;
	s6 =	simm.s32 @!p0 $0x1B8D  }
0xb1: {  	s5 =	sshll.u32 @!p0 s5, $0x11;
	s7 =	sadd.s32 @!p0 $0x11B8D, s7;
	_ =	swait.eq @!p0 [sflag:s6], $0x1  }
0xb2: {  	s5 =	sor.u32 @!p0 s5, s7;
	[sflag:s6] =	ssyncadd.s32 @!p0 $0xFFFFFFFF  }
0xb3: {  	s25 =	simm.s32 $0x1B8E;
	s24 =	sld [smem:$0x3FFE];
	[sflag:s5] =	ssyncadd.remote.s32 @!p0 $0x1  }
0xb4: {  	s26 =	simm.s32 $execute0_lowered;
	[smem:$0x3FD2] =	sst s25  }
0xb5: {  	s6 =	sshll.u32 s26, $0x1;
	_ =	strace $0x80000049;
	[dreg:$0x1] =	wrdreg $0xFFFFFFFF  }
0xb6: {  	s28 =	simm.s32 $_size_execute0_lowered;
	s4 =	sadd.s32 s4, s6;
	[dreg:$0x0] =	wrdreg $0x0  }
0xb7: {  	s6 =	sshll.u32 s28, $0x1;
	[dreg:$0x2] =	wrdreg s4  }
0xb8: {  	[dreg:$0x3] =	wrdreg s6  }
0xb9: {  	[dreg:$0x4] =	wrdreg $0xC0  }
0xba: {  	_ =	task [dreg:s22], $0x5FFFF  }
0xbb: {  	[dreg:$0x1] =	wrdreg $0xFFFFFFFF  }
0xbc: {  	[dreg:$0x0] =	wrdreg $0x60  }
0xbd: {  	[dreg:$0x2] =	wrdreg s24  }
0xbe: {  	[dreg:$0x3] =	wrdreg s18  }
0xbf: {  	[dreg:$0x4] =	wrdreg $0x9  }
0xc0: {  	_ =	task.clear_ibuf [dreg:s22], $0x5FFFF;
	_ =	strace $0x90000049  }
0xc1: {  	s29 =	simm.s32 $0x9;
	_ =	strace $0x8000004B  }
0xc2: {  	_ =	swait.ge [sflag:s29], $0x1  }
0xc3: {  	[sflag:s29] =	ssyncadd.s32 $0xFFFFFFFF  }
0xc4: {  	_ =	strace $0x9000004B  }
0xc5: {  	_ =	sfence  }
0xc6: {  	s30 =	sld [smem:$0x0];
	_ =	sdelay $0x2  }
0xc7: {  	s31 =	sshll.u32 s1, $0xD;
	s1 =	sshrl.u32 s1, $0x2  }
0xc8: {  	s4 =	sand.u32 $0x4000, s31;
	s1 =	sadd.s32 s1, s30  }
0xc9: {  	s0 =	sor.u32 s4, s0;
	s1 =	sshll.u32 s1, $0x11  }
0xca: {  	s0 =	sor.u32 s1, s0  }
0xcb: {  	s0 =	sadd.s32 $0x8F2B, s0  }
0xcc: {  	[sflag:s0] =	ssyncadd.remote.s32 $0x1  }
0xcd: {  	_ =	sfence.sel $0xFFFF  }
0xce: {  	[dreg:$0x0] =	wrdreg $0xFFFFFFFF;
	(pc) =	sbr.abs _section_cstart, $3  }
0xcf: {  	[dreg:$0x1] =	wrdreg $0xFFFFFFFF  }
0xd0: {  	_ =	task.clear_ibuf [dreg:s22], $0x2FFFF;
	_ =	strace $0x9FFFFFFF  }
0xd1: {  	(tm) =	ssettm $0x7FFFFFFF  }
tec
execute0_lowered:
.L_overlay_start_1:
0x0: {  	(tag) =	ssettag $0x1  }
0x1: {  	s0 =	rddreg [dreg:$0x0]  }
0x2: {  	s1 =	rddreg [dreg:$0x1];
	s3 =	srdreg.scid  }
0x3: {  	s10 =	stileid.u32;
	s2 =	simm.s32 $0x0;
	s13 =	simm.s32 $0x80  }
0x4: {  	s14 =	simm.s32 $0x2800;
	s15 =	simm.s32 $0x6800;
	s17 =	simm.s32 $0xA800  }
0x5: {  	s19 =	simm.s32 $0xE800;
	s21 =	simm.s32 $0x12800;
	s22 =	simm.s32 $0x1  }
0x6: {  	s23 =	simm.s32 $0x2;
	s28 =	simm.s32 $0x6;
	s29 =	simm.s32 $0x7  }
0x7: {  	s30 =	simm.s32 $0x8;
	s31 =	simm.s32 $0x9;
	s9 =	smul.u32 $0x28000, s10  }
0x8: {  	s5 =	sand.u32 $0x1, s3;
	s24 =	sshll.u32 s10, $0x1;
	s10 =	smul.u32 $0x50, s10  }
0x9: {  	[smem:$0x7FF] =	sst s2;
	s4 =	sadd.s32 $0x34400, s0;
	s11 =	smul.u32 $0x28, s5  }
0xa: {  	s3 =	sor.u32 s5, s24;
	s8 =	ssub.s32 $0x2, s5;
	s5 =	smul.u32 $0x14000, s5  }
0xb: {  	_ =	strace $0x8000004A;
	s24 =	simm.s32 $0x3;
	s7 =	smul.u32 $0x280, s3  }
0xc: {  	s3 =	sadd.s32 $0xD200, s0;
	s25 =	sshrl.u32 s8, $0x1;
	s26 =	sadd.s32 s11, s10  }
0xd: {  	s9 =	sadd.s32 s5, s9;
	s11 =	simm.s32 $0xB;
	s6 =	sadd.s32 s7, s0  }
0xe: {  	s0 =	sadd.s32 $0x2E0600, s0;
	s7 =	sadd.s32 s1, s7;
	s10 =	sshll.u32 s26, $0xB  }
0xf: {  	s26 =	simm.s32 $0x5;
	s1 =	simm.s32 $0x0;
	[dreg:$0x3] =	wrdreg s0  }
0x10: {  	s0 =	ssub.s32 s8, s25;
	s6 =	sadd.s32 $0x2DB600, s6;
	s25 =	simm.s32 $0x4  }
0x11: {  	[dreg:$0x4] =	wrdreg s6;
	s8 =	smax.u32 s0, $0x1;
	s0 =	simm.s32 $0xA  }
.LBB2_1:
0x12: {  	s5 =	rddreg [dreg:$0x4]  }
0x13: {  	[tilespmem:s2], [sflag:$0xB] =	stream.linear.gather [hbm4b:s5+s2], $0x1400, $0x38;
	[tilespmem:$0x16800] =	vst v63  }
0x14: {  	_ =	swait.ge [sflag:s11], $0x1400  }
0x15: {  	[sflag:s11] =	ssyncset.done $0x0  }
0x16: {  	s12 =	simm.s32 $0x1400;
	[sflag:s11] =	ssyncadd.s32 $0xFFFFEC00  }
0x17: {  	[tilespmem:s12], [sflag:$0xB] =	stream.linear.gather [hbm4b:s7+s2], $0x1400, $0x38;
	[tilespmem:$0x16800] =	vst v63  }
0x18: {  	_ =	swait.ge [sflag:s11], $0x1400  }
0x19: {  	[sflag:s11] =	ssyncset.done $0x0  }
0x1a: {  	[sflag:s11] =	ssyncadd.s32 $0xFFFFEC00  }
0x1b: {  	[tilespmem:s14], [sflag:$0x1] =	stream.indirect.gather [hbm4b:s3+s13], $0x80, s2, s13, $0xb8;
	[tilespmem:$0x16800] =	vst v63  }
0x1c: {  	_ = 	snop  }
0x1d: {  	[tilespmem:s15], [sflag:$0x2] =	stream.indirect.gather [hbm4b:s3+s13], $0x80, s13, s13, $0xb8;
	[tilespmem:$0x16800] =	vst v63  }
0x1e: {  	s16 =	simm.s32 $0x100  }
0x1f: {  	[tilespmem:s17], [sflag:$0x3] =	stream.indirect.gather [hbm4b:s3+s13], $0x80, s16, s13, $0xb8;
	[tilespmem:$0x16800] =	vst v63  }
0x20: {  	s18 =	simm.s32 $0x180  }
0x21: {  	[tilespmem:s19], [sflag:$0x4] =	stream.indirect.gather [hbm4b:s3+s13], $0x80, s18, s13, $0xb8;
	[tilespmem:$0x16800] =	vst v63  }
0x22: {  	s20 =	simm.s32 $0x200;
	s5 =	rddreg [dreg:$0x3];
	s16 =	simm.s32 $0x0  }
0x23: {  	[tilespmem:s21], [sflag:$0x5] =	stream.indirect.gather [hbm4b:s3+s13], $0x80, s20, s13, $0xb8;
	[tilespmem:$0x16800] =	vst v63  }
.LBB2_2:
0x24: {  	_ =	swait.ge [sflag:s22], $0x4000  }
0x25: {  	s18 =	sshra.s32 s16, $0x2;
	[sflag:s22] =	ssyncset.done $0x0  }
0x26: {  	s20 =	sadd.s32 $0x1400, s18;
	[sflag:s22] =	ssyncadd.s32 $0xFFFFC000  }
0x27: {  	[tilespmem:s14], [sflag:$0x1] =	stream.indirect.gather.add.f32 [hbm:s4], $0x80, s20, s13, $0xb8;
	[tilespmem:$0x16800] =	vst v63  }
0x28: {  	_ =	swait.ge [sflag:s23], $0x4000  }
0x29: {  	[sflag:s23] =	ssyncset.done $0x0  }
0x2a: {  	s12 =	sadd.s32 $0x1480, s18;
	[sflag:s23] =	ssyncadd.s32 $0xFFFFC000  }
0x2b: {  	[tilespmem:s15], [sflag:$0x2] =	stream.indirect.gather.add.f32 [hbm:s4], $0x80, s12, s13, $0xb8;
	[tilespmem:$0x16800] =	vst v63  }
0x2c: {  	_ =	swait.ge [sflag:s24], $0x4000  }
0x2d: {  	[sflag:s24] =	ssyncset.done $0x0  }
0x2e: {  	s6 =	sadd.s32 $0x1500, s18;
	[sflag:s24] =	ssyncadd.s32 $0xFFFFC000  }
0x2f: {  	[tilespmem:s17], [sflag:$0x3] =	stream.indirect.gather.add.f32 [hbm:s4], $0x80, s6, s13, $0xb8;
	[tilespmem:$0x16800] =	vst v63  }
0x30: {  	_ =	swait.ge [sflag:s25], $0x4000  }
0x31: {  	[sflag:s25] =	ssyncset.done $0x0  }
0x32: {  	s12 =	sadd.s32 $0x1580, s18;
	[sflag:s25] =	ssyncadd.s32 $0xFFFFC000  }
0x33: {  	[tilespmem:s19], [sflag:$0x4] =	stream.indirect.gather.add.f32 [hbm:s4], $0x80, s12, s13, $0xb8;
	[tilespmem:$0x16800] =	vst v63  }
0x34: {  	_ =	swait.ge [sflag:s26], $0x4000  }
0x35: {  	[sflag:s26] =	ssyncset.done $0x0  }
0x36: {  	s18 =	sadd.s32 $0x1600, s18;
	[sflag:s26] =	ssyncadd.s32 $0xFFFFC000  }
0x37: {  	[tilespmem:s21], [sflag:$0x5] =	stream.indirect.gather.add.f32 [hbm:s4], $0x80, s18, s13, $0xb8;
	[tilespmem:$0x16800] =	vst v63  }
0x38: {  	_ =	swait.ge [sflag:s22], $0x4000  }
0x39: {  	[sflag:s22] =	ssyncset.done $0x0  }
0x3a: {  	s6 =	sadd.s32 s5, s9;
	[sflag:s22] =	ssyncadd.s32 $0xFFFFC000  }
0x3b: {  	[hbm4b:s6+s2] =	stream.linear.scatter [tilespmem:s14], [sflag:$0x6], $0x4000, $0x38;
	[tilespmem:$0x16800] =	vst v63  }
0x3c: {  	_ =	swait.ge [sflag:s23], $0x4000  }
0x3d: {  	s18 =	sadd.s32 s5, s10;
	[sflag:s23] =	ssyncset.done $0x0  }
0x3e: {  	s12 =	sadd.s32 $0x800, s18;
	[sflag:s23] =	ssyncadd.s32 $0xFFFFC000  }
0x3f: {  	[hbm4b:s12+s2] =	stream.linear.scatter [tilespmem:s15], [sflag:$0x7], $0x4000, $0x38;
	[tilespmem:$0x16800] =	vst v63  }
0x40: {  	_ =	swait.ge [sflag:s24], $0x4000  }
0x41: {  	[sflag:s24] =	ssyncset.done $0x0  }
0x42: {  	s6 =	sadd.s32 $0x1000, s18;
	[sflag:s24] =	ssyncadd.s32 $0xFFFFC000  }
0x43: {  	[hbm4b:s6+s2] =	stream.linear.scatter [tilespmem:s17], [sflag:$0x8], $0x4000, $0x38;
	[tilespmem:$0x16800] =	vst v63  }
0x44: {  	_ =	swait.ge [sflag:s25], $0x4000  }
0x45: {  	[sflag:s25] =	ssyncset.done $0x0  }
0x46: {  	s12 =	sadd.s32 $0x1800, s18;
	[sflag:s25] =	ssyncadd.s32 $0xFFFFC000  }
0x47: {  	[hbm4b:s12+s2] =	stream.linear.scatter [tilespmem:s19], [sflag:$0x9], $0x4000, $0x38;
	[tilespmem:$0x16800] =	vst v63  }
0x48: {  	_ =	swait.ge [sflag:s26], $0x4000  }
0x49: {  	[sflag:s26] =	ssyncset.done $0x0  }
0x4a: {  	p0 =	seq.s32 s16, $0x4600;
	s18 =	sadd.s32 $0x2000, s18;
	[sflag:s26] =	ssyncadd.s32 $0xFFFFC000  }
0x4b: {  	[hbm4b:s18+s2] =	stream.linear.scatter [tilespmem:s21], [sflag:$0xA], $0x4000, $0x38;
	[tilespmem:$0x16800] =	vst v63  }
0x4c: {  	s18 =	simm.s32 @!p0 $0x6  }
0x4d: {  	_ =	swait.ge @!p0 [sflag:s18], $0x4000  }
0x4e: {  	[sflag:s18] =	ssyncset.done @!p0 $0x0  }
0x4f: {  	[sflag:s18] =	ssyncadd.s32 @!p0 $0xFFFFC000;
	s18 =	sshra.s32 @!p0 s16, $0x2  }
0x50: {  	s6 =	simm.s32 @!p0 $0x2800;
	s12 =	simm.s32 @!p0 $0x80;
	s20 =	sadd.s32 @!p0 $0x280, s18  }
0x51: {  	[tilespmem:s6], [sflag:$0x1] =	stream.indirect.gather @!p0 [hbm4b:s3+s12], $0x80, s20, s12, $0xb8;
	[tilespmem:$0x16800] =	vst v63  }
0x52: {  	s6 =	simm.s32 @!p0 $0x7  }
0x53: {  	_ =	swait.ge @!p0 [sflag:s6], $0x4000  }
0x54: {  	[sflag:s6] =	ssyncset.done @!p0 $0x0  }
0x55: {  	s20 =	simm.s32 @!p0 $0x6800;
	[sflag:s6] =	ssyncadd.s32 @!p0 $0xFFFFC000;
	s6 =	sadd.s32 @!p0 $0x300, s18  }
0x56: {  	[tilespmem:s20], [sflag:$0x2] =	stream.indirect.gather @!p0 [hbm4b:s3+s12], $0x80, s6, s12, $0xb8;
	[tilespmem:$0x16800] =	vst v63  }
0x57: {  	s6 =	simm.s32 @!p0 $0x8  }
0x58: {  	_ =	swait.ge @!p0 [sflag:s6], $0x4000  }
0x59: {  	[sflag:s6] =	ssyncset.done @!p0 $0x0  }
0x5a: {  	s20 =	simm.s32 @!p0 $0xA800;
	[sflag:s6] =	ssyncadd.s32 @!p0 $0xFFFFC000;
	s6 =	sadd.s32 @!p0 $0x380, s18  }
0x5b: {  	[tilespmem:s20], [sflag:$0x3] =	stream.indirect.gather @!p0 [hbm4b:s3+s12], $0x80, s6, s12, $0xb8;
	[tilespmem:$0x16800] =	vst v63  }
0x5c: {  	s16 =	sadd.s32 @!p0 $0xA00, s16;
	s6 =	simm.s32 @!p0 $0x9  }
0x5d: {  	p1 =	sne.s32 @!p0 s16, $0x5000;
	_ =	swait.ge @!p0 [sflag:s6], $0x4000  }
0x5e: {  	p1 =	por p0, !p1;
	[sflag:s6] =	ssyncset.done @!p0 $0x0  }
0x5f: {  	s20 =	simm.s32 @!p0 $0xE800;
	[sflag:s6] =	ssyncadd.s32 @!p0 $0xFFFFC000;
	s6 =	sadd.s32 @!p0 $0x400, s18  }
0x60: {  	[tilespmem:s20], [sflag:$0x4] =	stream.indirect.gather @!p0 [hbm4b:s3+s12], $0x80, s6, s12, $0xb8;
	[tilespmem:$0x16800] =	vst v63  }
.Ltmp0:
0x61: {  	s6 =	simm.s32 @!p0 $0xA;
	(pc) =	sbr.rel @!p1 .LBB2_2-.Ltmp0, $4  }
0x62: {  	_ =	swait.ge @!p0 [sflag:s6], $0x4000  }
0x63: {  	s5 =	sadd.s32 @!p0 $0x2800, s5;
	[sflag:s6] =	ssyncset.done @!p0 $0x0  }
0x64: {  	[sflag:s6] =	ssyncadd.s32 @!p0 $0xFFFFC000;
	s6 =	sadd.s32 @!p0 $0x480, s18;
	s18 =	simm.s32 @!p0 $0x12800  }
0x65: {  	[tilespmem:s18], [sflag:$0x5] =	stream.indirect.gather @!p0 [hbm4b:s3+s12], $0x80, s6, s12, $0xb8;
	[tilespmem:$0x16800] =	vst v63  }
0x66: {  	_ =	swait.ge [sflag:s28], $0x4000  }
0x67: {  	[sflag:s28] =	ssyncset.done $0x0  }
0x68: {  	[sflag:s28] =	ssyncadd.s32 $0xFFFFC000  }
0x69: {  	_ =	swait.ge [sflag:s29], $0x4000  }
0x6a: {  	[sflag:s29] =	ssyncset.done $0x0  }
0x6b: {  	[sflag:s29] =	ssyncadd.s32 $0xFFFFC000  }
0x6c: {  	_ =	swait.ge [sflag:s30], $0x4000  }
0x6d: {  	[sflag:s30] =	ssyncset.done $0x0  }
0x6e: {  	s1 =	sadd.s32 $0x1, s1;
	[sflag:s30] =	ssyncadd.s32 $0xFFFFC000  }
0x6f: {  	p0 =	sne.s32 s1, s8;
	_ =	swait.ge [sflag:s31], $0x4000  }
.Ltmp1:
0x70: {  	[sflag:s31] =	ssyncset.done $0x0;
	(pc) =	sbr.rel @p0 .LBB2_1-.Ltmp1, $4  }
0x71: {  	[sflag:s31] =	ssyncadd.s32 $0xFFFFC000  }
0x72: {  	_ =	swait.ge [sflag:s0], $0x4000  }
0x73: {  	[sflag:s0] =	ssyncset.done $0x0  }
0x74: {  	[sflag:s0] =	ssyncadd.s32 $0xFFFFC000  }
0x75: {  	_ =	sfence.sel $0x180000  }
0x76: {  	[bflag:$0x0] =	sbarrier.arrive $0xFFFF  }
0x77: {  	_ =	strace $0x9000004A  }
0x78: {  	s0 =	stileid.u32;
	[bflag:$0x2] =	sbarrier.arrive $0xFFFF  }
0x79: {  	p0 =	sne.s32 s0, $0x0;
	s0 =	rddreg [dreg:$0x2]  }
0x7a: {  	s0 =	sadd.s32 @!p0 $0x100000, s0  }
0x7b: {  	[sflag:s0] =	ssyncadd.tile.s32 @!p0 $0x1;
	_ =	shalt  }
.Lfunc_end2:
_tile_overlayer_lowered:
.L_overlay_start_2:
0x7c: {  	(tag) =	ssettag $0x2  }
0x7d: {  	s0 =	rddreg [dreg:$0x0];
	s2 =	stileid.u32  }
0x7e: {  	s1 =	rddreg [dreg:$0x1];
	p0 =	sne.s32 s2, $0x0  }
0x7f: {  	s3 =	rddreg [dreg:$0x2];
	[bflag:$0x3] =	sbarrier.arrive $0xFFFF;
	s2 =	simm.s32 @!p0 $0x1C0B  }
0x80: {  	[timem:s3], [sflag:s2] =	dma.local @!p0 [hbm:s0], s1  }
0x81: {  	s0 =	simm.s32 @!p0 $0xB  }
0x82: {  	_ =	swait.ge @!p0 [sflag:s0], s1  }
0x83: {  	s1 =	ssub.s32 @!p0 $0x0, s1;
	[sflag:s0] =	ssyncset.done @!p0 $0x0  }
0x84: {  	[sflag:s0] =	ssyncadd.s32 @!p0 s1  }
0x85: {  	[bflag:$0x3] =	sbarrier.arrive $0xFFFF  }
0x86: {  	_ =	shalt  }

// kernel: kernel.13.cloned.1.call-start
scs
__scs_entry_jumppad:
0x0: {  	(pc) =	sbr.rel $0x88, $3  }
0x1: {  	(tag) =	ssettag $0x0;
	lr =	simm.s32 $0x1  }
0x2: {  	[smem:$0x3F96] =	sst lr;
	_ =	strace $0xD0000000  }
0x3: {  	_ = 	snop  }
0x4: {  	_ = 	snop  }
0x5: {  	_ = 	snop  }
0x6: {  	_ = 	snop  }
0x7: {  	_ = 	snop  }
__scs_overlays_trampoline_lowered:
0x8: {  	[smem:$0x3FA5] =	sst s0  }
0x9: {  	[smem:$0x3FA6] =	sst s1  }
0xa: {  	[smem:$0x3FA7] =	sst s2  }
0xb: {  	[smem:$0x3FA8] =	sst s3  }
0xc: {  	[smem:$0x3FA9] =	sst s4  }
0xd: {  	[smem:$0x3FAA] =	sst s5  }
0xe: {  	[smem:$0x3FAB] =	sst s6  }
0xf: {  	[smem:$0x3FAC] =	sst s7  }
0x10: {  	[smem:$0x3FAD] =	sst s8  }
0x11: {  	[smem:$0x3FAE] =	sst s9;
	s0 =	simm.s32 @!p0 $0x0  }
0x12: {  	s1 =	sld [smem:$0x3F94];
	s0 =	simm.s32 @p0 $0x1  }
0x13: {  	[smem:$0x3FAF] =	sst s0;
	s0 =	simm.s32 @!p1 $0x0  }
0x14: {  	s2 =	sld [smem:$0x3F93];
	s0 =	simm.s32 @p1 $0x1  }
0x15: {  	[smem:$0x3FB0] =	sst s0;
	s0 =	simm.s32 @!p2 $0x0  }
0x16: {  	s3 =	sld [smem:$0x3FDB];
	s0 =	simm.s32 @p2 $0x1  }
0x17: {  	s4 =	simm.s32 $0x1BF5;
	[smem:$0x3FB2] =	sst s0  }
0x18: {  	s0 =	sld [smem:$0x3F95];
	_ =	swait.ge [sflag:s4], $0x0  }
0x19: {  	s7 =	sld [smem:$0x3F96]  }
0x1a: {  	s8 =	sadd.s32 $0xFFFFE003, lr  }
0x1b: {  	s9 =	sadd.s32 $0xFFFFFEF7, lr;
	s5 =	simm.s32 $0xFFFFFFFF;
	p2 =	slt.u32 s8, $0xFFFFF086  }
0x1c: {  	p1 =	slt.u32 s9, $0xF7A;
	s5 =	simm.s32 @!p2 $0x0  }
0x1d: {  	s5 =	simm.s32 @p1 $0x1;
	p0 =	seq.s32 s7, s2  }
0x1e: {  	s7 =	smul.u32 @!p0 $0xF7A, s2;
	p2 =	seq.s32 @!p0 s5, $0x0  }
0x1f: {  	s9 =	smul.u32 $0xF7A, s1;
	s8 =	simm.s32 @!p0 $0x1BF5;
	p2 =	por !p2, p0  }
0x20: {  	[sflag:s8] =	ssyncset.s32 @!p0 $0xFFFFF086;
	s6 =	sadd.s32 @!p0 s3, s7;
	s7 =	simm.s32 @!p0 $0x108  }
0x21: {  	s3 =	sadd.s32 s3, s9;
	s6 =	sadd.s32 @!p0 $0x88, s6;
	s7 =	simm.s32 @p2 $0x1082  }
0x22: {  	[simem:s7], [sflag:s8] =	dma.local @!p0 [hbm:s6], $0xF7A  }
0x23: {  	s9 =	sor.u32 $0xD0000000, s2;
	s6 =	simm.s32 $0x108;
	_ =	swait.ge @!p0 [sflag:s8], $0x0  }
0x24: {  	s3 =	sadd.s32 $0x88, s3;
	s6 =	simm.s32 @!p1 $0x1082;
	[sflag:s4] =	ssyncset.s32 $0xFFFFF086  }
0x25: {  	[simem:s6], [sflag:s4] =	dma.local [hbm:s3], $0xF7A  }
0x26: {  	[smem:$0x3F96] =	sst s1;
	(tag) =	ssettag s2;
	_ =	strace s9  }
0x27: {  	s1 =	sld [smem:$0x3FA6]  }
0x28: {  	s2 =	sld [smem:$0x3FA7]  }
0x29: {  	s4 =	sld [smem:$0x3FA9]  }
0x2a: {  	p0 =	seq.s32 s5, $0x0;
	s5 =	sld [smem:$0x3FAA]  }
0x2b: {  	s6 =	sld [smem:$0x3FAB]  }
0x2c: {  	s7 =	sld [smem:$0x3FAC]  }
0x2d: {  	s3 =	simm.s32 $0x108;
	s8 =	sld [smem:$0x3FAD]  }
0x2e: {  	s3 =	simm.s32 @!p0 $0x1082;
	s9 =	sld [smem:$0x3FAE]  }
0x2f: {  	lr =	sadd.s32 s0, s3;
	s0 =	sld [smem:$0x3FA5]  }
0x30: {  	s3 =	sld [smem:$0x3FA8]  }
0x31: {  	[smem:$0x3FB1] =	sst s10  }
0x32: {  	s10 =	sld [smem:$0x3FAF];
	_ =	sdelay $0x3  }
0x33: {  	p0 =	seq.s32 s10, $0x1;
	s10 =	sld [smem:$0x3FB1];
	_ =	sdelay $0x3  }
0x34: {  	[smem:$0x3FB1] =	sst s10  }
0x35: {  	s10 =	sld [smem:$0x3FB0];
	_ =	sdelay $0x3  }
0x36: {  	p1 =	seq.s32 s10, $0x1;
	s10 =	sld [smem:$0x3FB1];
	_ =	sdelay $0x3  }
0x37: {  	[smem:$0x3FB1] =	sst s10  }
0x38: {  	s10 =	sld [smem:$0x3FB2]  }
0x39: {  	_ = 	snop;
	(pc) =	sbr.ind lr, $3  }
0x3a: {  	_ = 	snop  }
0x3b: {  	_ = 	snop  }
0x3c: {  	p2 =	seq.s32 s10, $0x1;
	s10 =	sld [smem:$0x3FB1]  }
0x3d: {  	_ =	shalt  }
0x3e: {  	_ =	shalt  }
0x3f: {  	_ =	shalt  }
0x40: {  	_ =	shalt  }
0x41: {  	_ =	shalt  }
0x42: {  	_ =	shalt  }
0x43: {  	_ =	shalt  }
0x44: {  	_ =	shalt  }
0x45: {  	_ =	shalt  }
0x46: {  	_ =	shalt  }
0x47: {  	_ =	shalt  }
0x48: {  	_ =	shalt  }
0x49: {  	_ =	shalt  }
0x4a: {  	_ =	shalt  }
0x4b: {  	_ =	shalt  }
0x4c: {  	_ =	shalt  }
0x4d: {  	_ =	shalt  }
0x4e: {  	_ =	shalt  }
0x4f: {  	_ =	shalt  }
0x50: {  	_ =	shalt  }
0x51: {  	_ =	shalt  }
0x52: {  	_ =	shalt  }
0x53: {  	_ =	shalt  }
0x54: {  	_ =	shalt  }
0x55: {  	_ =	shalt  }
0x56: {  	_ =	shalt  }
0x57: {  	_ =	shalt  }
0x58: {  	_ =	shalt  }
0x59: {  	_ =	shalt  }
0x5a: {  	_ =	shalt  }
0x5b: {  	_ =	shalt  }
0x5c: {  	_ =	shalt  }
0x5d: {  	_ =	shalt  }
0x5e: {  	_ =	shalt  }
0x5f: {  	_ =	shalt  }
0x60: {  	_ =	shalt  }
0x61: {  	_ =	shalt  }
0x62: {  	_ =	shalt  }
0x63: {  	_ =	shalt  }
0x64: {  	_ =	shalt  }
0x65: {  	_ =	shalt  }
0x66: {  	_ =	shalt  }
0x67: {  	_ =	shalt  }
0x68: {  	_ =	shalt  }
0x69: {  	_ =	shalt  }
0x6a: {  	_ =	shalt  }
0x6b: {  	_ =	shalt  }
0x6c: {  	_ =	shalt  }
0x6d: {  	_ =	shalt  }
0x6e: {  	_ =	shalt  }
0x6f: {  	_ =	shalt  }
0x70: {  	_ =	shalt  }
0x71: {  	_ =	shalt  }
0x72: {  	_ =	shalt  }
0x73: {  	_ =	shalt  }
0x74: {  	_ =	shalt  }
0x75: {  	_ =	shalt  }
0x76: {  	_ =	shalt  }
0x77: {  	_ =	shalt  }
0x78: {  	_ =	shalt  }
0x79: {  	_ =	shalt  }
0x7a: {  	_ =	shalt  }
0x7b: {  	_ =	shalt  }
0x7c: {  	_ =	shalt  }
0x7d: {  	_ =	shalt  }
0x7e: {  	_ =	shalt  }
0x7f: {  	_ =	shalt  }
0x80: {  	_ =	shalt  }
0x81: {  	_ =	shalt  }
0x82: {  	_ =	shalt  }
0x83: {  	_ =	shalt  }
0x84: {  	_ =	shalt  }
0x85: {  	_ =	shalt  }
0x86: {  	_ =	shalt  }
0x87: {  	_ =	shalt  }
.Lfunc_end0:
.L_simem_size_0:
called_computation.1_lowered:
.L_overlay_start_0:
0x88: {  	s2 =	sld [smem:$0x3FD9]  }
0x89: {  	s3 =	sld [smem:$0x3FFE];
	_ =	sdelay $0x1  }
0x8a: {  	s1 =	srdreg.scid  }
0x8b: {  	s0 =	sand.u32 $0x1, s1  }
0x8c: {  	s17 =	sshll.u32 s0, $0xA;
	s2 =	sadd.s32 s3, s2  }
0x8d: {  	s2 =	sadd.s32 s2, s17  }
0x8e: {  	[smem:$0x3FBD] =	sst s2  }
0x8f: {  	_ = 	snop  }
0x90: {  	(tm) =	ssettm $0x1  }
0x91: {  	s18 =	sld [smem:$0x3FFB];
	_ =	sdelay $0x3  }
0x92: {  	_ =	strace s18  }
0x93: {  	s2 =	sld [smem:$0x3FFC];
	_ =	sdelay $0x3  }
0x94: {  	_ =	strace s2  }
0x95: {  	s2 =	sld [smem:$0x3FFD];
	_ =	sdelay $0x3  }
0x96: {  	_ =	strace s2  }
0x97: {  	_ =	strace $0x8FFFFFFF  }
0x98: {  	s19 =	sld [smem:$0x3FDB];
	_ =	sdelay $0x1  }
0x99: {  	s20 =	simm.s32 $_scs_section_size  }
0x9a: {  	s4 =	simm.s32 $_size__tile_overlayer_lowered;
	s5 =	simm.s32 $_tile_overlayer_lowered  }
0x9b: {  	s6 =	simm.s32 $0x1BFF;
	s21 =	sshll.u32 s5, $0x1;
	s3 =	sadd.s32 s20, s19  }
0x9c: {  	s22 =	simm.s32 $0x0;
	s4 =	sshll.u32 s4, $0x1;
	s5 =	sadd.s32 s21, s3  }
0x9d: {  	[timem:s22], [sflag:s6] =	dma.local [hbm:s5], s4  }
0x9e: {  	_ =	swait.ge [sflag:s6], s4  }
0x9f: {  	s4 =	ssub.s32 $0x0, s4;
	[sflag:s6] =	ssyncset.done $0x0  }
0xa0: {  	[sflag:s6] =	ssyncadd.s32 s4;
	_ =	sdelay $0x1  }
0xa1: {  	s23 =	simm.s32 $0x1B8B  }
0xa2: {  	_ =	swait.ge [sflag:s23], $0x1  }
0xa3: {  	[sflag:s23] =	ssyncset.done $0x0  }
0xa4: {  	[sflag:s23] =	ssyncadd.s32 $0xFFFFFFFF  }
0xa5: {  	s4 =	sld [smem:$0x0]  }
0xa6: {  	s5 =	sand.u32 $0xFFFFFFFE, s1  }
0xa7: {  	p0 =	sne.s32 s1, s5  }
0xa8: {  	s5 =	sshll.u32 @p0 s5, $0xE  }
0xa9: {  	s5 =	sadd.s32 @p0 $0x11B8D, s5;
	s6 =	sshll.u32 @p0 s4, $0x11  }
0xaa: {  	s5 =	sor.u32 @p0 s6, s5  }
0xab: {  	[sflag:s5] =	ssyncadd.remote.s32 @p0 $0x1;
	_ =	sdelay $0x1  }
0xac: {  	s5 =	simm.s32 @p0 $0x1B8D  }
0xad: {  	_ =	swait.eq @p0 [sflag:s5], $0x1  }
0xae: {  	[sflag:s5] =	ssyncadd.s32 @p0 $0xFFFFFFFF  }
0xaf: {  	s6 =	sshll.u32 @!p0 s1, $0xE  }
0xb0: {  	s6 =	sor.u32 @!p0 $0x4000, s6;
	s5 =	simm.s32 @!p0 $0x1B8D  }
0xb1: {  	s4 =	sshll.u32 @!p0 s4, $0x11;
	s6 =	sadd.s32 @!p0 $0x11B8D, s6;
	_ =	swait.eq @!p0 [sflag:s5], $0x1  }
0xb2: {  	s4 =	sor.u32 @!p0 s4, s6;
	[sflag:s5] =	ssyncadd.s32 @!p0 $0xFFFFFFFF  }
0xb3: {  	s25 =	simm.s32 $0x1B8E;
	s24 =	sld [smem:$0x3FFE];
	[sflag:s4] =	ssyncadd.remote.s32 @!p0 $0x1  }
0xb4: {  	s26 =	simm.s32 $execute0_lowered;
	[smem:$0x3FD2] =	sst s25  }
0xb5: {  	s5 =	sshll.u32 s26, $0x1;
	_ =	strace $0x8000004F;
	[dreg:$0x1] =	wrdreg $0xFFFFFFFF  }
0xb6: {  	s28 =	simm.s32 $_size_execute0_lowered;
	s3 =	sadd.s32 s3, s5;
	[dreg:$0x0] =	wrdreg $0x0  }
0xb7: {  	s5 =	sshll.u32 s28, $0x1;
	[dreg:$0x2] =	wrdreg s3  }
0xb8: {  	[dreg:$0x3] =	wrdreg s5  }
0xb9: {  	[dreg:$0x4] =	wrdreg $0xC0  }
0xba: {  	_ =	task [dreg:s22], $0x5FFFF  }
0xbb: {  	[dreg:$0x1] =	wrdreg $0xFFFFFFFF  }
0xbc: {  	[dreg:$0x0] =	wrdreg $0x60  }
0xbd: {  	[dreg:$0x2] =	wrdreg s24  }
0xbe: {  	[dreg:$0x3] =	wrdreg $0x94000  }
0xbf: {  	[dreg:$0x4] =	wrdreg $0x9  }
0xc0: {  	_ =	task.clear_ibuf [dreg:s22], $0x5FFFF;
	_ =	strace $0x9000004F  }
0xc1: {  	s29 =	simm.s32 $0x9;
	_ =	strace $0x80000051  }
0xc2: {  	_ =	swait.ge [sflag:s29], $0x1  }
0xc3: {  	[sflag:s29] =	ssyncadd.s32 $0xFFFFFFFF  }
0xc4: {  	_ =	strace $0x90000051  }
0xc5: {  	_ =	sfence  }
0xc6: {  	s30 =	sld [smem:$0x0];
	_ =	sdelay $0x2  }
0xc7: {  	s31 =	sshll.u32 s1, $0xD;
	s1 =	sshrl.u32 s1, $0x2  }
0xc8: {  	s4 =	sand.u32 $0x4000, s31;
	s1 =	sadd.s32 s1, s30  }
0xc9: {  	s0 =	sor.u32 s4, s0;
	s1 =	sshll.u32 s1, $0x11  }
0xca: {  	s0 =	sor.u32 s1, s0  }
0xcb: {  	s0 =	sadd.s32 $0x8F2B, s0  }
0xcc: {  	[sflag:s0] =	ssyncadd.remote.s32 $0x1  }
0xcd: {  	_ =	sfence.sel $0xFFFF  }
0xce: {  	[dreg:$0x0] =	wrdreg $0xFFFFFFFF;
	(pc) =	sbr.abs _section_cstart, $3  }
0xcf: {  	[dreg:$0x1] =	wrdreg $0xFFFFFFFF  }
0xd0: {  	_ =	task.clear_ibuf [dreg:s22], $0x2FFFF;
	_ =	strace $0x9FFFFFFF  }
0xd1: {  	(tm) =	ssettm $0x7FFFFFFF  }
tec
execute0_lowered:
.L_overlay_start_1:
0x0: {  	(tag) =	ssettag $0x1  }
0x1: {  	s1 =	srdreg.scid;
	s4 =	rddreg [dreg:$0x0]  }
0x2: {  	s0 =	stileid.u32;
	s2 =	rddreg [dreg:$0x1];
	s3 =	simm.s32 $0x0  }
0x3: {  	s18 =	simm.s32 $0x5400;
	s19 =	simm.s32 $0x1;
	s20 =	simm.s32 $0x80  }
0x4: {  	s21 =	simm.s32 $0x2;
	s22 =	simm.s32 $0x1300;
	s9 =	smul.u32 $0x14000, s0  }
0x5: {  	s23 =	simm.s32 $0x1380;
	s24 =	simm.s32 $0x0;
	s10 =	smul.u32 $0x50000, s0  }
0x6: {  	s6 =	sand.u32 $0x1, s1;
	s1 =	rddreg [dreg:$0x2];
	s14 =	smul.u32 $0x140000, s0  }
0x7: {  	s28 =	sshll.u32 s0, $0x1;
	[smem:$0x7FF] =	sst s3;
	s8 =	smul.u32 $0x140000, s6  }
0x8: {  	s15 =	sadd.s32 $0x7E0600, s4;
	s5 =	sor.u32 s6, s28;
	s16 =	smul.u32 $0xA0000, s6  }
0x9: {  	_ =	strace $0x80000050;
	s29 =	ssub.s32 $0x2, s6;
	s7 =	smul.u32 $0x280, s5  }
0xa: {  	s30 =	sshrl.u32 s29, $0x1;
	s11 =	smul.u32 $0x14000, s5;
	s31 =	sshrl.u32 s10, $0x2  }
0xb: {  	s8 =	sadd.s32 s9, s8;
	s13 =	ssub.s32 s29, s30;
	s5 =	sadd.s32 s31, s2  }
0xc: {  	s14 =	sadd.s32 s16, s14;
	s7 =	sadd.s32 s7, s4;
	s8 =	sshrl.u32 s8, $0x3  }
0xd: {  	s6 =	sadd.s32 $0x4000, s5;
	s9 =	sadd.s32 $0x10000, s5;
	s10 =	sadd.s32 s15, s11  }
0xe: {  	s16 =	sor.u32 $0xC000, s14;
	s14 =	sor.u32 $0x8000, s14;
	s13 =	smax.u32 s13, $0x1  }
0xf: {  	s12 =	sadd.s32 s8, s4;
	s4 =	sadd.s32 $0x2DB600, s7;
	s7 =	sadd.s32 $0x8000, s5  }
0x10: {  	s8 =	sadd.s32 $0xC000, s5;
	s11 =	sadd.s32 $0x800, s10;
	s16 =	sshrl.u32 s16, $0x3  }
0x11: {  	s17 =	sshrl.u32 s14, $0x3;
	s12 =	sadd.s32 $0x8200, s12;
	s14 =	sadd.s32 s16, s15  }
0x12: {  	v0 =	vimm.f32 $0.0e+00;
	s15 =	sadd.s32 s17, s15;
	s16 =	simm.s32 $0x3;
	s17 =	simm.s32 $0x1400  }
.LBB2_1:
0x13: {  	[tilespmem:s3], [sflag:$0x3] =	stream.linear.gather [hbm4b:s4+s3], $0x1400, $0x38;
	[tilespmem:$0x1D400] =	vst v63  }
0x14: {  	s25 =	sand.u32 $0xFE00, s3;
	s26 =	sand.u32 $0x70, s3;
	_ =	swait.ge [sflag:s16], $0x1400  }
0x15: {  	s28 =	sshrl.u32 s25, $0x2;
	s25 =	simm.s32 $0x40;
	[sflag:s16] =	ssyncset.done $0x0  }
0x16: {  	s28 =	sor.u32 s26, s28;
	s26 =	simm.s32 $0x0;
	[sflag:s16] =	ssyncadd.s32 $0xFFFFEC00  }
.LBB2_2:
0x17: {  	p0 =	sne.s32 s25, $0xFFC0  }
0x18: {  	[tilespmem:s28+$0x1400] =	vst v0;
	s26 =	sadd.s32 $0x10, s26;
	s28 =	smov.u32 s25;
	s25 =	sadd.s32 $0x40, s25  }
.Ltmp0:
0x19: {  	(pc) =	sbr.rel @p0 .LBB2_2-.Ltmp0, $4  }
0x1a: {  	_ = 	snop  }
0x1b: {  	s28 =	sand.u32 $0xFE00, s28  }
0x1c: {  	s29 =	sand.u32 $0x70, s26;
	s28 =	sshrl.u32 s28, $0x2  }
0x1d: {  	s28 =	sor.u32 s29, s28  }
0x1e: {  	[tilespmem:s28+$0x1400] =	vst v0  }
0x1f: {  	[spmem:s5] =	stream.linear.scatter [tilespmem:s17], [sflag:$0x3], $0x4000, $0x38;
	[tilespmem:$0x1D400] =	vst v63  }
0x20: {  	_ =	swait.ge [sflag:s16], $0x4000  }
0x21: {  	[sflag:s16] =	ssyncset.done $0x0  }
0x22: {  	[sflag:s16] =	ssyncadd.s32 $0xFFFFC000  }
0x23: {  	[spmem:s6] =	stream.linear.scatter [tilespmem:s17], [sflag:$0x3], $0x4000, $0x38;
	[tilespmem:$0x1D400] =	vst v63  }
0x24: {  	_ =	swait.ge [sflag:s16], $0x4000  }
0x25: {  	[sflag:s16] =	ssyncset.done $0x0  }
0x26: {  	[sflag:s16] =	ssyncadd.s32 $0xFFFFC000  }
0x27: {  	[spmem:s7] =	stream.linear.scatter [tilespmem:s17], [sflag:$0x3], $0x4000, $0x38;
	[tilespmem:$0x1D400] =	vst v63  }
0x28: {  	_ =	swait.ge [sflag:s16], $0x4000  }
0x29: {  	[sflag:s16] =	ssyncset.done $0x0  }
0x2a: {  	[sflag:s16] =	ssyncadd.s32 $0xFFFFC000  }
0x2b: {  	[spmem:s8] =	stream.linear.scatter [tilespmem:s17], [sflag:$0x3], $0x4000, $0x38;
	[tilespmem:$0x1D400] =	vst v63  }
0x2c: {  	_ =	swait.ge [sflag:s16], $0x4000  }
0x2d: {  	[sflag:s16] =	ssyncset.done $0x0  }
0x2e: {  	[sflag:s16] =	ssyncadd.s32 $0xFFFFC000  }
0x2f: {  	[spmem:s9] =	stream.linear.scatter [tilespmem:s17], [sflag:$0x3], $0x4000, $0x38;
	[tilespmem:$0x1D400] =	vst v63  }
0x30: {  	_ =	swait.ge [sflag:s16], $0x4000  }
0x31: {  	[sflag:s16] =	ssyncset.done $0x0  }
0x32: {  	[sflag:s16] =	ssyncadd.s32 $0xFFFFC000  }
0x33: {  	s25 =	simm.s32 $0x0;
	[bflag:$0x0] =	sbarrier.arrive $0xFFFF  }
0x34: {  	[tilespmem:s17], [sflag:$0x1] =	stream.linear.gather [hbm4b:s10+s25], $0x4000, $0x38;
	[tilespmem:$0x1D400] =	vst v63  }
0x35: {  	_ = 	snop  }
0x36: {  	[tilespmem:s18], [sflag:$0x2] =	stream.linear.gather [hbm4b:s11+s25], $0x4000, $0x38;
	[tilespmem:$0x1D400] =	vst v63  }
0x37: {  	_ =	swait.ge [sflag:s19], $0x4000  }
0x38: {  	[sflag:s19] =	ssyncset.done $0x0  }
0x39: {  	s29 =	simm.s32 $0x0;
	[sflag:s19] =	ssyncadd.s32 $0xFFFFC000  }
0x3a: {  	[spmem:s2] =	stream.indirect.scatter.add.f32 [tilespmem:s17], [sflag:$0x3], $0x80, s29, s20, $0xb8;
	[tilespmem:$0x1D400] =	vst v63  }
0x3b: {  	_ =	swait.ge [sflag:s16], $0x4000  }
0x3c: {  	[sflag:s16] =	ssyncset.done $0x0  }
0x3d: {  	s30 =	sadd.s32 $0x0, s15;
	[sflag:s16] =	ssyncadd.s32 $0xFFFFC000  }
0x3e: {  	[tilespmem:s17], [sflag:$0x1] =	stream.linear.gather [hbm4b:s30+s3], $0x4000, $0x38;
	[tilespmem:$0x1D400] =	vst v63  }
0x3f: {  	_ =	swait.ge [sflag:s21], $0x4000  }
0x40: {  	[sflag:s21] =	ssyncset.done $0x0  }
0x41: {  	s31 =	simm.s32 $0x80;
	[sflag:s21] =	ssyncadd.s32 $0xFFFFC000  }
0x42: {  	[spmem:s2] =	stream.indirect.scatter.add.f32 [tilespmem:s18], [sflag:$0x3], $0x80, s31, s20, $0xb8;
	[tilespmem:$0x1D400] =	vst v63  }
0x43: {  	_ =	swait.ge [sflag:s16], $0x4000  }
0x44: {  	s28 =	sadd.s32 $0x0, s14;
	[sflag:s16] =	ssyncset.done $0x0  }
0x45: {  	s26 =	simm.s32 $0x180;
	s25 =	simm.s32 $0x1000;
	[sflag:s16] =	ssyncadd.s32 $0xFFFFC000  }
.LBB2_4:
0x46: {  	[tilespmem:s18], [sflag:$0x2] =	stream.linear.gather [hbm4b:s28+s3], $0x4000, $0x38;
	[tilespmem:$0x1D400] =	vst v63  }
0x47: {  	s28 =	smov.u32 s25  }
0x48: {  	p0 =	sne.s32 s25, $0x12000;
	s25 =	sadd.s32 $0x1000, s25;
	_ =	swait.ge [sflag:s19], $0x4000  }
0x49: {  	[sflag:s19] =	ssyncset.done $0x0  }
0x4a: {  	s29 =	sadd.s32 $0xFFFFFF80, s26;
	[sflag:s19] =	ssyncadd.s32 $0xFFFFC000  }
0x4b: {  	[spmem:s2] =	stream.indirect.scatter.add.f32 [tilespmem:s17], [sflag:$0x3], $0x80, s29, s20, $0xb8;
	[tilespmem:$0x1D400] =	vst v63  }
0x4c: {  	_ =	swait.ge [sflag:s16], $0x4000  }
0x4d: {  	[sflag:s16] =	ssyncset.done $0x0  }
0x4e: {  	s29 =	sadd.s32 s28, s15;
	[sflag:s16] =	ssyncadd.s32 $0xFFFFC000  }
0x4f: {  	[tilespmem:s17], [sflag:$0x1] =	stream.linear.gather [hbm4b:s29+s3], $0x4000, $0x38;
	[tilespmem:$0x1D400] =	vst v63  }
0x50: {  	_ =	swait.ge [sflag:s21], $0x4000  }
0x51: {  	[sflag:s21] =	ssyncset.done $0x0  }
.Ltmp1:
0x52: {  	[sflag:s21] =	ssyncadd.s32 $0xFFFFC000;
	(pc) =	sbr.rel @p0 .LBB2_4-.Ltmp1, $4  }
0x53: {  	[spmem:s2] =	stream.indirect.scatter.add.f32 [tilespmem:s18], [sflag:$0x3], $0x80, s26, s20, $0xb8;
	[tilespmem:$0x1D400] =	vst v63  }
0x54: {  	_ =	swait.ge [sflag:s16], $0x4000  }
0x55: {  	[sflag:s16] =	ssyncset.done $0x0  }
0x56: {  	s28 =	sadd.s32 s28, s14;
	s26 =	sadd.s32 $0x100, s26;
	[sflag:s16] =	ssyncadd.s32 $0xFFFFC000  }
0x57: {  	[tilespmem:s18], [sflag:$0x2] =	stream.linear.gather [hbm4b:s28+s3], $0x4000, $0x38;
	[tilespmem:$0x1D400] =	vst v63  }
0x58: {  	_ =	swait.ge [sflag:s19], $0x4000  }
0x59: {  	[sflag:s19] =	ssyncset.done $0x0  }
0x5a: {  	[sflag:s19] =	ssyncadd.s32 $0xFFFFC000  }
0x5b: {  	[spmem:s2] =	stream.indirect.scatter.add.f32 [tilespmem:s17], [sflag:$0x3], $0x80, s22, s20, $0xb8;
	[tilespmem:$0x1D400] =	vst v63  }
0x5c: {  	_ =	swait.ge [sflag:s16], $0x4000  }
0x5d: {  	[sflag:s16] =	ssyncset.done $0x0  }
0x5e: {  	[sflag:s16] =	ssyncadd.s32 $0xFFFFC000  }
0x5f: {  	_ =	swait.ge [sflag:s21], $0x4000  }
0x60: {  	[sflag:s21] =	ssyncset.done $0x0  }
0x61: {  	[sflag:s21] =	ssyncadd.s32 $0xFFFFC000  }
0x62: {  	[spmem:s2] =	stream.indirect.scatter.add.f32 [tilespmem:s18], [sflag:$0x3], $0x80, s23, s20, $0xb8;
	[tilespmem:$0x1D400] =	vst v63  }
0x63: {  	_ =	swait.ge [sflag:s16], $0x4000  }
0x64: {  	s25 =	sshll.u32 s0, $0x6;
	s24 =	sadd.s32 $0x1, s24;
	[sflag:s16] =	ssyncset.done $0x0  }
0x65: {  	s26 =	sshrl.u32 s5, $0x3;
	p0 =	sne.s32 s24, s13;
	[sflag:s16] =	ssyncadd.s32 $0xFFFFC000  }
.Ltmp2:
0x66: {  	s25 =	sor.u32 $0x1C03, s25;
	[bflag:$0x0] =	sbarrier.arrive $0xFFFF;
	(pc) =	sbr.rel @p0 .LBB2_1-.Ltmp2, $4  }
0x67: {  	[hbm:s12], [sflag:s25] =	dma.local [spmem:s26], $0x2800  }
0x68: {  	_ =	swait.ge [sflag:s16], $0x2800  }
0x69: {  	[sflag:s16] =	ssyncset.done $0x0  }
0x6a: {  	[sflag:s16] =	ssyncadd.s32 $0xFFFFD800  }
0x6b: {  	_ =	sfence.sel $0x180000  }
0x6c: {  	[bflag:$0x0] =	sbarrier.arrive $0xFFFF  }
0x6d: {  	p0 =	sne.s32 s0, $0x0;
	_ =	strace $0x90000050  }
0x6e: {  	s0 =	sadd.s32 @!p0 $0x100000, s1;
	[bflag:$0x2] =	sbarrier.arrive $0xFFFF  }
0x6f: {  	[sflag:s0] =	ssyncadd.tile.s32 @!p0 $0x1;
	_ =	shalt  }
.Lfunc_end2:
_tile_overlayer_lowered:
.L_overlay_start_2:
0x70: {  	(tag) =	ssettag $0x2  }
0x71: {  	s0 =	rddreg [dreg:$0x0];
	s2 =	stileid.u32  }
0x72: {  	s1 =	rddreg [dreg:$0x1];
	p0 =	sne.s32 s2, $0x0  }
0x73: {  	s3 =	rddreg [dreg:$0x2];
	[bflag:$0x3] =	sbarrier.arrive $0xFFFF;
	s2 =	simm.s32 @!p0 $0x1C03  }
0x74: {  	[timem:s3], [sflag:s2] =	dma.local @!p0 [hbm:s0], s1  }
0x75: {  	s0 =	simm.s32 @!p0 $0x3  }
0x76: {  	_ =	swait.ge @!p0 [sflag:s0], s1  }
0x77: {  	s1 =	ssub.s32 @!p0 $0x0, s1;
	[sflag:s0] =	ssyncset.done @!p0 $0x0  }
0x78: {  	[sflag:s0] =	ssyncadd.s32 @!p0 s1  }
0x79: {  	[bflag:$0x3] =	sbarrier.arrive $0xFFFF  }
0x7a: {  	_ =	shalt  }

// kernel: kernel.16.cloned.1.call-start
scs
__scs_entry_jumppad:
0x0: {  	(pc) =	sbr.rel $0x88, $3  }
0x1: {  	(tag) =	ssettag $0x0;
	lr =	simm.s32 $0x1  }
0x2: {  	[smem:$0x3F96] =	sst lr;
	_ =	strace $0xD0000000  }
0x3: {  	_ = 	snop  }
0x4: {  	_ = 	snop  }
0x5: {  	_ = 	snop  }
0x6: {  	_ = 	snop  }
0x7: {  	_ = 	snop  }
__scs_overlays_trampoline_lowered:
0x8: {  	[smem:$0x3FA5] =	sst s0  }
0x9: {  	[smem:$0x3FA6] =	sst s1  }
0xa: {  	[smem:$0x3FA7] =	sst s2  }
0xb: {  	[smem:$0x3FA8] =	sst s3  }
0xc: {  	[smem:$0x3FA9] =	sst s4  }
0xd: {  	[smem:$0x3FAA] =	sst s5  }
0xe: {  	[smem:$0x3FAB] =	sst s6  }
0xf: {  	[smem:$0x3FAC] =	sst s7  }
0x10: {  	[smem:$0x3FAD] =	sst s8  }
0x11: {  	[smem:$0x3FAE] =	sst s9;
	s0 =	simm.s32 @!p0 $0x0  }
0x12: {  	s1 =	sld [smem:$0x3F94];
	s0 =	simm.s32 @p0 $0x1  }
0x13: {  	[smem:$0x3FAF] =	sst s0;
	s0 =	simm.s32 @!p1 $0x0  }
0x14: {  	s2 =	sld [smem:$0x3F93];
	s0 =	simm.s32 @p1 $0x1  }
0x15: {  	[smem:$0x3FB0] =	sst s0;
	s0 =	simm.s32 @!p2 $0x0  }
0x16: {  	s3 =	sld [smem:$0x3FDB];
	s0 =	simm.s32 @p2 $0x1  }
0x17: {  	s4 =	simm.s32 $0x1BF5;
	[smem:$0x3FB2] =	sst s0  }
0x18: {  	s0 =	sld [smem:$0x3F95];
	_ =	swait.ge [sflag:s4], $0x0  }
0x19: {  	s7 =	sld [smem:$0x3F96]  }
0x1a: {  	s8 =	sadd.s32 $0xFFFFE003, lr  }
0x1b: {  	s9 =	sadd.s32 $0xFFFFFEF7, lr;
	s5 =	simm.s32 $0xFFFFFFFF;
	p2 =	slt.u32 s8, $0xFFFFF086  }
0x1c: {  	p1 =	slt.u32 s9, $0xF7A;
	s5 =	simm.s32 @!p2 $0x0  }
0x1d: {  	s5 =	simm.s32 @p1 $0x1;
	p0 =	seq.s32 s7, s2  }
0x1e: {  	s7 =	smul.u32 @!p0 $0xF7A, s2;
	p2 =	seq.s32 @!p0 s5, $0x0  }
0x1f: {  	s9 =	smul.u32 $0xF7A, s1;
	s8 =	simm.s32 @!p0 $0x1BF5;
	p2 =	por !p2, p0  }
0x20: {  	[sflag:s8] =	ssyncset.s32 @!p0 $0xFFFFF086;
	s6 =	sadd.s32 @!p0 s3, s7;
	s7 =	simm.s32 @!p0 $0x108  }
0x21: {  	s3 =	sadd.s32 s3, s9;
	s6 =	sadd.s32 @!p0 $0x88, s6;
	s7 =	simm.s32 @p2 $0x1082  }
0x22: {  	[simem:s7], [sflag:s8] =	dma.local @!p0 [hbm:s6], $0xF7A  }
0x23: {  	s9 =	sor.u32 $0xD0000000, s2;
	s6 =	simm.s32 $0x108;
	_ =	swait.ge @!p0 [sflag:s8], $0x0  }
0x24: {  	s3 =	sadd.s32 $0x88, s3;
	s6 =	simm.s32 @!p1 $0x1082;
	[sflag:s4] =	ssyncset.s32 $0xFFFFF086  }
0x25: {  	[simem:s6], [sflag:s4] =	dma.local [hbm:s3], $0xF7A  }
0x26: {  	[smem:$0x3F96] =	sst s1;
	(tag) =	ssettag s2;
	_ =	strace s9  }
0x27: {  	s1 =	sld [smem:$0x3FA6]  }
0x28: {  	s2 =	sld [smem:$0x3FA7]  }
0x29: {  	s4 =	sld [smem:$0x3FA9]  }
0x2a: {  	p0 =	seq.s32 s5, $0x0;
	s5 =	sld [smem:$0x3FAA]  }
0x2b: {  	s6 =	sld [smem:$0x3FAB]  }
0x2c: {  	s7 =	sld [smem:$0x3FAC]  }
0x2d: {  	s3 =	simm.s32 $0x108;
	s8 =	sld [smem:$0x3FAD]  }
0x2e: {  	s3 =	simm.s32 @!p0 $0x1082;
	s9 =	sld [smem:$0x3FAE]  }
0x2f: {  	lr =	sadd.s32 s0, s3;
	s0 =	sld [smem:$0x3FA5]  }
0x30: {  	s3 =	sld [smem:$0x3FA8]  }
0x31: {  	[smem:$0x3FB1] =	sst s10  }
0x32: {  	s10 =	sld [smem:$0x3FAF];
	_ =	sdelay $0x3  }
0x33: {  	p0 =	seq.s32 s10, $0x1;
	s10 =	sld [smem:$0x3FB1];
	_ =	sdelay $0x3  }
0x34: {  	[smem:$0x3FB1] =	sst s10  }
0x35: {  	s10 =	sld [smem:$0x3FB0];
	_ =	sdelay $0x3  }
0x36: {  	p1 =	seq.s32 s10, $0x1;
	s10 =	sld [smem:$0x3FB1];
	_ =	sdelay $0x3  }
0x37: {  	[smem:$0x3FB1] =	sst s10  }
0x38: {  	s10 =	sld [smem:$0x3FB2]  }
0x39: {  	_ = 	snop;
	(pc) =	sbr.ind lr, $3  }
0x3a: {  	_ = 	snop  }
0x3b: {  	_ = 	snop  }
0x3c: {  	p2 =	seq.s32 s10, $0x1;
	s10 =	sld [smem:$0x3FB1]  }
0x3d: {  	_ =	shalt  }
0x3e: {  	_ =	shalt  }
0x3f: {  	_ =	shalt  }
0x40: {  	_ =	shalt  }
0x41: {  	_ =	shalt  }
0x42: {  	_ =	shalt  }
0x43: {  	_ =	shalt  }
0x44: {  	_ =	shalt  }
0x45: {  	_ =	shalt  }
0x46: {  	_ =	shalt  }
0x47: {  	_ =	shalt  }
0x48: {  	_ =	shalt  }
0x49: {  	_ =	shalt  }
0x4a: {  	_ =	shalt  }
0x4b: {  	_ =	shalt  }
0x4c: {  	_ =	shalt  }
0x4d: {  	_ =	shalt  }
0x4e: {  	_ =	shalt  }
0x4f: {  	_ =	shalt  }
0x50: {  	_ =	shalt  }
0x51: {  	_ =	shalt  }
0x52: {  	_ =	shalt  }
0x53: {  	_ =	shalt  }
0x54: {  	_ =	shalt  }
0x55: {  	_ =	shalt  }
0x56: {  	_ =	shalt  }
0x57: {  	_ =	shalt  }
0x58: {  	_ =	shalt  }
0x59: {  	_ =	shalt  }
0x5a: {  	_ =	shalt  }
0x5b: {  	_ =	shalt  }
0x5c: {  	_ =	shalt  }
0x5d: {  	_ =	shalt  }
0x5e: {  	_ =	shalt  }
0x5f: {  	_ =	shalt  }
0x60: {  	_ =	shalt  }
0x61: {  	_ =	shalt  }
0x62: {  	_ =	shalt  }
0x63: {  	_ =	shalt  }
0x64: {  	_ =	shalt  }
0x65: {  	_ =	shalt  }
0x66: {  	_ =	shalt  }
0x67: {  	_ =	shalt  }
0x68: {  	_ =	shalt  }
0x69: {  	_ =	shalt  }
0x6a: {  	_ =	shalt  }
0x6b: {  	_ =	shalt  }
0x6c: {  	_ =	shalt  }
0x6d: {  	_ =	shalt  }
0x6e: {  	_ =	shalt  }
0x6f: {  	_ =	shalt  }
0x70: {  	_ =	shalt  }
0x71: {  	_ =	shalt  }
0x72: {  	_ =	shalt  }
0x73: {  	_ =	shalt  }
0x74: {  	_ =	shalt  }
0x75: {  	_ =	shalt  }
0x76: {  	_ =	shalt  }
0x77: {  	_ =	shalt  }
0x78: {  	_ =	shalt  }
0x79: {  	_ =	shalt  }
0x7a: {  	_ =	shalt  }
0x7b: {  	_ =	shalt  }
0x7c: {  	_ =	shalt  }
0x7d: {  	_ =	shalt  }
0x7e: {  	_ =	shalt  }
0x7f: {  	_ =	shalt  }
0x80: {  	_ =	shalt  }
0x81: {  	_ =	shalt  }
0x82: {  	_ =	shalt  }
0x83: {  	_ =	shalt  }
0x84: {  	_ =	shalt  }
0x85: {  	_ =	shalt  }
0x86: {  	_ =	shalt  }
0x87: {  	_ =	shalt  }
.Lfunc_end0:
.L_simem_size_0:
called_computation.2_lowered:
.L_overlay_start_0:
0x88: {  	s2 =	sld [smem:$0x3FD9]  }
0x89: {  	s3 =	sld [smem:$0x3FFE];
	_ =	sdelay $0x1  }
0x8a: {  	s1 =	srdreg.scid  }
0x8b: {  	s0 =	sand.u32 $0x1, s1  }
0x8c: {  	s16 =	sshll.u32 s0, $0xA;
	s2 =	sadd.s32 s3, s2  }
0x8d: {  	s2 =	sadd.s32 s2, s16  }
0x8e: {  	[smem:$0x3FBD] =	sst s2  }
0x8f: {  	_ = 	snop  }
0x90: {  	(tm) =	ssettm $0x1  }
0x91: {  	s17 =	sld [smem:$0x3FFB];
	_ =	sdelay $0x3  }
0x92: {  	_ =	strace s17  }
0x93: {  	s2 =	sld [smem:$0x3FFC];
	_ =	sdelay $0x3  }
0x94: {  	_ =	strace s2  }
0x95: {  	s2 =	sld [smem:$0x3FFD];
	_ =	sdelay $0x3  }
0x96: {  	_ =	strace s2  }
0x97: {  	_ =	strace $0x8FFFFFFF  }
0x98: {  	s18 =	sld [smem:$0x3FDB];
	_ =	sdelay $0x1  }
0x99: {  	s19 =	simm.s32 $_scs_section_size  }
0x9a: {  	s4 =	simm.s32 $_size__tile_overlayer_lowered;
	s5 =	simm.s32 $_tile_overlayer_lowered  }
0x9b: {  	s22 =	simm.s32 $0x1BFF;
	s21 =	sshll.u32 s5, $0x1;
	s2 =	sadd.s32 s19, s18  }
0x9c: {  	s6 =	simm.s32 $0x0;
	s20 =	sshll.u32 s4, $0x1;
	s4 =	sadd.s32 s21, s2  }
0x9d: {  	[timem:s6], [sflag:s22] =	dma.local [hbm:s4], s20  }
0x9e: {  	_ =	swait.ge [sflag:s22], s20  }
0x9f: {  	s3 =	ssub.s32 $0x0, s20;
	[sflag:s22] =	ssyncset.done $0x0  }
0xa0: {  	[sflag:s22] =	ssyncadd.s32 s3;
	_ =	sdelay $0x1  }
0xa1: {  	s23 =	simm.s32 $0x1B8B  }
0xa2: {  	_ =	swait.ge [sflag:s23], $0x1  }
0xa3: {  	[sflag:s23] =	ssyncset.done $0x0  }
0xa4: {  	s25 =	simm.s32 $0x1B8E;
	s24 =	sld [smem:$0x3FFE];
	[sflag:s23] =	ssyncadd.s32 $0xFFFFFFFF  }
0xa5: {  	s26 =	simm.s32 $execute0_lowered;
	[smem:$0x3FD2] =	sst s25  }
0xa6: {  	s4 =	sshll.u32 s26, $0x1;
	_ =	strace $0x80000046;
	[dreg:$0x1] =	wrdreg $0xFFFFFFFF  }
0xa7: {  	s28 =	simm.s32 $_size_execute0_lowered;
	s2 =	sadd.s32 s2, s4;
	[dreg:$0x0] =	wrdreg $0x0  }
0xa8: {  	s4 =	sshll.u32 s28, $0x1;
	[dreg:$0x2] =	wrdreg s2  }
0xa9: {  	[dreg:$0x3] =	wrdreg s4  }
0xaa: {  	[dreg:$0x4] =	wrdreg $0xC0  }
0xab: {  	_ =	task [dreg:s6], $0x5FFFF  }
0xac: {  	[dreg:$0x1] =	wrdreg $0xFFFFFFFF  }
0xad: {  	[dreg:$0x0] =	wrdreg $0x60  }
0xae: {  	[dreg:$0x2] =	wrdreg s24  }
0xaf: {  	[dreg:$0x3] =	wrdreg $0xA  }
0xb0: {  	_ =	task.clear_ibuf [dreg:s6], $0x4FFFF;
	_ =	strace $0x90000046  }
0xb1: {  	s29 =	simm.s32 $0xA;
	_ =	strace $0x80000048  }
0xb2: {  	_ =	swait.ge [sflag:s29], $0x1  }
0xb3: {  	[sflag:s29] =	ssyncadd.s32 $0xFFFFFFFF  }
0xb4: {  	_ =	strace $0x90000048  }
0xb5: {  	_ =	sfence  }
0xb6: {  	s30 =	sld [smem:$0x0];
	_ =	sdelay $0x2  }
0xb7: {  	s31 =	sshll.u32 s1, $0xD;
	s1 =	sshrl.u32 s1, $0x2  }
0xb8: {  	s3 =	sand.u32 $0x4000, s31;
	s1 =	sadd.s32 s1, s30  }
0xb9: {  	s0 =	sor.u32 s3, s0;
	s1 =	sshll.u32 s1, $0x11  }
0xba: {  	s0 =	sor.u32 s1, s0  }
0xbb: {  	s0 =	sadd.s32 $0x8F2B, s0  }
0xbc: {  	[sflag:s0] =	ssyncadd.remote.s32 $0x1  }
0xbd: {  	_ =	sfence.sel $0xFFFF  }
0xbe: {  	[dreg:$0x0] =	wrdreg $0xFFFFFFFF;
	(pc) =	sbr.abs _section_cstart, $3  }
0xbf: {  	[dreg:$0x1] =	wrdreg $0xFFFFFFFF  }
0xc0: {  	_ =	task.clear_ibuf [dreg:s6], $0x2FFFF;
	_ =	strace $0x9FFFFFFF  }
0xc1: {  	(tm) =	ssettm $0x7FFFFFFF  }
tec
execute0_lowered:
.L_overlay_start_1:
0x0: {  	(tag) =	ssettag $0x1  }
0x1: {  	s0 =	rddreg [dreg:$0x0];
	s1 =	srdreg.scid  }
0x2: {  	s7 =	stileid.u32;
	s2 =	simm.s32 $0x0;
	s13 =	simm.s32 $0x80  }
0x3: {  	s14 =	simm.s32 $0x2800;
	s15 =	simm.s32 $0x6800;
	s17 =	simm.s32 $0xA800  }
0x4: {  	s19 =	simm.s32 $0xE800;
	s21 =	simm.s32 $0x12800;
	s22 =	simm.s32 $0x1  }
0x5: {  	s23 =	simm.s32 $0x2;
	s28 =	simm.s32 $0x6;
	s29 =	simm.s32 $0x7  }
0x6: {  	s30 =	simm.s32 $0x8;
	s31 =	simm.s32 $0x9;
	s9 =	smul.u32 $0x28000, s7  }
0x7: {  	s1 =	sand.u32 $0x1, s1;
	s3 =	sshll.u32 s7, $0x1;
	s10 =	smul.u32 $0x50, s7  }
0x8: {  	[smem:$0x7FF] =	sst s2;
	s4 =	sadd.s32 $0x34400, s0;
	s11 =	smul.u32 $0x28, s1  }
0x9: {  	s3 =	sor.u32 s1, s3;
	s6 =	ssub.s32 $0x2, s1;
	s1 =	smul.u32 $0x14000, s1  }
0xa: {  	_ =	strace $0x80000047;
	s5 =	smul.u32 $0x280, s3;
	s3 =	sadd.s32 $0xD200, s0  }
0xb: {  	s24 =	sshrl.u32 s6, $0x1;
	s26 =	sadd.s32 s11, s10;
	s9 =	sadd.s32 s1, s9  }
0xc: {  	s11 =	simm.s32 $0xB;
	s1 =	simm.s32 $0x0;
	s5 =	sadd.s32 s5, s0  }
0xd: {  	s0 =	sadd.s32 $0x5B600, s0;
	s10 =	sshll.u32 s26, $0xB;
	s26 =	simm.s32 $0x5  }
0xe: {  	[dreg:$0x2] =	wrdreg s0;
	s0 =	ssub.s32 s6, s24;
	s25 =	sadd.s32 $0x3200, s5  }
0xf: {  	s7 =	sadd.s32 $0x8200, s5;
	s24 =	simm.s32 $0x3;
	[dreg:$0x3] =	wrdreg s25  }
0x10: {  	s8 =	smax.u32 s0, $0x1;
	s25 =	simm.s32 $0x4;
	s0 =	simm.s32 $0xA  }
.LBB2_1:
0x11: {  	s5 =	rddreg [dreg:$0x3]  }
0x12: {  	[tilespmem:s2], [sflag:$0xB] =	stream.linear.gather [hbm4b:s5+s2], $0x1400, $0x38;
	[tilespmem:$0x16800] =	vst v63  }
0x13: {  	_ =	swait.ge [sflag:s11], $0x1400  }
0x14: {  	[sflag:s11] =	ssyncset.done $0x0  }
0x15: {  	s12 =	simm.s32 $0x1400;
	[sflag:s11] =	ssyncadd.s32 $0xFFFFEC00  }
0x16: {  	[tilespmem:s12], [sflag:$0xB] =	stream.linear.gather [hbm4b:s7+s2], $0x1400, $0x38;
	[tilespmem:$0x16800] =	vst v63  }
0x17: {  	_ =	swait.ge [sflag:s11], $0x1400  }
0x18: {  	[sflag:s11] =	ssyncset.done $0x0  }
0x19: {  	[sflag:s11] =	ssyncadd.s32 $0xFFFFEC00  }
0x1a: {  	[tilespmem:s14], [sflag:$0x1] =	stream.indirect.gather [hbm4b:s3+s13], $0x80, s2, s13, $0xb8;
	[tilespmem:$0x16800] =	vst v63  }
0x1b: {  	_ = 	snop  }
0x1c: {  	[tilespmem:s15], [sflag:$0x2] =	stream.indirect.gather [hbm4b:s3+s13], $0x80, s13, s13, $0xb8;
	[tilespmem:$0x16800] =	vst v63  }
0x1d: {  	s16 =	simm.s32 $0x100  }
0x1e: {  	[tilespmem:s17], [sflag:$0x3] =	stream.indirect.gather [hbm4b:s3+s13], $0x80, s16, s13, $0xb8;
	[tilespmem:$0x16800] =	vst v63  }
0x1f: {  	s18 =	simm.s32 $0x180  }
0x20: {  	[tilespmem:s19], [sflag:$0x4] =	stream.indirect.gather [hbm4b:s3+s13], $0x80, s18, s13, $0xb8;
	[tilespmem:$0x16800] =	vst v63  }
0x21: {  	s20 =	simm.s32 $0x200;
	s5 =	rddreg [dreg:$0x2];
	s16 =	simm.s32 $0x0  }
0x22: {  	[tilespmem:s21], [sflag:$0x5] =	stream.indirect.gather [hbm4b:s3+s13], $0x80, s20, s13, $0xb8;
	[tilespmem:$0x16800] =	vst v63  }
.LBB2_2:
0x23: {  	_ =	swait.ge [sflag:s22], $0x4000  }
0x24: {  	s18 =	sshra.s32 s16, $0x2;
	[sflag:s22] =	ssyncset.done $0x0  }
0x25: {  	s20 =	sadd.s32 $0x1400, s18;
	[sflag:s22] =	ssyncadd.s32 $0xFFFFC000  }
0x26: {  	[tilespmem:s14], [sflag:$0x1] =	stream.indirect.gather.add.f32 [hbm:s4], $0x80, s20, s13, $0xb8;
	[tilespmem:$0x16800] =	vst v63  }
0x27: {  	_ =	swait.ge [sflag:s23], $0x4000  }
0x28: {  	[sflag:s23] =	ssyncset.done $0x0  }
0x29: {  	s12 =	sadd.s32 $0x1480, s18;
	[sflag:s23] =	ssyncadd.s32 $0xFFFFC000  }
0x2a: {  	[tilespmem:s15], [sflag:$0x2] =	stream.indirect.gather.add.f32 [hbm:s4], $0x80, s12, s13, $0xb8;
	[tilespmem:$0x16800] =	vst v63  }
0x2b: {  	_ =	swait.ge [sflag:s24], $0x4000  }
0x2c: {  	[sflag:s24] =	ssyncset.done $0x0  }
0x2d: {  	s6 =	sadd.s32 $0x1500, s18;
	[sflag:s24] =	ssyncadd.s32 $0xFFFFC000  }
0x2e: {  	[tilespmem:s17], [sflag:$0x3] =	stream.indirect.gather.add.f32 [hbm:s4], $0x80, s6, s13, $0xb8;
	[tilespmem:$0x16800] =	vst v63  }
0x2f: {  	_ =	swait.ge [sflag:s25], $0x4000  }
0x30: {  	[sflag:s25] =	ssyncset.done $0x0  }
0x31: {  	s12 =	sadd.s32 $0x1580, s18;
	[sflag:s25] =	ssyncadd.s32 $0xFFFFC000  }
0x32: {  	[tilespmem:s19], [sflag:$0x4] =	stream.indirect.gather.add.f32 [hbm:s4], $0x80, s12, s13, $0xb8;
	[tilespmem:$0x16800] =	vst v63  }
0x33: {  	_ =	swait.ge [sflag:s26], $0x4000  }
0x34: {  	[sflag:s26] =	ssyncset.done $0x0  }
0x35: {  	s18 =	sadd.s32 $0x1600, s18;
	[sflag:s26] =	ssyncadd.s32 $0xFFFFC000  }
0x36: {  	[tilespmem:s21], [sflag:$0x5] =	stream.indirect.gather.add.f32 [hbm:s4], $0x80, s18, s13, $0xb8;
	[tilespmem:$0x16800] =	vst v63  }
0x37: {  	_ =	swait.ge [sflag:s22], $0x4000  }
0x38: {  	[sflag:s22] =	ssyncset.done $0x0  }
0x39: {  	s6 =	sadd.s32 s5, s9;
	[sflag:s22] =	ssyncadd.s32 $0xFFFFC000  }
0x3a: {  	[hbm4b:s6+s2] =	stream.linear.scatter [tilespmem:s14], [sflag:$0x6], $0x4000, $0x38;
	[tilespmem:$0x16800] =	vst v63  }
0x3b: {  	_ =	swait.ge [sflag:s23], $0x4000  }
0x3c: {  	s18 =	sadd.s32 s5, s10;
	[sflag:s23] =	ssyncset.done $0x0  }
0x3d: {  	s12 =	sadd.s32 $0x800, s18;
	[sflag:s23] =	ssyncadd.s32 $0xFFFFC000  }
0x3e: {  	[hbm4b:s12+s2] =	stream.linear.scatter [tilespmem:s15], [sflag:$0x7], $0x4000, $0x38;
	[tilespmem:$0x16800] =	vst v63  }
0x3f: {  	_ =	swait.ge [sflag:s24], $0x4000  }
0x40: {  	[sflag:s24] =	ssyncset.done $0x0  }
0x41: {  	s6 =	sadd.s32 $0x1000, s18;
	[sflag:s24] =	ssyncadd.s32 $0xFFFFC000  }
0x42: {  	[hbm4b:s6+s2] =	stream.linear.scatter [tilespmem:s17], [sflag:$0x8], $0x4000, $0x38;
	[tilespmem:$0x16800] =	vst v63  }
0x43: {  	_ =	swait.ge [sflag:s25], $0x4000  }
0x44: {  	[sflag:s25] =	ssyncset.done $0x0  }
0x45: {  	s12 =	sadd.s32 $0x1800, s18;
	[sflag:s25] =	ssyncadd.s32 $0xFFFFC000  }
0x46: {  	[hbm4b:s12+s2] =	stream.linear.scatter [tilespmem:s19], [sflag:$0x9], $0x4000, $0x38;
	[tilespmem:$0x16800] =	vst v63  }
0x47: {  	_ =	swait.ge [sflag:s26], $0x4000  }
0x48: {  	[sflag:s26] =	ssyncset.done $0x0  }
0x49: {  	p0 =	seq.s32 s16, $0x4600;
	s18 =	sadd.s32 $0x2000, s18;
	[sflag:s26] =	ssyncadd.s32 $0xFFFFC000  }
0x4a: {  	[hbm4b:s18+s2] =	stream.linear.scatter [tilespmem:s21], [sflag:$0xA], $0x4000, $0x38;
	[tilespmem:$0x16800] =	vst v63  }
0x4b: {  	s18 =	simm.s32 @!p0 $0x6  }
0x4c: {  	_ =	swait.ge @!p0 [sflag:s18], $0x4000  }
0x4d: {  	[sflag:s18] =	ssyncset.done @!p0 $0x0  }
0x4e: {  	[sflag:s18] =	ssyncadd.s32 @!p0 $0xFFFFC000;
	s18 =	sshra.s32 @!p0 s16, $0x2  }
0x4f: {  	s6 =	simm.s32 @!p0 $0x2800;
	s12 =	simm.s32 @!p0 $0x80;
	s20 =	sadd.s32 @!p0 $0x280, s18  }
0x50: {  	[tilespmem:s6], [sflag:$0x1] =	stream.indirect.gather @!p0 [hbm4b:s3+s12], $0x80, s20, s12, $0xb8;
	[tilespmem:$0x16800] =	vst v63  }
0x51: {  	s6 =	simm.s32 @!p0 $0x7  }
0x52: {  	_ =	swait.ge @!p0 [sflag:s6], $0x4000  }
0x53: {  	[sflag:s6] =	ssyncset.done @!p0 $0x0  }
0x54: {  	s20 =	simm.s32 @!p0 $0x6800;
	[sflag:s6] =	ssyncadd.s32 @!p0 $0xFFFFC000;
	s6 =	sadd.s32 @!p0 $0x300, s18  }
0x55: {  	[tilespmem:s20], [sflag:$0x2] =	stream.indirect.gather @!p0 [hbm4b:s3+s12], $0x80, s6, s12, $0xb8;
	[tilespmem:$0x16800] =	vst v63  }
0x56: {  	s6 =	simm.s32 @!p0 $0x8  }
0x57: {  	_ =	swait.ge @!p0 [sflag:s6], $0x4000  }
0x58: {  	[sflag:s6] =	ssyncset.done @!p0 $0x0  }
0x59: {  	s20 =	simm.s32 @!p0 $0xA800;
	[sflag:s6] =	ssyncadd.s32 @!p0 $0xFFFFC000;
	s6 =	sadd.s32 @!p0 $0x380, s18  }
0x5a: {  	[tilespmem:s20], [sflag:$0x3] =	stream.indirect.gather @!p0 [hbm4b:s3+s12], $0x80, s6, s12, $0xb8;
	[tilespmem:$0x16800] =	vst v63  }
0x5b: {  	s16 =	sadd.s32 @!p0 $0xA00, s16;
	s6 =	simm.s32 @!p0 $0x9  }
0x5c: {  	p1 =	sne.s32 @!p0 s16, $0x5000;
	_ =	swait.ge @!p0 [sflag:s6], $0x4000  }
0x5d: {  	p1 =	por p0, !p1;
	[sflag:s6] =	ssyncset.done @!p0 $0x0  }
0x5e: {  	s20 =	simm.s32 @!p0 $0xE800;
	[sflag:s6] =	ssyncadd.s32 @!p0 $0xFFFFC000;
	s6 =	sadd.s32 @!p0 $0x400, s18  }
0x5f: {  	[tilespmem:s20], [sflag:$0x4] =	stream.indirect.gather @!p0 [hbm4b:s3+s12], $0x80, s6, s12, $0xb8;
	[tilespmem:$0x16800] =	vst v63  }
.Ltmp0:
0x60: {  	s6 =	simm.s32 @!p0 $0xA;
	(pc) =	sbr.rel @!p1 .LBB2_2-.Ltmp0, $4  }
0x61: {  	_ =	swait.ge @!p0 [sflag:s6], $0x4000  }
0x62: {  	s5 =	sadd.s32 @!p0 $0x2800, s5;
	[sflag:s6] =	ssyncset.done @!p0 $0x0  }
0x63: {  	[sflag:s6] =	ssyncadd.s32 @!p0 $0xFFFFC000;
	s6 =	sadd.s32 @!p0 $0x480, s18;
	s18 =	simm.s32 @!p0 $0x12800  }
0x64: {  	[tilespmem:s18], [sflag:$0x5] =	stream.indirect.gather @!p0 [hbm4b:s3+s12], $0x80, s6, s12, $0xb8;
	[tilespmem:$0x16800] =	vst v63  }
0x65: {  	_ =	swait.ge [sflag:s28], $0x4000  }
0x66: {  	[sflag:s28] =	ssyncset.done $0x0  }
0x67: {  	[sflag:s28] =	ssyncadd.s32 $0xFFFFC000  }
0x68: {  	_ =	swait.ge [sflag:s29], $0x4000  }
0x69: {  	[sflag:s29] =	ssyncset.done $0x0  }
0x6a: {  	[sflag:s29] =	ssyncadd.s32 $0xFFFFC000  }
0x6b: {  	_ =	swait.ge [sflag:s30], $0x4000  }
0x6c: {  	[sflag:s30] =	ssyncset.done $0x0  }
0x6d: {  	s1 =	sadd.s32 $0x1, s1;
	[sflag:s30] =	ssyncadd.s32 $0xFFFFC000  }
0x6e: {  	p0 =	sne.s32 s1, s8;
	_ =	swait.ge [sflag:s31], $0x4000  }
.Ltmp1:
0x6f: {  	[sflag:s31] =	ssyncset.done $0x0;
	(pc) =	sbr.rel @p0 .LBB2_1-.Ltmp1, $4  }
0x70: {  	[sflag:s31] =	ssyncadd.s32 $0xFFFFC000  }
0x71: {  	_ =	swait.ge [sflag:s0], $0x4000  }
0x72: {  	[sflag:s0] =	ssyncset.done $0x0  }
0x73: {  	[sflag:s0] =	ssyncadd.s32 $0xFFFFC000  }
0x74: {  	_ =	sfence.sel $0x180000  }
0x75: {  	[bflag:$0x0] =	sbarrier.arrive $0xFFFF  }
0x76: {  	_ =	strace $0x90000047  }
0x77: {  	s0 =	stileid.u32;
	[bflag:$0x2] =	sbarrier.arrive $0xFFFF  }
0x78: {  	p0 =	sne.s32 s0, $0x0;
	s0 =	rddreg [dreg:$0x1]  }
0x79: {  	s0 =	sadd.s32 @!p0 $0x100000, s0  }
0x7a: {  	[sflag:s0] =	ssyncadd.tile.s32 @!p0 $0x1;
	_ =	shalt  }
.Lfunc_end2:
_tile_overlayer_lowered:
.L_overlay_start_2:
0x7b: {  	(tag) =	ssettag $0x2  }
0x7c: {  	s0 =	rddreg [dreg:$0x0];
	s2 =	stileid.u32  }
0x7d: {  	s1 =	rddreg [dreg:$0x1];
	p0 =	sne.s32 s2, $0x0  }
0x7e: {  	s3 =	rddreg [dreg:$0x2];
	[bflag:$0x3] =	sbarrier.arrive $0xFFFF;
	s2 =	simm.s32 @!p0 $0x1C0B  }
0x7f: {  	[timem:s3], [sflag:s2] =	dma.local @!p0 [hbm:s0], s1  }
0x80: {  	s0 =	simm.s32 @!p0 $0xB  }
0x81: {  	_ =	swait.ge @!p0 [sflag:s0], s1  }
0x82: {  	s1 =	ssub.s32 @!p0 $0x0, s1;
	[sflag:s0] =	ssyncset.done @!p0 $0x0  }
0x83: {  	[sflag:s0] =	ssyncadd.s32 @!p0 s1  }
0x84: {  	[bflag:$0x3] =	sbarrier.arrive $0xFFFF  }
0x85: {  	_ =	shalt  }

// kernel: kernel.19.cloned.1.call-start
scs
__scs_entry_jumppad:
0x0: {  	(pc) =	sbr.rel $0x88, $3  }
0x1: {  	(tag) =	ssettag $0x0;
	lr =	simm.s32 $0x1  }
0x2: {  	[smem:$0x3F96] =	sst lr;
	_ =	strace $0xD0000000  }
0x3: {  	_ = 	snop  }
0x4: {  	_ = 	snop  }
0x5: {  	_ = 	snop  }
0x6: {  	_ = 	snop  }
0x7: {  	_ = 	snop  }
__scs_overlays_trampoline_lowered:
0x8: {  	[smem:$0x3FA5] =	sst s0  }
0x9: {  	[smem:$0x3FA6] =	sst s1  }
0xa: {  	[smem:$0x3FA7] =	sst s2  }
0xb: {  	[smem:$0x3FA8] =	sst s3  }
0xc: {  	[smem:$0x3FA9] =	sst s4  }
0xd: {  	[smem:$0x3FAA] =	sst s5  }
0xe: {  	[smem:$0x3FAB] =	sst s6  }
0xf: {  	[smem:$0x3FAC] =	sst s7  }
0x10: {  	[smem:$0x3FAD] =	sst s8  }
0x11: {  	[smem:$0x3FAE] =	sst s9;
	s0 =	simm.s32 @!p0 $0x0  }
0x12: {  	s1 =	sld [smem:$0x3F94];
	s0 =	simm.s32 @p0 $0x1  }
0x13: {  	[smem:$0x3FAF] =	sst s0;
	s0 =	simm.s32 @!p1 $0x0  }
0x14: {  	s2 =	sld [smem:$0x3F93];
	s0 =	simm.s32 @p1 $0x1  }
0x15: {  	[smem:$0x3FB0] =	sst s0;
	s0 =	simm.s32 @!p2 $0x0  }
0x16: {  	s3 =	sld [smem:$0x3FDB];
	s0 =	simm.s32 @p2 $0x1  }
0x17: {  	s4 =	simm.s32 $0x1BF5;
	[smem:$0x3FB2] =	sst s0  }
0x18: {  	s0 =	sld [smem:$0x3F95];
	_ =	swait.ge [sflag:s4], $0x0  }
0x19: {  	s7 =	sld [smem:$0x3F96]  }
0x1a: {  	s8 =	sadd.s32 $0xFFFFE003, lr  }
0x1b: {  	s9 =	sadd.s32 $0xFFFFFEF7, lr;
	s5 =	simm.s32 $0xFFFFFFFF;
	p2 =	slt.u32 s8, $0xFFFFF086  }
0x1c: {  	p1 =	slt.u32 s9, $0xF7A;
	s5 =	simm.s32 @!p2 $0x0  }
0x1d: {  	s5 =	simm.s32 @p1 $0x1;
	p0 =	seq.s32 s7, s2  }
0x1e: {  	s7 =	smul.u32 @!p0 $0xF7A, s2;
	p2 =	seq.s32 @!p0 s5, $0x0  }
0x1f: {  	s9 =	smul.u32 $0xF7A, s1;
	s8 =	simm.s32 @!p0 $0x1BF5;
	p2 =	por !p2, p0  }
0x20: {  	[sflag:s8] =	ssyncset.s32 @!p0 $0xFFFFF086;
	s6 =	sadd.s32 @!p0 s3, s7;
	s7 =	simm.s32 @!p0 $0x108  }
0x21: {  	s3 =	sadd.s32 s3, s9;
	s6 =	sadd.s32 @!p0 $0x88, s6;
	s7 =	simm.s32 @p2 $0x1082  }
0x22: {  	[simem:s7], [sflag:s8] =	dma.local @!p0 [hbm:s6], $0xF7A  }
0x23: {  	s9 =	sor.u32 $0xD0000000, s2;
	s6 =	simm.s32 $0x108;
	_ =	swait.ge @!p0 [sflag:s8], $0x0  }
0x24: {  	s3 =	sadd.s32 $0x88, s3;
	s6 =	simm.s32 @!p1 $0x1082;
	[sflag:s4] =	ssyncset.s32 $0xFFFFF086  }
0x25: {  	[simem:s6], [sflag:s4] =	dma.local [hbm:s3], $0xF7A  }
0x26: {  	[smem:$0x3F96] =	sst s1;
	(tag) =	ssettag s2;
	_ =	strace s9  }
0x27: {  	s1 =	sld [smem:$0x3FA6]  }
0x28: {  	s2 =	sld [smem:$0x3FA7]  }
0x29: {  	s4 =	sld [smem:$0x3FA9]  }
0x2a: {  	p0 =	seq.s32 s5, $0x0;
	s5 =	sld [smem:$0x3FAA]  }
0x2b: {  	s6 =	sld [smem:$0x3FAB]  }
0x2c: {  	s7 =	sld [smem:$0x3FAC]  }
0x2d: {  	s3 =	simm.s32 $0x108;
	s8 =	sld [smem:$0x3FAD]  }
0x2e: {  	s3 =	simm.s32 @!p0 $0x1082;
	s9 =	sld [smem:$0x3FAE]  }
0x2f: {  	lr =	sadd.s32 s0, s3;
	s0 =	sld [smem:$0x3FA5]  }
0x30: {  	s3 =	sld [smem:$0x3FA8]  }
0x31: {  	[smem:$0x3FB1] =	sst s10  }
0x32: {  	s10 =	sld [smem:$0x3FAF];
	_ =	sdelay $0x3  }
0x33: {  	p0 =	seq.s32 s10, $0x1;
	s10 =	sld [smem:$0x3FB1];
	_ =	sdelay $0x3  }
0x34: {  	[smem:$0x3FB1] =	sst s10  }
0x35: {  	s10 =	sld [smem:$0x3FB0];
	_ =	sdelay $0x3  }
0x36: {  	p1 =	seq.s32 s10, $0x1;
	s10 =	sld [smem:$0x3FB1];
	_ =	sdelay $0x3  }
0x37: {  	[smem:$0x3FB1] =	sst s10  }
0x38: {  	s10 =	sld [smem:$0x3FB2]  }
0x39: {  	_ = 	snop;
	(pc) =	sbr.ind lr, $3  }
0x3a: {  	_ = 	snop  }
0x3b: {  	_ = 	snop  }
0x3c: {  	p2 =	seq.s32 s10, $0x1;
	s10 =	sld [smem:$0x3FB1]  }
0x3d: {  	_ =	shalt  }
0x3e: {  	_ =	shalt  }
0x3f: {  	_ =	shalt  }
0x40: {  	_ =	shalt  }
0x41: {  	_ =	shalt  }
0x42: {  	_ =	shalt  }
0x43: {  	_ =	shalt  }
0x44: {  	_ =	shalt  }
0x45: {  	_ =	shalt  }
0x46: {  	_ =	shalt  }
0x47: {  	_ =	shalt  }
0x48: {  	_ =	shalt  }
0x49: {  	_ =	shalt  }
0x4a: {  	_ =	shalt  }
0x4b: {  	_ =	shalt  }
0x4c: {  	_ =	shalt  }
0x4d: {  	_ =	shalt  }
0x4e: {  	_ =	shalt  }
0x4f: {  	_ =	shalt  }
0x50: {  	_ =	shalt  }
0x51: {  	_ =	shalt  }
0x52: {  	_ =	shalt  }
0x53: {  	_ =	shalt  }
0x54: {  	_ =	shalt  }
0x55: {  	_ =	shalt  }
0x56: {  	_ =	shalt  }
0x57: {  	_ =	shalt  }
0x58: {  	_ =	shalt  }
0x59: {  	_ =	shalt  }
0x5a: {  	_ =	shalt  }
0x5b: {  	_ =	shalt  }
0x5c: {  	_ =	shalt  }
0x5d: {  	_ =	shalt  }
0x5e: {  	_ =	shalt  }
0x5f: {  	_ =	shalt  }
0x60: {  	_ =	shalt  }
0x61: {  	_ =	shalt  }
0x62: {  	_ =	shalt  }
0x63: {  	_ =	shalt  }
0x64: {  	_ =	shalt  }
0x65: {  	_ =	shalt  }
0x66: {  	_ =	shalt  }
0x67: {  	_ =	shalt  }
0x68: {  	_ =	shalt  }
0x69: {  	_ =	shalt  }
0x6a: {  	_ =	shalt  }
0x6b: {  	_ =	shalt  }
0x6c: {  	_ =	shalt  }
0x6d: {  	_ =	shalt  }
0x6e: {  	_ =	shalt  }
0x6f: {  	_ =	shalt  }
0x70: {  	_ =	shalt  }
0x71: {  	_ =	shalt  }
0x72: {  	_ =	shalt  }
0x73: {  	_ =	shalt  }
0x74: {  	_ =	shalt  }
0x75: {  	_ =	shalt  }
0x76: {  	_ =	shalt  }
0x77: {  	_ =	shalt  }
0x78: {  	_ =	shalt  }
0x79: {  	_ =	shalt  }
0x7a: {  	_ =	shalt  }
0x7b: {  	_ =	shalt  }
0x7c: {  	_ =	shalt  }
0x7d: {  	_ =	shalt  }
0x7e: {  	_ =	shalt  }
0x7f: {  	_ =	shalt  }
0x80: {  	_ =	shalt  }
0x81: {  	_ =	shalt  }
0x82: {  	_ =	shalt  }
0x83: {  	_ =	shalt  }
0x84: {  	_ =	shalt  }
0x85: {  	_ =	shalt  }
0x86: {  	_ =	shalt  }
0x87: {  	_ =	shalt  }
.Lfunc_end0:
.L_simem_size_0:
called_computation.3_lowered:
.L_overlay_start_0:
0x88: {  	s2 =	sld [smem:$0x3FD9]  }
0x89: {  	s3 =	sld [smem:$0x3FFE];
	_ =	sdelay $0x1  }
0x8a: {  	s1 =	srdreg.scid  }
0x8b: {  	s0 =	sand.u32 $0x1, s1  }
0x8c: {  	s17 =	sshll.u32 s0, $0xA;
	s2 =	sadd.s32 s3, s2  }
0x8d: {  	s2 =	sadd.s32 s2, s17  }
0x8e: {  	[smem:$0x3FBD] =	sst s2  }
0x8f: {  	_ = 	snop  }
0x90: {  	(tm) =	ssettm $0x1  }
0x91: {  	s18 =	sld [smem:$0x3FFB];
	_ =	sdelay $0x3  }
0x92: {  	_ =	strace s18  }
0x93: {  	s2 =	sld [smem:$0x3FFC];
	_ =	sdelay $0x3  }
0x94: {  	_ =	strace s2  }
0x95: {  	s2 =	sld [smem:$0x3FFD];
	_ =	sdelay $0x3  }
0x96: {  	_ =	strace s2  }
0x97: {  	_ =	strace $0x8FFFFFFF  }
0x98: {  	s19 =	sld [smem:$0x3FDB];
	_ =	sdelay $0x1  }
0x99: {  	s20 =	simm.s32 $_scs_section_size  }
0x9a: {  	s4 =	simm.s32 $_size__tile_overlayer_lowered;
	s5 =	simm.s32 $_tile_overlayer_lowered  }
0x9b: {  	s6 =	simm.s32 $0x1BFF;
	s21 =	sshll.u32 s5, $0x1;
	s3 =	sadd.s32 s20, s19  }
0x9c: {  	s22 =	simm.s32 $0x0;
	s4 =	sshll.u32 s4, $0x1;
	s5 =	sadd.s32 s21, s3  }
0x9d: {  	[timem:s22], [sflag:s6] =	dma.local [hbm:s5], s4  }
0x9e: {  	_ =	swait.ge [sflag:s6], s4  }
0x9f: {  	s4 =	ssub.s32 $0x0, s4;
	[sflag:s6] =	ssyncset.done $0x0  }
0xa0: {  	[sflag:s6] =	ssyncadd.s32 s4;
	_ =	sdelay $0x1  }
0xa1: {  	s23 =	simm.s32 $0x1B8B  }
0xa2: {  	_ =	swait.ge [sflag:s23], $0x1  }
0xa3: {  	[sflag:s23] =	ssyncset.done $0x0  }
0xa4: {  	[sflag:s23] =	ssyncadd.s32 $0xFFFFFFFF  }
0xa5: {  	s4 =	sld [smem:$0x0]  }
0xa6: {  	s5 =	sand.u32 $0xFFFFFFFE, s1  }
0xa7: {  	p0 =	sne.s32 s1, s5  }
0xa8: {  	s5 =	sshll.u32 @p0 s5, $0xE  }
0xa9: {  	s5 =	sadd.s32 @p0 $0x11B8D, s5;
	s6 =	sshll.u32 @p0 s4, $0x11  }
0xaa: {  	s5 =	sor.u32 @p0 s6, s5  }
0xab: {  	[sflag:s5] =	ssyncadd.remote.s32 @p0 $0x1;
	_ =	sdelay $0x1  }
0xac: {  	s5 =	simm.s32 @p0 $0x1B8D  }
0xad: {  	_ =	swait.eq @p0 [sflag:s5], $0x1  }
0xae: {  	[sflag:s5] =	ssyncadd.s32 @p0 $0xFFFFFFFF  }
0xaf: {  	s6 =	sshll.u32 @!p0 s1, $0xE  }
0xb0: {  	s6 =	sor.u32 @!p0 $0x4000, s6;
	s5 =	simm.s32 @!p0 $0x1B8D  }
0xb1: {  	s4 =	sshll.u32 @!p0 s4, $0x11;
	s6 =	sadd.s32 @!p0 $0x11B8D, s6;
	_ =	swait.eq @!p0 [sflag:s5], $0x1  }
0xb2: {  	s4 =	sor.u32 @!p0 s4, s6;
	[sflag:s5] =	ssyncadd.s32 @!p0 $0xFFFFFFFF  }
0xb3: {  	s25 =	simm.s32 $0x1B8E;
	s24 =	sld [smem:$0x3FFE];
	[sflag:s4] =	ssyncadd.remote.s32 @!p0 $0x1  }
0xb4: {  	s26 =	simm.s32 $execute0_lowered;
	[smem:$0x3FD2] =	sst s25  }
0xb5: {  	s5 =	sshll.u32 s26, $0x1;
	_ =	strace $0x8000004C;
	[dreg:$0x1] =	wrdreg $0xFFFFFFFF  }
0xb6: {  	s28 =	simm.s32 $_size_execute0_lowered;
	s3 =	sadd.s32 s3, s5;
	[dreg:$0x0] =	wrdreg $0x0  }
0xb7: {  	s5 =	sshll.u32 s28, $0x1;
	[dreg:$0x2] =	wrdreg s3  }
0xb8: {  	[dreg:$0x3] =	wrdreg s5  }
0xb9: {  	[dreg:$0x4] =	wrdreg $0xC0  }
0xba: {  	_ =	task [dreg:s22], $0x5FFFF  }
0xbb: {  	[dreg:$0x1] =	wrdreg $0xFFFFFFFF  }
0xbc: {  	[dreg:$0x0] =	wrdreg $0x60  }
0xbd: {  	[dreg:$0x2] =	wrdreg s24  }
0xbe: {  	[dreg:$0x3] =	wrdreg $0x94000  }
0xbf: {  	[dreg:$0x4] =	wrdreg $0xA  }
0xc0: {  	_ =	task.clear_ibuf [dreg:s22], $0x5FFFF;
	_ =	strace $0x9000004C  }
0xc1: {  	s29 =	simm.s32 $0xA;
	_ =	strace $0x8000004E  }
0xc2: {  	_ =	swait.ge [sflag:s29], $0x1  }
0xc3: {  	[sflag:s29] =	ssyncadd.s32 $0xFFFFFFFF  }
0xc4: {  	_ =	strace $0x9000004E  }
0xc5: {  	_ =	sfence  }
0xc6: {  	s30 =	sld [smem:$0x0];
	_ =	sdelay $0x2  }
0xc7: {  	s31 =	sshll.u32 s1, $0xD;
	s1 =	sshrl.u32 s1, $0x2  }
0xc8: {  	s4 =	sand.u32 $0x4000, s31;
	s1 =	sadd.s32 s1, s30  }
0xc9: {  	s0 =	sor.u32 s4, s0;
	s1 =	sshll.u32 s1, $0x11  }
0xca: {  	s0 =	sor.u32 s1, s0  }
0xcb: {  	s0 =	sadd.s32 $0x8F2B, s0  }
0xcc: {  	[sflag:s0] =	ssyncadd.remote.s32 $0x1  }
0xcd: {  	_ =	sfence.sel $0xFFFF  }
0xce: {  	[dreg:$0x0] =	wrdreg $0xFFFFFFFF;
	(pc) =	sbr.abs _section_cstart, $3  }
0xcf: {  	[dreg:$0x1] =	wrdreg $0xFFFFFFFF  }
0xd0: {  	_ =	task.clear_ibuf [dreg:s22], $0x2FFFF;
	_ =	strace $0x9FFFFFFF  }
0xd1: {  	(tm) =	ssettm $0x7FFFFFFF  }
tec
execute0_lowered:
.L_overlay_start_1:
0x0: {  	(tag) =	ssettag $0x1  }
0x1: {  	s1 =	srdreg.scid;
	s4 =	rddreg [dreg:$0x0]  }
0x2: {  	s0 =	stileid.u32;
	s2 =	rddreg [dreg:$0x1];
	s3 =	simm.s32 $0x0  }
0x3: {  	s18 =	simm.s32 $0x5400;
	s19 =	simm.s32 $0x1;
	s20 =	simm.s32 $0x80  }
0x4: {  	s21 =	simm.s32 $0x2;
	s22 =	simm.s32 $0x1300;
	s9 =	smul.u32 $0x14000, s0  }
0x5: {  	s23 =	simm.s32 $0x1380;
	s24 =	simm.s32 $0x0;
	s10 =	smul.u32 $0x50000, s0  }
0x6: {  	s6 =	sand.u32 $0x1, s1;
	s1 =	rddreg [dreg:$0x2];
	s14 =	smul.u32 $0x140000, s0  }
0x7: {  	s28 =	sshll.u32 s0, $0x1;
	[smem:$0x7FF] =	sst s3;
	s8 =	smul.u32 $0x140000, s6  }
0x8: {  	s15 =	sadd.s32 $0x560600, s4;
	s5 =	sor.u32 s6, s28;
	s16 =	smul.u32 $0xA0000, s6  }
0x9: {  	_ =	strace $0x8000004D;
	s29 =	ssub.s32 $0x2, s6;
	s7 =	smul.u32 $0x280, s5  }
0xa: {  	s30 =	sshrl.u32 s29, $0x1;
	s11 =	smul.u32 $0x14000, s5;
	s31 =	sshrl.u32 s10, $0x2  }
0xb: {  	s8 =	sadd.s32 s9, s8;
	s13 =	ssub.s32 s29, s30;
	s5 =	sadd.s32 s31, s2  }
0xc: {  	s14 =	sadd.s32 s16, s14;
	s7 =	sadd.s32 s7, s4;
	s8 =	sshrl.u32 s8, $0x3  }
0xd: {  	s6 =	sadd.s32 $0x4000, s5;
	s9 =	sadd.s32 $0x10000, s5;
	s10 =	sadd.s32 s15, s11  }
0xe: {  	s16 =	sor.u32 $0xC000, s14;
	s14 =	sor.u32 $0x8000, s14;
	s13 =	smax.u32 s13, $0x1  }
0xf: {  	s12 =	sadd.s32 s8, s4;
	s4 =	sadd.s32 $0x3200, s7;
	s7 =	sadd.s32 $0x8000, s5  }
0x10: {  	s8 =	sadd.s32 $0xC000, s5;
	s11 =	sadd.s32 $0x800, s10;
	s16 =	sshrl.u32 s16, $0x3  }
0x11: {  	s17 =	sshrl.u32 s14, $0x3;
	s12 =	sadd.s32 $0x5B600, s12;
	s14 =	sadd.s32 s16, s15  }
0x12: {  	v0 =	vimm.f32 $0.0e+00;
	s15 =	sadd.s32 s17, s15;
	s16 =	simm.s32 $0x3;
	s17 =	simm.s32 $0x1400  }
.LBB2_1:
0x13: {  	[tilespmem:s3], [sflag:$0x3] =	stream.linear.gather [hbm4b:s4+s3], $0x1400, $0x38;
	[tilespmem:$0x1D400] =	vst v63  }
0x14: {  	s25 =	sand.u32 $0xFE00, s3;
	s26 =	sand.u32 $0x70, s3;
	_ =	swait.ge [sflag:s16], $0x1400  }
0x15: {  	s28 =	sshrl.u32 s25, $0x2;
	s25 =	simm.s32 $0x40;
	[sflag:s16] =	ssyncset.done $0x0  }
0x16: {  	s28 =	sor.u32 s26, s28;
	s26 =	simm.s32 $0x0;
	[sflag:s16] =	ssyncadd.s32 $0xFFFFEC00  }
.LBB2_2:
0x17: {  	p0 =	sne.s32 s25, $0xFFC0  }
0x18: {  	[tilespmem:s28+$0x1400] =	vst v0;
	s26 =	sadd.s32 $0x10, s26;
	s28 =	smov.u32 s25;
	s25 =	sadd.s32 $0x40, s25  }
.Ltmp0:
0x19: {  	(pc) =	sbr.rel @p0 .LBB2_2-.Ltmp0, $4  }
0x1a: {  	_ = 	snop  }
0x1b: {  	s28 =	sand.u32 $0xFE00, s28  }
0x1c: {  	s29 =	sand.u32 $0x70, s26;
	s28 =	sshrl.u32 s28, $0x2  }
0x1d: {  	s28 =	sor.u32 s29, s28  }
0x1e: {  	[tilespmem:s28+$0x1400] =	vst v0  }
0x1f: {  	[spmem:s5] =	stream.linear.scatter [tilespmem:s17], [sflag:$0x3], $0x4000, $0x38;
	[tilespmem:$0x1D400] =	vst v63  }
0x20: {  	_ =	swait.ge [sflag:s16], $0x4000  }
0x21: {  	[sflag:s16] =	ssyncset.done $0x0  }
0x22: {  	[sflag:s16] =	ssyncadd.s32 $0xFFFFC000  }
0x23: {  	[spmem:s6] =	stream.linear.scatter [tilespmem:s17], [sflag:$0x3], $0x4000, $0x38;
	[tilespmem:$0x1D400] =	vst v63  }
0x24: {  	_ =	swait.ge [sflag:s16], $0x4000  }
0x25: {  	[sflag:s16] =	ssyncset.done $0x0  }
0x26: {  	[sflag:s16] =	ssyncadd.s32 $0xFFFFC000  }
0x27: {  	[spmem:s7] =	stream.linear.scatter [tilespmem:s17], [sflag:$0x3], $0x4000, $0x38;
	[tilespmem:$0x1D400] =	vst v63  }
0x28: {  	_ =	swait.ge [sflag:s16], $0x4000  }
0x29: {  	[sflag:s16] =	ssyncset.done $0x0  }
0x2a: {  	[sflag:s16] =	ssyncadd.s32 $0xFFFFC000  }
0x2b: {  	[spmem:s8] =	stream.linear.scatter [tilespmem:s17], [sflag:$0x3], $0x4000, $0x38;
	[tilespmem:$0x1D400] =	vst v63  }
0x2c: {  	_ =	swait.ge [sflag:s16], $0x4000  }
0x2d: {  	[sflag:s16] =	ssyncset.done $0x0  }
0x2e: {  	[sflag:s16] =	ssyncadd.s32 $0xFFFFC000  }
0x2f: {  	[spmem:s9] =	stream.linear.scatter [tilespmem:s17], [sflag:$0x3], $0x4000, $0x38;
	[tilespmem:$0x1D400] =	vst v63  }
0x30: {  	_ =	swait.ge [sflag:s16], $0x4000  }
0x31: {  	[sflag:s16] =	ssyncset.done $0x0  }
0x32: {  	[sflag:s16] =	ssyncadd.s32 $0xFFFFC000  }
0x33: {  	s25 =	simm.s32 $0x0;
	[bflag:$0x0] =	sbarrier.arrive $0xFFFF  }
0x34: {  	[tilespmem:s17], [sflag:$0x1] =	stream.linear.gather [hbm4b:s10+s25], $0x4000, $0x38;
	[tilespmem:$0x1D400] =	vst v63  }
0x35: {  	_ = 	snop  }
0x36: {  	[tilespmem:s18], [sflag:$0x2] =	stream.linear.gather [hbm4b:s11+s25], $0x4000, $0x38;
	[tilespmem:$0x1D400] =	vst v63  }
0x37: {  	_ =	swait.ge [sflag:s19], $0x4000  }
0x38: {  	[sflag:s19] =	ssyncset.done $0x0  }
0x39: {  	s29 =	simm.s32 $0x0;
	[sflag:s19] =	ssyncadd.s32 $0xFFFFC000  }
0x3a: {  	[spmem:s2] =	stream.indirect.scatter.add.f32 [tilespmem:s17], [sflag:$0x3], $0x80, s29, s20, $0xb8;
	[tilespmem:$0x1D400] =	vst v63  }
0x3b: {  	_ =	swait.ge [sflag:s16], $0x4000  }
0x3c: {  	[sflag:s16] =	ssyncset.done $0x0  }
0x3d: {  	s30 =	sadd.s32 $0x0, s15;
	[sflag:s16] =	ssyncadd.s32 $0xFFFFC000  }
0x3e: {  	[tilespmem:s17], [sflag:$0x1] =	stream.linear.gather [hbm4b:s30+s3], $0x4000, $0x38;
	[tilespmem:$0x1D400] =	vst v63  }
0x3f: {  	_ =	swait.ge [sflag:s21], $0x4000  }
0x40: {  	[sflag:s21] =	ssyncset.done $0x0  }
0x41: {  	s31 =	simm.s32 $0x80;
	[sflag:s21] =	ssyncadd.s32 $0xFFFFC000  }
0x42: {  	[spmem:s2] =	stream.indirect.scatter.add.f32 [tilespmem:s18], [sflag:$0x3], $0x80, s31, s20, $0xb8;
	[tilespmem:$0x1D400] =	vst v63  }
0x43: {  	_ =	swait.ge [sflag:s16], $0x4000  }
0x44: {  	s28 =	sadd.s32 $0x0, s14;
	[sflag:s16] =	ssyncset.done $0x0  }
0x45: {  	s26 =	simm.s32 $0x180;
	s25 =	simm.s32 $0x1000;
	[sflag:s16] =	ssyncadd.s32 $0xFFFFC000  }
.LBB2_4:
0x46: {  	[tilespmem:s18], [sflag:$0x2] =	stream.linear.gather [hbm4b:s28+s3], $0x4000, $0x38;
	[tilespmem:$0x1D400] =	vst v63  }
0x47: {  	s28 =	smov.u32 s25  }
0x48: {  	p0 =	sne.s32 s25, $0x12000;
	s25 =	sadd.s32 $0x1000, s25;
	_ =	swait.ge [sflag:s19], $0x4000  }
0x49: {  	[sflag:s19] =	ssyncset.done $0x0  }
0x4a: {  	s29 =	sadd.s32 $0xFFFFFF80, s26;
	[sflag:s19] =	ssyncadd.s32 $0xFFFFC000  }
0x4b: {  	[spmem:s2] =	stream.indirect.scatter.add.f32 [tilespmem:s17], [sflag:$0x3], $0x80, s29, s20, $0xb8;
	[tilespmem:$0x1D400] =	vst v63  }
0x4c: {  	_ =	swait.ge [sflag:s16], $0x4000  }
0x4d: {  	[sflag:s16] =	ssyncset.done $0x0  }
0x4e: {  	s29 =	sadd.s32 s28, s15;
	[sflag:s16] =	ssyncadd.s32 $0xFFFFC000  }
0x4f: {  	[tilespmem:s17], [sflag:$0x1] =	stream.linear.gather [hbm4b:s29+s3], $0x4000, $0x38;
	[tilespmem:$0x1D400] =	vst v63  }
0x50: {  	_ =	swait.ge [sflag:s21], $0x4000  }
0x51: {  	[sflag:s21] =	ssyncset.done $0x0  }
.Ltmp1:
0x52: {  	[sflag:s21] =	ssyncadd.s32 $0xFFFFC000;
	(pc) =	sbr.rel @p0 .LBB2_4-.Ltmp1, $4  }
0x53: {  	[spmem:s2] =	stream.indirect.scatter.add.f32 [tilespmem:s18], [sflag:$0x3], $0x80, s26, s20, $0xb8;
	[tilespmem:$0x1D400] =	vst v63  }
0x54: {  	_ =	swait.ge [sflag:s16], $0x4000  }
0x55: {  	[sflag:s16] =	ssyncset.done $0x0  }
0x56: {  	s28 =	sadd.s32 s28, s14;
	s26 =	sadd.s32 $0x100, s26;
	[sflag:s16] =	ssyncadd.s32 $0xFFFFC000  }
0x57: {  	[tilespmem:s18], [sflag:$0x2] =	stream.linear.gather [hbm4b:s28+s3], $0x4000, $0x38;
	[tilespmem:$0x1D400] =	vst v63  }
0x58: {  	_ =	swait.ge [sflag:s19], $0x4000  }
0x59: {  	[sflag:s19] =	ssyncset.done $0x0  }
0x5a: {  	[sflag:s19] =	ssyncadd.s32 $0xFFFFC000  }
0x5b: {  	[spmem:s2] =	stream.indirect.scatter.add.f32 [tilespmem:s17], [sflag:$0x3], $0x80, s22, s20, $0xb8;
	[tilespmem:$0x1D400] =	vst v63  }
0x5c: {  	_ =	swait.ge [sflag:s16], $0x4000  }
0x5d: {  	[sflag:s16] =	ssyncset.done $0x0  }
0x5e: {  	[sflag:s16] =	ssyncadd.s32 $0xFFFFC000  }
0x5f: {  	_ =	swait.ge [sflag:s21], $0x4000  }
0x60: {  	[sflag:s21] =	ssyncset.done $0x0  }
0x61: {  	[sflag:s21] =	ssyncadd.s32 $0xFFFFC000  }
0x62: {  	[spmem:s2] =	stream.indirect.scatter.add.f32 [tilespmem:s18], [sflag:$0x3], $0x80, s23, s20, $0xb8;
	[tilespmem:$0x1D400] =	vst v63  }
0x63: {  	_ =	swait.ge [sflag:s16], $0x4000  }
0x64: {  	s25 =	sshll.u32 s0, $0x6;
	s24 =	sadd.s32 $0x1, s24;
	[sflag:s16] =	ssyncset.done $0x0  }
0x65: {  	s26 =	sshrl.u32 s5, $0x3;
	p0 =	sne.s32 s24, s13;
	[sflag:s16] =	ssyncadd.s32 $0xFFFFC000  }
.Ltmp2:
0x66: {  	s25 =	sor.u32 $0x1C03, s25;
	[bflag:$0x0] =	sbarrier.arrive $0xFFFF;
	(pc) =	sbr.rel @p0 .LBB2_1-.Ltmp2, $4  }
0x67: {  	[hbm:s12], [sflag:s25] =	dma.local [spmem:s26], $0x2800  }
0x68: {  	_ =	swait.ge [sflag:s16], $0x2800  }
0x69: {  	[sflag:s16] =	ssyncset.done $0x0  }
0x6a: {  	[sflag:s16] =	ssyncadd.s32 $0xFFFFD800  }
0x6b: {  	_ =	sfence.sel $0x180000  }
0x6c: {  	[bflag:$0x0] =	sbarrier.arrive $0xFFFF  }
0x6d: {  	p0 =	sne.s32 s0, $0x0;
	_ =	strace $0x9000004D  }
0x6e: {  	s0 =	sadd.s32 @!p0 $0x100000, s1;
	[bflag:$0x2] =	sbarrier.arrive $0xFFFF  }
0x6f: {  	[sflag:s0] =	ssyncadd.tile.s32 @!p0 $0x1;
	_ =	shalt  }
.Lfunc_end2:
_tile_overlayer_lowered:
.L_overlay_start_2:
0x70: {  	(tag) =	ssettag $0x2  }
0x71: {  	s0 =	rddreg [dreg:$0x0];
	s2 =	stileid.u32  }
0x72: {  	s1 =	rddreg [dreg:$0x1];
	p0 =	sne.s32 s2, $0x0  }
0x73: {  	s3 =	rddreg [dreg:$0x2];
	[bflag:$0x3] =	sbarrier.arrive $0xFFFF;
	s2 =	simm.s32 @!p0 $0x1C03  }
0x74: {  	[timem:s3], [sflag:s2] =	dma.local @!p0 [hbm:s0], s1  }
0x75: {  	s0 =	simm.s32 @!p0 $0x3  }
0x76: {  	_ =	swait.ge @!p0 [sflag:s0], s1  }
0x77: {  	s1 =	ssub.s32 @!p0 $0x0, s1;
	[sflag:s0] =	ssyncset.done @!p0 $0x0  }
0x78: {  	[sflag:s0] =	ssyncadd.s32 @!p0 s1  }
0x79: {  	[bflag:$0x3] =	sbarrier.arrive $0xFFFF  }
0x7a: {  	_ =	shalt  }

</sc_bundles>
